<compile_context>
chip_gen: v7x
topology: tpu7x:2x2x1
jax: 0.10.2.dev20260603
libtpu: 0.0.44.dev20260713+nightly
codegen_flags: <defaults>
</compile_context>

<pallas_src>
import functools

import jax
import jax.numpy as jnp
from jax import lax
from jax.experimental import pallas as pl
from jax.experimental.pallas import tpu as pltpu
from jax.experimental.pallas import tpu_sc as plsc

_V = 100
_D = 80
_P = 81
_B = 4096 * 200
_NC, _NS = 2, 16
_NW = _NC * _NS
_RPW = _B // _NW
_CHUNK = 512
_CPW = _RPW // _CHUNK
_NBUF = 2

_mesh = plsc.VectorSubcoreMesh(core_axis_name="c", subcore_axis_name="s")


@functools.partial(
    pl.kernel,
    mesh=_mesh,
    out_type=jax.ShapeDtypeStruct((_B * _D,), jnp.float32),
    compiler_params=pltpu.CompilerParams(
        use_tc_tiling_on_sc=False, needs_layout_passes=False),
    scratch_types=[
        pltpu.VMEM((_RPW,), jnp.int32),
        pltpu.VMEM((_V * _P,), jnp.float32),
        pltpu.VMEM((_NBUF, _CHUNK * _D), jnp.float32),
        pltpu.SemaphoreType.DMA((_NBUF,)),
    ],
)
def _emb_lookup(idx_hbm, table_hbm, out_hbm, idx_v, table_v, rows_v, osem):
    wid = lax.axis_index("s") * _NC + lax.axis_index("c")
    rbase = wid * _RPW
    pltpu.sync_copy(table_hbm, table_v)
    pltpu.sync_copy(idx_hbm.at[pl.ds(rbase, _RPW)], idx_v)

    def outcp(c, b):
        return pltpu.make_async_copy(
            rows_v.at[b],
            out_hbm.at[pl.ds((rbase + c * _CHUNK) * _D, _CHUNK * _D)],
            osem.at[b])

    def compute(c, b):
        @plsc.parallel_loop(0, _CHUNK // 16, 1)
        def _(j):
            idxv = idx_v[pl.ds(c * _CHUNK + j * 16, 16)] * _P
            for u in range(16):
                src = idxv[u]
                dst = (j * 16 + u) * _D
                for col in range(_D // 16):
                    rows_v.at[b][pl.ds(dst + col * 16, 16)] = (
                        table_v[pl.ds(src + col * 16, 16)])

    def outer(i, carry):
        for b in range(_NBUF):
            c = i * _NBUF + b

            @pl.when(c >= _NBUF)
            def _():
                outcp(c - _NBUF, b).wait()

            compute(c, b)
            outcp(c, b).start()
        return carry

    lax.fori_loop(0, _CPW // _NBUF, outer, 0)

    for b in range(_NBUF):
        outcp(_CPW - _NBUF + b, b).wait()


def kernel(phone, table):
    tpad = jnp.pad(table, ((0, 0), (0, _P - _D)))
    out = _emb_lookup(phone.reshape(-1), tpad.reshape(-1))
    return out.reshape(phone.shape + (table.shape[1],))

# --- scband reference (transcript-rebuilt; emitter-appended) ---
"""Pipeline reference for scband-phone-embedding-18116172055165 (READ-ONLY COPY).

The authoritative reference and input builder live on the scoring server;
editing this copy changes nothing except your own understanding.
"""

import jax, jax.numpy as jnp
import numpy as np

VOCAB = 100
EMBED_DIM = 80

def setup_inputs(seed: int = 0) -> dict:
    key = jax.random.key(seed)
    k1, k2 = jax.random.split(key)
    phone = jax.random.randint(k1, (4096, 200), 0, VOCAB, dtype=jnp.int32)
    # torch.nn.Embedding default init: N(0, 1)
    table = jax.random.normal(k2, (VOCAB, EMBED_DIM), dtype=jnp.float32)
    return {"phone": phone, "table": table}

def reference(phone, table):
    # PhoneEmbedding.forward: self.embedding(phone)
    return jnp.take(table, phone, axis=0)

if __name__ == "__main__":
    import jax
    _d = setup_inputs()
    print(jax.jit(kernel)(*tuple(_d.values())))

</pallas_src>

<mosaic_0001>
#map = affine_map<(d0, d1) -> (0)>
module attributes {stable_mosaic.version = 14 : i64} {
  func.func @_emb_lookup(%arg0: i32, %arg1: i32, %arg2: memref<819200xi32, #tpu.memory_space<hbm>>, %arg3: memref<8100xf32, #tpu.memory_space<hbm>>, %arg4: memref<65536000xf32, #tpu.memory_space<hbm>>, %arg5: memref<25600xi32, #tpu.memory_space<vmem>>, %arg6: memref<8100xf32, #tpu.memory_space<vmem>>, %arg7: memref<2x40960xf32, #tpu.memory_space<vmem>>, %arg8: memref<2x!tpu.dma_semaphore, #tpu.memory_space<semaphore_mem>>) attributes {dimension_semantics = [#tpu.dimension_semantics<core_parallel>, #tpu.dimension_semantics<subcore_parallel>], iteration_bounds = array<i64: 2, 16>, scalar_prefetch = 0 : i64, scratch_operands = 4 : i64, tpu.core_type = #tpu.core_type<sc_vector_subcore>, window_params = [{transform_indices = #map}, {transform_indices = #map}, {transform_indices = #map}]} {
    %mul3A = arith.constant 2 : i32
    %mul3A_0 = arith.muli %arg1, %mul3A : i32
    %add3A = arith.addi %mul3A_0, %arg0 : i32
    %mul3A_1 = arith.constant 25600 : i32
    %mul3A_2 = arith.muli %add3A, %mul3A_1 : i32
    "tpu.region"() ({
      %run_scoped3A = tpu.sem_alloc : memref<!tpu.dma_semaphore, #tpu.memory_space<semaphore_mem>>
      tpu.enqueue_dma source(%arg3 : memref<8100xf32, #tpu.memory_space<hbm>>) target(%arg6 : memref<8100xf32, #tpu.memory_space<vmem>>) target_semaphore(%run_scoped3A : memref<!tpu.dma_semaphore, #tpu.memory_space<semaphore_mem>>)
      tpu.wait_dma2 semaphore(%run_scoped3A : memref<!tpu.dma_semaphore, #tpu.memory_space<semaphore_mem>>) src(%arg3 : memref<8100xf32, #tpu.memory_space<hbm>>) dst(%arg6 : memref<8100xf32, #tpu.memory_space<vmem>>)
      tpu.yield
    }) : () -> ()
    "tpu.region"() ({
      %run_scoped3A = tpu.sem_alloc : memref<!tpu.dma_semaphore, #tpu.memory_space<semaphore_mem>>
      %dma_start3A = tpu.memref_slice %arg2[%mul3A_2] : memref<819200xi32, #tpu.memory_space<hbm>> -> memref<25600xi32, #tpu.memory_space<hbm>>
      %dma_start3A_39 = tpu.memref_slice %arg2[%mul3A_2] : memref<819200xi32, #tpu.memory_space<hbm>> -> memref<25600xi32, #tpu.memory_space<hbm>>
      tpu.enqueue_dma source(%dma_start3A_39 : memref<25600xi32, #tpu.memory_space<hbm>>) target(%arg5 : memref<25600xi32, #tpu.memory_space<vmem>>) target_semaphore(%run_scoped3A : memref<!tpu.dma_semaphore, #tpu.memory_space<semaphore_mem>>)
      %dma_wait3A_40 = tpu.memref_slice %arg2[%mul3A_2] : memref<819200xi32, #tpu.memory_space<hbm>> -> memref<25600xi32, #tpu.memory_space<hbm>>
      %dma_wait3A_41 = tpu.memref_slice %arg2[%mul3A_2] : memref<819200xi32, #tpu.memory_space<hbm>> -> memref<25600xi32, #tpu.memory_space<hbm>>
      tpu.wait_dma2 semaphore(%run_scoped3A : memref<!tpu.dma_semaphore, #tpu.memory_space<semaphore_mem>>) src(%dma_wait3A_41 : memref<25600xi32, #tpu.memory_space<hbm>>) dst(%arg5 : memref<25600xi32, #tpu.memory_space<vmem>>)
      tpu.yield
    }) : () -> ()
    %scan3A = arith.constant 0 : i32
    %scan3A_3 = arith.constant 0 : i32
    %scan3A_4 = arith.constant 25 : i32
    %scan3A_5 = arith.addi %scan3A_3, %scan3A_4 : i32
    %scan3A_6 = arith.constant 1 : i32
    scf.for %scan3A_39 = %scan3A_3 to %scan3A_5 step %scan3A_6  : i32 {
      %mul3A_40 = arith.constant 2 : i32
      %mul3A_41 = arith.muli %scan3A_39, %mul3A_40 : i32
      %add3A_42 = arith.constant 0 : i32
      %add3A_43 = arith.addi %mul3A_41, %add3A_42 : i32
      %ge3A = arith.constant 2 : i32
      %ge3A_44 = arith.cmpi sge, %add3A_43, %ge3A : i32
      %convert_element_type3A = arith.extui %ge3A_44 : i1 to i32
      %cond3A = arith.constant 0 : i32
      %cond3A_45 = arith.cmpi ne, %convert_element_type3A, %cond3A : i32
      scf.if %cond3A_45 {
        %sub3A = arith.constant 2 : i32
        %sub3A_93 = arith.subi %add3A_43, %sub3A : i32
        %mul3A_94 = arith.constant 512 : i32
        %mul3A_95 = arith.muli %sub3A_93, %mul3A_94 : i32
        %add3A_96 = arith.addi %mul3A_2, %mul3A_95 : i32
        %mul3A_97 = arith.constant 80 : i32
        %mul3A_98 = arith.muli %add3A_96, %mul3A_97 : i32
        %dma_wait3A_99 = arith.constant 0 : i32
        %dma_wait3A_100 = arith.constant 0 : i32
        %dma_wait3A_101 = arith.constant 0 : i32
        %dma_wait3A_102 = tpu.memref_slice %arg7[%dma_wait3A_99, %dma_wait3A_101] : memref<2x40960xf32, #tpu.memory_space<vmem>> -> memref<1x40960xf32, #tpu.memory_space<vmem>>
        %dma_wait3A_103 = tpu.memref_squeeze %dma_wait3A_102 : memref<1x40960xf32, #tpu.memory_space<vmem>> -> memref<40960xf32, #tpu.memory_space<vmem>>
        %dma_wait3A_104 = tpu.memref_slice %arg4[%mul3A_98] : memref<65536000xf32, #tpu.memory_space<hbm>> -> memref<40960xf32, #tpu.memory_space<hbm>>
        %dma_wait3A_105 = tpu.memref_slice %arg8[%dma_wait3A_100] : memref<2x!tpu.dma_semaphore, #tpu.memory_space<semaphore_mem>> -> memref<1x!tpu.dma_semaphore, #tpu.memory_space<semaphore_mem>>
        %dma_wait3A_106 = tpu.memref_squeeze %dma_wait3A_105 : memref<1x!tpu.dma_semaphore, #tpu.memory_space<semaphore_mem>> -> memref<!tpu.dma_semaphore, #tpu.memory_space<semaphore_mem>>
        %dma_wait3A_107 = tpu.memref_slice %arg4[%mul3A_98] : memref<65536000xf32, #tpu.memory_space<hbm>> -> memref<40960xf32, #tpu.memory_space<hbm>>
        %dma_wait3A_108 = arith.constant 0 : i32
        %dma_wait3A_109 = tpu.memref_slice %arg7[%dma_wait3A_99, %dma_wait3A_108] : memref<2x40960xf32, #tpu.memory_space<vmem>> -> memref<1x40960xf32, #tpu.memory_space<vmem>>
        %dma_wait3A_110 = tpu.memref_squeeze %dma_wait3A_109 : memref<1x40960xf32, #tpu.memory_space<vmem>> -> memref<40960xf32, #tpu.memory_space<vmem>>
        tpu.wait_dma2 semaphore(%dma_wait3A_106 : memref<!tpu.dma_semaphore, #tpu.memory_space<semaphore_mem>>) src(%dma_wait3A_110 : memref<40960xf32, #tpu.memory_space<vmem>>) dst(%dma_wait3A_107 : memref<40960xf32, #tpu.memory_space<hbm>>)
      } else {
      }
      %parallel_loop3A = arith.constant 0 : i32
      %parallel_loop3A_46 = arith.constant 32 : i32
      %parallel_loop3A_47 = arith.constant 1 : i32
      scf.for %parallel_loop3A_93 = %parallel_loop3A to %parallel_loop3A_46 step %parallel_loop3A_47  : i32 {
        %parallel_loop3A_94 = arith.constant 512 : i32
        %parallel_loop3A_95 = arith.muli %add3A_43, %parallel_loop3A_94 : i32
        %parallel_loop3A_96 = arith.constant 16 : i32
        %parallel_loop3A_97 = arith.muli %parallel_loop3A_93, %parallel_loop3A_96 : i32
        %parallel_loop3A_98 = arith.addi %parallel_loop3A_95, %parallel_loop3A_97 : i32
        %parallel_loop3A_99 = arith.index_cast %parallel_loop3A_98 : i32 to index
        %parallel_loop3A_100 = tpu.vector_load %arg5[%parallel_loop3A_99] {strides = array<i32>} : memref<25600xi32, #tpu.memory_space<vmem>>, vector<16xi32>,
        %parallel_loop3A_101 = arith.constant 81 : i32
        %parallel_loop3A_102 = vector.broadcast %parallel_loop3A_101 : i32 to vector<16xi32>
        %parallel_loop3A_103 = arith.muli %parallel_loop3A_100, %parallel_loop3A_102 : vector<16xi32>
        %parallel_loop3A_104 = vector.extract_strided_slice %parallel_loop3A_103 {offsets = [0], sizes = [1], strides = [1]} : vector<16xi32> to vector<1xi32>
        %parallel_loop3A_105 = vector.extract %parallel_loop3A_104[0] : i32 from vector<1xi32>
        %parallel_loop3A_106 = arith.constant 16 : i32
        %parallel_loop3A_107 = arith.muli %parallel_loop3A_93, %parallel_loop3A_106 : i32
        %parallel_loop3A_108 = arith.constant 0 : i32
        %parallel_loop3A_109 = arith.addi %parallel_loop3A_107, %parallel_loop3A_108 : i32
        %parallel_loop3A_110 = arith.constant 80 : i32
        %parallel_loop3A_111 = arith.muli %parallel_loop3A_109, %parallel_loop3A_110 : i32
        %parallel_loop3A_112 = arith.constant 0 : i32
        %parallel_loop3A_113 = arith.addi %parallel_loop3A_105, %parallel_loop3A_112 : i32
        %parallel_loop3A_114 = arith.index_cast %parallel_loop3A_113 : i32 to index
        %parallel_loop3A_115 = tpu.vector_load %arg6[%parallel_loop3A_114] {strides = array<i32>} : memref<8100xf32, #tpu.memory_space<vmem>>, vector<16xf32>,
        %parallel_loop3A_116 = arith.constant 0 : i32
        %parallel_loop3A_117 = arith.addi %parallel_loop3A_111, %parallel_loop3A_116 : i32
        %parallel_loop3A_118 = arith.constant 0 : i32
        %parallel_loop3A_119 = arith.constant 0 : i32
        %parallel_loop3A_120 = tpu.memref_slice %arg7[%parallel_loop3A_118, %parallel_loop3A_119] : memref<2x40960xf32, #tpu.memory_space<vmem>> -> memref<1x40960xf32, #tpu.memory_space<vmem>>
        %parallel_loop3A_121 = tpu.memref_squeeze %parallel_loop3A_120 : memref<1x40960xf32, #tpu.memory_space<vmem>> -> memref<40960xf32, #tpu.memory_space<vmem>>
        %parallel_loop3A_122 = arith.index_cast %parallel_loop3A_117 : i32 to index
        %parallel_loop3A_123 = tpu.vector_load %parallel_loop3A_121[%parallel_loop3A_122] {strides = array<i32>} : memref<40960xf32, #tpu.memory_space<vmem>>, vector<16xf32>,
        tpu.vector_store %parallel_loop3A_121[%parallel_loop3A_122], %parallel_loop3A_115 {strides = array<i32>} : memref<40960xf32, #tpu.memory_space<vmem>>, vector<16xf32>,
        %parallel_loop3A_124 = arith.constant 16 : i32
        %parallel_loop3A_125 = arith.addi %parallel_loop3A_105, %parallel_loop3A_124 : i32
        %parallel_loop3A_126 = arith.index_cast %parallel_loop3A_125 : i32 to index
        %parallel_loop3A_127 = tpu.vector_load %arg6[%parallel_loop3A_126] {strides = array<i32>} : memref<8100xf32, #tpu.memory_space<vmem>>, vector<16xf32>,
        %parallel_loop3A_128 = arith.constant 16 : i32
        %parallel_loop3A_129 = arith.addi %parallel_loop3A_111, %parallel_loop3A_128 : i32
        %parallel_loop3A_130 = arith.constant 0 : i32
        %parallel_loop3A_131 = arith.constant 0 : i32
        %parallel_loop3A_132 = tpu.memref_slice %arg7[%parallel_loop3A_130, %parallel_loop3A_131] : memref<2x40960xf32, #tpu.memory_space<vmem>> -> memref<1x40960xf32, #tpu.memory_space<vmem>>
        %parallel_loop3A_133 = tpu.memref_squeeze %parallel_loop3A_132 : memref<1x40960xf32, #tpu.memory_space<vmem>> -> memref<40960xf32, #tpu.memory_space<vmem>>
        %parallel_loop3A_134 = arith.index_cast %parallel_loop3A_129 : i32 to index
        %parallel_loop3A_135 = tpu.vector_load %parallel_loop3A_133[%parallel_loop3A_134] {strides = array<i32>} : memref<40960xf32, #tpu.memory_space<vmem>>, vector<16xf32>,
        tpu.vector_store %parallel_loop3A_133[%parallel_loop3A_134], %parallel_loop3A_127 {strides = array<i32>} : memref<40960xf32, #tpu.memory_space<vmem>>, vector<16xf32>,
        %parallel_loop3A_136 = arith.constant 32 : i32
        %parallel_loop3A_137 = arith.addi %parallel_loop3A_105, %parallel_loop3A_136 : i32
        %parallel_loop3A_138 = arith.index_cast %parallel_loop3A_137 : i32 to index
        %parallel_loop3A_139 = tpu.vector_load %arg6[%parallel_loop3A_138] {strides = array<i32>} : memref<8100xf32, #tpu.memory_space<vmem>>, vector<16xf32>,
        %parallel_loop3A_140 = arith.constant 32 : i32
        %parallel_loop3A_141 = arith.addi %parallel_loop3A_111, %parallel_loop3A_140 : i32
        %parallel_loop3A_142 = arith.constant 0 : i32
        %parallel_loop3A_143 = arith.constant 0 : i32
        %parallel_loop3A_144 = tpu.memref_slice %arg7[%parallel_loop3A_142, %parallel_loop3A_143] : memref<2x40960xf32, #tpu.memory_space<vmem>> -> memref<1x40960xf32, #tpu.memory_space<vmem>>
        %parallel_loop3A_145 = tpu.memref_squeeze %parallel_loop3A_144 : memref<1x40960xf32, #tpu.memory_space<vmem>> -> memref<40960xf32, #tpu.memory_space<vmem>>
        %parallel_loop3A_146 = arith.index_cast %parallel_loop3A_141 : i32 to index
        %parallel_loop3A_147 = tpu.vector_load %parallel_loop3A_145[%parallel_loop3A_146] {strides = array<i32>} : memref<40960xf32, #tpu.memory_space<vmem>>, vector<16xf32>,
        tpu.vector_store %parallel_loop3A_145[%parallel_loop3A_146], %parallel_loop3A_139 {strides = array<i32>} : memref<40960xf32, #tpu.memory_space<vmem>>, vector<16xf32>,
        %parallel_loop3A_148 = arith.constant 48 : i32
        %parallel_loop3A_149 = arith.addi %parallel_loop3A_105, %parallel_loop3A_148 : i32
        %parallel_loop3A_150 = arith.index_cast %parallel_loop3A_149 : i32 to index
        %parallel_loop3A_151 = tpu.vector_load %arg6[%parallel_loop3A_150] {strides = array<i32>} : memref<8100xf32, #tpu.memory_space<vmem>>, vector<16xf32>,
        %parallel_loop3A_152 = arith.constant 48 : i32
        %parallel_loop3A_153 = arith.addi %parallel_loop3A_111, %parallel_loop3A_152 : i32
        %parallel_loop3A_154 = arith.constant 0 : i32
        %parallel_loop3A_155 = arith.constant 0 : i32
        %parallel_loop3A_156 = tpu.memref_slice %arg7[%parallel_loop3A_154, %parallel_loop3A_155] : memref<2x40960xf32, #tpu.memory_space<vmem>> -> memref<1x40960xf32, #tpu.memory_space<vmem>>
        %parallel_loop3A_157 = tpu.memref_squeeze %parallel_loop3A_156 : memref<1x40960xf32, #tpu.memory_space<vmem>> -> memref<40960xf32, #tpu.memory_space<vmem>>
        %parallel_loop3A_158 = arith.index_cast %parallel_loop3A_153 : i32 to index
        %parallel_loop3A_159 = tpu.vector_load %parallel_loop3A_157[%parallel_loop3A_158] {strides = array<i32>} : memref<40960xf32, #tpu.memory_space<vmem>>, vector<16xf32>,
        tpu.vector_store %parallel_loop3A_157[%parallel_loop3A_158], %parallel_loop3A_151 {strides = array<i32>} : memref<40960xf32, #tpu.memory_space<vmem>>, vector<16xf32>,
        %parallel_loop3A_160 = arith.constant 64 : i32
        %parallel_loop3A_161 = arith.addi %parallel_loop3A_105, %parallel_loop3A_160 : i32
        %parallel_loop3A_162 = arith.index_cast %parallel_loop3A_161 : i32 to index
        %parallel_loop3A_163 = tpu.vector_load %arg6[%parallel_loop3A_162] {strides = array<i32>} : memref<8100xf32, #tpu.memory_space<vmem>>, vector<16xf32>,
        %parallel_loop3A_164 = arith.constant 64 : i32
        %parallel_loop3A_165 = arith.addi %parallel_loop3A_111, %parallel_loop3A_164 : i32
        %parallel_loop3A_166 = arith.constant 0 : i32
        %parallel_loop3A_167 = arith.constant 0 : i32
        %parallel_loop3A_168 = tpu.memref_slice %arg7[%parallel_loop3A_166, %parallel_loop3A_167] : memref<2x40960xf32, #tpu.memory_space<vmem>> -> memref<1x40960xf32, #tpu.memory_space<vmem>>
        %parallel_loop3A_169 = tpu.memref_squeeze %parallel_loop3A_168 : memref<1x40960xf32, #tpu.memory_space<vmem>> -> memref<40960xf32, #tpu.memory_space<vmem>>
        %parallel_loop3A_170 = arith.index_cast %parallel_loop3A_165 : i32 to index
        %parallel_loop3A_171 = tpu.vector_load %parallel_loop3A_169[%parallel_loop3A_170] {strides = array<i32>} : memref<40960xf32, #tpu.memory_space<vmem>>, vector<16xf32>,
        tpu.vector_store %parallel_loop3A_169[%parallel_loop3A_170], %parallel_loop3A_163 {strides = array<i32>} : memref<40960xf32, #tpu.memory_space<vmem>>, vector<16xf32>,
        %parallel_loop3A_172 = vector.extract_strided_slice %parallel_loop3A_103 {offsets = [1], sizes = [1], strides = [1]} : vector<16xi32> to vector<1xi32>
        %parallel_loop3A_173 = vector.extract %parallel_loop3A_172[0] : i32 from vector<1xi32>
        %parallel_loop3A_174 = arith.constant 16 : i32
        %parallel_loop3A_175 = arith.muli %parallel_loop3A_93, %parallel_loop3A_174 : i32
        %parallel_loop3A_176 = arith.constant 1 : i32
        %parallel_loop3A_177 = arith.addi %parallel_loop3A_175, %parallel_loop3A_176 : i32
        %parallel_loop3A_178 = arith.constant 80 : i32
        %parallel_loop3A_179 = arith.muli %parallel_loop3A_177, %parallel_loop3A_178 : i32
        %parallel_loop3A_180 = arith.constant 0 : i32
        %parallel_loop3A_181 = arith.addi %parallel_loop3A_173, %parallel_loop3A_180 : i32
        %parallel_loop3A_182 = arith.index_cast %parallel_loop3A_181 : i32 to index
        %parallel_loop3A_183 = tpu.vector_load %arg6[%parallel_loop3A_182] {strides = array<i32>} : memref<8100xf32, #tpu.memory_space<vmem>>, vector<16xf32>,
        %parallel_loop3A_184 = arith.constant 0 : i32
        %parallel_loop3A_185 = arith.addi %parallel_loop3A_179, %parallel_loop3A_184 : i32
        %parallel_loop3A_186 = arith.constant 0 : i32
        %parallel_loop3A_187 = arith.constant 0 : i32
        %parallel_loop3A_188 = tpu.memref_slice %arg7[%parallel_loop3A_186, %parallel_loop3A_187] : memref<2x40960xf32, #tpu.memory_space<vmem>> -> memref<1x40960xf32, #tpu.memory_space<vmem>>
        %parallel_loop3A_189 = tpu.memref_squeeze %parallel_loop3A_188 : memref<1x40960xf32, #tpu.memory_space<vmem>> -> memref<40960xf32, #tpu.memory_space<vmem>>
        %parallel_loop3A_190 = arith.index_cast %parallel_loop3A_185 : i32 to index
        %parallel_loop3A_191 = tpu.vector_load %parallel_loop3A_189[%parallel_loop3A_190] {strides = array<i32>} : memref<40960xf32, #tpu.memory_space<vmem>>, vector<16xf32>,
        tpu.vector_store %parallel_loop3A_189[%parallel_loop3A_190], %parallel_loop3A_183 {strides = array<i32>} : memref<40960xf32, #tpu.memory_space<vmem>>, vector<16xf32>,
        %parallel_loop3A_192 = arith.constant 16 : i32
        %parallel_loop3A_193 = arith.addi %parallel_loop3A_173, %parallel_loop3A_192 : i32
        %parallel_loop3A_194 = arith.index_cast %parallel_loop3A_193 : i32 to index
        %parallel_loop3A_195 = tpu.vector_load %arg6[%parallel_loop3A_194] {strides = array<i32>} : memref<8100xf32, #tpu.memory_space<vmem>>, vector<16xf32>,
        %parallel_loop3A_196 = arith.constant 16 : i32
        %parallel_loop3A_197 = arith.addi %parallel_loop3A_179, %parallel_loop3A_196 : i32
        %parallel_loop3A_198 = arith.constant 0 : i32
        %parallel_loop3A_199 = arith.constant 0 : i32
        %parallel_loop3A_200 = tpu.memref_slice %arg7[%parallel_loop3A_198, %parallel_loop3A_199] : memref<2x40960xf32, #tpu.memory_space<vmem>> -> memref<1x40960xf32, #tpu.memory_space<vmem>>
        %parallel_loop3A_201 = tpu.memref_squeeze %parallel_loop3A_200 : memref<1x40960xf32, #tpu.memory_space<vmem>> -> memref<40960xf32, #tpu.memory_space<vmem>>
        %parallel_loop3A_202 = arith.index_cast %parallel_loop3A_197 : i32 to index
        %parallel_loop3A_203 = tpu.vector_load %parallel_loop3A_201[%parallel_loop3A_202] {strides = array<i32>} : memref<40960xf32, #tpu.memory_space<vmem>>, vector<16xf32>,
        tpu.vector_store %parallel_loop3A_201[%parallel_loop3A_202], %parallel_loop3A_195 {strides = array<i32>} : memref<40960xf32, #tpu.memory_space<vmem>>, vector<16xf32>,
        %parallel_loop3A_204 = arith.constant 32 : i32
        %parallel_loop3A_205 = arith.addi %parallel_loop3A_173, %parallel_loop3A_204 : i32
        %parallel_loop3A_206 = arith.index_cast %parallel_loop3A_205 : i32 to index
        %parallel_loop3A_207 = tpu.vector_load %arg6[%parallel_loop3A_206] {strides = array<i32>} : memref<8100xf32, #tpu.memory_space<vmem>>, vector<16xf32>,
        %parallel_loop3A_208 = arith.constant 32 : i32
        %parallel_loop3A_209 = arith.addi %parallel_loop3A_179, %parallel_loop3A_208 : i32
        %parallel_loop3A_210 = arith.constant 0 : i32
        %parallel_loop3A_211 = arith.constant 0 : i32
        %parallel_loop3A_212 = tpu.memref_slice %arg7[%parallel_loop3A_210, %parallel_loop3A_211] : memref<2x40960xf32, #tpu.memory_space<vmem>> -> memref<1x40960xf32, #tpu.memory_space<vmem>>
        %parallel_loop3A_213 = tpu.memref_squeeze %parallel_loop3A_212 : memref<1x40960xf32, #tpu.memory_space<vmem>> -> memref<40960xf32, #tpu.memory_space<vmem>>
        %parallel_loop3A_214 = arith.index_cast %parallel_loop3A_209 : i32 to index
        %parallel_loop3A_215 = tpu.vector_load %parallel_loop3A_213[%parallel_loop3A_214] {strides = array<i32>} : memref<40960xf32, #tpu.memory_space<vmem>>, vector<16xf32>,
        tpu.vector_store %parallel_loop3A_213[%parallel_loop3A_214], %parallel_loop3A_207 {strides = array<i32>} : memref<40960xf32, #tpu.memory_space<vmem>>, vector<16xf32>,
        %parallel_loop3A_216 = arith.constant 48 : i32
        %parallel_loop3A_217 = arith.addi %parallel_loop3A_173, %parallel_loop3A_216 : i32
        %parallel_loop3A_218 = arith.index_cast %parallel_loop3A_217 : i32 to index
        %parallel_loop3A_219 = tpu.vector_load %arg6[%parallel_loop3A_218] {strides = array<i32>} : memref<8100xf32, #tpu.memory_space<vmem>>, vector<16xf32>,
        %parallel_loop3A_220 = arith.constant 48 : i32
        %parallel_loop3A_221 = arith.addi %parallel_loop3A_179, %parallel_loop3A_220 : i32
        %parallel_loop3A_222 = arith.constant 0 : i32
        %parallel_loop3A_223 = arith.constant 0 : i32
        %parallel_loop3A_224 = tpu.memref_slice %arg7[%parallel_loop3A_222, %parallel_loop3A_223] : memref<2x40960xf32, #tpu.memory_space<vmem>> -> memref<1x40960xf32, #tpu.memory_space<vmem>>
        %parallel_loop3A_225 = tpu.memref_squeeze %parallel_loop3A_224 : memref<1x40960xf32, #tpu.memory_space<vmem>> -> memref<40960xf32, #tpu.memory_space<vmem>>
        %parallel_loop3A_226 = arith.index_cast %parallel_loop3A_221 : i32 to index
        %parallel_loop3A_227 = tpu.vector_load %parallel_loop3A_225[%parallel_loop3A_226] {strides = array<i32>} : memref<40960xf32, #tpu.memory_space<vmem>>, vector<16xf32>,
        tpu.vector_store %parallel_loop3A_225[%parallel_loop3A_226], %parallel_loop3A_219 {strides = array<i32>} : memref<40960xf32, #tpu.memory_space<vmem>>, vector<16xf32>,
        %parallel_loop3A_228 = arith.constant 64 : i32
        %parallel_loop3A_229 = arith.addi %parallel_loop3A_173, %parallel_loop3A_228 : i32
        %parallel_loop3A_230 = arith.index_cast %parallel_loop3A_229 : i32 to index
        %parallel_loop3A_231 = tpu.vector_load %arg6[%parallel_loop3A_230] {strides = array<i32>} : memref<8100xf32, #tpu.memory_space<vmem>>, vector<16xf32>,
        %parallel_loop3A_232 = arith.constant 64 : i32
        %parallel_loop3A_233 = arith.addi %parallel_loop3A_179, %parallel_loop3A_232 : i32
        %parallel_loop3A_234 = arith.constant 0 : i32
        %parallel_loop3A_235 = arith.constant 0 : i32
        %parallel_loop3A_236 = tpu.memref_slice %arg7[%parallel_loop3A_234, %parallel_loop3A_235] : memref<2x40960xf32, #tpu.memory_space<vmem>> -> memref<1x40960xf32, #tpu.memory_space<vmem>>
        %parallel_loop3A_237 = tpu.memref_squeeze %parallel_loop3A_236 : memref<1x40960xf32, #tpu.memory_space<vmem>> -> memref<40960xf32, #tpu.memory_space<vmem>>
        %parallel_loop3A_238 = arith.index_cast %parallel_loop3A_233 : i32 to index
        %parallel_loop3A_239 = tpu.vector_load %parallel_loop3A_237[%parallel_loop3A_238] {strides = array<i32>} : memref<40960xf32, #tpu.memory_space<vmem>>, vector<16xf32>,
        tpu.vector_store %parallel_loop3A_237[%parallel_loop3A_238], %parallel_loop3A_231 {strides = array<i32>} : memref<40960xf32, #tpu.memory_space<vmem>>, vector<16xf32>,
        %parallel_loop3A_240 = vector.extract_strided_slice %parallel_loop3A_103 {offsets = [2], sizes = [1], strides = [1]} : vector<16xi32> to vector<1xi32>
        %parallel_loop3A_241 = vector.extract %parallel_loop3A_240[0] : i32 from vector<1xi32>
        %parallel_loop3A_242 = arith.constant 16 : i32
        %parallel_loop3A_243 = arith.muli %parallel_loop3A_93, %parallel_loop3A_242 : i32
        %parallel_loop3A_244 = arith.constant 2 : i32
        %parallel_loop3A_245 = arith.addi %parallel_loop3A_243, %parallel_loop3A_244 : i32
        %parallel_loop3A_246 = arith.constant 80 : i32
        %parallel_loop3A_247 = arith.muli %parallel_loop3A_245, %parallel_loop3A_246 : i32
        %parallel_loop3A_248 = arith.constant 0 : i32
        %parallel_loop3A_249 = arith.addi %parallel_loop3A_241, %parallel_loop3A_248 : i32
        %parallel_loop3A_250 = arith.index_cast %parallel_loop3A_249 : i32 to index
        %parallel_loop3A_251 = tpu.vector_load %arg6[%parallel_loop3A_250] {strides = array<i32>} : memref<8100xf32, #tpu.memory_space<vmem>>, vector<16xf32>,
        %parallel_loop3A_252 = arith.constant 0 : i32
        %parallel_loop3A_253 = arith.addi %parallel_loop3A_247, %parallel_loop3A_252 : i32
        %parallel_loop3A_254 = arith.constant 0 : i32
        %parallel_loop3A_255 = arith.constant 0 : i32
        %parallel_loop3A_256 = tpu.memref_slice %arg7[%parallel_loop3A_254, %parallel_loop3A_255] : memref<2x40960xf32, #tpu.memory_space<vmem>> -> memref<1x40960xf32, #tpu.memory_space<vmem>>
        %parallel_loop3A_257 = tpu.memref_squeeze %parallel_loop3A_256 : memref<1x40960xf32, #tpu.memory_space<vmem>> -> memref<40960xf32, #tpu.memory_space<vmem>>
        %parallel_loop3A_258 = arith.index_cast %parallel_loop3A_253 : i32 to index
        %parallel_loop3A_259 = tpu.vector_load %parallel_loop3A_257[%parallel_loop3A_258] {strides = array<i32>} : memref<40960xf32, #tpu.memory_space<vmem>>, vector<16xf32>,
        tpu.vector_store %parallel_loop3A_257[%parallel_loop3A_258], %parallel_loop3A_251 {strides = array<i32>} : memref<40960xf32, #tpu.memory_space<vmem>>, vector<16xf32>,
        %parallel_loop3A_260 = arith.constant 16 : i32
        %parallel_loop3A_261 = arith.addi %parallel_loop3A_241, %parallel_loop3A_260 : i32
        %parallel_loop3A_262 = arith.index_cast %parallel_loop3A_261 : i32 to index
        %parallel_loop3A_263 = tpu.vector_load %arg6[%parallel_loop3A_262] {strides = array<i32>} : memref<8100xf32, #tpu.memory_space<vmem>>, vector<16xf32>,
        %parallel_loop3A_264 = arith.constant 16 : i32
        %parallel_loop3A_265 = arith.addi %parallel_loop3A_247, %parallel_loop3A_264 : i32
        %parallel_loop3A_266 = arith.constant 0 : i32
        %parallel_loop3A_267 = arith.constant 0 : i32
        %parallel_loop3A_268 = tpu.memref_slice %arg7[%parallel_loop3A_266, %parallel_loop3A_267] : memref<2x40960xf32, #tpu.memory_space<vmem>> -> memref<1x40960xf32, #tpu.memory_space<vmem>>
        %parallel_loop3A_269 = tpu.memref_squeeze %parallel_loop3A_268 : memref<1x40960xf32, #tpu.memory_space<vmem>> -> memref<40960xf32, #tpu.memory_space<vmem>>
        %parallel_loop3A_270 = arith.index_cast %parallel_loop3A_265 : i32 to index
        %parallel_loop3A_271 = tpu.vector_load %parallel_loop3A_269[%parallel_loop3A_270] {strides = array<i32>} : memref<40960xf32, #tpu.memory_space<vmem>>, vector<16xf32>,
        tpu.vector_store %parallel_loop3A_269[%parallel_loop3A_270], %parallel_loop3A_263 {strides = array<i32>} : memref<40960xf32, #tpu.memory_space<vmem>>, vector<16xf32>,
        %parallel_loop3A_272 = arith.constant 32 : i32
        %parallel_loop3A_273 = arith.addi %parallel_loop3A_241, %parallel_loop3A_272 : i32
        %parallel_loop3A_274 = arith.index_cast %parallel_loop3A_273 : i32 to index
        %parallel_loop3A_275 = tpu.vector_load %arg6[%parallel_loop3A_274] {strides = array<i32>} : memref<8100xf32, #tpu.memory_space<vmem>>, vector<16xf32>,
        %parallel_loop3A_276 = arith.constant 32 : i32
        %parallel_loop3A_277 = arith.addi %parallel_loop3A_247, %parallel_loop3A_276 : i32
        %parallel_loop3A_278 = arith.constant 0 : i32
        %parallel_loop3A_279 = arith.constant 0 : i32
        %parallel_loop3A_280 = tpu.memref_slice %arg7[%parallel_loop3A_278, %parallel_loop3A_279] : memref<2x40960xf32, #tpu.memory_space<vmem>> -> memref<1x40960xf32, #tpu.memory_space<vmem>>
        %parallel_loop3A_281 = tpu.memref_squeeze %parallel_loop3A_280 : memref<1x40960xf32, #tpu.memory_space<vmem>> -> memref<40960xf32, #tpu.memory_space<vmem>>
        %parallel_loop3A_282 = arith.index_cast %parallel_loop3A_277 : i32 to index
        %parallel_loop3A_283 = tpu.vector_load %parallel_loop3A_281[%parallel_loop3A_282] {strides = array<i32>} : memref<40960xf32, #tpu.memory_space<vmem>>, vector<16xf32>,
        tpu.vector_store %parallel_loop3A_281[%parallel_loop3A_282], %parallel_loop3A_275 {strides = array<i32>} : memref<40960xf32, #tpu.memory_space<vmem>>, vector<16xf32>,
        %parallel_loop3A_284 = arith.constant 48 : i32
        %parallel_loop3A_285 = arith.addi %parallel_loop3A_241, %parallel_loop3A_284 : i32
        %parallel_loop3A_286 = arith.index_cast %parallel_loop3A_285 : i32 to index
        %parallel_loop3A_287 = tpu.vector_load %arg6[%parallel_loop3A_286] {strides = array<i32>} : memref<8100xf32, #tpu.memory_space<vmem>>, vector<16xf32>,
        %parallel_loop3A_288 = arith.constant 48 : i32
        %parallel_loop3A_289 = arith.addi %parallel_loop3A_247, %parallel_loop3A_288 : i32
        %parallel_loop3A_290 = arith.constant 0 : i32
        %parallel_loop3A_291 = arith.constant 0 : i32
        %parallel_loop3A_292 = tpu.memref_slice %arg7[%parallel_loop3A_290, %parallel_loop3A_291] : memref<2x40960xf32, #tpu.memory_space<vmem>> -> memref<1x40960xf32, #tpu.memory_space<vmem>>
        %parallel_loop3A_293 = tpu.memref_squeeze %parallel_loop3A_292 : memref<1x40960xf32, #tpu.memory_space<vmem>> -> memref<40960xf32, #tpu.memory_space<vmem>>
        %parallel_loop3A_294 = arith.index_cast %parallel_loop3A_289 : i32 to index
        %parallel_loop3A_295 = tpu.vector_load %parallel_loop3A_293[%parallel_loop3A_294] {strides = array<i32>} : memref<40960xf32, #tpu.memory_space<vmem>>, vector<16xf32>,
        tpu.vector_store %parallel_loop3A_293[%parallel_loop3A_294], %parallel_loop3A_287 {strides = array<i32>} : memref<40960xf32, #tpu.memory_space<vmem>>, vector<16xf32>,
        %parallel_loop3A_296 = arith.constant 64 : i32
        %parallel_loop3A_297 = arith.addi %parallel_loop3A_241, %parallel_loop3A_296 : i32
        %parallel_loop3A_298 = arith.index_cast %parallel_loop3A_297 : i32 to index
        %parallel_loop3A_299 = tpu.vector_load %arg6[%parallel_loop3A_298] {strides = array<i32>} : memref<8100xf32, #tpu.memory_space<vmem>>, vector<16xf32>,
        %parallel_loop3A_300 = arith.constant 64 : i32
        %parallel_loop3A_301 = arith.addi %parallel_loop3A_247, %parallel_loop3A_300 : i32
        %parallel_loop3A_302 = arith.constant 0 : i32
        %parallel_loop3A_303 = arith.constant 0 : i32
        %parallel_loop3A_304 = tpu.memref_slice %arg7[%parallel_loop3A_302, %parallel_loop3A_303] : memref<2x40960xf32, #tpu.memory_space<vmem>> -> memref<1x40960xf32, #tpu.memory_space<vmem>>
        %parallel_loop3A_305 = tpu.memref_squeeze %parallel_loop3A_304 : memref<1x40960xf32, #tpu.memory_space<vmem>> -> memref<40960xf32, #tpu.memory_space<vmem>>
        %parallel_loop3A_306 = arith.index_cast %parallel_loop3A_301 : i32 to index
        %parallel_loop3A_307 = tpu.vector_load %parallel_loop3A_305[%parallel_loop3A_306] {strides = array<i32>} : memref<40960xf32, #tpu.memory_space<vmem>>, vector<16xf32>,
        tpu.vector_store %parallel_loop3A_305[%parallel_loop3A_306], %parallel_loop3A_299 {strides = array<i32>} : memref<40960xf32, #tpu.memory_space<vmem>>, vector<16xf32>,
        %parallel_loop3A_308 = vector.extract_strided_slice %parallel_loop3A_103 {offsets = [3], sizes = [1], strides = [1]} : vector<16xi32> to vector<1xi32>
        %parallel_loop3A_309 = vector.extract %parallel_loop3A_308[0] : i32 from vector<1xi32>
        %parallel_loop3A_310 = arith.constant 16 : i32
        %parallel_loop3A_311 = arith.muli %parallel_loop3A_93, %parallel_loop3A_310 : i32
        %parallel_loop3A_312 = arith.constant 3 : i32
        %parallel_loop3A_313 = arith.addi %parallel_loop3A_311, %parallel_loop3A_312 : i32
        %parallel_loop3A_314 = arith.constant 80 : i32
        %parallel_loop3A_315 = arith.muli %parallel_loop3A_313, %parallel_loop3A_314 : i32
        %parallel_loop3A_316 = arith.constant 0 : i32
        %parallel_loop3A_317 = arith.addi %parallel_loop3A_309, %parallel_loop3A_316 : i32
        %parallel_loop3A_318 = arith.index_cast %parallel_loop3A_317 : i32 to index
        %parallel_loop3A_319 = tpu.vector_load %arg6[%parallel_loop3A_318] {strides = array<i32>} : memref<8100xf32, #tpu.memory_space<vmem>>, vector<16xf32>,
        %parallel_loop3A_320 = arith.constant 0 : i32
        %parallel_loop3A_321 = arith.addi %parallel_loop3A_315, %parallel_loop3A_320 : i32
        %parallel_loop3A_322 = arith.constant 0 : i32
        %parallel_loop3A_323 = arith.constant 0 : i32
        %parallel_loop3A_324 = tpu.memref_slice %arg7[%parallel_loop3A_322, %parallel_loop3A_323] : memref<2x40960xf32, #tpu.memory_space<vmem>> -> memref<1x40960xf32, #tpu.memory_space<vmem>>
        %parallel_loop3A_325 = tpu.memref_squeeze %parallel_loop3A_324 : memref<1x40960xf32, #tpu.memory_space<vmem>> -> memref<40960xf32, #tpu.memory_space<vmem>>
        %parallel_loop3A_326 = arith.index_cast %parallel_loop3A_321 : i32 to index
        %parallel_loop3A_327 = tpu.vector_load %parallel_loop3A_325[%parallel_loop3A_326] {strides = array<i32>} : memref<40960xf32, #tpu.memory_space<vmem>>, vector<16xf32>,
        tpu.vector_store %parallel_loop3A_325[%parallel_loop3A_326], %parallel_loop3A_319 {strides = array<i32>} : memref<40960xf32, #tpu.memory_space<vmem>>, vector<16xf32>,
        %parallel_loop3A_328 = arith.constant 16 : i32
        %parallel_loop3A_329 = arith.addi %parallel_loop3A_309, %parallel_loop3A_328 : i32
        %parallel_loop3A_330 = arith.index_cast %parallel_loop3A_329 : i32 to index
        %parallel_loop3A_331 = tpu.vector_load %arg6[%parallel_loop3A_330] {strides = array<i32>} : memref<8100xf32, #tpu.memory_space<vmem>>, vector<16xf32>,
        %parallel_loop3A_332 = arith.constant 16 : i32
        %parallel_loop3A_333 = arith.addi %parallel_loop3A_315, %parallel_loop3A_332 : i32
        %parallel_loop3A_334 = arith.constant 0 : i32
        %parallel_loop3A_335 = arith.constant 0 : i32
        %parallel_loop3A_336 = tpu.memref_slice %arg7[%parallel_loop3A_334, %parallel_loop3A_335] : memref<2x40960xf32, #tpu.memory_space<vmem>> -> memref<1x40960xf32, #tpu.memory_space<vmem>>
        %parallel_loop3A_337 = tpu.memref_squeeze %parallel_loop3A_336 : memref<1x40960xf32, #tpu.memory_space<vmem>> -> memref<40960xf32, #tpu.memory_space<vmem>>
        %parallel_loop3A_338 = arith.index_cast %parallel_loop3A_333 : i32 to index
        %parallel_loop3A_339 = tpu.vector_load %parallel_loop3A_337[%parallel_loop3A_338] {strides = array<i32>} : memref<40960xf32, #tpu.memory_space<vmem>>, vector<16xf32>,
        tpu.vector_store %parallel_loop3A_337[%parallel_loop3A_338], %parallel_loop3A_331 {strides = array<i32>} : memref<40960xf32, #tpu.memory_space<vmem>>, vector<16xf32>,
        %parallel_loop3A_340 = arith.constant 32 : i32
        %parallel_loop3A_341 = arith.addi %parallel_loop3A_309, %parallel_loop3A_340 : i32
        %parallel_loop3A_342 = arith.index_cast %parallel_loop3A_341 : i32 to index
        %parallel_loop3A_343 = tpu.vector_load %arg6[%parallel_loop3A_342] {strides = array<i32>} : memref<8100xf32, #tpu.memory_space<vmem>>, vector<16xf32>,
        %parallel_loop3A_344 = arith.constant 32 : i32
        %parallel_loop3A_345 = arith.addi %parallel_loop3A_315, %parallel_loop3A_344 : i32
        %parallel_loop3A_346 = arith.constant 0 : i32
        %parallel_loop3A_347 = arith.constant 0 : i32
        %parallel_loop3A_348 = tpu.memref_slice %arg7[%parallel_loop3A_346, %parallel_loop3A_347] : memref<2x40960xf32, #tpu.memory_space<vmem>> -> memref<1x40960xf32, #tpu.memory_space<vmem>>
        %parallel_loop3A_349 = tpu.memref_squeeze %parallel_loop3A_348 : memref<1x40960xf32, #tpu.memory_space<vmem>> -> memref<40960xf32, #tpu.memory_space<vmem>>
        %parallel_loop3A_350 = arith.index_cast %parallel_loop3A_345 : i32 to index
        %parallel_loop3A_351 = tpu.vector_load %parallel_loop3A_349[%parallel_loop3A_350] {strides = array<i32>} : memref<40960xf32, #tpu.memory_space<vmem>>, vector<16xf32>,
        tpu.vector_store %parallel_loop3A_349[%parallel_loop3A_350], %parallel_loop3A_343 {strides = array<i32>} : memref<40960xf32, #tpu.memory_space<vmem>>, vector<16xf32>,
        %parallel_loop3A_352 = arith.constant 48 : i32
        %parallel_loop3A_353 = arith.addi %parallel_loop3A_309, %parallel_loop3A_352 : i32
        %parallel_loop3A_354 = arith.index_cast %parallel_loop3A_353 : i32 to index
        %parallel_loop3A_355 = tpu.vector_load %arg6[%parallel_loop3A_354] {strides = array<i32>} : memref<8100xf32, #tpu.memory_space<vmem>>, vector<16xf32>,
        %parallel_loop3A_356 = arith.constant 48 : i32
        %parallel_loop3A_357 = arith.addi %parallel_loop3A_315, %parallel_loop3A_356 : i32
        %parallel_loop3A_358 = arith.constant 0 : i32
        %parallel_loop3A_359 = arith.constant 0 : i32
        %parallel_loop3A_360 = tpu.memref_slice %arg7[%parallel_loop3A_358, %parallel_loop3A_359] : memref<2x40960xf32, #tpu.memory_space<vmem>> -> memref<1x40960xf32, #tpu.memory_space<vmem>>
        %parallel_loop3A_361 = tpu.memref_squeeze %parallel_loop3A_360 : memref<1x40960xf32, #tpu.memory_space<vmem>> -> memref<40960xf32, #tpu.memory_space<vmem>>
        %parallel_loop3A_362 = arith.index_cast %parallel_loop3A_357 : i32 to index
        %parallel_loop3A_363 = tpu.vector_load %parallel_loop3A_361[%parallel_loop3A_362] {strides = array<i32>} : memref<40960xf32, #tpu.memory_space<vmem>>, vector<16xf32>,
        tpu.vector_store %parallel_loop3A_361[%parallel_loop3A_362], %parallel_loop3A_355 {strides = array<i32>} : memref<40960xf32, #tpu.memory_space<vmem>>, vector<16xf32>,
        %parallel_loop3A_364 = arith.constant 64 : i32
        %parallel_loop3A_365 = arith.addi %parallel_loop3A_309, %parallel_loop3A_364 : i32
        %parallel_loop3A_366 = arith.index_cast %parallel_loop3A_365 : i32 to index
        %parallel_loop3A_367 = tpu.vector_load %arg6[%parallel_loop3A_366] {strides = array<i32>} : memref<8100xf32, #tpu.memory_space<vmem>>, vector<16xf32>,
        %parallel_loop3A_368 = arith.constant 64 : i32
        %parallel_loop3A_369 = arith.addi %parallel_loop3A_315, %parallel_loop3A_368 : i32
        %parallel_loop3A_370 = arith.constant 0 : i32
        %parallel_loop3A_371 = arith.constant 0 : i32
        %parallel_loop3A_372 = tpu.memref_slice %arg7[%parallel_loop3A_370, %parallel_loop3A_371] : memref<2x40960xf32, #tpu.memory_space<vmem>> -> memref<1x40960xf32, #tpu.memory_space<vmem>>
        %parallel_loop3A_373 = tpu.memref_squeeze %parallel_loop3A_372 : memref<1x40960xf32, #tpu.memory_space<vmem>> -> memref<40960xf32, #tpu.memory_space<vmem>>
        %parallel_loop3A_374 = arith.index_cast %parallel_loop3A_369 : i32 to index
        %parallel_loop3A_375 = tpu.vector_load %parallel_loop3A_373[%parallel_loop3A_374] {strides = array<i32>} : memref<40960xf32, #tpu.memory_space<vmem>>, vector<16xf32>,
        tpu.vector_store %parallel_loop3A_373[%parallel_loop3A_374], %parallel_loop3A_367 {strides = array<i32>} : memref<40960xf32, #tpu.memory_space<vmem>>, vector<16xf32>,
        %parallel_loop3A_376 = vector.extract_strided_slice %parallel_loop3A_103 {offsets = [4], sizes = [1], strides = [1]} : vector<16xi32> to vector<1xi32>
        %parallel_loop3A_377 = vector.extract %parallel_loop3A_376[0] : i32 from vector<1xi32>
        %parallel_loop3A_378 = arith.constant 16 : i32
        %parallel_loop3A_379 = arith.muli %parallel_loop3A_93, %parallel_loop3A_378 : i32
        %parallel_loop3A_380 = arith.constant 4 : i32
        %parallel_loop3A_381 = arith.addi %parallel_loop3A_379, %parallel_loop3A_380 : i32
        %parallel_loop3A_382 = arith.constant 80 : i32
        %parallel_loop3A_383 = arith.muli %parallel_loop3A_381, %parallel_loop3A_382 : i32
        %parallel_loop3A_384 = arith.constant 0 : i32
        %parallel_loop3A_385 = arith.addi %parallel_loop3A_377, %parallel_loop3A_384 : i32
        %parallel_loop3A_386 = arith.index_cast %parallel_loop3A_385 : i32 to index
        %parallel_loop3A_387 = tpu.vector_load %arg6[%parallel_loop3A_386] {strides = array<i32>} : memref<8100xf32, #tpu.memory_space<vmem>>, vector<16xf32>,
        %parallel_loop3A_388 = arith.constant 0 : i32
        %parallel_loop3A_389 = arith.addi %parallel_loop3A_383, %parallel_loop3A_388 : i32
        %parallel_loop3A_390 = arith.constant 0 : i32
        %parallel_loop3A_391 = arith.constant 0 : i32
        %parallel_loop3A_392 = tpu.memref_slice %arg7[%parallel_loop3A_390, %parallel_loop3A_391] : memref<2x40960xf32, #tpu.memory_space<vmem>> -> memref<1x40960xf32, #tpu.memory_space<vmem>>
        %parallel_loop3A_393 = tpu.memref_squeeze %parallel_loop3A_392 : memref<1x40960xf32, #tpu.memory_space<vmem>> -> memref<40960xf32, #tpu.memory_space<vmem>>
        %parallel_loop3A_394 = arith.index_cast %parallel_loop3A_389 : i32 to index
        %parallel_loop3A_395 = tpu.vector_load %parallel_loop3A_393[%parallel_loop3A_394] {strides = array<i32>} : memref<40960xf32, #tpu.memory_space<vmem>>, vector<16xf32>,
        tpu.vector_store %parallel_loop3A_393[%parallel_loop3A_394], %parallel_loop3A_387 {strides = array<i32>} : memref<40960xf32, #tpu.memory_space<vmem>>, vector<16xf32>,
        %parallel_loop3A_396 = arith.constant 16 : i32
        %parallel_loop3A_397 = arith.addi %parallel_loop3A_377, %parallel_loop3A_396 : i32
        %parallel_loop3A_398 = arith.index_cast %parallel_loop3A_397 : i32 to index
        %parallel_loop3A_399 = tpu.vector_load %arg6[%parallel_loop3A_398] {strides = array<i32>} : memref<8100xf32, #tpu.memory_space<vmem>>, vector<16xf32>,
        %parallel_loop3A_400 = arith.constant 16 : i32
        %parallel_loop3A_401 = arith.addi %parallel_loop3A_383, %parallel_loop3A_400 : i32
        %parallel_loop3A_402 = arith.constant 0 : i32
        %parallel_loop3A_403 = arith.constant 0 : i32
        %parallel_loop3A_404 = tpu.memref_slice %arg7[%parallel_loop3A_402, %parallel_loop3A_403] : memref<2x40960xf32, #tpu.memory_space<vmem>> -> memref<1x40960xf32, #tpu.memory_space<vmem>>
        %parallel_loop3A_405 = tpu.memref_squeeze %parallel_loop3A_404 : memref<1x40960xf32, #tpu.memory_space<vmem>> -> memref<40960xf32, #tpu.memory_space<vmem>>
        %parallel_loop3A_406 = arith.index_cast %parallel_loop3A_401 : i32 to index
        %parallel_loop3A_407 = tpu.vector_load %parallel_loop3A_405[%parallel_loop3A_406] {strides = array<i32>} : memref<40960xf32, #tpu.memory_space<vmem>>, vector<16xf32>,
        tpu.vector_store %parallel_loop3A_405[%parallel_loop3A_406], %parallel_loop3A_399 {strides = array<i32>} : memref<40960xf32, #tpu.memory_space<vmem>>, vector<16xf32>,
        %parallel_loop3A_408 = arith.constant 32 : i32
        %parallel_loop3A_409 = arith.addi %parallel_loop3A_377, %parallel_loop3A_408 : i32
        %parallel_loop3A_410 = arith.index_cast %parallel_loop3A_409 : i32 to index
        %parallel_loop3A_411 = tpu.vector_load %arg6[%parallel_loop3A_410] {strides = array<i32>} : memref<8100xf32, #tpu.memory_space<vmem>>, vector<16xf32>,
        %parallel_loop3A_412 = arith.constant 32 : i32
        %parallel_loop3A_413 = arith.addi %parallel_loop3A_383, %parallel_loop3A_412 : i32
        %parallel_loop3A_414 = arith.constant 0 : i32
        %parallel_loop3A_415 = arith.constant 0 : i32
        %parallel_loop3A_416 = tpu.memref_slice %arg7[%parallel_loop3A_414, %parallel_loop3A_415] : memref<2x40960xf32, #tpu.memory_space<vmem>> -> memref<1x40960xf32, #tpu.memory_space<vmem>>
        %parallel_loop3A_417 = tpu.memref_squeeze %parallel_loop3A_416 : memref<1x40960xf32, #tpu.memory_space<vmem>> -> memref<40960xf32, #tpu.memory_space<vmem>>
        %parallel_loop3A_418 = arith.index_cast %parallel_loop3A_413 : i32 to index
        %parallel_loop3A_419 = tpu.vector_load %parallel_loop3A_417[%parallel_loop3A_418] {strides = array<i32>} : memref<40960xf32, #tpu.memory_space<vmem>>, vector<16xf32>,
        tpu.vector_store %parallel_loop3A_417[%parallel_loop3A_418], %parallel_loop3A_411 {strides = array<i32>} : memref<40960xf32, #tpu.memory_space<vmem>>, vector<16xf32>,
        %parallel_loop3A_420 = arith.constant 48 : i32
        %parallel_loop3A_421 = arith.addi %parallel_loop3A_377, %parallel_loop3A_420 : i32
        %parallel_loop3A_422 = arith.index_cast %parallel_loop3A_421 : i32 to index
        %parallel_loop3A_423 = tpu.vector_load %arg6[%parallel_loop3A_422] {strides = array<i32>} : memref<8100xf32, #tpu.memory_space<vmem>>, vector<16xf32>,
        %parallel_loop3A_424 = arith.constant 48 : i32
        %parallel_loop3A_425 = arith.addi %parallel_loop3A_383, %parallel_loop3A_424 : i32
        %parallel_loop3A_426 = arith.constant 0 : i32
        %parallel_loop3A_427 = arith.constant 0 : i32
        %parallel_loop3A_428 = tpu.memref_slice %arg7[%parallel_loop3A_426, %parallel_loop3A_427] : memref<2x40960xf32, #tpu.memory_space<vmem>> -> memref<1x40960xf32, #tpu.memory_space<vmem>>
        %parallel_loop3A_429 = tpu.memref_squeeze %parallel_loop3A_428 : memref<1x40960xf32, #tpu.memory_space<vmem>> -> memref<40960xf32, #tpu.memory_space<vmem>>
        %parallel_loop3A_430 = arith.index_cast %parallel_loop3A_425 : i32 to index
        %parallel_loop3A_431 = tpu.vector_load %parallel_loop3A_429[%parallel_loop3A_430] {strides = array<i32>} : memref<40960xf32, #tpu.memory_space<vmem>>, vector<16xf32>,
        tpu.vector_store %parallel_loop3A_429[%parallel_loop3A_430], %parallel_loop3A_423 {strides = array<i32>} : memref<40960xf32, #tpu.memory_space<vmem>>, vector<16xf32>,
        %parallel_loop3A_432 = arith.constant 64 : i32
        %parallel_loop3A_433 = arith.addi %parallel_loop3A_377, %parallel_loop3A_432 : i32
        %parallel_loop3A_434 = arith.index_cast %parallel_loop3A_433 : i32 to index
        %parallel_loop3A_435 = tpu.vector_load %arg6[%parallel_loop3A_434] {strides = array<i32>} : memref<8100xf32, #tpu.memory_space<vmem>>, vector<16xf32>,
        %parallel_loop3A_436 = arith.constant 64 : i32
        %parallel_loop3A_437 = arith.addi %parallel_loop3A_383, %parallel_loop3A_436 : i32
        %parallel_loop3A_438 = arith.constant 0 : i32
        %parallel_loop3A_439 = arith.constant 0 : i32
        %parallel_loop3A_440 = tpu.memref_slice %arg7[%parallel_loop3A_438, %parallel_loop3A_439] : memref<2x40960xf32, #tpu.memory_space<vmem>> -> memref<1x40960xf32, #tpu.memory_space<vmem>>
        %parallel_loop3A_441 = tpu.memref_squeeze %parallel_loop3A_440 : memref<1x40960xf32, #tpu.memory_space<vmem>> -> memref<40960xf32, #tpu.memory_space<vmem>>
        %parallel_loop3A_442 = arith.index_cast %parallel_loop3A_437 : i32 to index
        %parallel_loop3A_443 = tpu.vector_load %parallel_loop3A_441[%parallel_loop3A_442] {strides = array<i32>} : memref<40960xf32, #tpu.memory_space<vmem>>, vector<16xf32>,
        tpu.vector_store %parallel_loop3A_441[%parallel_loop3A_442], %parallel_loop3A_435 {strides = array<i32>} : memref<40960xf32, #tpu.memory_space<vmem>>, vector<16xf32>,
        %parallel_loop3A_444 = vector.extract_strided_slice %parallel_loop3A_103 {offsets = [5], sizes = [1], strides = [1]} : vector<16xi32> to vector<1xi32>
        %parallel_loop3A_445 = vector.extract %parallel_loop3A_444[0] : i32 from vector<1xi32>
        %parallel_loop3A_446 = arith.constant 16 : i32
        %parallel_loop3A_447 = arith.muli %parallel_loop3A_93, %parallel_loop3A_446 : i32
        %parallel_loop3A_448 = arith.constant 5 : i32
        %parallel_loop3A_449 = arith.addi %parallel_loop3A_447, %parallel_loop3A_448 : i32
        %parallel_loop3A_450 = arith.constant 80 : i32
        %parallel_loop3A_451 = arith.muli %parallel_loop3A_449, %parallel_loop3A_450 : i32
        %parallel_loop3A_452 = arith.constant 0 : i32
        %parallel_loop3A_453 = arith.addi %parallel_loop3A_445, %parallel_loop3A_452 : i32
        %parallel_loop3A_454 = arith.index_cast %parallel_loop3A_453 : i32 to index
        %parallel_loop3A_455 = tpu.vector_load %arg6[%parallel_loop3A_454] {strides = array<i32>} : memref<8100xf32, #tpu.memory_space<vmem>>, vector<16xf32>,
        %parallel_loop3A_456 = arith.constant 0 : i32
        %parallel_loop3A_457 = arith.addi %parallel_loop3A_451, %parallel_loop3A_456 : i32
        %parallel_loop3A_458 = arith.constant 0 : i32
        %parallel_loop3A_459 = arith.constant 0 : i32
        %parallel_loop3A_460 = tpu.memref_slice %arg7[%parallel_loop3A_458, %parallel_loop3A_459] : memref<2x40960xf32, #tpu.memory_space<vmem>> -> memref<1x40960xf32, #tpu.memory_space<vmem>>
        %parallel_loop3A_461 = tpu.memref_squeeze %parallel_loop3A_460 : memref<1x40960xf32, #tpu.memory_space<vmem>> -> memref<40960xf32, #tpu.memory_space<vmem>>
        %parallel_loop3A_462 = arith.index_cast %parallel_loop3A_457 : i32 to index
        %parallel_loop3A_463 = tpu.vector_load %parallel_loop3A_461[%parallel_loop3A_462] {strides = array<i32>} : memref<40960xf32, #tpu.memory_space<vmem>>, vector<16xf32>,
        tpu.vector_store %parallel_loop3A_461[%parallel_loop3A_462], %parallel_loop3A_455 {strides = array<i32>} : memref<40960xf32, #tpu.memory_space<vmem>>, vector<16xf32>,
        %parallel_loop3A_464 = arith.constant 16 : i32
        %parallel_loop3A_465 = arith.addi %parallel_loop3A_445, %parallel_loop3A_464 : i32
        %parallel_loop3A_466 = arith.index_cast %parallel_loop3A_465 : i32 to index
        %parallel_loop3A_467 = tpu.vector_load %arg6[%parallel_loop3A_466] {strides = array<i32>} : memref<8100xf32, #tpu.memory_space<vmem>>, vector<16xf32>,
        %parallel_loop3A_468 = arith.constant 16 : i32
        %parallel_loop3A_469 = arith.addi %parallel_loop3A_451, %parallel_loop3A_468 : i32
        %parallel_loop3A_470 = arith.constant 0 : i32
        %parallel_loop3A_471 = arith.constant 0 : i32
        %parallel_loop3A_472 = tpu.memref_slice %arg7[%parallel_loop3A_470, %parallel_loop3A_471] : memref<2x40960xf32, #tpu.memory_space<vmem>> -> memref<1x40960xf32, #tpu.memory_space<vmem>>
        %parallel_loop3A_473 = tpu.memref_squeeze %parallel_loop3A_472 : memref<1x40960xf32, #tpu.memory_space<vmem>> -> memref<40960xf32, #tpu.memory_space<vmem>>
        %parallel_loop3A_474 = arith.index_cast %parallel_loop3A_469 : i32 to index
        %parallel_loop3A_475 = tpu.vector_load %parallel_loop3A_473[%parallel_loop3A_474] {strides = array<i32>} : memref<40960xf32, #tpu.memory_space<vmem>>, vector<16xf32>,
        tpu.vector_store %parallel_loop3A_473[%parallel_loop3A_474], %parallel_loop3A_467 {strides = array<i32>} : memref<40960xf32, #tpu.memory_space<vmem>>, vector<16xf32>,
        %parallel_loop3A_476 = arith.constant 32 : i32
        %parallel_loop3A_477 = arith.addi %parallel_loop3A_445, %parallel_loop3A_476 : i32
        %parallel_loop3A_478 = arith.index_cast %parallel_loop3A_477 : i32 to index
        %parallel_loop3A_479 = tpu.vector_load %arg6[%parallel_loop3A_478] {strides = array<i32>} : memref<8100xf32, #tpu.memory_space<vmem>>, vector<16xf32>,
        %parallel_loop3A_480 = arith.constant 32 : i32
        %parallel_loop3A_481 = arith.addi %parallel_loop3A_451, %parallel_loop3A_480 : i32
        %parallel_loop3A_482 = arith.constant 0 : i32
        %parallel_loop3A_483 = arith.constant 0 : i32
        %parallel_loop3A_484 = tpu.memref_slice %arg7[%parallel_loop3A_482, %parallel_loop3A_483] : memref<2x40960xf32, #tpu.memory_space<vmem>> -> memref<1x40960xf32, #tpu.memory_space<vmem>>
        %parallel_loop3A_485 = tpu.memref_squeeze %parallel_loop3A_484 : memref<1x40960xf32, #tpu.memory_space<vmem>> -> memref<40960xf32, #tpu.memory_space<vmem>>
        %parallel_loop3A_486 = arith.index_cast %parallel_loop3A_481 : i32 to index
        %parallel_loop3A_487 = tpu.vector_load %parallel_loop3A_485[%parallel_loop3A_486] {strides = array<i32>} : memref<40960xf32, #tpu.memory_space<vmem>>, vector<16xf32>,
        tpu.vector_store %parallel_loop3A_485[%parallel_loop3A_486], %parallel_loop3A_479 {strides = array<i32>} : memref<40960xf32, #tpu.memory_space<vmem>>, vector<16xf32>,
        %parallel_loop3A_488 = arith.constant 48 : i32
        %parallel_loop3A_489 = arith.addi %parallel_loop3A_445, %parallel_loop3A_488 : i32
        %parallel_loop3A_490 = arith.index_cast %parallel_loop3A_489 : i32 to index
        %parallel_loop3A_491 = tpu.vector_load %arg6[%parallel_loop3A_490] {strides = array<i32>} : memref<8100xf32, #tpu.memory_space<vmem>>, vector<16xf32>,
        %parallel_loop3A_492 = arith.constant 48 : i32
        %parallel_loop3A_493 = arith.addi %parallel_loop3A_451, %parallel_loop3A_492 : i32
        %parallel_loop3A_494 = arith.constant 0 : i32
        %parallel_loop3A_495 = arith.constant 0 : i32
        %parallel_loop3A_496 = tpu.memref_slice %arg7[%parallel_loop3A_494, %parallel_loop3A_495] : memref<2x40960xf32, #tpu.memory_space<vmem>> -> memref<1x40960xf32, #tpu.memory_space<vmem>>
        %parallel_loop3A_497 = tpu.memref_squeeze %parallel_loop3A_496 : memref<1x40960xf32, #tpu.memory_space<vmem>> -> memref<40960xf32, #tpu.memory_space<vmem>>
        %parallel_loop3A_498 = arith.index_cast %parallel_loop3A_493 : i32 to index
        %parallel_loop3A_499 = tpu.vector_load %parallel_loop3A_497[%parallel_loop3A_498] {strides = array<i32>} : memref<40960xf32, #tpu.memory_space<vmem>>, vector<16xf32>,
        tpu.vector_store %parallel_loop3A_497[%parallel_loop3A_498], %parallel_loop3A_491 {strides = array<i32>} : memref<40960xf32, #tpu.memory_space<vmem>>, vector<16xf32>,
        %parallel_loop3A_500 = arith.constant 64 : i32
        %parallel_loop3A_501 = arith.addi %parallel_loop3A_445, %parallel_loop3A_500 : i32
        %parallel_loop3A_502 = arith.index_cast %parallel_loop3A_501 : i32 to index
        %parallel_loop3A_503 = tpu.vector_load %arg6[%parallel_loop3A_502] {strides = array<i32>} : memref<8100xf32, #tpu.memory_space<vmem>>, vector<16xf32>,
        %parallel_loop3A_504 = arith.constant 64 : i32
        %parallel_loop3A_505 = arith.addi %parallel_loop3A_451, %parallel_loop3A_504 : i32
        %parallel_loop3A_506 = arith.constant 0 : i32
        %parallel_loop3A_507 = arith.constant 0 : i32
        %parallel_loop3A_508 = tpu.memref_slice %arg7[%parallel_loop3A_506, %parallel_loop3A_507] : memref<2x40960xf32, #tpu.memory_space<vmem>> -> memref<1x40960xf32, #tpu.memory_space<vmem>>
        %parallel_loop3A_509 = tpu.memref_squeeze %parallel_loop3A_508 : memref<1x40960xf32, #tpu.memory_space<vmem>> -> memref<40960xf32, #tpu.memory_space<vmem>>
        %parallel_loop3A_510 = arith.index_cast %parallel_loop3A_505 : i32 to index
        %parallel_loop3A_511 = tpu.vector_load %parallel_loop3A_509[%parallel_loop3A_510] {strides = array<i32>} : memref<40960xf32, #tpu.memory_space<vmem>>, vector<16xf32>,
        tpu.vector_store %parallel_loop3A_509[%parallel_loop3A_510], %parallel_loop3A_503 {strides = array<i32>} : memref<40960xf32, #tpu.memory_space<vmem>>, vector<16xf32>,
        %parallel_loop3A_512 = vector.extract_strided_slice %parallel_loop3A_103 {offsets = [6], sizes = [1], strides = [1]} : vector<16xi32> to vector<1xi32>
        %parallel_loop3A_513 = vector.extract %parallel_loop3A_512[0] : i32 from vector<1xi32>
        %parallel_loop3A_514 = arith.constant 16 : i32
        %parallel_loop3A_515 = arith.muli %parallel_loop3A_93, %parallel_loop3A_514 : i32
        %parallel_loop3A_516 = arith.constant 6 : i32
        %parallel_loop3A_517 = arith.addi %parallel_loop3A_515, %parallel_loop3A_516 : i32
        %parallel_loop3A_518 = arith.constant 80 : i32
        %parallel_loop3A_519 = arith.muli %parallel_loop3A_517, %parallel_loop3A_518 : i32
        %parallel_loop3A_520 = arith.constant 0 : i32
        %parallel_loop3A_521 = arith.addi %parallel_loop3A_513, %parallel_loop3A_520 : i32
        %parallel_loop3A_522 = arith.index_cast %parallel_loop3A_521 : i32 to index
        %parallel_loop3A_523 = tpu.vector_load %arg6[%parallel_loop3A_522] {strides = array<i32>} : memref<8100xf32, #tpu.memory_space<vmem>>, vector<16xf32>,
        %parallel_loop3A_524 = arith.constant 0 : i32
        %parallel_loop3A_525 = arith.addi %parallel_loop3A_519, %parallel_loop3A_524 : i32
        %parallel_loop3A_526 = arith.constant 0 : i32
        %parallel_loop3A_527 = arith.constant 0 : i32
        %parallel_loop3A_528 = tpu.memref_slice %arg7[%parallel_loop3A_526, %parallel_loop3A_527] : memref<2x40960xf32, #tpu.memory_space<vmem>> -> memref<1x40960xf32, #tpu.memory_space<vmem>>
        %parallel_loop3A_529 = tpu.memref_squeeze %parallel_loop3A_528 : memref<1x40960xf32, #tpu.memory_space<vmem>> -> memref<40960xf32, #tpu.memory_space<vmem>>
        %parallel_loop3A_530 = arith.index_cast %parallel_loop3A_525 : i32 to index
        %parallel_loop3A_531 = tpu.vector_load %parallel_loop3A_529[%parallel_loop3A_530] {strides = array<i32>} : memref<40960xf32, #tpu.memory_space<vmem>>, vector<16xf32>,
        tpu.vector_store %parallel_loop3A_529[%parallel_loop3A_530], %parallel_loop3A_523 {strides = array<i32>} : memref<40960xf32, #tpu.memory_space<vmem>>, vector<16xf32>,
        %parallel_loop3A_532 = arith.constant 16 : i32
        %parallel_loop3A_533 = arith.addi %parallel_loop3A_513, %parallel_loop3A_532 : i32
        %parallel_loop3A_534 = arith.index_cast %parallel_loop3A_533 : i32 to index
        %parallel_loop3A_535 = tpu.vector_load %arg6[%parallel_loop3A_534] {strides = array<i32>} : memref<8100xf32, #tpu.memory_space<vmem>>, vector<16xf32>,
        %parallel_loop3A_536 = arith.constant 16 : i32
        %parallel_loop3A_537 = arith.addi %parallel_loop3A_519, %parallel_loop3A_536 : i32
        %parallel_loop3A_538 = arith.constant 0 : i32
        %parallel_loop3A_539 = arith.constant 0 : i32
        %parallel_loop3A_540 = tpu.memref_slice %arg7[%parallel_loop3A_538, %parallel_loop3A_539] : memref<2x40960xf32, #tpu.memory_space<vmem>> -> memref<1x40960xf32, #tpu.memory_space<vmem>>
        %parallel_loop3A_541 = tpu.memref_squeeze %parallel_loop3A_540 : memref<1x40960xf32, #tpu.memory_space<vmem>> -> memref<40960xf32, #tpu.memory_space<vmem>>
        %parallel_loop3A_542 = arith.index_cast %parallel_loop3A_537 : i32 to index
        %parallel_loop3A_543 = tpu.vector_load %parallel_loop3A_541[%parallel_loop3A_542] {strides = array<i32>} : memref<40960xf32, #tpu.memory_space<vmem>>, vector<16xf32>,
        tpu.vector_store %parallel_loop3A_541[%parallel_loop3A_542], %parallel_loop3A_535 {strides = array<i32>} : memref<40960xf32, #tpu.memory_space<vmem>>, vector<16xf32>,
        %parallel_loop3A_544 = arith.constant 32 : i32
        %parallel_loop3A_545 = arith.addi %parallel_loop3A_513, %parallel_loop3A_544 : i32
        %parallel_loop3A_546 = arith.index_cast %parallel_loop3A_545 : i32 to index
        %parallel_loop3A_547 = tpu.vector_load %arg6[%parallel_loop3A_546] {strides = array<i32>} : memref<8100xf32, #tpu.memory_space<vmem>>, vector<16xf32>,
        %parallel_loop3A_548 = arith.constant 32 : i32
        %parallel_loop3A_549 = arith.addi %parallel_loop3A_519, %parallel_loop3A_548 : i32
        %parallel_loop3A_550 = arith.constant 0 : i32
        %parallel_loop3A_551 = arith.constant 0 : i32
        %parallel_loop3A_552 = tpu.memref_slice %arg7[%parallel_loop3A_550, %parallel_loop3A_551] : memref<2x40960xf32, #tpu.memory_space<vmem>> -> memref<1x40960xf32, #tpu.memory_space<vmem>>
        %parallel_loop3A_553 = tpu.memref_squeeze %parallel_loop3A_552 : memref<1x40960xf32, #tpu.memory_space<vmem>> -> memref<40960xf32, #tpu.memory_space<vmem>>
        %parallel_loop3A_554 = arith.index_cast %parallel_loop3A_549 : i32 to index
        %parallel_loop3A_555 = tpu.vector_load %parallel_loop3A_553[%parallel_loop3A_554] {strides = array<i32>} : memref<40960xf32, #tpu.memory_space<vmem>>, vector<16xf32>,
        tpu.vector_store %parallel_loop3A_553[%parallel_loop3A_554], %parallel_loop3A_547 {strides = array<i32>} : memref<40960xf32, #tpu.memory_space<vmem>>, vector<16xf32>,
        %parallel_loop3A_556 = arith.constant 48 : i32
        %parallel_loop3A_557 = arith.addi %parallel_loop3A_513, %parallel_loop3A_556 : i32
        %parallel_loop3A_558 = arith.index_cast %parallel_loop3A_557 : i32 to index
        %parallel_loop3A_559 = tpu.vector_load %arg6[%parallel_loop3A_558] {strides = array<i32>} : memref<8100xf32, #tpu.memory_space<vmem>>, vector<16xf32>,
        %parallel_loop3A_560 = arith.constant 48 : i32
        %parallel_loop3A_561 = arith.addi %parallel_loop3A_519, %parallel_loop3A_560 : i32
        %parallel_loop3A_562 = arith.constant 0 : i32
        %parallel_loop3A_563 = arith.constant 0 : i32
        %parallel_loop3A_564 = tpu.memref_slice %arg7[%parallel_loop3A_562, %parallel_loop3A_563] : memref<2x40960xf32, #tpu.memory_space<vmem>> -> memref<1x40960xf32, #tpu.memory_space<vmem>>
        %parallel_loop3A_565 = tpu.memref_squeeze %parallel_loop3A_564 : memref<1x40960xf32, #tpu.memory_space<vmem>> -> memref<40960xf32, #tpu.memory_space<vmem>>
        %parallel_loop3A_566 = arith.index_cast %parallel_loop3A_561 : i32 to index
        %parallel_loop3A_567 = tpu.vector_load %parallel_loop3A_565[%parallel_loop3A_566] {strides = array<i32>} : memref<40960xf32, #tpu.memory_space<vmem>>, vector<16xf32>,
        tpu.vector_store %parallel_loop3A_565[%parallel_loop3A_566], %parallel_loop3A_559 {strides = array<i32>} : memref<40960xf32, #tpu.memory_space<vmem>>, vector<16xf32>,
        %parallel_loop3A_568 = arith.constant 64 : i32
        %parallel_loop3A_569 = arith.addi %parallel_loop3A_513, %parallel_loop3A_568 : i32
        %parallel_loop3A_570 = arith.index_cast %parallel_loop3A_569 : i32 to index
        %parallel_loop3A_571 = tpu.vector_load %arg6[%parallel_loop3A_570] {strides = array<i32>} : memref<8100xf32, #tpu.memory_space<vmem>>, vector<16xf32>,
        %parallel_loop3A_572 = arith.constant 64 : i32
        %parallel_loop3A_573 = arith.addi %parallel_loop3A_519, %parallel_loop3A_572 : i32
        %parallel_loop3A_574 = arith.constant 0 : i32
        %parallel_loop3A_575 = arith.constant 0 : i32
        %parallel_loop3A_576 = tpu.memref_slice %arg7[%parallel_loop3A_574, %parallel_loop3A_575] : memref<2x40960xf32, #tpu.memory_space<vmem>> -> memref<1x40960xf32, #tpu.memory_space<vmem>>
        %parallel_loop3A_577 = tpu.memref_squeeze %parallel_loop3A_576 : memref<1x40960xf32, #tpu.memory_space<vmem>> -> memref<40960xf32, #tpu.memory_space<vmem>>
        %parallel_loop3A_578 = arith.index_cast %parallel_loop3A_573 : i32 to index
        %parallel_loop3A_579 = tpu.vector_load %parallel_loop3A_577[%parallel_loop3A_578] {strides = array<i32>} : memref<40960xf32, #tpu.memory_space<vmem>>, vector<16xf32>,
        tpu.vector_store %parallel_loop3A_577[%parallel_loop3A_578], %parallel_loop3A_571 {strides = array<i32>} : memref<40960xf32, #tpu.memory_space<vmem>>, vector<16xf32>,
        %parallel_loop3A_580 = vector.extract_strided_slice %parallel_loop3A_103 {offsets = [7], sizes = [1], strides = [1]} : vector<16xi32> to vector<1xi32>
        %parallel_loop3A_581 = vector.extract %parallel_loop3A_580[0] : i32 from vector<1xi32>
        %parallel_loop3A_582 = arith.constant 16 : i32
        %parallel_loop3A_583 = arith.muli %parallel_loop3A_93, %parallel_loop3A_582 : i32
        %parallel_loop3A_584 = arith.constant 7 : i32
        %parallel_loop3A_585 = arith.addi %parallel_loop3A_583, %parallel_loop3A_584 : i32
        %parallel_loop3A_586 = arith.constant 80 : i32
        %parallel_loop3A_587 = arith.muli %parallel_loop3A_585, %parallel_loop3A_586 : i32
        %parallel_loop3A_588 = arith.constant 0 : i32
        %parallel_loop3A_589 = arith.addi %parallel_loop3A_581, %parallel_loop3A_588 : i32
        %parallel_loop3A_590 = arith.index_cast %parallel_loop3A_589 : i32 to index
        %parallel_loop3A_591 = tpu.vector_load %arg6[%parallel_loop3A_590] {strides = array<i32>} : memref<8100xf32, #tpu.memory_space<vmem>>, vector<16xf32>,
        %parallel_loop3A_592 = arith.constant 0 : i32
        %parallel_loop3A_593 = arith.addi %parallel_loop3A_587, %parallel_loop3A_592 : i32
        %parallel_loop3A_594 = arith.constant 0 : i32
        %parallel_loop3A_595 = arith.constant 0 : i32
        %parallel_loop3A_596 = tpu.memref_slice %arg7[%parallel_loop3A_594, %parallel_loop3A_595] : memref<2x40960xf32, #tpu.memory_space<vmem>> -> memref<1x40960xf32, #tpu.memory_space<vmem>>
        %parallel_loop3A_597 = tpu.memref_squeeze %parallel_loop3A_596 : memref<1x40960xf32, #tpu.memory_space<vmem>> -> memref<40960xf32, #tpu.memory_space<vmem>>
        %parallel_loop3A_598 = arith.index_cast %parallel_loop3A_593 : i32 to index
        %parallel_loop3A_599 = tpu.vector_load %parallel_loop3A_597[%parallel_loop3A_598] {strides = array<i32>} : memref<40960xf32, #tpu.memory_space<vmem>>, vector<16xf32>,
        tpu.vector_store %parallel_loop3A_597[%parallel_loop3A_598], %parallel_loop3A_591 {strides = array<i32>} : memref<40960xf32, #tpu.memory_space<vmem>>, vector<16xf32>,
        %parallel_loop3A_600 = arith.constant 16 : i32
        %parallel_loop3A_601 = arith.addi %parallel_loop3A_581, %parallel_loop3A_600 : i32
        %parallel_loop3A_602 = arith.index_cast %parallel_loop3A_601 : i32 to index
        %parallel_loop3A_603 = tpu.vector_load %arg6[%parallel_loop3A_602] {strides = array<i32>} : memref<8100xf32, #tpu.memory_space<vmem>>, vector<16xf32>,
        %parallel_loop3A_604 = arith.constant 16 : i32
        %parallel_loop3A_605 = arith.addi %parallel_loop3A_587, %parallel_loop3A_604 : i32
        %parallel_loop3A_606 = arith.constant 0 : i32
        %parallel_loop3A_607 = arith.constant 0 : i32
        %parallel_loop3A_608 = tpu.memref_slice %arg7[%parallel_loop3A_606, %parallel_loop3A_607] : memref<2x40960xf32, #tpu.memory_space<vmem>> -> memref<1x40960xf32, #tpu.memory_space<vmem>>
        %parallel_loop3A_609 = tpu.memref_squeeze %parallel_loop3A_608 : memref<1x40960xf32, #tpu.memory_space<vmem>> -> memref<40960xf32, #tpu.memory_space<vmem>>
        %parallel_loop3A_610 = arith.index_cast %parallel_loop3A_605 : i32 to index
        %parallel_loop3A_611 = tpu.vector_load %parallel_loop3A_609[%parallel_loop3A_610] {strides = array<i32>} : memref<40960xf32, #tpu.memory_space<vmem>>, vector<16xf32>,
        tpu.vector_store %parallel_loop3A_609[%parallel_loop3A_610], %parallel_loop3A_603 {strides = array<i32>} : memref<40960xf32, #tpu.memory_space<vmem>>, vector<16xf32>,
        %parallel_loop3A_612 = arith.constant 32 : i32
        %parallel_loop3A_613 = arith.addi %parallel_loop3A_581, %parallel_loop3A_612 : i32
        %parallel_loop3A_614 = arith.index_cast %parallel_loop3A_613 : i32 to index
        %parallel_loop3A_615 = tpu.vector_load %arg6[%parallel_loop3A_614] {strides = array<i32>} : memref<8100xf32, #tpu.memory_space<vmem>>, vector<16xf32>,
        %parallel_loop3A_616 = arith.constant 32 : i32
        %parallel_loop3A_617 = arith.addi %parallel_loop3A_587, %parallel_loop3A_616 : i32
        %parallel_loop3A_618 = arith.constant 0 : i32
        %parallel_loop3A_619 = arith.constant 0 : i32
        %parallel_loop3A_620 = tpu.memref_slice %arg7[%parallel_loop3A_618, %parallel_loop3A_619] : memref<2x40960xf32, #tpu.memory_space<vmem>> -> memref<1x40960xf32, #tpu.memory_space<vmem>>
        %parallel_loop3A_621 = tpu.memref_squeeze %parallel_loop3A_620 : memref<1x40960xf32, #tpu.memory_space<vmem>> -> memref<40960xf32, #tpu.memory_space<vmem>>
        %parallel_loop3A_622 = arith.index_cast %parallel_loop3A_617 : i32 to index
        %parallel_loop3A_623 = tpu.vector_load %parallel_loop3A_621[%parallel_loop3A_622] {strides = array<i32>} : memref<40960xf32, #tpu.memory_space<vmem>>, vector<16xf32>,
        tpu.vector_store %parallel_loop3A_621[%parallel_loop3A_622], %parallel_loop3A_615 {strides = array<i32>} : memref<40960xf32, #tpu.memory_space<vmem>>, vector<16xf32>,
        %parallel_loop3A_624 = arith.constant 48 : i32
        %parallel_loop3A_625 = arith.addi %parallel_loop3A_581, %parallel_loop3A_624 : i32
        %parallel_loop3A_626 = arith.index_cast %parallel_loop3A_625 : i32 to index
        %parallel_loop3A_627 = tpu.vector_load %arg6[%parallel_loop3A_626] {strides = array<i32>} : memref<8100xf32, #tpu.memory_space<vmem>>, vector<16xf32>,
        %parallel_loop3A_628 = arith.constant 48 : i32
        %parallel_loop3A_629 = arith.addi %parallel_loop3A_587, %parallel_loop3A_628 : i32
        %parallel_loop3A_630 = arith.constant 0 : i32
        %parallel_loop3A_631 = arith.constant 0 : i32
        %parallel_loop3A_632 = tpu.memref_slice %arg7[%parallel_loop3A_630, %parallel_loop3A_631] : memref<2x40960xf32, #tpu.memory_space<vmem>> -> memref<1x40960xf32, #tpu.memory_space<vmem>>
        %parallel_loop3A_633 = tpu.memref_squeeze %parallel_loop3A_632 : memref<1x40960xf32, #tpu.memory_space<vmem>> -> memref<40960xf32, #tpu.memory_space<vmem>>
        %parallel_loop3A_634 = arith.index_cast %parallel_loop3A_629 : i32 to index
        %parallel_loop3A_635 = tpu.vector_load %parallel_loop3A_633[%parallel_loop3A_634] {strides = array<i32>} : memref<40960xf32, #tpu.memory_space<vmem>>, vector<16xf32>,
        tpu.vector_store %parallel_loop3A_633[%parallel_loop3A_634], %parallel_loop3A_627 {strides = array<i32>} : memref<40960xf32, #tpu.memory_space<vmem>>, vector<16xf32>,
        %parallel_loop3A_636 = arith.constant 64 : i32
        %parallel_loop3A_637 = arith.addi %parallel_loop3A_581, %parallel_loop3A_636 : i32
        %parallel_loop3A_638 = arith.index_cast %parallel_loop3A_637 : i32 to index
        %parallel_loop3A_639 = tpu.vector_load %arg6[%parallel_loop3A_638] {strides = array<i32>} : memref<8100xf32, #tpu.memory_space<vmem>>, vector<16xf32>,
        %parallel_loop3A_640 = arith.constant 64 : i32
        %parallel_loop3A_641 = arith.addi %parallel_loop3A_587, %parallel_loop3A_640 : i32
        %parallel_loop3A_642 = arith.constant 0 : i32
        %parallel_loop3A_643 = arith.constant 0 : i32
        %parallel_loop3A_644 = tpu.memref_slice %arg7[%parallel_loop3A_642, %parallel_loop3A_643] : memref<2x40960xf32, #tpu.memory_space<vmem>> -> memref<1x40960xf32, #tpu.memory_space<vmem>>
        %parallel_loop3A_645 = tpu.memref_squeeze %parallel_loop3A_644 : memref<1x40960xf32, #tpu.memory_space<vmem>> -> memref<40960xf32, #tpu.memory_space<vmem>>
        %parallel_loop3A_646 = arith.index_cast %parallel_loop3A_641 : i32 to index
        %parallel_loop3A_647 = tpu.vector_load %parallel_loop3A_645[%parallel_loop3A_646] {strides = array<i32>} : memref<40960xf32, #tpu.memory_space<vmem>>, vector<16xf32>,
        tpu.vector_store %parallel_loop3A_645[%parallel_loop3A_646], %parallel_loop3A_639 {strides = array<i32>} : memref<40960xf32, #tpu.memory_space<vmem>>, vector<16xf32>,
        %parallel_loop3A_648 = vector.extract_strided_slice %parallel_loop3A_103 {offsets = [8], sizes = [1], strides = [1]} : vector<16xi32> to vector<1xi32>
        %parallel_loop3A_649 = vector.extract %parallel_loop3A_648[0] : i32 from vector<1xi32>
        %parallel_loop3A_650 = arith.constant 16 : i32
        %parallel_loop3A_651 = arith.muli %parallel_loop3A_93, %parallel_loop3A_650 : i32
        %parallel_loop3A_652 = arith.constant 8 : i32
        %parallel_loop3A_653 = arith.addi %parallel_loop3A_651, %parallel_loop3A_652 : i32
        %parallel_loop3A_654 = arith.constant 80 : i32
        %parallel_loop3A_655 = arith.muli %parallel_loop3A_653, %parallel_loop3A_654 : i32
        %parallel_loop3A_656 = arith.constant 0 : i32
        %parallel_loop3A_657 = arith.addi %parallel_loop3A_649, %parallel_loop3A_656 : i32
        %parallel_loop3A_658 = arith.index_cast %parallel_loop3A_657 : i32 to index
        %parallel_loop3A_659 = tpu.vector_load %arg6[%parallel_loop3A_658] {strides = array<i32>} : memref<8100xf32, #tpu.memory_space<vmem>>, vector<16xf32>,
        %parallel_loop3A_660 = arith.constant 0 : i32
        %parallel_loop3A_661 = arith.addi %parallel_loop3A_655, %parallel_loop3A_660 : i32
        %parallel_loop3A_662 = arith.constant 0 : i32
        %parallel_loop3A_663 = arith.constant 0 : i32
        %parallel_loop3A_664 = tpu.memref_slice %arg7[%parallel_loop3A_662, %parallel_loop3A_663] : memref<2x40960xf32, #tpu.memory_space<vmem>> -> memref<1x40960xf32, #tpu.memory_space<vmem>>
        %parallel_loop3A_665 = tpu.memref_squeeze %parallel_loop3A_664 : memref<1x40960xf32, #tpu.memory_space<vmem>> -> memref<40960xf32, #tpu.memory_space<vmem>>
        %parallel_loop3A_666 = arith.index_cast %parallel_loop3A_661 : i32 to index
        %parallel_loop3A_667 = tpu.vector_load %parallel_loop3A_665[%parallel_loop3A_666] {strides = array<i32>} : memref<40960xf32, #tpu.memory_space<vmem>>, vector<16xf32>,
        tpu.vector_store %parallel_loop3A_665[%parallel_loop3A_666], %parallel_loop3A_659 {strides = array<i32>} : memref<40960xf32, #tpu.memory_space<vmem>>, vector<16xf32>,
        %parallel_loop3A_668 = arith.constant 16 : i32
        %parallel_loop3A_669 = arith.addi %parallel_loop3A_649, %parallel_loop3A_668 : i32
        %parallel_loop3A_670 = arith.index_cast %parallel_loop3A_669 : i32 to index
        %parallel_loop3A_671 = tpu.vector_load %arg6[%parallel_loop3A_670] {strides = array<i32>} : memref<8100xf32, #tpu.memory_space<vmem>>, vector<16xf32>,
        %parallel_loop3A_672 = arith.constant 16 : i32
        %parallel_loop3A_673 = arith.addi %parallel_loop3A_655, %parallel_loop3A_672 : i32
        %parallel_loop3A_674 = arith.constant 0 : i32
        %parallel_loop3A_675 = arith.constant 0 : i32
        %parallel_loop3A_676 = tpu.memref_slice %arg7[%parallel_loop3A_674, %parallel_loop3A_675] : memref<2x40960xf32, #tpu.memory_space<vmem>> -> memref<1x40960xf32, #tpu.memory_space<vmem>>
        %parallel_loop3A_677 = tpu.memref_squeeze %parallel_loop3A_676 : memref<1x40960xf32, #tpu.memory_space<vmem>> -> memref<40960xf32, #tpu.memory_space<vmem>>
        %parallel_loop3A_678 = arith.index_cast %parallel_loop3A_673 : i32 to index
        %parallel_loop3A_679 = tpu.vector_load %parallel_loop3A_677[%parallel_loop3A_678] {strides = array<i32>} : memref<40960xf32, #tpu.memory_space<vmem>>, vector<16xf32>,
        tpu.vector_store %parallel_loop3A_677[%parallel_loop3A_678], %parallel_loop3A_671 {strides = array<i32>} : memref<40960xf32, #tpu.memory_space<vmem>>, vector<16xf32>,
        %parallel_loop3A_680 = arith.constant 32 : i32
        %parallel_loop3A_681 = arith.addi %parallel_loop3A_649, %parallel_loop3A_680 : i32
        %parallel_loop3A_682 = arith.index_cast %parallel_loop3A_681 : i32 to index
        %parallel_loop3A_683 = tpu.vector_load %arg6[%parallel_loop3A_682] {strides = array<i32>} : memref<8100xf32, #tpu.memory_space<vmem>>, vector<16xf32>,
        %parallel_loop3A_684 = arith.constant 32 : i32
        %parallel_loop3A_685 = arith.addi %parallel_loop3A_655, %parallel_loop3A_684 : i32
        %parallel_loop3A_686 = arith.constant 0 : i32
        %parallel_loop3A_687 = arith.constant 0 : i32
        %parallel_loop3A_688 = tpu.memref_slice %arg7[%parallel_loop3A_686, %parallel_loop3A_687] : memref<2x40960xf32, #tpu.memory_space<vmem>> -> memref<1x40960xf32, #tpu.memory_space<vmem>>
        %parallel_loop3A_689 = tpu.memref_squeeze %parallel_loop3A_688 : memref<1x40960xf32, #tpu.memory_space<vmem>> -> memref<40960xf32, #tpu.memory_space<vmem>>
        %parallel_loop3A_690 = arith.index_cast %parallel_loop3A_685 : i32 to index
        %parallel_loop3A_691 = tpu.vector_load %parallel_loop3A_689[%parallel_loop3A_690] {strides = array<i32>} : memref<40960xf32, #tpu.memory_space<vmem>>, vector<16xf32>,
        tpu.vector_store %parallel_loop3A_689[%parallel_loop3A_690], %parallel_loop3A_683 {strides = array<i32>} : memref<40960xf32, #tpu.memory_space<vmem>>, vector<16xf32>,
        %parallel_loop3A_692 = arith.constant 48 : i32
        %parallel_loop3A_693 = arith.addi %parallel_loop3A_649, %parallel_loop3A_692 : i32
        %parallel_loop3A_694 = arith.index_cast %parallel_loop3A_693 : i32 to index
        %parallel_loop3A_695 = tpu.vector_load %arg6[%parallel_loop3A_694] {strides = array<i32>} : memref<8100xf32, #tpu.memory_space<vmem>>, vector<16xf32>,
        %parallel_loop3A_696 = arith.constant 48 : i32
        %parallel_loop3A_697 = arith.addi %parallel_loop3A_655, %parallel_loop3A_696 : i32
        %parallel_loop3A_698 = arith.constant 0 : i32
        %parallel_loop3A_699 = arith.constant 0 : i32
        %parallel_loop3A_700 = tpu.memref_slice %arg7[%parallel_loop3A_698, %parallel_loop3A_699] : memref<2x40960xf32, #tpu.memory_space<vmem>> -> memref<1x40960xf32, #tpu.memory_space<vmem>>
        %parallel_loop3A_701 = tpu.memref_squeeze %parallel_loop3A_700 : memref<1x40960xf32, #tpu.memory_space<vmem>> -> memref<40960xf32, #tpu.memory_space<vmem>>
        %parallel_loop3A_702 = arith.index_cast %parallel_loop3A_697 : i32 to index
        %parallel_loop3A_703 = tpu.vector_load %parallel_loop3A_701[%parallel_loop3A_702] {strides = array<i32>} : memref<40960xf32, #tpu.memory_space<vmem>>, vector<16xf32>,
        tpu.vector_store %parallel_loop3A_701[%parallel_loop3A_702], %parallel_loop3A_695 {strides = array<i32>} : memref<40960xf32, #tpu.memory_space<vmem>>, vector<16xf32>,
        %parallel_loop3A_704 = arith.constant 64 : i32
        %parallel_loop3A_705 = arith.addi %parallel_loop3A_649, %parallel_loop3A_704 : i32
        %parallel_loop3A_706 = arith.index_cast %parallel_loop3A_705 : i32 to index
        %parallel_loop3A_707 = tpu.vector_load %arg6[%parallel_loop3A_706] {strides = array<i32>} : memref<8100xf32, #tpu.memory_space<vmem>>, vector<16xf32>,
        %parallel_loop3A_708 = arith.constant 64 : i32
        %parallel_loop3A_709 = arith.addi %parallel_loop3A_655, %parallel_loop3A_708 : i32
        %parallel_loop3A_710 = arith.constant 0 : i32
        %parallel_loop3A_711 = arith.constant 0 : i32
        %parallel_loop3A_712 = tpu.memref_slice %arg7[%parallel_loop3A_710, %parallel_loop3A_711] : memref<2x40960xf32, #tpu.memory_space<vmem>> -> memref<1x40960xf32, #tpu.memory_space<vmem>>
        %parallel_loop3A_713 = tpu.memref_squeeze %parallel_loop3A_712 : memref<1x40960xf32, #tpu.memory_space<vmem>> -> memref<40960xf32, #tpu.memory_space<vmem>>
        %parallel_loop3A_714 = arith.index_cast %parallel_loop3A_709 : i32 to index
        %parallel_loop3A_715 = tpu.vector_load %parallel_loop3A_713[%parallel_loop3A_714] {strides = array<i32>} : memref<40960xf32, #tpu.memory_space<vmem>>, vector<16xf32>,
        tpu.vector_store %parallel_loop3A_713[%parallel_loop3A_714], %parallel_loop3A_707 {strides = array<i32>} : memref<40960xf32, #tpu.memory_space<vmem>>, vector<16xf32>,
        %parallel_loop3A_716 = vector.extract_strided_slice %parallel_loop3A_103 {offsets = [9], sizes = [1], strides = [1]} : vector<16xi32> to vector<1xi32>
        %parallel_loop3A_717 = vector.extract %parallel_loop3A_716[0] : i32 from vector<1xi32>
        %parallel_loop3A_718 = arith.constant 16 : i32
        %parallel_loop3A_719 = arith.muli %parallel_loop3A_93, %parallel_loop3A_718 : i32
        %parallel_loop3A_720 = arith.constant 9 : i32
        %parallel_loop3A_721 = arith.addi %parallel_loop3A_719, %parallel_loop3A_720 : i32
        %parallel_loop3A_722 = arith.constant 80 : i32
        %parallel_loop3A_723 = arith.muli %parallel_loop3A_721, %parallel_loop3A_722 : i32
        %parallel_loop3A_724 = arith.constant 0 : i32
        %parallel_loop3A_725 = arith.addi %parallel_loop3A_717, %parallel_loop3A_724 : i32
        %parallel_loop3A_726 = arith.index_cast %parallel_loop3A_725 : i32 to index
        %parallel_loop3A_727 = tpu.vector_load %arg6[%parallel_loop3A_726] {strides = array<i32>} : memref<8100xf32, #tpu.memory_space<vmem>>, vector<16xf32>,
        %parallel_loop3A_728 = arith.constant 0 : i32
        %parallel_loop3A_729 = arith.addi %parallel_loop3A_723, %parallel_loop3A_728 : i32
        %parallel_loop3A_730 = arith.constant 0 : i32
        %parallel_loop3A_731 = arith.constant 0 : i32
        %parallel_loop3A_732 = tpu.memref_slice %arg7[%parallel_loop3A_730, %parallel_loop3A_731] : memref<2x40960xf32, #tpu.memory_space<vmem>> -> memref<1x40960xf32, #tpu.memory_space<vmem>>
        %parallel_loop3A_733 = tpu.memref_squeeze %parallel_loop3A_732 : memref<1x40960xf32, #tpu.memory_space<vmem>> -> memref<40960xf32, #tpu.memory_space<vmem>>
        %parallel_loop3A_734 = arith.index_cast %parallel_loop3A_729 : i32 to index
        %parallel_loop3A_735 = tpu.vector_load %parallel_loop3A_733[%parallel_loop3A_734] {strides = array<i32>} : memref<40960xf32, #tpu.memory_space<vmem>>, vector<16xf32>,
        tpu.vector_store %parallel_loop3A_733[%parallel_loop3A_734], %parallel_loop3A_727 {strides = array<i32>} : memref<40960xf32, #tpu.memory_space<vmem>>, vector<16xf32>,
        %parallel_loop3A_736 = arith.constant 16 : i32
        %parallel_loop3A_737 = arith.addi %parallel_loop3A_717, %parallel_loop3A_736 : i32
        %parallel_loop3A_738 = arith.index_cast %parallel_loop3A_737 : i32 to index
        %parallel_loop3A_739 = tpu.vector_load %arg6[%parallel_loop3A_738] {strides = array<i32>} : memref<8100xf32, #tpu.memory_space<vmem>>, vector<16xf32>,
        %parallel_loop3A_740 = arith.constant 16 : i32
        %parallel_loop3A_741 = arith.addi %parallel_loop3A_723, %parallel_loop3A_740 : i32
        %parallel_loop3A_742 = arith.constant 0 : i32
        %parallel_loop3A_743 = arith.constant 0 : i32
        %parallel_loop3A_744 = tpu.memref_slice %arg7[%parallel_loop3A_742, %parallel_loop3A_743] : memref<2x40960xf32, #tpu.memory_space<vmem>> -> memref<1x40960xf32, #tpu.memory_space<vmem>>
        %parallel_loop3A_745 = tpu.memref_squeeze %parallel_loop3A_744 : memref<1x40960xf32, #tpu.memory_space<vmem>> -> memref<40960xf32, #tpu.memory_space<vmem>>
        %parallel_loop3A_746 = arith.index_cast %parallel_loop3A_741 : i32 to index
        %parallel_loop3A_747 = tpu.vector_load %parallel_loop3A_745[%parallel_loop3A_746] {strides = array<i32>} : memref<40960xf32, #tpu.memory_space<vmem>>, vector<16xf32>,
        tpu.vector_store %parallel_loop3A_745[%parallel_loop3A_746], %parallel_loop3A_739 {strides = array<i32>} : memref<40960xf32, #tpu.memory_space<vmem>>, vector<16xf32>,
        %parallel_loop3A_748 = arith.constant 32 : i32
        %parallel_loop3A_749 = arith.addi %parallel_loop3A_717, %parallel_loop3A_748 : i32
        %parallel_loop3A_750 = arith.index_cast %parallel_loop3A_749 : i32 to index
        %parallel_loop3A_751 = tpu.vector_load %arg6[%parallel_loop3A_750] {strides = array<i32>} : memref<8100xf32, #tpu.memory_space<vmem>>, vector<16xf32>,
        %parallel_loop3A_752 = arith.constant 32 : i32
        %parallel_loop3A_753 = arith.addi %parallel_loop3A_723, %parallel_loop3A_752 : i32
        %parallel_loop3A_754 = arith.constant 0 : i32
        %parallel_loop3A_755 = arith.constant 0 : i32
        %parallel_loop3A_756 = tpu.memref_slice %arg7[%parallel_loop3A_754, %parallel_loop3A_755] : memref<2x40960xf32, #tpu.memory_space<vmem>> -> memref<1x40960xf32, #tpu.memory_space<vmem>>
        %parallel_loop3A_757 = tpu.memref_squeeze %parallel_loop3A_756 : memref<1x40960xf32, #tpu.memory_space<vmem>> -> memref<40960xf32, #tpu.memory_space<vmem>>
        %parallel_loop3A_758 = arith.index_cast %parallel_loop3A_753 : i32 to index
        %parallel_loop3A_759 = tpu.vector_load %parallel_loop3A_757[%parallel_loop3A_758] {strides = array<i32>} : memref<40960xf32, #tpu.memory_space<vmem>>, vector<16xf32>,
        tpu.vector_store %parallel_loop3A_757[%parallel_loop3A_758], %parallel_loop3A_751 {strides = array<i32>} : memref<40960xf32, #tpu.memory_space<vmem>>, vector<16xf32>,
        %parallel_loop3A_760 = arith.constant 48 : i32
        %parallel_loop3A_761 = arith.addi %parallel_loop3A_717, %parallel_loop3A_760 : i32
        %parallel_loop3A_762 = arith.index_cast %parallel_loop3A_761 : i32 to index
        %parallel_loop3A_763 = tpu.vector_load %arg6[%parallel_loop3A_762] {strides = array<i32>} : memref<8100xf32, #tpu.memory_space<vmem>>, vector<16xf32>,
        %parallel_loop3A_764 = arith.constant 48 : i32
        %parallel_loop3A_765 = arith.addi %parallel_loop3A_723, %parallel_loop3A_764 : i32
        %parallel_loop3A_766 = arith.constant 0 : i32
        %parallel_loop3A_767 = arith.constant 0 : i32
        %parallel_loop3A_768 = tpu.memref_slice %arg7[%parallel_loop3A_766, %parallel_loop3A_767] : memref<2x40960xf32, #tpu.memory_space<vmem>> -> memref<1x40960xf32, #tpu.memory_space<vmem>>
        %parallel_loop3A_769 = tpu.memref_squeeze %parallel_loop3A_768 : memref<1x40960xf32, #tpu.memory_space<vmem>> -> memref<40960xf32, #tpu.memory_space<vmem>>
        %parallel_loop3A_770 = arith.index_cast %parallel_loop3A_765 : i32 to index
        %parallel_loop3A_771 = tpu.vector_load %parallel_loop3A_769[%parallel_loop3A_770] {strides = array<i32>} : memref<40960xf32, #tpu.memory_space<vmem>>, vector<16xf32>,
        tpu.vector_store %parallel_loop3A_769[%parallel_loop3A_770], %parallel_loop3A_763 {strides = array<i32>} : memref<40960xf32, #tpu.memory_space<vmem>>, vector<16xf32>,
        %parallel_loop3A_772 = arith.constant 64 : i32
        %parallel_loop3A_773 = arith.addi %parallel_loop3A_717, %parallel_loop3A_772 : i32
        %parallel_loop3A_774 = arith.index_cast %parallel_loop3A_773 : i32 to index
        %parallel_loop3A_775 = tpu.vector_load %arg6[%parallel_loop3A_774] {strides = array<i32>} : memref<8100xf32, #tpu.memory_space<vmem>>, vector<16xf32>,
        %parallel_loop3A_776 = arith.constant 64 : i32
        %parallel_loop3A_777 = arith.addi %parallel_loop3A_723, %parallel_loop3A_776 : i32
        %parallel_loop3A_778 = arith.constant 0 : i32
        %parallel_loop3A_779 = arith.constant 0 : i32
        %parallel_loop3A_780 = tpu.memref_slice %arg7[%parallel_loop3A_778, %parallel_loop3A_779] : memref<2x40960xf32, #tpu.memory_space<vmem>> -> memref<1x40960xf32, #tpu.memory_space<vmem>>
        %parallel_loop3A_781 = tpu.memref_squeeze %parallel_loop3A_780 : memref<1x40960xf32, #tpu.memory_space<vmem>> -> memref<40960xf32, #tpu.memory_space<vmem>>
        %parallel_loop3A_782 = arith.index_cast %parallel_loop3A_777 : i32 to index
        %parallel_loop3A_783 = tpu.vector_load %parallel_loop3A_781[%parallel_loop3A_782] {strides = array<i32>} : memref<40960xf32, #tpu.memory_space<vmem>>, vector<16xf32>,
        tpu.vector_store %parallel_loop3A_781[%parallel_loop3A_782], %parallel_loop3A_775 {strides = array<i32>} : memref<40960xf32, #tpu.memory_space<vmem>>, vector<16xf32>,
        %parallel_loop3A_784 = vector.extract_strided_slice %parallel_loop3A_103 {offsets = [10], sizes = [1], strides = [1]} : vector<16xi32> to vector<1xi32>
        %parallel_loop3A_785 = vector.extract %parallel_loop3A_784[0] : i32 from vector<1xi32>
        %parallel_loop3A_786 = arith.constant 16 : i32
        %parallel_loop3A_787 = arith.muli %parallel_loop3A_93, %parallel_loop3A_786 : i32
        %parallel_loop3A_788 = arith.constant 10 : i32
        %parallel_loop3A_789 = arith.addi %parallel_loop3A_787, %parallel_loop3A_788 : i32
        %parallel_loop3A_790 = arith.constant 80 : i32
        %parallel_loop3A_791 = arith.muli %parallel_loop3A_789, %parallel_loop3A_790 : i32
        %parallel_loop3A_792 = arith.constant 0 : i32
        %parallel_loop3A_793 = arith.addi %parallel_loop3A_785, %parallel_loop3A_792 : i32
        %parallel_loop3A_794 = arith.index_cast %parallel_loop3A_793 : i32 to index
        %parallel_loop3A_795 = tpu.vector_load %arg6[%parallel_loop3A_794] {strides = array<i32>} : memref<8100xf32, #tpu.memory_space<vmem>>, vector<16xf32>,
        %parallel_loop3A_796 = arith.constant 0 : i32
        %parallel_loop3A_797 = arith.addi %parallel_loop3A_791, %parallel_loop3A_796 : i32
        %parallel_loop3A_798 = arith.constant 0 : i32
        %parallel_loop3A_799 = arith.constant 0 : i32
        %parallel_loop3A_800 = tpu.memref_slice %arg7[%parallel_loop3A_798, %parallel_loop3A_799] : memref<2x40960xf32, #tpu.memory_space<vmem>> -> memref<1x40960xf32, #tpu.memory_space<vmem>>
        %parallel_loop3A_801 = tpu.memref_squeeze %parallel_loop3A_800 : memref<1x40960xf32, #tpu.memory_space<vmem>> -> memref<40960xf32, #tpu.memory_space<vmem>>
        %parallel_loop3A_802 = arith.index_cast %parallel_loop3A_797 : i32 to index
        %parallel_loop3A_803 = tpu.vector_load %parallel_loop3A_801[%parallel_loop3A_802] {strides = array<i32>} : memref<40960xf32, #tpu.memory_space<vmem>>, vector<16xf32>,
        tpu.vector_store %parallel_loop3A_801[%parallel_loop3A_802], %parallel_loop3A_795 {strides = array<i32>} : memref<40960xf32, #tpu.memory_space<vmem>>, vector<16xf32>,
        %parallel_loop3A_804 = arith.constant 16 : i32
        %parallel_loop3A_805 = arith.addi %parallel_loop3A_785, %parallel_loop3A_804 : i32
        %parallel_loop3A_806 = arith.index_cast %parallel_loop3A_805 : i32 to index
        %parallel_loop3A_807 = tpu.vector_load %arg6[%parallel_loop3A_806] {strides = array<i32>} : memref<8100xf32, #tpu.memory_space<vmem>>, vector<16xf32>,
        %parallel_loop3A_808 = arith.constant 16 : i32
        %parallel_loop3A_809 = arith.addi %parallel_loop3A_791, %parallel_loop3A_808 : i32
        %parallel_loop3A_810 = arith.constant 0 : i32
        %parallel_loop3A_811 = arith.constant 0 : i32
        %parallel_loop3A_812 = tpu.memref_slice %arg7[%parallel_loop3A_810, %parallel_loop3A_811] : memref<2x40960xf32, #tpu.memory_space<vmem>> -> memref<1x40960xf32, #tpu.memory_space<vmem>>
        %parallel_loop3A_813 = tpu.memref_squeeze %parallel_loop3A_812 : memref<1x40960xf32, #tpu.memory_space<vmem>> -> memref<40960xf32, #tpu.memory_space<vmem>>
        %parallel_loop3A_814 = arith.index_cast %parallel_loop3A_809 : i32 to index
        %parallel_loop3A_815 = tpu.vector_load %parallel_loop3A_813[%parallel_loop3A_814] {strides = array<i32>} : memref<40960xf32, #tpu.memory_space<vmem>>, vector<16xf32>,
        tpu.vector_store %parallel_loop3A_813[%parallel_loop3A_814], %parallel_loop3A_807 {strides = array<i32>} : memref<40960xf32, #tpu.memory_space<vmem>>, vector<16xf32>,
        %parallel_loop3A_816 = arith.constant 32 : i32
        %parallel_loop3A_817 = arith.addi %parallel_loop3A_785, %parallel_loop3A_816 : i32
        %parallel_loop3A_818 = arith.index_cast %parallel_loop3A_817 : i32 to index
        %parallel_loop3A_819 = tpu.vector_load %arg6[%parallel_loop3A_818] {strides = array<i32>} : memref<8100xf32, #tpu.memory_space<vmem>>, vector<16xf32>,
        %parallel_loop3A_820 = arith.constant 32 : i32
        %parallel_loop3A_821 = arith.addi %parallel_loop3A_791, %parallel_loop3A_820 : i32
        %parallel_loop3A_822 = arith.constant 0 : i32
        %parallel_loop3A_823 = arith.constant 0 : i32
        %parallel_loop3A_824 = tpu.memref_slice %arg7[%parallel_loop3A_822, %parallel_loop3A_823] : memref<2x40960xf32, #tpu.memory_space<vmem>> -> memref<1x40960xf32, #tpu.memory_space<vmem>>
        %parallel_loop3A_825 = tpu.memref_squeeze %parallel_loop3A_824 : memref<1x40960xf32, #tpu.memory_space<vmem>> -> memref<40960xf32, #tpu.memory_space<vmem>>
        %parallel_loop3A_826 = arith.index_cast %parallel_loop3A_821 : i32 to index
        %parallel_loop3A_827 = tpu.vector_load %parallel_loop3A_825[%parallel_loop3A_826] {strides = array<i32>} : memref<40960xf32, #tpu.memory_space<vmem>>, vector<16xf32>,
        tpu.vector_store %parallel_loop3A_825[%parallel_loop3A_826], %parallel_loop3A_819 {strides = array<i32>} : memref<40960xf32, #tpu.memory_space<vmem>>, vector<16xf32>,
        %parallel_loop3A_828 = arith.constant 48 : i32
        %parallel_loop3A_829 = arith.addi %parallel_loop3A_785, %parallel_loop3A_828 : i32
        %parallel_loop3A_830 = arith.index_cast %parallel_loop3A_829 : i32 to index
        %parallel_loop3A_831 = tpu.vector_load %arg6[%parallel_loop3A_830] {strides = array<i32>} : memref<8100xf32, #tpu.memory_space<vmem>>, vector<16xf32>,
        %parallel_loop3A_832 = arith.constant 48 : i32
        %parallel_loop3A_833 = arith.addi %parallel_loop3A_791, %parallel_loop3A_832 : i32
        %parallel_loop3A_834 = arith.constant 0 : i32
        %parallel_loop3A_835 = arith.constant 0 : i32
        %parallel_loop3A_836 = tpu.memref_slice %arg7[%parallel_loop3A_834, %parallel_loop3A_835] : memref<2x40960xf32, #tpu.memory_space<vmem>> -> memref<1x40960xf32, #tpu.memory_space<vmem>>
        %parallel_loop3A_837 = tpu.memref_squeeze %parallel_loop3A_836 : memref<1x40960xf32, #tpu.memory_space<vmem>> -> memref<40960xf32, #tpu.memory_space<vmem>>
        %parallel_loop3A_838 = arith.index_cast %parallel_loop3A_833 : i32 to index
        %parallel_loop3A_839 = tpu.vector_load %parallel_loop3A_837[%parallel_loop3A_838] {strides = array<i32>} : memref<40960xf32, #tpu.memory_space<vmem>>, vector<16xf32>,
        tpu.vector_store %parallel_loop3A_837[%parallel_loop3A_838], %parallel_loop3A_831 {strides = array<i32>} : memref<40960xf32, #tpu.memory_space<vmem>>, vector<16xf32>,
        %parallel_loop3A_840 = arith.constant 64 : i32
        %parallel_loop3A_841 = arith.addi %parallel_loop3A_785, %parallel_loop3A_840 : i32
        %parallel_loop3A_842 = arith.index_cast %parallel_loop3A_841 : i32 to index
        %parallel_loop3A_843 = tpu.vector_load %arg6[%parallel_loop3A_842] {strides = array<i32>} : memref<8100xf32, #tpu.memory_space<vmem>>, vector<16xf32>,
        %parallel_loop3A_844 = arith.constant 64 : i32
        %parallel_loop3A_845 = arith.addi %parallel_loop3A_791, %parallel_loop3A_844 : i32
        %parallel_loop3A_846 = arith.constant 0 : i32
        %parallel_loop3A_847 = arith.constant 0 : i32
        %parallel_loop3A_848 = tpu.memref_slice %arg7[%parallel_loop3A_846, %parallel_loop3A_847] : memref<2x40960xf32, #tpu.memory_space<vmem>> -> memref<1x40960xf32, #tpu.memory_space<vmem>>
        %parallel_loop3A_849 = tpu.memref_squeeze %parallel_loop3A_848 : memref<1x40960xf32, #tpu.memory_space<vmem>> -> memref<40960xf32, #tpu.memory_space<vmem>>
        %parallel_loop3A_850 = arith.index_cast %parallel_loop3A_845 : i32 to index
        %parallel_loop3A_851 = tpu.vector_load %parallel_loop3A_849[%parallel_loop3A_850] {strides = array<i32>} : memref<40960xf32, #tpu.memory_space<vmem>>, vector<16xf32>,
        tpu.vector_store %parallel_loop3A_849[%parallel_loop3A_850], %parallel_loop3A_843 {strides = array<i32>} : memref<40960xf32, #tpu.memory_space<vmem>>, vector<16xf32>,
        %parallel_loop3A_852 = vector.extract_strided_slice %parallel_loop3A_103 {offsets = [11], sizes = [1], strides = [1]} : vector<16xi32> to vector<1xi32>
        %parallel_loop3A_853 = vector.extract %parallel_loop3A_852[0] : i32 from vector<1xi32>
        %parallel_loop3A_854 = arith.constant 16 : i32
        %parallel_loop3A_855 = arith.muli %parallel_loop3A_93, %parallel_loop3A_854 : i32
        %parallel_loop3A_856 = arith.constant 11 : i32
        %parallel_loop3A_857 = arith.addi %parallel_loop3A_855, %parallel_loop3A_856 : i32
        %parallel_loop3A_858 = arith.constant 80 : i32
        %parallel_loop3A_859 = arith.muli %parallel_loop3A_857, %parallel_loop3A_858 : i32
        %parallel_loop3A_860 = arith.constant 0 : i32
        %parallel_loop3A_861 = arith.addi %parallel_loop3A_853, %parallel_loop3A_860 : i32
        %parallel_loop3A_862 = arith.index_cast %parallel_loop3A_861 : i32 to index
        %parallel_loop3A_863 = tpu.vector_load %arg6[%parallel_loop3A_862] {strides = array<i32>} : memref<8100xf32, #tpu.memory_space<vmem>>, vector<16xf32>,
        %parallel_loop3A_864 = arith.constant 0 : i32
        %parallel_loop3A_865 = arith.addi %parallel_loop3A_859, %parallel_loop3A_864 : i32
        %parallel_loop3A_866 = arith.constant 0 : i32
        %parallel_loop3A_867 = arith.constant 0 : i32
        %parallel_loop3A_868 = tpu.memref_slice %arg7[%parallel_loop3A_866, %parallel_loop3A_867] : memref<2x40960xf32, #tpu.memory_space<vmem>> -> memref<1x40960xf32, #tpu.memory_space<vmem>>
        %parallel_loop3A_869 = tpu.memref_squeeze %parallel_loop3A_868 : memref<1x40960xf32, #tpu.memory_space<vmem>> -> memref<40960xf32, #tpu.memory_space<vmem>>
        %parallel_loop3A_870 = arith.index_cast %parallel_loop3A_865 : i32 to index
        %parallel_loop3A_871 = tpu.vector_load %parallel_loop3A_869[%parallel_loop3A_870] {strides = array<i32>} : memref<40960xf32, #tpu.memory_space<vmem>>, vector<16xf32>,
        tpu.vector_store %parallel_loop3A_869[%parallel_loop3A_870], %parallel_loop3A_863 {strides = array<i32>} : memref<40960xf32, #tpu.memory_space<vmem>>, vector<16xf32>,
        %parallel_loop3A_872 = arith.constant 16 : i32
        %parallel_loop3A_873 = arith.addi %parallel_loop3A_853, %parallel_loop3A_872 : i32
        %parallel_loop3A_874 = arith.index_cast %parallel_loop3A_873 : i32 to index
        %parallel_loop3A_875 = tpu.vector_load %arg6[%parallel_loop3A_874] {strides = array<i32>} : memref<8100xf32, #tpu.memory_space<vmem>>, vector<16xf32>,
        %parallel_loop3A_876 = arith.constant 16 : i32
        %parallel_loop3A_877 = arith.addi %parallel_loop3A_859, %parallel_loop3A_876 : i32
        %parallel_loop3A_878 = arith.constant 0 : i32
        %parallel_loop3A_879 = arith.constant 0 : i32
        %parallel_loop3A_880 = tpu.memref_slice %arg7[%parallel_loop3A_878, %parallel_loop3A_879] : memref<2x40960xf32, #tpu.memory_space<vmem>> -> memref<1x40960xf32, #tpu.memory_space<vmem>>
        %parallel_loop3A_881 = tpu.memref_squeeze %parallel_loop3A_880 : memref<1x40960xf32, #tpu.memory_space<vmem>> -> memref<40960xf32, #tpu.memory_space<vmem>>
        %parallel_loop3A_882 = arith.index_cast %parallel_loop3A_877 : i32 to index
        %parallel_loop3A_883 = tpu.vector_load %parallel_loop3A_881[%parallel_loop3A_882] {strides = array<i32>} : memref<40960xf32, #tpu.memory_space<vmem>>, vector<16xf32>,
        tpu.vector_store %parallel_loop3A_881[%parallel_loop3A_882], %parallel_loop3A_875 {strides = array<i32>} : memref<40960xf32, #tpu.memory_space<vmem>>, vector<16xf32>,
        %parallel_loop3A_884 = arith.constant 32 : i32
        %parallel_loop3A_885 = arith.addi %parallel_loop3A_853, %parallel_loop3A_884 : i32
        %parallel_loop3A_886 = arith.index_cast %parallel_loop3A_885 : i32 to index
        %parallel_loop3A_887 = tpu.vector_load %arg6[%parallel_loop3A_886] {strides = array<i32>} : memref<8100xf32, #tpu.memory_space<vmem>>, vector<16xf32>,
        %parallel_loop3A_888 = arith.constant 32 : i32
        %parallel_loop3A_889 = arith.addi %parallel_loop3A_859, %parallel_loop3A_888 : i32
        %parallel_loop3A_890 = arith.constant 0 : i32
        %parallel_loop3A_891 = arith.constant 0 : i32
        %parallel_loop3A_892 = tpu.memref_slice %arg7[%parallel_loop3A_890, %parallel_loop3A_891] : memref<2x40960xf32, #tpu.memory_space<vmem>> -> memref<1x40960xf32, #tpu.memory_space<vmem>>
        %parallel_loop3A_893 = tpu.memref_squeeze %parallel_loop3A_892 : memref<1x40960xf32, #tpu.memory_space<vmem>> -> memref<40960xf32, #tpu.memory_space<vmem>>
        %parallel_loop3A_894 = arith.index_cast %parallel_loop3A_889 : i32 to index
        %parallel_loop3A_895 = tpu.vector_load %parallel_loop3A_893[%parallel_loop3A_894] {strides = array<i32>} : memref<40960xf32, #tpu.memory_space<vmem>>, vector<16xf32>,
        tpu.vector_store %parallel_loop3A_893[%parallel_loop3A_894], %parallel_loop3A_887 {strides = array<i32>} : memref<40960xf32, #tpu.memory_space<vmem>>, vector<16xf32>,
        %parallel_loop3A_896 = arith.constant 48 : i32
        %parallel_loop3A_897 = arith.addi %parallel_loop3A_853, %parallel_loop3A_896 : i32
        %parallel_loop3A_898 = arith.index_cast %parallel_loop3A_897 : i32 to index
        %parallel_loop3A_899 = tpu.vector_load %arg6[%parallel_loop3A_898] {strides = array<i32>} : memref<8100xf32, #tpu.memory_space<vmem>>, vector<16xf32>,
        %parallel_loop3A_900 = arith.constant 48 : i32
        %parallel_loop3A_901 = arith.addi %parallel_loop3A_859, %parallel_loop3A_900 : i32
        %parallel_loop3A_902 = arith.constant 0 : i32
        %parallel_loop3A_903 = arith.constant 0 : i32
        %parallel_loop3A_904 = tpu.memref_slice %arg7[%parallel_loop3A_902, %parallel_loop3A_903] : memref<2x40960xf32, #tpu.memory_space<vmem>> -> memref<1x40960xf32, #tpu.memory_space<vmem>>
        %parallel_loop3A_905 = tpu.memref_squeeze %parallel_loop3A_904 : memref<1x40960xf32, #tpu.memory_space<vmem>> -> memref<40960xf32, #tpu.memory_space<vmem>>
        %parallel_loop3A_906 = arith.index_cast %parallel_loop3A_901 : i32 to index
        %parallel_loop3A_907 = tpu.vector_load %parallel_loop3A_905[%parallel_loop3A_906] {strides = array<i32>} : memref<40960xf32, #tpu.memory_space<vmem>>, vector<16xf32>,
        tpu.vector_store %parallel_loop3A_905[%parallel_loop3A_906], %parallel_loop3A_899 {strides = array<i32>} : memref<40960xf32, #tpu.memory_space<vmem>>, vector<16xf32>,
        %parallel_loop3A_908 = arith.constant 64 : i32
        %parallel_loop3A_909 = arith.addi %parallel_loop3A_853, %parallel_loop3A_908 : i32
        %parallel_loop3A_910 = arith.index_cast %parallel_loop3A_909 : i32 to index
        %parallel_loop3A_911 = tpu.vector_load %arg6[%parallel_loop3A_910] {strides = array<i32>} : memref<8100xf32, #tpu.memory_space<vmem>>, vector<16xf32>,
        %parallel_loop3A_912 = arith.constant 64 : i32
        %parallel_loop3A_913 = arith.addi %parallel_loop3A_859, %parallel_loop3A_912 : i32
        %parallel_loop3A_914 = arith.constant 0 : i32
        %parallel_loop3A_915 = arith.constant 0 : i32
        %parallel_loop3A_916 = tpu.memref_slice %arg7[%parallel_loop3A_914, %parallel_loop3A_915] : memref<2x40960xf32, #tpu.memory_space<vmem>> -> memref<1x40960xf32, #tpu.memory_space<vmem>>
        %parallel_loop3A_917 = tpu.memref_squeeze %parallel_loop3A_916 : memref<1x40960xf32, #tpu.memory_space<vmem>> -> memref<40960xf32, #tpu.memory_space<vmem>>
        %parallel_loop3A_918 = arith.index_cast %parallel_loop3A_913 : i32 to index
        %parallel_loop3A_919 = tpu.vector_load %parallel_loop3A_917[%parallel_loop3A_918] {strides = array<i32>} : memref<40960xf32, #tpu.memory_space<vmem>>, vector<16xf32>,
        tpu.vector_store %parallel_loop3A_917[%parallel_loop3A_918], %parallel_loop3A_911 {strides = array<i32>} : memref<40960xf32, #tpu.memory_space<vmem>>, vector<16xf32>,
        %parallel_loop3A_920 = vector.extract_strided_slice %parallel_loop3A_103 {offsets = [12], sizes = [1], strides = [1]} : vector<16xi32> to vector<1xi32>
        %parallel_loop3A_921 = vector.extract %parallel_loop3A_920[0] : i32 from vector<1xi32>
        %parallel_loop3A_922 = arith.constant 16 : i32
        %parallel_loop3A_923 = arith.muli %parallel_loop3A_93, %parallel_loop3A_922 : i32
        %parallel_loop3A_924 = arith.constant 12 : i32
        %parallel_loop3A_925 = arith.addi %parallel_loop3A_923, %parallel_loop3A_924 : i32
        %parallel_loop3A_926 = arith.constant 80 : i32
        %parallel_loop3A_927 = arith.muli %parallel_loop3A_925, %parallel_loop3A_926 : i32
        %parallel_loop3A_928 = arith.constant 0 : i32
        %parallel_loop3A_929 = arith.addi %parallel_loop3A_921, %parallel_loop3A_928 : i32
        %parallel_loop3A_930 = arith.index_cast %parallel_loop3A_929 : i32 to index
        %parallel_loop3A_931 = tpu.vector_load %arg6[%parallel_loop3A_930] {strides = array<i32>} : memref<8100xf32, #tpu.memory_space<vmem>>, vector<16xf32>,
        %parallel_loop3A_932 = arith.constant 0 : i32
        %parallel_loop3A_933 = arith.addi %parallel_loop3A_927, %parallel_loop3A_932 : i32
        %parallel_loop3A_934 = arith.constant 0 : i32
        %parallel_loop3A_935 = arith.constant 0 : i32
        %parallel_loop3A_936 = tpu.memref_slice %arg7[%parallel_loop3A_934, %parallel_loop3A_935] : memref<2x40960xf32, #tpu.memory_space<vmem>> -> memref<1x40960xf32, #tpu.memory_space<vmem>>
        %parallel_loop3A_937 = tpu.memref_squeeze %parallel_loop3A_936 : memref<1x40960xf32, #tpu.memory_space<vmem>> -> memref<40960xf32, #tpu.memory_space<vmem>>
        %parallel_loop3A_938 = arith.index_cast %parallel_loop3A_933 : i32 to index
        %parallel_loop3A_939 = tpu.vector_load %parallel_loop3A_937[%parallel_loop3A_938] {strides = array<i32>} : memref<40960xf32, #tpu.memory_space<vmem>>, vector<16xf32>,
        tpu.vector_store %parallel_loop3A_937[%parallel_loop3A_938], %parallel_loop3A_931 {strides = array<i32>} : memref<40960xf32, #tpu.memory_space<vmem>>, vector<16xf32>,
        %parallel_loop3A_940 = arith.constant 16 : i32
        %parallel_loop3A_941 = arith.addi %parallel_loop3A_921, %parallel_loop3A_940 : i32
        %parallel_loop3A_942 = arith.index_cast %parallel_loop3A_941 : i32 to index
        %parallel_loop3A_943 = tpu.vector_load %arg6[%parallel_loop3A_942] {strides = array<i32>} : memref<8100xf32, #tpu.memory_space<vmem>>, vector<16xf32>,
        %parallel_loop3A_944 = arith.constant 16 : i32
        %parallel_loop3A_945 = arith.addi %parallel_loop3A_927, %parallel_loop3A_944 : i32
        %parallel_loop3A_946 = arith.constant 0 : i32
        %parallel_loop3A_947 = arith.constant 0 : i32
        %parallel_loop3A_948 = tpu.memref_slice %arg7[%parallel_loop3A_946, %parallel_loop3A_947] : memref<2x40960xf32, #tpu.memory_space<vmem>> -> memref<1x40960xf32, #tpu.memory_space<vmem>>
        %parallel_loop3A_949 = tpu.memref_squeeze %parallel_loop3A_948 : memref<1x40960xf32, #tpu.memory_space<vmem>> -> memref<40960xf32, #tpu.memory_space<vmem>>
        %parallel_loop3A_950 = arith.index_cast %parallel_loop3A_945 : i32 to index
        %parallel_loop3A_951 = tpu.vector_load %parallel_loop3A_949[%parallel_loop3A_950] {strides = array<i32>} : memref<40960xf32, #tpu.memory_space<vmem>>, vector<16xf32>,
        tpu.vector_store %parallel_loop3A_949[%parallel_loop3A_950], %parallel_loop3A_943 {strides = array<i32>} : memref<40960xf32, #tpu.memory_space<vmem>>, vector<16xf32>,
        %parallel_loop3A_952 = arith.constant 32 : i32
        %parallel_loop3A_953 = arith.addi %parallel_loop3A_921, %parallel_loop3A_952 : i32
        %parallel_loop3A_954 = arith.index_cast %parallel_loop3A_953 : i32 to index
        %parallel_loop3A_955 = tpu.vector_load %arg6[%parallel_loop3A_954] {strides = array<i32>} : memref<8100xf32, #tpu.memory_space<vmem>>, vector<16xf32>,
        %parallel_loop3A_956 = arith.constant 32 : i32
        %parallel_loop3A_957 = arith.addi %parallel_loop3A_927, %parallel_loop3A_956 : i32
        %parallel_loop3A_958 = arith.constant 0 : i32
        %parallel_loop3A_959 = arith.constant 0 : i32
        %parallel_loop3A_960 = tpu.memref_slice %arg7[%parallel_loop3A_958, %parallel_loop3A_959] : memref<2x40960xf32, #tpu.memory_space<vmem>> -> memref<1x40960xf32, #tpu.memory_space<vmem>>
        %parallel_loop3A_961 = tpu.memref_squeeze %parallel_loop3A_960 : memref<1x40960xf32, #tpu.memory_space<vmem>> -> memref<40960xf32, #tpu.memory_space<vmem>>
        %parallel_loop3A_962 = arith.index_cast %parallel_loop3A_957 : i32 to index
        %parallel_loop3A_963 = tpu.vector_load %parallel_loop3A_961[%parallel_loop3A_962] {strides = array<i32>} : memref<40960xf32, #tpu.memory_space<vmem>>, vector<16xf32>,
        tpu.vector_store %parallel_loop3A_961[%parallel_loop3A_962], %parallel_loop3A_955 {strides = array<i32>} : memref<40960xf32, #tpu.memory_space<vmem>>, vector<16xf32>,
        %parallel_loop3A_964 = arith.constant 48 : i32
        %parallel_loop3A_965 = arith.addi %parallel_loop3A_921, %parallel_loop3A_964 : i32
        %parallel_loop3A_966 = arith.index_cast %parallel_loop3A_965 : i32 to index
        %parallel_loop3A_967 = tpu.vector_load %arg6[%parallel_loop3A_966] {strides = array<i32>} : memref<8100xf32, #tpu.memory_space<vmem>>, vector<16xf32>,
        %parallel_loop3A_968 = arith.constant 48 : i32
        %parallel_loop3A_969 = arith.addi %parallel_loop3A_927, %parallel_loop3A_968 : i32
        %parallel_loop3A_970 = arith.constant 0 : i32
        %parallel_loop3A_971 = arith.constant 0 : i32
        %parallel_loop3A_972 = tpu.memref_slice %arg7[%parallel_loop3A_970, %parallel_loop3A_971] : memref<2x40960xf32, #tpu.memory_space<vmem>> -> memref<1x40960xf32, #tpu.memory_space<vmem>>
        %parallel_loop3A_973 = tpu.memref_squeeze %parallel_loop3A_972 : memref<1x40960xf32, #tpu.memory_space<vmem>> -> memref<40960xf32, #tpu.memory_space<vmem>>
        %parallel_loop3A_974 = arith.index_cast %parallel_loop3A_969 : i32 to index
        %parallel_loop3A_975 = tpu.vector_load %parallel_loop3A_973[%parallel_loop3A_974] {strides = array<i32>} : memref<40960xf32, #tpu.memory_space<vmem>>, vector<16xf32>,
        tpu.vector_store %parallel_loop3A_973[%parallel_loop3A_974], %parallel_loop3A_967 {strides = array<i32>} : memref<40960xf32, #tpu.memory_space<vmem>>, vector<16xf32>,
        %parallel_loop3A_976 = arith.constant 64 : i32
        %parallel_loop3A_977 = arith.addi %parallel_loop3A_921, %parallel_loop3A_976 : i32
        %parallel_loop3A_978 = arith.index_cast %parallel_loop3A_977 : i32 to index
        %parallel_loop3A_979 = tpu.vector_load %arg6[%parallel_loop3A_978] {strides = array<i32>} : memref<8100xf32, #tpu.memory_space<vmem>>, vector<16xf32>,
        %parallel_loop3A_980 = arith.constant 64 : i32
        %parallel_loop3A_981 = arith.addi %parallel_loop3A_927, %parallel_loop3A_980 : i32
        %parallel_loop3A_982 = arith.constant 0 : i32
        %parallel_loop3A_983 = arith.constant 0 : i32
        %parallel_loop3A_984 = tpu.memref_slice %arg7[%parallel_loop3A_982, %parallel_loop3A_983] : memref<2x40960xf32, #tpu.memory_space<vmem>> -> memref<1x40960xf32, #tpu.memory_space<vmem>>
        %parallel_loop3A_985 = tpu.memref_squeeze %parallel_loop3A_984 : memref<1x40960xf32, #tpu.memory_space<vmem>> -> memref<40960xf32, #tpu.memory_space<vmem>>
        %parallel_loop3A_986 = arith.index_cast %parallel_loop3A_981 : i32 to index
        %parallel_loop3A_987 = tpu.vector_load %parallel_loop3A_985[%parallel_loop3A_986] {strides = array<i32>} : memref<40960xf32, #tpu.memory_space<vmem>>, vector<16xf32>,
        tpu.vector_store %parallel_loop3A_985[%parallel_loop3A_986], %parallel_loop3A_979 {strides = array<i32>} : memref<40960xf32, #tpu.memory_space<vmem>>, vector<16xf32>,
        %parallel_loop3A_988 = vector.extract_strided_slice %parallel_loop3A_103 {offsets = [13], sizes = [1], strides = [1]} : vector<16xi32> to vector<1xi32>
        %parallel_loop3A_989 = vector.extract %parallel_loop3A_988[0] : i32 from vector<1xi32>
        %parallel_loop3A_990 = arith.constant 16 : i32
        %parallel_loop3A_991 = arith.muli %parallel_loop3A_93, %parallel_loop3A_990 : i32
        %parallel_loop3A_992 = arith.constant 13 : i32
        %parallel_loop3A_993 = arith.addi %parallel_loop3A_991, %parallel_loop3A_992 : i32
        %parallel_loop3A_994 = arith.constant 80 : i32
        %parallel_loop3A_995 = arith.muli %parallel_loop3A_993, %parallel_loop3A_994 : i32
        %parallel_loop3A_996 = arith.constant 0 : i32
        %parallel_loop3A_997 = arith.addi %parallel_loop3A_989, %parallel_loop3A_996 : i32
        %parallel_loop3A_998 = arith.index_cast %parallel_loop3A_997 : i32 to index
        %parallel_loop3A_999 = tpu.vector_load %arg6[%parallel_loop3A_998] {strides = array<i32>} : memref<8100xf32, #tpu.memory_space<vmem>>, vector<16xf32>,
        %parallel_loop3A_1000 = arith.constant 0 : i32
        %parallel_loop3A_1001 = arith.addi %parallel_loop3A_995, %parallel_loop3A_1000 : i32
        %parallel_loop3A_1002 = arith.constant 0 : i32
        %parallel_loop3A_1003 = arith.constant 0 : i32
        %parallel_loop3A_1004 = tpu.memref_slice %arg7[%parallel_loop3A_1002, %parallel_loop3A_1003] : memref<2x40960xf32, #tpu.memory_space<vmem>> -> memref<1x40960xf32, #tpu.memory_space<vmem>>
        %parallel_loop3A_1005 = tpu.memref_squeeze %parallel_loop3A_1004 : memref<1x40960xf32, #tpu.memory_space<vmem>> -> memref<40960xf32, #tpu.memory_space<vmem>>
        %parallel_loop3A_1006 = arith.index_cast %parallel_loop3A_1001 : i32 to index
        %parallel_loop3A_1007 = tpu.vector_load %parallel_loop3A_1005[%parallel_loop3A_1006] {strides = array<i32>} : memref<40960xf32, #tpu.memory_space<vmem>>, vector<16xf32>,
        tpu.vector_store %parallel_loop3A_1005[%parallel_loop3A_1006], %parallel_loop3A_999 {strides = array<i32>} : memref<40960xf32, #tpu.memory_space<vmem>>, vector<16xf32>,
        %parallel_loop3A_1008 = arith.constant 16 : i32
        %parallel_loop3A_1009 = arith.addi %parallel_loop3A_989, %parallel_loop3A_1008 : i32
        %parallel_loop3A_1010 = arith.index_cast %parallel_loop3A_1009 : i32 to index
        %parallel_loop3A_1011 = tpu.vector_load %arg6[%parallel_loop3A_1010] {strides = array<i32>} : memref<8100xf32, #tpu.memory_space<vmem>>, vector<16xf32>,
        %parallel_loop3A_1012 = arith.constant 16 : i32
        %parallel_loop3A_1013 = arith.addi %parallel_loop3A_995, %parallel_loop3A_1012 : i32
        %parallel_loop3A_1014 = arith.constant 0 : i32
        %parallel_loop3A_1015 = arith.constant 0 : i32
        %parallel_loop3A_1016 = tpu.memref_slice %arg7[%parallel_loop3A_1014, %parallel_loop3A_1015] : memref<2x40960xf32, #tpu.memory_space<vmem>> -> memref<1x40960xf32, #tpu.memory_space<vmem>>
        %parallel_loop3A_1017 = tpu.memref_squeeze %parallel_loop3A_1016 : memref<1x40960xf32, #tpu.memory_space<vmem>> -> memref<40960xf32, #tpu.memory_space<vmem>>
        %parallel_loop3A_1018 = arith.index_cast %parallel_loop3A_1013 : i32 to index
        %parallel_loop3A_1019 = tpu.vector_load %parallel_loop3A_1017[%parallel_loop3A_1018] {strides = array<i32>} : memref<40960xf32, #tpu.memory_space<vmem>>, vector<16xf32>,
        tpu.vector_store %parallel_loop3A_1017[%parallel_loop3A_1018], %parallel_loop3A_1011 {strides = array<i32>} : memref<40960xf32, #tpu.memory_space<vmem>>, vector<16xf32>,
        %parallel_loop3A_1020 = arith.constant 32 : i32
        %parallel_loop3A_1021 = arith.addi %parallel_loop3A_989, %parallel_loop3A_1020 : i32
        %parallel_loop3A_1022 = arith.index_cast %parallel_loop3A_1021 : i32 to index
        %parallel_loop3A_1023 = tpu.vector_load %arg6[%parallel_loop3A_1022] {strides = array<i32>} : memref<8100xf32, #tpu.memory_space<vmem>>, vector<16xf32>,
        %parallel_loop3A_1024 = arith.constant 32 : i32
        %parallel_loop3A_1025 = arith.addi %parallel_loop3A_995, %parallel_loop3A_1024 : i32
        %parallel_loop3A_1026 = arith.constant 0 : i32
        %parallel_loop3A_1027 = arith.constant 0 : i32
        %parallel_loop3A_1028 = tpu.memref_slice %arg7[%parallel_loop3A_1026, %parallel_loop3A_1027] : memref<2x40960xf32, #tpu.memory_space<vmem>> -> memref<1x40960xf32, #tpu.memory_space<vmem>>
        %parallel_loop3A_1029 = tpu.memref_squeeze %parallel_loop3A_1028 : memref<1x40960xf32, #tpu.memory_space<vmem>> -> memref<40960xf32, #tpu.memory_space<vmem>>
        %parallel_loop3A_1030 = arith.index_cast %parallel_loop3A_1025 : i32 to index
        %parallel_loop3A_1031 = tpu.vector_load %parallel_loop3A_1029[%parallel_loop3A_1030] {strides = array<i32>} : memref<40960xf32, #tpu.memory_space<vmem>>, vector<16xf32>,
        tpu.vector_store %parallel_loop3A_1029[%parallel_loop3A_1030], %parallel_loop3A_1023 {strides = array<i32>} : memref<40960xf32, #tpu.memory_space<vmem>>, vector<16xf32>,
        %parallel_loop3A_1032 = arith.constant 48 : i32
        %parallel_loop3A_1033 = arith.addi %parallel_loop3A_989, %parallel_loop3A_1032 : i32
        %parallel_loop3A_1034 = arith.index_cast %parallel_loop3A_1033 : i32 to index
        %parallel_loop3A_1035 = tpu.vector_load %arg6[%parallel_loop3A_1034] {strides = array<i32>} : memref<8100xf32, #tpu.memory_space<vmem>>, vector<16xf32>,
        %parallel_loop3A_1036 = arith.constant 48 : i32
        %parallel_loop3A_1037 = arith.addi %parallel_loop3A_995, %parallel_loop3A_1036 : i32
        %parallel_loop3A_1038 = arith.constant 0 : i32
        %parallel_loop3A_1039 = arith.constant 0 : i32
        %parallel_loop3A_1040 = tpu.memref_slice %arg7[%parallel_loop3A_1038, %parallel_loop3A_1039] : memref<2x40960xf32, #tpu.memory_space<vmem>> -> memref<1x40960xf32, #tpu.memory_space<vmem>>
        %parallel_loop3A_1041 = tpu.memref_squeeze %parallel_loop3A_1040 : memref<1x40960xf32, #tpu.memory_space<vmem>> -> memref<40960xf32, #tpu.memory_space<vmem>>
        %parallel_loop3A_1042 = arith.index_cast %parallel_loop3A_1037 : i32 to index
        %parallel_loop3A_1043 = tpu.vector_load %parallel_loop3A_1041[%parallel_loop3A_1042] {strides = array<i32>} : memref<40960xf32, #tpu.memory_space<vmem>>, vector<16xf32>,
        tpu.vector_store %parallel_loop3A_1041[%parallel_loop3A_1042], %parallel_loop3A_1035 {strides = array<i32>} : memref<40960xf32, #tpu.memory_space<vmem>>, vector<16xf32>,
        %parallel_loop3A_1044 = arith.constant 64 : i32
        %parallel_loop3A_1045 = arith.addi %parallel_loop3A_989, %parallel_loop3A_1044 : i32
        %parallel_loop3A_1046 = arith.index_cast %parallel_loop3A_1045 : i32 to index
        %parallel_loop3A_1047 = tpu.vector_load %arg6[%parallel_loop3A_1046] {strides = array<i32>} : memref<8100xf32, #tpu.memory_space<vmem>>, vector<16xf32>,
        %parallel_loop3A_1048 = arith.constant 64 : i32
        %parallel_loop3A_1049 = arith.addi %parallel_loop3A_995, %parallel_loop3A_1048 : i32
        %parallel_loop3A_1050 = arith.constant 0 : i32
        %parallel_loop3A_1051 = arith.constant 0 : i32
        %parallel_loop3A_1052 = tpu.memref_slice %arg7[%parallel_loop3A_1050, %parallel_loop3A_1051] : memref<2x40960xf32, #tpu.memory_space<vmem>> -> memref<1x40960xf32, #tpu.memory_space<vmem>>
        %parallel_loop3A_1053 = tpu.memref_squeeze %parallel_loop3A_1052 : memref<1x40960xf32, #tpu.memory_space<vmem>> -> memref<40960xf32, #tpu.memory_space<vmem>>
        %parallel_loop3A_1054 = arith.index_cast %parallel_loop3A_1049 : i32 to index
        %parallel_loop3A_1055 = tpu.vector_load %parallel_loop3A_1053[%parallel_loop3A_1054] {strides = array<i32>} : memref<40960xf32, #tpu.memory_space<vmem>>, vector<16xf32>,
        tpu.vector_store %parallel_loop3A_1053[%parallel_loop3A_1054], %parallel_loop3A_1047 {strides = array<i32>} : memref<40960xf32, #tpu.memory_space<vmem>>, vector<16xf32>,
        %parallel_loop3A_1056 = vector.extract_strided_slice %parallel_loop3A_103 {offsets = [14], sizes = [1], strides = [1]} : vector<16xi32> to vector<1xi32>
        %parallel_loop3A_1057 = vector.extract %parallel_loop3A_1056[0] : i32 from vector<1xi32>
        %parallel_loop3A_1058 = arith.constant 16 : i32
        %parallel_loop3A_1059 = arith.muli %parallel_loop3A_93, %parallel_loop3A_1058 : i32
        %parallel_loop3A_1060 = arith.constant 14 : i32
        %parallel_loop3A_1061 = arith.addi %parallel_loop3A_1059, %parallel_loop3A_1060 : i32
        %parallel_loop3A_1062 = arith.constant 80 : i32
        %parallel_loop3A_1063 = arith.muli %parallel_loop3A_1061, %parallel_loop3A_1062 : i32
        %parallel_loop3A_1064 = arith.constant 0 : i32
        %parallel_loop3A_1065 = arith.addi %parallel_loop3A_1057, %parallel_loop3A_1064 : i32
        %parallel_loop3A_1066 = arith.index_cast %parallel_loop3A_1065 : i32 to index
        %parallel_loop3A_1067 = tpu.vector_load %arg6[%parallel_loop3A_1066] {strides = array<i32>} : memref<8100xf32, #tpu.memory_space<vmem>>, vector<16xf32>,
        %parallel_loop3A_1068 = arith.constant 0 : i32
        %parallel_loop3A_1069 = arith.addi %parallel_loop3A_1063, %parallel_loop3A_1068 : i32
        %parallel_loop3A_1070 = arith.constant 0 : i32
        %parallel_loop3A_1071 = arith.constant 0 : i32
        %parallel_loop3A_1072 = tpu.memref_slice %arg7[%parallel_loop3A_1070, %parallel_loop3A_1071] : memref<2x40960xf32, #tpu.memory_space<vmem>> -> memref<1x40960xf32, #tpu.memory_space<vmem>>
        %parallel_loop3A_1073 = tpu.memref_squeeze %parallel_loop3A_1072 : memref<1x40960xf32, #tpu.memory_space<vmem>> -> memref<40960xf32, #tpu.memory_space<vmem>>
        %parallel_loop3A_1074 = arith.index_cast %parallel_loop3A_1069 : i32 to index
        %parallel_loop3A_1075 = tpu.vector_load %parallel_loop3A_1073[%parallel_loop3A_1074] {strides = array<i32>} : memref<40960xf32, #tpu.memory_space<vmem>>, vector<16xf32>,
        tpu.vector_store %parallel_loop3A_1073[%parallel_loop3A_1074], %parallel_loop3A_1067 {strides = array<i32>} : memref<40960xf32, #tpu.memory_space<vmem>>, vector<16xf32>,
        %parallel_loop3A_1076 = arith.constant 16 : i32
        %parallel_loop3A_1077 = arith.addi %parallel_loop3A_1057, %parallel_loop3A_1076 : i32
        %parallel_loop3A_1078 = arith.index_cast %parallel_loop3A_1077 : i32 to index
        %parallel_loop3A_1079 = tpu.vector_load %arg6[%parallel_loop3A_1078] {strides = array<i32>} : memref<8100xf32, #tpu.memory_space<vmem>>, vector<16xf32>,
        %parallel_loop3A_1080 = arith.constant 16 : i32
        %parallel_loop3A_1081 = arith.addi %parallel_loop3A_1063, %parallel_loop3A_1080 : i32
        %parallel_loop3A_1082 = arith.constant 0 : i32
        %parallel_loop3A_1083 = arith.constant 0 : i32
        %parallel_loop3A_1084 = tpu.memref_slice %arg7[%parallel_loop3A_1082, %parallel_loop3A_1083] : memref<2x40960xf32, #tpu.memory_space<vmem>> -> memref<1x40960xf32, #tpu.memory_space<vmem>>
        %parallel_loop3A_1085 = tpu.memref_squeeze %parallel_loop3A_1084 : memref<1x40960xf32, #tpu.memory_space<vmem>> -> memref<40960xf32, #tpu.memory_space<vmem>>
        %parallel_loop3A_1086 = arith.index_cast %parallel_loop3A_1081 : i32 to index
        %parallel_loop3A_1087 = tpu.vector_load %parallel_loop3A_1085[%parallel_loop3A_1086] {strides = array<i32>} : memref<40960xf32, #tpu.memory_space<vmem>>, vector<16xf32>,
        tpu.vector_store %parallel_loop3A_1085[%parallel_loop3A_1086], %parallel_loop3A_1079 {strides = array<i32>} : memref<40960xf32, #tpu.memory_space<vmem>>, vector<16xf32>,
        %parallel_loop3A_1088 = arith.constant 32 : i32
        %parallel_loop3A_1089 = arith.addi %parallel_loop3A_1057, %parallel_loop3A_1088 : i32
        %parallel_loop3A_1090 = arith.index_cast %parallel_loop3A_1089 : i32 to index
        %parallel_loop3A_1091 = tpu.vector_load %arg6[%parallel_loop3A_1090] {strides = array<i32>} : memref<8100xf32, #tpu.memory_space<vmem>>, vector<16xf32>,
        %parallel_loop3A_1092 = arith.constant 32 : i32
        %parallel_loop3A_1093 = arith.addi %parallel_loop3A_1063, %parallel_loop3A_1092 : i32
        %parallel_loop3A_1094 = arith.constant 0 : i32
        %parallel_loop3A_1095 = arith.constant 0 : i32
        %parallel_loop3A_1096 = tpu.memref_slice %arg7[%parallel_loop3A_1094, %parallel_loop3A_1095] : memref<2x40960xf32, #tpu.memory_space<vmem>> -> memref<1x40960xf32, #tpu.memory_space<vmem>>
        %parallel_loop3A_1097 = tpu.memref_squeeze %parallel_loop3A_1096 : memref<1x40960xf32, #tpu.memory_space<vmem>> -> memref<40960xf32, #tpu.memory_space<vmem>>
        %parallel_loop3A_1098 = arith.index_cast %parallel_loop3A_1093 : i32 to index
        %parallel_loop3A_1099 = tpu.vector_load %parallel_loop3A_1097[%parallel_loop3A_1098] {strides = array<i32>} : memref<40960xf32, #tpu.memory_space<vmem>>, vector<16xf32>,
        tpu.vector_store %parallel_loop3A_1097[%parallel_loop3A_1098], %parallel_loop3A_1091 {strides = array<i32>} : memref<40960xf32, #tpu.memory_space<vmem>>, vector<16xf32>,
        %parallel_loop3A_1100 = arith.constant 48 : i32
        %parallel_loop3A_1101 = arith.addi %parallel_loop3A_1057, %parallel_loop3A_1100 : i32
        %parallel_loop3A_1102 = arith.index_cast %parallel_loop3A_1101 : i32 to index
        %parallel_loop3A_1103 = tpu.vector_load %arg6[%parallel_loop3A_1102] {strides = array<i32>} : memref<8100xf32, #tpu.memory_space<vmem>>, vector<16xf32>,
        %parallel_loop3A_1104 = arith.constant 48 : i32
        %parallel_loop3A_1105 = arith.addi %parallel_loop3A_1063, %parallel_loop3A_1104 : i32
        %parallel_loop3A_1106 = arith.constant 0 : i32
        %parallel_loop3A_1107 = arith.constant 0 : i32
        %parallel_loop3A_1108 = tpu.memref_slice %arg7[%parallel_loop3A_1106, %parallel_loop3A_1107] : memref<2x40960xf32, #tpu.memory_space<vmem>> -> memref<1x40960xf32, #tpu.memory_space<vmem>>
        %parallel_loop3A_1109 = tpu.memref_squeeze %parallel_loop3A_1108 : memref<1x40960xf32, #tpu.memory_space<vmem>> -> memref<40960xf32, #tpu.memory_space<vmem>>
        %parallel_loop3A_1110 = arith.index_cast %parallel_loop3A_1105 : i32 to index
        %parallel_loop3A_1111 = tpu.vector_load %parallel_loop3A_1109[%parallel_loop3A_1110] {strides = array<i32>} : memref<40960xf32, #tpu.memory_space<vmem>>, vector<16xf32>,
        tpu.vector_store %parallel_loop3A_1109[%parallel_loop3A_1110], %parallel_loop3A_1103 {strides = array<i32>} : memref<40960xf32, #tpu.memory_space<vmem>>, vector<16xf32>,
        %parallel_loop3A_1112 = arith.constant 64 : i32
        %parallel_loop3A_1113 = arith.addi %parallel_loop3A_1057, %parallel_loop3A_1112 : i32
        %parallel_loop3A_1114 = arith.index_cast %parallel_loop3A_1113 : i32 to index
        %parallel_loop3A_1115 = tpu.vector_load %arg6[%parallel_loop3A_1114] {strides = array<i32>} : memref<8100xf32, #tpu.memory_space<vmem>>, vector<16xf32>,
        %parallel_loop3A_1116 = arith.constant 64 : i32
        %parallel_loop3A_1117 = arith.addi %parallel_loop3A_1063, %parallel_loop3A_1116 : i32
        %parallel_loop3A_1118 = arith.constant 0 : i32
        %parallel_loop3A_1119 = arith.constant 0 : i32
        %parallel_loop3A_1120 = tpu.memref_slice %arg7[%parallel_loop3A_1118, %parallel_loop3A_1119] : memref<2x40960xf32, #tpu.memory_space<vmem>> -> memref<1x40960xf32, #tpu.memory_space<vmem>>
        %parallel_loop3A_1121 = tpu.memref_squeeze %parallel_loop3A_1120 : memref<1x40960xf32, #tpu.memory_space<vmem>> -> memref<40960xf32, #tpu.memory_space<vmem>>
        %parallel_loop3A_1122 = arith.index_cast %parallel_loop3A_1117 : i32 to index
        %parallel_loop3A_1123 = tpu.vector_load %parallel_loop3A_1121[%parallel_loop3A_1122] {strides = array<i32>} : memref<40960xf32, #tpu.memory_space<vmem>>, vector<16xf32>,
        tpu.vector_store %parallel_loop3A_1121[%parallel_loop3A_1122], %parallel_loop3A_1115 {strides = array<i32>} : memref<40960xf32, #tpu.memory_space<vmem>>, vector<16xf32>,
        %parallel_loop3A_1124 = vector.extract_strided_slice %parallel_loop3A_103 {offsets = [15], sizes = [1], strides = [1]} : vector<16xi32> to vector<1xi32>
        %parallel_loop3A_1125 = vector.extract %parallel_loop3A_1124[0] : i32 from vector<1xi32>
        %parallel_loop3A_1126 = arith.constant 16 : i32
        %parallel_loop3A_1127 = arith.muli %parallel_loop3A_93, %parallel_loop3A_1126 : i32
        %parallel_loop3A_1128 = arith.constant 15 : i32
        %parallel_loop3A_1129 = arith.addi %parallel_loop3A_1127, %parallel_loop3A_1128 : i32
        %parallel_loop3A_1130 = arith.constant 80 : i32
        %parallel_loop3A_1131 = arith.muli %parallel_loop3A_1129, %parallel_loop3A_1130 : i32
        %parallel_loop3A_1132 = arith.constant 0 : i32
        %parallel_loop3A_1133 = arith.addi %parallel_loop3A_1125, %parallel_loop3A_1132 : i32
        %parallel_loop3A_1134 = arith.index_cast %parallel_loop3A_1133 : i32 to index
        %parallel_loop3A_1135 = tpu.vector_load %arg6[%parallel_loop3A_1134] {strides = array<i32>} : memref<8100xf32, #tpu.memory_space<vmem>>, vector<16xf32>,
        %parallel_loop3A_1136 = arith.constant 0 : i32
        %parallel_loop3A_1137 = arith.addi %parallel_loop3A_1131, %parallel_loop3A_1136 : i32
        %parallel_loop3A_1138 = arith.constant 0 : i32
        %parallel_loop3A_1139 = arith.constant 0 : i32
        %parallel_loop3A_1140 = tpu.memref_slice %arg7[%parallel_loop3A_1138, %parallel_loop3A_1139] : memref<2x40960xf32, #tpu.memory_space<vmem>> -> memref<1x40960xf32, #tpu.memory_space<vmem>>
        %parallel_loop3A_1141 = tpu.memref_squeeze %parallel_loop3A_1140 : memref<1x40960xf32, #tpu.memory_space<vmem>> -> memref<40960xf32, #tpu.memory_space<vmem>>
        %parallel_loop3A_1142 = arith.index_cast %parallel_loop3A_1137 : i32 to index
        %parallel_loop3A_1143 = tpu.vector_load %parallel_loop3A_1141[%parallel_loop3A_1142] {strides = array<i32>} : memref<40960xf32, #tpu.memory_space<vmem>>, vector<16xf32>,
        tpu.vector_store %parallel_loop3A_1141[%parallel_loop3A_1142], %parallel_loop3A_1135 {strides = array<i32>} : memref<40960xf32, #tpu.memory_space<vmem>>, vector<16xf32>,
        %parallel_loop3A_1144 = arith.constant 16 : i32
        %parallel_loop3A_1145 = arith.addi %parallel_loop3A_1125, %parallel_loop3A_1144 : i32
        %parallel_loop3A_1146 = arith.index_cast %parallel_loop3A_1145 : i32 to index
        %parallel_loop3A_1147 = tpu.vector_load %arg6[%parallel_loop3A_1146] {strides = array<i32>} : memref<8100xf32, #tpu.memory_space<vmem>>, vector<16xf32>,
        %parallel_loop3A_1148 = arith.constant 16 : i32
        %parallel_loop3A_1149 = arith.addi %parallel_loop3A_1131, %parallel_loop3A_1148 : i32
        %parallel_loop3A_1150 = arith.constant 0 : i32
        %parallel_loop3A_1151 = arith.constant 0 : i32
        %parallel_loop3A_1152 = tpu.memref_slice %arg7[%parallel_loop3A_1150, %parallel_loop3A_1151] : memref<2x40960xf32, #tpu.memory_space<vmem>> -> memref<1x40960xf32, #tpu.memory_space<vmem>>
        %parallel_loop3A_1153 = tpu.memref_squeeze %parallel_loop3A_1152 : memref<1x40960xf32, #tpu.memory_space<vmem>> -> memref<40960xf32, #tpu.memory_space<vmem>>
        %parallel_loop3A_1154 = arith.index_cast %parallel_loop3A_1149 : i32 to index
        %parallel_loop3A_1155 = tpu.vector_load %parallel_loop3A_1153[%parallel_loop3A_1154] {strides = array<i32>} : memref<40960xf32, #tpu.memory_space<vmem>>, vector<16xf32>,
        tpu.vector_store %parallel_loop3A_1153[%parallel_loop3A_1154], %parallel_loop3A_1147 {strides = array<i32>} : memref<40960xf32, #tpu.memory_space<vmem>>, vector<16xf32>,
        %parallel_loop3A_1156 = arith.constant 32 : i32
        %parallel_loop3A_1157 = arith.addi %parallel_loop3A_1125, %parallel_loop3A_1156 : i32
        %parallel_loop3A_1158 = arith.index_cast %parallel_loop3A_1157 : i32 to index
        %parallel_loop3A_1159 = tpu.vector_load %arg6[%parallel_loop3A_1158] {strides = array<i32>} : memref<8100xf32, #tpu.memory_space<vmem>>, vector<16xf32>,
        %parallel_loop3A_1160 = arith.constant 32 : i32
        %parallel_loop3A_1161 = arith.addi %parallel_loop3A_1131, %parallel_loop3A_1160 : i32
        %parallel_loop3A_1162 = arith.constant 0 : i32
        %parallel_loop3A_1163 = arith.constant 0 : i32
        %parallel_loop3A_1164 = tpu.memref_slice %arg7[%parallel_loop3A_1162, %parallel_loop3A_1163] : memref<2x40960xf32, #tpu.memory_space<vmem>> -> memref<1x40960xf32, #tpu.memory_space<vmem>>
        %parallel_loop3A_1165 = tpu.memref_squeeze %parallel_loop3A_1164 : memref<1x40960xf32, #tpu.memory_space<vmem>> -> memref<40960xf32, #tpu.memory_space<vmem>>
        %parallel_loop3A_1166 = arith.index_cast %parallel_loop3A_1161 : i32 to index
        %parallel_loop3A_1167 = tpu.vector_load %parallel_loop3A_1165[%parallel_loop3A_1166] {strides = array<i32>} : memref<40960xf32, #tpu.memory_space<vmem>>, vector<16xf32>,
        tpu.vector_store %parallel_loop3A_1165[%parallel_loop3A_1166], %parallel_loop3A_1159 {strides = array<i32>} : memref<40960xf32, #tpu.memory_space<vmem>>, vector<16xf32>,
        %parallel_loop3A_1168 = arith.constant 48 : i32
        %parallel_loop3A_1169 = arith.addi %parallel_loop3A_1125, %parallel_loop3A_1168 : i32
        %parallel_loop3A_1170 = arith.index_cast %parallel_loop3A_1169 : i32 to index
        %parallel_loop3A_1171 = tpu.vector_load %arg6[%parallel_loop3A_1170] {strides = array<i32>} : memref<8100xf32, #tpu.memory_space<vmem>>, vector<16xf32>,
        %parallel_loop3A_1172 = arith.constant 48 : i32
        %parallel_loop3A_1173 = arith.addi %parallel_loop3A_1131, %parallel_loop3A_1172 : i32
        %parallel_loop3A_1174 = arith.constant 0 : i32
        %parallel_loop3A_1175 = arith.constant 0 : i32
        %parallel_loop3A_1176 = tpu.memref_slice %arg7[%parallel_loop3A_1174, %parallel_loop3A_1175] : memref<2x40960xf32, #tpu.memory_space<vmem>> -> memref<1x40960xf32, #tpu.memory_space<vmem>>
        %parallel_loop3A_1177 = tpu.memref_squeeze %parallel_loop3A_1176 : memref<1x40960xf32, #tpu.memory_space<vmem>> -> memref<40960xf32, #tpu.memory_space<vmem>>
        %parallel_loop3A_1178 = arith.index_cast %parallel_loop3A_1173 : i32 to index
        %parallel_loop3A_1179 = tpu.vector_load %parallel_loop3A_1177[%parallel_loop3A_1178] {strides = array<i32>} : memref<40960xf32, #tpu.memory_space<vmem>>, vector<16xf32>,
        tpu.vector_store %parallel_loop3A_1177[%parallel_loop3A_1178], %parallel_loop3A_1171 {strides = array<i32>} : memref<40960xf32, #tpu.memory_space<vmem>>, vector<16xf32>,
        %parallel_loop3A_1180 = arith.constant 64 : i32
        %parallel_loop3A_1181 = arith.addi %parallel_loop3A_1125, %parallel_loop3A_1180 : i32
        %parallel_loop3A_1182 = arith.index_cast %parallel_loop3A_1181 : i32 to index
        %parallel_loop3A_1183 = tpu.vector_load %arg6[%parallel_loop3A_1182] {strides = array<i32>} : memref<8100xf32, #tpu.memory_space<vmem>>, vector<16xf32>,
        %parallel_loop3A_1184 = arith.constant 64 : i32
        %parallel_loop3A_1185 = arith.addi %parallel_loop3A_1131, %parallel_loop3A_1184 : i32
        %parallel_loop3A_1186 = arith.constant 0 : i32
        %parallel_loop3A_1187 = arith.constant 0 : i32
        %parallel_loop3A_1188 = tpu.memref_slice %arg7[%parallel_loop3A_1186, %parallel_loop3A_1187] : memref<2x40960xf32, #tpu.memory_space<vmem>> -> memref<1x40960xf32, #tpu.memory_space<vmem>>
        %parallel_loop3A_1189 = tpu.memref_squeeze %parallel_loop3A_1188 : memref<1x40960xf32, #tpu.memory_space<vmem>> -> memref<40960xf32, #tpu.memory_space<vmem>>
        %parallel_loop3A_1190 = arith.index_cast %parallel_loop3A_1185 : i32 to index
        %parallel_loop3A_1191 = tpu.vector_load %parallel_loop3A_1189[%parallel_loop3A_1190] {strides = array<i32>} : memref<40960xf32, #tpu.memory_space<vmem>>, vector<16xf32>,
        tpu.vector_store %parallel_loop3A_1189[%parallel_loop3A_1190], %parallel_loop3A_1183 {strides = array<i32>} : memref<40960xf32, #tpu.memory_space<vmem>>, vector<16xf32>,
      } {sc.loop_unroll_factor = 1 : i64, sc.parallel_access}
      %mul3A_48 = arith.constant 512 : i32
      %mul3A_49 = arith.muli %add3A_43, %mul3A_48 : i32
      %add3A_50 = arith.addi %mul3A_2, %mul3A_49 : i32
      %mul3A_51 = arith.constant 80 : i32
      %mul3A_52 = arith.muli %add3A_50, %mul3A_51 : i32
      %dma_start3A = arith.constant 0 : i32
      %dma_start3A_53 = arith.constant 0 : i32
      %dma_start3A_54 = arith.constant 0 : i32
      %dma_start3A_55 = tpu.memref_slice %arg7[%dma_start3A, %dma_start3A_54] : memref<2x40960xf32, #tpu.memory_space<vmem>> -> memref<1x40960xf32, #tpu.memory_space<vmem>>
      %dma_start3A_56 = tpu.memref_squeeze %dma_start3A_55 : memref<1x40960xf32, #tpu.memory_space<vmem>> -> memref<40960xf32, #tpu.memory_space<vmem>>
      %dma_start3A_57 = tpu.memref_slice %arg4[%mul3A_52] : memref<65536000xf32, #tpu.memory_space<hbm>> -> memref<40960xf32, #tpu.memory_space<hbm>>
      %dma_start3A_58 = tpu.memref_slice %arg8[%dma_start3A_53] : memref<2x!tpu.dma_semaphore, #tpu.memory_space<semaphore_mem>> -> memref<1x!tpu.dma_semaphore, #tpu.memory_space<semaphore_mem>>
      %dma_start3A_59 = tpu.memref_squeeze %dma_start3A_58 : memref<1x!tpu.dma_semaphore, #tpu.memory_space<semaphore_mem>> -> memref<!tpu.dma_semaphore, #tpu.memory_space<semaphore_mem>>
      %dma_start3A_60 = tpu.memref_slice %arg4[%mul3A_52] : memref<65536000xf32, #tpu.memory_space<hbm>> -> memref<40960xf32, #tpu.memory_space<hbm>>
      %dma_start3A_61 = arith.constant 0 : i32
      %dma_start3A_62 = tpu.memref_slice %arg7[%dma_start3A, %dma_start3A_61] : memref<2x40960xf32, #tpu.memory_space<vmem>> -> memref<1x40960xf32, #tpu.memory_space<vmem>>
      %dma_start3A_63 = tpu.memref_squeeze %dma_start3A_62 : memref<1x40960xf32, #tpu.memory_space<vmem>> -> memref<40960xf32, #tpu.memory_space<vmem>>
      tpu.enqueue_dma source(%dma_start3A_63 : memref<40960xf32, #tpu.memory_space<vmem>>) target(%dma_start3A_60 : memref<40960xf32, #tpu.memory_space<hbm>>) target_semaphore(%dma_start3A_59 : memref<!tpu.dma_semaphore, #tpu.memory_space<semaphore_mem>>)
      %mul3A_64 = arith.constant 2 : i32
      %mul3A_65 = arith.muli %scan3A_39, %mul3A_64 : i32
      %add3A_66 = arith.constant 1 : i32
      %add3A_67 = arith.addi %mul3A_65, %add3A_66 : i32
      %ge3A_68 = arith.constant 2 : i32
      %ge3A_69 = arith.cmpi sge, %add3A_67, %ge3A_68 : i32
      %convert_element_type3A_70 = arith.extui %ge3A_69 : i1 to i32
      %cond3A_71 = arith.constant 0 : i32
      %cond3A_72 = arith.cmpi ne, %convert_element_type3A_70, %cond3A_71 : i32
      scf.if %cond3A_72 {
        %sub3A = arith.constant 2 : i32
        %sub3A_93 = arith.subi %add3A_67, %sub3A : i32
        %mul3A_94 = arith.constant 512 : i32
        %mul3A_95 = arith.muli %sub3A_93, %mul3A_94 : i32
        %add3A_96 = arith.addi %mul3A_2, %mul3A_95 : i32
        %mul3A_97 = arith.constant 80 : i32
        %mul3A_98 = arith.muli %add3A_96, %mul3A_97 : i32
        %dma_wait3A_99 = arith.constant 1 : i32
        %dma_wait3A_100 = arith.constant 1 : i32
        %dma_wait3A_101 = arith.constant 0 : i32
        %dma_wait3A_102 = tpu.memref_slice %arg7[%dma_wait3A_99, %dma_wait3A_101] : memref<2x40960xf32, #tpu.memory_space<vmem>> -> memref<1x40960xf32, #tpu.memory_space<vmem>>
        %dma_wait3A_103 = tpu.memref_squeeze %dma_wait3A_102 : memref<1x40960xf32, #tpu.memory_space<vmem>> -> memref<40960xf32, #tpu.memory_space<vmem>>
        %dma_wait3A_104 = tpu.memref_slice %arg4[%mul3A_98] : memref<65536000xf32, #tpu.memory_space<hbm>> -> memref<40960xf32, #tpu.memory_space<hbm>>
        %dma_wait3A_105 = tpu.memref_slice %arg8[%dma_wait3A_100] : memref<2x!tpu.dma_semaphore, #tpu.memory_space<semaphore_mem>> -> memref<1x!tpu.dma_semaphore, #tpu.memory_space<semaphore_mem>>
        %dma_wait3A_106 = tpu.memref_squeeze %dma_wait3A_105 : memref<1x!tpu.dma_semaphore, #tpu.memory_space<semaphore_mem>> -> memref<!tpu.dma_semaphore, #tpu.memory_space<semaphore_mem>>
        %dma_wait3A_107 = tpu.memref_slice %arg4[%mul3A_98] : memref<65536000xf32, #tpu.memory_space<hbm>> -> memref<40960xf32, #tpu.memory_space<hbm>>
        %dma_wait3A_108 = arith.constant 0 : i32
        %dma_wait3A_109 = tpu.memref_slice %arg7[%dma_wait3A_99, %dma_wait3A_108] : memref<2x40960xf32, #tpu.memory_space<vmem>> -> memref<1x40960xf32, #tpu.memory_space<vmem>>
        %dma_wait3A_110 = tpu.memref_squeeze %dma_wait3A_109 : memref<1x40960xf32, #tpu.memory_space<vmem>> -> memref<40960xf32, #tpu.memory_space<vmem>>
        tpu.wait_dma2 semaphore(%dma_wait3A_106 : memref<!tpu.dma_semaphore, #tpu.memory_space<semaphore_mem>>) src(%dma_wait3A_110 : memref<40960xf32, #tpu.memory_space<vmem>>) dst(%dma_wait3A_107 : memref<40960xf32, #tpu.memory_space<hbm>>)
      } else {
      }
      %parallel_loop3A_73 = arith.constant 0 : i32
      %parallel_loop3A_74 = arith.constant 32 : i32
      %parallel_loop3A_75 = arith.constant 1 : i32
      scf.for %parallel_loop3A_93 = %parallel_loop3A_73 to %parallel_loop3A_74 step %parallel_loop3A_75  : i32 {
        %parallel_loop3A_94 = arith.constant 512 : i32
        %parallel_loop3A_95 = arith.muli %add3A_67, %parallel_loop3A_94 : i32
        %parallel_loop3A_96 = arith.constant 16 : i32
        %parallel_loop3A_97 = arith.muli %parallel_loop3A_93, %parallel_loop3A_96 : i32
        %parallel_loop3A_98 = arith.addi %parallel_loop3A_95, %parallel_loop3A_97 : i32
        %parallel_loop3A_99 = arith.index_cast %parallel_loop3A_98 : i32 to index
        %parallel_loop3A_100 = tpu.vector_load %arg5[%parallel_loop3A_99] {strides = array<i32>} : memref<25600xi32, #tpu.memory_space<vmem>>, vector<16xi32>,
        %parallel_loop3A_101 = arith.constant 81 : i32
        %parallel_loop3A_102 = vector.broadcast %parallel_loop3A_101 : i32 to vector<16xi32>
        %parallel_loop3A_103 = arith.muli %parallel_loop3A_100, %parallel_loop3A_102 : vector<16xi32>
        %parallel_loop3A_104 = vector.extract_strided_slice %parallel_loop3A_103 {offsets = [0], sizes = [1], strides = [1]} : vector<16xi32> to vector<1xi32>
        %parallel_loop3A_105 = vector.extract %parallel_loop3A_104[0] : i32 from vector<1xi32>
        %parallel_loop3A_106 = arith.constant 16 : i32
        %parallel_loop3A_107 = arith.muli %parallel_loop3A_93, %parallel_loop3A_106 : i32
        %parallel_loop3A_108 = arith.constant 0 : i32
        %parallel_loop3A_109 = arith.addi %parallel_loop3A_107, %parallel_loop3A_108 : i32
        %parallel_loop3A_110 = arith.constant 80 : i32
        %parallel_loop3A_111 = arith.muli %parallel_loop3A_109, %parallel_loop3A_110 : i32
        %parallel_loop3A_112 = arith.constant 0 : i32
        %parallel_loop3A_113 = arith.addi %parallel_loop3A_105, %parallel_loop3A_112 : i32
        %parallel_loop3A_114 = arith.index_cast %parallel_loop3A_113 : i32 to index
        %parallel_loop3A_115 = tpu.vector_load %arg6[%parallel_loop3A_114] {strides = array<i32>} : memref<8100xf32, #tpu.memory_space<vmem>>, vector<16xf32>,
        %parallel_loop3A_116 = arith.constant 0 : i32
        %parallel_loop3A_117 = arith.addi %parallel_loop3A_111, %parallel_loop3A_116 : i32
        %parallel_loop3A_118 = arith.constant 1 : i32
        %parallel_loop3A_119 = arith.constant 0 : i32
        %parallel_loop3A_120 = tpu.memref_slice %arg7[%parallel_loop3A_118, %parallel_loop3A_119] : memref<2x40960xf32, #tpu.memory_space<vmem>> -> memref<1x40960xf32, #tpu.memory_space<vmem>>
        %parallel_loop3A_121 = tpu.memref_squeeze %parallel_loop3A_120 : memref<1x40960xf32, #tpu.memory_space<vmem>> -> memref<40960xf32, #tpu.memory_space<vmem>>
        %parallel_loop3A_122 = arith.index_cast %parallel_loop3A_117 : i32 to index
        %parallel_loop3A_123 = tpu.vector_load %parallel_loop3A_121[%parallel_loop3A_122] {strides = array<i32>} : memref<40960xf32, #tpu.memory_space<vmem>>, vector<16xf32>,
        tpu.vector_store %parallel_loop3A_121[%parallel_loop3A_122], %parallel_loop3A_115 {strides = array<i32>} : memref<40960xf32, #tpu.memory_space<vmem>>, vector<16xf32>,
        %parallel_loop3A_124 = arith.constant 16 : i32
        %parallel_loop3A_125 = arith.addi %parallel_loop3A_105, %parallel_loop3A_124 : i32
        %parallel_loop3A_126 = arith.index_cast %parallel_loop3A_125 : i32 to index
        %parallel_loop3A_127 = tpu.vector_load %arg6[%parallel_loop3A_126] {strides = array<i32>} : memref<8100xf32, #tpu.memory_space<vmem>>, vector<16xf32>,
        %parallel_loop3A_128 = arith.constant 16 : i32
        %parallel_loop3A_129 = arith.addi %parallel_loop3A_111, %parallel_loop3A_128 : i32
        %parallel_loop3A_130 = arith.constant 1 : i32
        %parallel_loop3A_131 = arith.constant 0 : i32
        %parallel_loop3A_132 = tpu.memref_slice %arg7[%parallel_loop3A_130, %parallel_loop3A_131] : memref<2x40960xf32, #tpu.memory_space<vmem>> -> memref<1x40960xf32, #tpu.memory_space<vmem>>
        %parallel_loop3A_133 = tpu.memref_squeeze %parallel_loop3A_132 : memref<1x40960xf32, #tpu.memory_space<vmem>> -> memref<40960xf32, #tpu.memory_space<vmem>>
        %parallel_loop3A_134 = arith.index_cast %parallel_loop3A_129 : i32 to index
        %parallel_loop3A_135 = tpu.vector_load %parallel_loop3A_133[%parallel_loop3A_134] {strides = array<i32>} : memref<40960xf32, #tpu.memory_space<vmem>>, vector<16xf32>,
        tpu.vector_store %parallel_loop3A_133[%parallel_loop3A_134], %parallel_loop3A_127 {strides = array<i32>} : memref<40960xf32, #tpu.memory_space<vmem>>, vector<16xf32>,
        %parallel_loop3A_136 = arith.constant 32 : i32
        %parallel_loop3A_137 = arith.addi %parallel_loop3A_105, %parallel_loop3A_136 : i32
        %parallel_loop3A_138 = arith.index_cast %parallel_loop3A_137 : i32 to index
        %parallel_loop3A_139 = tpu.vector_load %arg6[%parallel_loop3A_138] {strides = array<i32>} : memref<8100xf32, #tpu.memory_space<vmem>>, vector<16xf32>,
        %parallel_loop3A_140 = arith.constant 32 : i32
        %parallel_loop3A_141 = arith.addi %parallel_loop3A_111, %parallel_loop3A_140 : i32
        %parallel_loop3A_142 = arith.constant 1 : i32
        %parallel_loop3A_143 = arith.constant 0 : i32
        %parallel_loop3A_144 = tpu.memref_slice %arg7[%parallel_loop3A_142, %parallel_loop3A_143] : memref<2x40960xf32, #tpu.memory_space<vmem>> -> memref<1x40960xf32, #tpu.memory_space<vmem>>
        %parallel_loop3A_145 = tpu.memref_squeeze %parallel_loop3A_144 : memref<1x40960xf32, #tpu.memory_space<vmem>> -> memref<40960xf32, #tpu.memory_space<vmem>>
        %parallel_loop3A_146 = arith.index_cast %parallel_loop3A_141 : i32 to index
        %parallel_loop3A_147 = tpu.vector_load %parallel_loop3A_145[%parallel_loop3A_146] {strides = array<i32>} : memref<40960xf32, #tpu.memory_space<vmem>>, vector<16xf32>,
        tpu.vector_store %parallel_loop3A_145[%parallel_loop3A_146], %parallel_loop3A_139 {strides = array<i32>} : memref<40960xf32, #tpu.memory_space<vmem>>, vector<16xf32>,
        %parallel_loop3A_148 = arith.constant 48 : i32
        %parallel_loop3A_149 = arith.addi %parallel_loop3A_105, %parallel_loop3A_148 : i32
        %parallel_loop3A_150 = arith.index_cast %parallel_loop3A_149 : i32 to index
        %parallel_loop3A_151 = tpu.vector_load %arg6[%parallel_loop3A_150] {strides = array<i32>} : memref<8100xf32, #tpu.memory_space<vmem>>, vector<16xf32>,
        %parallel_loop3A_152 = arith.constant 48 : i32
        %parallel_loop3A_153 = arith.addi %parallel_loop3A_111, %parallel_loop3A_152 : i32
        %parallel_loop3A_154 = arith.constant 1 : i32
        %parallel_loop3A_155 = arith.constant 0 : i32
        %parallel_loop3A_156 = tpu.memref_slice %arg7[%parallel_loop3A_154, %parallel_loop3A_155] : memref<2x40960xf32, #tpu.memory_space<vmem>> -> memref<1x40960xf32, #tpu.memory_space<vmem>>
        %parallel_loop3A_157 = tpu.memref_squeeze %parallel_loop3A_156 : memref<1x40960xf32, #tpu.memory_space<vmem>> -> memref<40960xf32, #tpu.memory_space<vmem>>
        %parallel_loop3A_158 = arith.index_cast %parallel_loop3A_153 : i32 to index
        %parallel_loop3A_159 = tpu.vector_load %parallel_loop3A_157[%parallel_loop3A_158] {strides = array<i32>} : memref<40960xf32, #tpu.memory_space<vmem>>, vector<16xf32>,
        tpu.vector_store %parallel_loop3A_157[%parallel_loop3A_158], %parallel_loop3A_151 {strides = array<i32>} : memref<40960xf32, #tpu.memory_space<vmem>>, vector<16xf32>,
        %parallel_loop3A_160 = arith.constant 64 : i32
        %parallel_loop3A_161 = arith.addi %parallel_loop3A_105, %parallel_loop3A_160 : i32
        %parallel_loop3A_162 = arith.index_cast %parallel_loop3A_161 : i32 to index
        %parallel_loop3A_163 = tpu.vector_load %arg6[%parallel_loop3A_162] {strides = array<i32>} : memref<8100xf32, #tpu.memory_space<vmem>>, vector<16xf32>,
        %parallel_loop3A_164 = arith.constant 64 : i32
        %parallel_loop3A_165 = arith.addi %parallel_loop3A_111, %parallel_loop3A_164 : i32
        %parallel_loop3A_166 = arith.constant 1 : i32
        %parallel_loop3A_167 = arith.constant 0 : i32
        %parallel_loop3A_168 = tpu.memref_slice %arg7[%parallel_loop3A_166, %parallel_loop3A_167] : memref<2x40960xf32, #tpu.memory_space<vmem>> -> memref<1x40960xf32, #tpu.memory_space<vmem>>
        %parallel_loop3A_169 = tpu.memref_squeeze %parallel_loop3A_168 : memref<1x40960xf32, #tpu.memory_space<vmem>> -> memref<40960xf32, #tpu.memory_space<vmem>>
        %parallel_loop3A_170 = arith.index_cast %parallel_loop3A_165 : i32 to index
        %parallel_loop3A_171 = tpu.vector_load %parallel_loop3A_169[%parallel_loop3A_170] {strides = array<i32>} : memref<40960xf32, #tpu.memory_space<vmem>>, vector<16xf32>,
        tpu.vector_store %parallel_loop3A_169[%parallel_loop3A_170], %parallel_loop3A_163 {strides = array<i32>} : memref<40960xf32, #tpu.memory_space<vmem>>, vector<16xf32>,
        %parallel_loop3A_172 = vector.extract_strided_slice %parallel_loop3A_103 {offsets = [1], sizes = [1], strides = [1]} : vector<16xi32> to vector<1xi32>
        %parallel_loop3A_173 = vector.extract %parallel_loop3A_172[0] : i32 from vector<1xi32>
        %parallel_loop3A_174 = arith.constant 16 : i32
        %parallel_loop3A_175 = arith.muli %parallel_loop3A_93, %parallel_loop3A_174 : i32
        %parallel_loop3A_176 = arith.constant 1 : i32
        %parallel_loop3A_177 = arith.addi %parallel_loop3A_175, %parallel_loop3A_176 : i32
        %parallel_loop3A_178 = arith.constant 80 : i32
        %parallel_loop3A_179 = arith.muli %parallel_loop3A_177, %parallel_loop3A_178 : i32
        %parallel_loop3A_180 = arith.constant 0 : i32
        %parallel_loop3A_181 = arith.addi %parallel_loop3A_173, %parallel_loop3A_180 : i32
        %parallel_loop3A_182 = arith.index_cast %parallel_loop3A_181 : i32 to index
        %parallel_loop3A_183 = tpu.vector_load %arg6[%parallel_loop3A_182] {strides = array<i32>} : memref<8100xf32, #tpu.memory_space<vmem>>, vector<16xf32>,
        %parallel_loop3A_184 = arith.constant 0 : i32
        %parallel_loop3A_185 = arith.addi %parallel_loop3A_179, %parallel_loop3A_184 : i32
        %parallel_loop3A_186 = arith.constant 1 : i32
        %parallel_loop3A_187 = arith.constant 0 : i32
        %parallel_loop3A_188 = tpu.memref_slice %arg7[%parallel_loop3A_186, %parallel_loop3A_187] : memref<2x40960xf32, #tpu.memory_space<vmem>> -> memref<1x40960xf32, #tpu.memory_space<vmem>>
        %parallel_loop3A_189 = tpu.memref_squeeze %parallel_loop3A_188 : memref<1x40960xf32, #tpu.memory_space<vmem>> -> memref<40960xf32, #tpu.memory_space<vmem>>
        %parallel_loop3A_190 = arith.index_cast %parallel_loop3A_185 : i32 to index
        %parallel_loop3A_191 = tpu.vector_load %parallel_loop3A_189[%parallel_loop3A_190] {strides = array<i32>} : memref<40960xf32, #tpu.memory_space<vmem>>, vector<16xf32>,
        tpu.vector_store %parallel_loop3A_189[%parallel_loop3A_190], %parallel_loop3A_183 {strides = array<i32>} : memref<40960xf32, #tpu.memory_space<vmem>>, vector<16xf32>,
        %parallel_loop3A_192 = arith.constant 16 : i32
        %parallel_loop3A_193 = arith.addi %parallel_loop3A_173, %parallel_loop3A_192 : i32
        %parallel_loop3A_194 = arith.index_cast %parallel_loop3A_193 : i32 to index
        %parallel_loop3A_195 = tpu.vector_load %arg6[%parallel_loop3A_194] {strides = array<i32>} : memref<8100xf32, #tpu.memory_space<vmem>>, vector<16xf32>,
        %parallel_loop3A_196 = arith.constant 16 : i32
        %parallel_loop3A_197 = arith.addi %parallel_loop3A_179, %parallel_loop3A_196 : i32
        %parallel_loop3A_198 = arith.constant 1 : i32
        %parallel_loop3A_199 = arith.constant 0 : i32
        %parallel_loop3A_200 = tpu.memref_slice %arg7[%parallel_loop3A_198, %parallel_loop3A_199] : memref<2x40960xf32, #tpu.memory_space<vmem>> -> memref<1x40960xf32, #tpu.memory_space<vmem>>
        %parallel_loop3A_201 = tpu.memref_squeeze %parallel_loop3A_200 : memref<1x40960xf32, #tpu.memory_space<vmem>> -> memref<40960xf32, #tpu.memory_space<vmem>>
        %parallel_loop3A_202 = arith.index_cast %parallel_loop3A_197 : i32 to index
        %parallel_loop3A_203 = tpu.vector_load %parallel_loop3A_201[%parallel_loop3A_202] {strides = array<i32>} : memref<40960xf32, #tpu.memory_space<vmem>>, vector<16xf32>,
        tpu.vector_store %parallel_loop3A_201[%parallel_loop3A_202], %parallel_loop3A_195 {strides = array<i32>} : memref<40960xf32, #tpu.memory_space<vmem>>, vector<16xf32>,
        %parallel_loop3A_204 = arith.constant 32 : i32
        %parallel_loop3A_205 = arith.addi %parallel_loop3A_173, %parallel_loop3A_204 : i32
        %parallel_loop3A_206 = arith.index_cast %parallel_loop3A_205 : i32 to index
        %parallel_loop3A_207 = tpu.vector_load %arg6[%parallel_loop3A_206] {strides = array<i32>} : memref<8100xf32, #tpu.memory_space<vmem>>, vector<16xf32>,
        %parallel_loop3A_208 = arith.constant 32 : i32
        %parallel_loop3A_209 = arith.addi %parallel_loop3A_179, %parallel_loop3A_208 : i32
        %parallel_loop3A_210 = arith.constant 1 : i32
        %parallel_loop3A_211 = arith.constant 0 : i32
        %parallel_loop3A_212 = tpu.memref_slice %arg7[%parallel_loop3A_210, %parallel_loop3A_211] : memref<2x40960xf32, #tpu.memory_space<vmem>> -> memref<1x40960xf32, #tpu.memory_space<vmem>>
        %parallel_loop3A_213 = tpu.memref_squeeze %parallel_loop3A_212 : memref<1x40960xf32, #tpu.memory_space<vmem>> -> memref<40960xf32, #tpu.memory_space<vmem>>
        %parallel_loop3A_214 = arith.index_cast %parallel_loop3A_209 : i32 to index
        %parallel_loop3A_215 = tpu.vector_load %parallel_loop3A_213[%parallel_loop3A_214] {strides = array<i32>} : memref<40960xf32, #tpu.memory_space<vmem>>, vector<16xf32>,
        tpu.vector_store %parallel_loop3A_213[%parallel_loop3A_214], %parallel_loop3A_207 {strides = array<i32>} : memref<40960xf32, #tpu.memory_space<vmem>>, vector<16xf32>,
        %parallel_loop3A_216 = arith.constant 48 : i32
        %parallel_loop3A_217 = arith.addi %parallel_loop3A_173, %parallel_loop3A_216 : i32
        %parallel_loop3A_218 = arith.index_cast %parallel_loop3A_217 : i32 to index
        %parallel_loop3A_219 = tpu.vector_load %arg6[%parallel_loop3A_218] {strides = array<i32>} : memref<8100xf32, #tpu.memory_space<vmem>>, vector<16xf32>,
        %parallel_loop3A_220 = arith.constant 48 : i32
        %parallel_loop3A_221 = arith.addi %parallel_loop3A_179, %parallel_loop3A_220 : i32
        %parallel_loop3A_222 = arith.constant 1 : i32
        %parallel_loop3A_223 = arith.constant 0 : i32
        %parallel_loop3A_224 = tpu.memref_slice %arg7[%parallel_loop3A_222, %parallel_loop3A_223] : memref<2x40960xf32, #tpu.memory_space<vmem>> -> memref<1x40960xf32, #tpu.memory_space<vmem>>
        %parallel_loop3A_225 = tpu.memref_squeeze %parallel_loop3A_224 : memref<1x40960xf32, #tpu.memory_space<vmem>> -> memref<40960xf32, #tpu.memory_space<vmem>>
        %parallel_loop3A_226 = arith.index_cast %parallel_loop3A_221 : i32 to index
        %parallel_loop3A_227 = tpu.vector_load %parallel_loop3A_225[%parallel_loop3A_226] {strides = array<i32>} : memref<40960xf32, #tpu.memory_space<vmem>>, vector<16xf32>,
        tpu.vector_store %parallel_loop3A_225[%parallel_loop3A_226], %parallel_loop3A_219 {strides = array<i32>} : memref<40960xf32, #tpu.memory_space<vmem>>, vector<16xf32>,
        %parallel_loop3A_228 = arith.constant 64 : i32
        %parallel_loop3A_229 = arith.addi %parallel_loop3A_173, %parallel_loop3A_228 : i32
        %parallel_loop3A_230 = arith.index_cast %parallel_loop3A_229 : i32 to index
        %parallel_loop3A_231 = tpu.vector_load %arg6[%parallel_loop3A_230] {strides = array<i32>} : memref<8100xf32, #tpu.memory_space<vmem>>, vector<16xf32>,
        %parallel_loop3A_232 = arith.constant 64 : i32
        %parallel_loop3A_233 = arith.addi %parallel_loop3A_179, %parallel_loop3A_232 : i32
        %parallel_loop3A_234 = arith.constant 1 : i32
        %parallel_loop3A_235 = arith.constant 0 : i32
        %parallel_loop3A_236 = tpu.memref_slice %arg7[%parallel_loop3A_234, %parallel_loop3A_235] : memref<2x40960xf32, #tpu.memory_space<vmem>> -> memref<1x40960xf32, #tpu.memory_space<vmem>>
        %parallel_loop3A_237 = tpu.memref_squeeze %parallel_loop3A_236 : memref<1x40960xf32, #tpu.memory_space<vmem>> -> memref<40960xf32, #tpu.memory_space<vmem>>
        %parallel_loop3A_238 = arith.index_cast %parallel_loop3A_233 : i32 to index
        %parallel_loop3A_239 = tpu.vector_load %parallel_loop3A_237[%parallel_loop3A_238] {strides = array<i32>} : memref<40960xf32, #tpu.memory_space<vmem>>, vector<16xf32>,
        tpu.vector_store %parallel_loop3A_237[%parallel_loop3A_238], %parallel_loop3A_231 {strides = array<i32>} : memref<40960xf32, #tpu.memory_space<vmem>>, vector<16xf32>,
        %parallel_loop3A_240 = vector.extract_strided_slice %parallel_loop3A_103 {offsets = [2], sizes = [1], strides = [1]} : vector<16xi32> to vector<1xi32>
        %parallel_loop3A_241 = vector.extract %parallel_loop3A_240[0] : i32 from vector<1xi32>
        %parallel_loop3A_242 = arith.constant 16 : i32
        %parallel_loop3A_243 = arith.muli %parallel_loop3A_93, %parallel_loop3A_242 : i32
        %parallel_loop3A_244 = arith.constant 2 : i32
        %parallel_loop3A_245 = arith.addi %parallel_loop3A_243, %parallel_loop3A_244 : i32
        %parallel_loop3A_246 = arith.constant 80 : i32
        %parallel_loop3A_247 = arith.muli %parallel_loop3A_245, %parallel_loop3A_246 : i32
        %parallel_loop3A_248 = arith.constant 0 : i32
        %parallel_loop3A_249 = arith.addi %parallel_loop3A_241, %parallel_loop3A_248 : i32
        %parallel_loop3A_250 = arith.index_cast %parallel_loop3A_249 : i32 to index
        %parallel_loop3A_251 = tpu.vector_load %arg6[%parallel_loop3A_250] {strides = array<i32>} : memref<8100xf32, #tpu.memory_space<vmem>>, vector<16xf32>,
        %parallel_loop3A_252 = arith.constant 0 : i32
        %parallel_loop3A_253 = arith.addi %parallel_loop3A_247, %parallel_loop3A_252 : i32
        %parallel_loop3A_254 = arith.constant 1 : i32
        %parallel_loop3A_255 = arith.constant 0 : i32
        %parallel_loop3A_256 = tpu.memref_slice %arg7[%parallel_loop3A_254, %parallel_loop3A_255] : memref<2x40960xf32, #tpu.memory_space<vmem>> -> memref<1x40960xf32, #tpu.memory_space<vmem>>
        %parallel_loop3A_257 = tpu.memref_squeeze %parallel_loop3A_256 : memref<1x40960xf32, #tpu.memory_space<vmem>> -> memref<40960xf32, #tpu.memory_space<vmem>>
        %parallel_loop3A_258 = arith.index_cast %parallel_loop3A_253 : i32 to index
        %parallel_loop3A_259 = tpu.vector_load %parallel_loop3A_257[%parallel_loop3A_258] {strides = array<i32>} : memref<40960xf32, #tpu.memory_space<vmem>>, vector<16xf32>,
        tpu.vector_store %parallel_loop3A_257[%parallel_loop3A_258], %parallel_loop3A_251 {strides = array<i32>} : memref<40960xf32, #tpu.memory_space<vmem>>, vector<16xf32>,
        %parallel_loop3A_260 = arith.constant 16 : i32
        %parallel_loop3A_261 = arith.addi %parallel_loop3A_241, %parallel_loop3A_260 : i32
        %parallel_loop3A_262 = arith.index_cast %parallel_loop3A_261 : i32 to index
        %parallel_loop3A_263 = tpu.vector_load %arg6[%parallel_loop3A_262] {strides = array<i32>} : memref<8100xf32, #tpu.memory_space<vmem>>, vector<16xf32>,
        %parallel_loop3A_264 = arith.constant 16 : i32
        %parallel_loop3A_265 = arith.addi %parallel_loop3A_247, %parallel_loop3A_264 : i32
        %parallel_loop3A_266 = arith.constant 1 : i32
        %parallel_loop3A_267 = arith.constant 0 : i32
        %parallel_loop3A_268 = tpu.memref_slice %arg7[%parallel_loop3A_266, %parallel_loop3A_267] : memref<2x40960xf32, #tpu.memory_space<vmem>> -> memref<1x40960xf32, #tpu.memory_space<vmem>>
        %parallel_loop3A_269 = tpu.memref_squeeze %parallel_loop3A_268 : memref<1x40960xf32, #tpu.memory_space<vmem>> -> memref<40960xf32, #tpu.memory_space<vmem>>
        %parallel_loop3A_270 = arith.index_cast %parallel_loop3A_265 : i32 to index
        %parallel_loop3A_271 = tpu.vector_load %parallel_loop3A_269[%parallel_loop3A_270] {strides = array<i32>} : memref<40960xf32, #tpu.memory_space<vmem>>, vector<16xf32>,
        tpu.vector_store %parallel_loop3A_269[%parallel_loop3A_270], %parallel_loop3A_263 {strides = array<i32>} : memref<40960xf32, #tpu.memory_space<vmem>>, vector<16xf32>,
        %parallel_loop3A_272 = arith.constant 32 : i32
        %parallel_loop3A_273 = arith.addi %parallel_loop3A_241, %parallel_loop3A_272 : i32
        %parallel_loop3A_274 = arith.index_cast %parallel_loop3A_273 : i32 to index
        %parallel_loop3A_275 = tpu.vector_load %arg6[%parallel_loop3A_274] {strides = array<i32>} : memref<8100xf32, #tpu.memory_space<vmem>>, vector<16xf32>,
        %parallel_loop3A_276 = arith.constant 32 : i32
        %parallel_loop3A_277 = arith.addi %parallel_loop3A_247, %parallel_loop3A_276 : i32
        %parallel_loop3A_278 = arith.constant 1 : i32
        %parallel_loop3A_279 = arith.constant 0 : i32
        %parallel_loop3A_280 = tpu.memref_slice %arg7[%parallel_loop3A_278, %parallel_loop3A_279] : memref<2x40960xf32, #tpu.memory_space<vmem>> -> memref<1x40960xf32, #tpu.memory_space<vmem>>
        %parallel_loop3A_281 = tpu.memref_squeeze %parallel_loop3A_280 : memref<1x40960xf32, #tpu.memory_space<vmem>> -> memref<40960xf32, #tpu.memory_space<vmem>>
        %parallel_loop3A_282 = arith.index_cast %parallel_loop3A_277 : i32 to index
        %parallel_loop3A_283 = tpu.vector_load %parallel_loop3A_281[%parallel_loop3A_282] {strides = array<i32>} : memref<40960xf32, #tpu.memory_space<vmem>>, vector<16xf32>,
        tpu.vector_store %parallel_loop3A_281[%parallel_loop3A_282], %parallel_loop3A_275 {strides = array<i32>} : memref<40960xf32, #tpu.memory_space<vmem>>, vector<16xf32>,
        %parallel_loop3A_284 = arith.constant 48 : i32
        %parallel_loop3A_285 = arith.addi %parallel_loop3A_241, %parallel_loop3A_284 : i32
        %parallel_loop3A_286 = arith.index_cast %parallel_loop3A_285 : i32 to index
        %parallel_loop3A_287 = tpu.vector_load %arg6[%parallel_loop3A_286] {strides = array<i32>} : memref<8100xf32, #tpu.memory_space<vmem>>, vector<16xf32>,
        %parallel_loop3A_288 = arith.constant 48 : i32
        %parallel_loop3A_289 = arith.addi %parallel_loop3A_247, %parallel_loop3A_288 : i32
        %parallel_loop3A_290 = arith.constant 1 : i32
        %parallel_loop3A_291 = arith.constant 0 : i32
        %parallel_loop3A_292 = tpu.memref_slice %arg7[%parallel_loop3A_290, %parallel_loop3A_291] : memref<2x40960xf32, #tpu.memory_space<vmem>> -> memref<1x40960xf32, #tpu.memory_space<vmem>>
        %parallel_loop3A_293 = tpu.memref_squeeze %parallel_loop3A_292 : memref<1x40960xf32, #tpu.memory_space<vmem>> -> memref<40960xf32, #tpu.memory_space<vmem>>
        %parallel_loop3A_294 = arith.index_cast %parallel_loop3A_289 : i32 to index
        %parallel_loop3A_295 = tpu.vector_load %parallel_loop3A_293[%parallel_loop3A_294] {strides = array<i32>} : memref<40960xf32, #tpu.memory_space<vmem>>, vector<16xf32>,
        tpu.vector_store %parallel_loop3A_293[%parallel_loop3A_294], %parallel_loop3A_287 {strides = array<i32>} : memref<40960xf32, #tpu.memory_space<vmem>>, vector<16xf32>,
        %parallel_loop3A_296 = arith.constant 64 : i32
        %parallel_loop3A_297 = arith.addi %parallel_loop3A_241, %parallel_loop3A_296 : i32
        %parallel_loop3A_298 = arith.index_cast %parallel_loop3A_297 : i32 to index
        %parallel_loop3A_299 = tpu.vector_load %arg6[%parallel_loop3A_298] {strides = array<i32>} : memref<8100xf32, #tpu.memory_space<vmem>>, vector<16xf32>,
        %parallel_loop3A_300 = arith.constant 64 : i32
        %parallel_loop3A_301 = arith.addi %parallel_loop3A_247, %parallel_loop3A_300 : i32
        %parallel_loop3A_302 = arith.constant 1 : i32
        %parallel_loop3A_303 = arith.constant 0 : i32
        %parallel_loop3A_304 = tpu.memref_slice %arg7[%parallel_loop3A_302, %parallel_loop3A_303] : memref<2x40960xf32, #tpu.memory_space<vmem>> -> memref<1x40960xf32, #tpu.memory_space<vmem>>
        %parallel_loop3A_305 = tpu.memref_squeeze %parallel_loop3A_304 : memref<1x40960xf32, #tpu.memory_space<vmem>> -> memref<40960xf32, #tpu.memory_space<vmem>>
        %parallel_loop3A_306 = arith.index_cast %parallel_loop3A_301 : i32 to index
        %parallel_loop3A_307 = tpu.vector_load %parallel_loop3A_305[%parallel_loop3A_306] {strides = array<i32>} : memref<40960xf32, #tpu.memory_space<vmem>>, vector<16xf32>,
        tpu.vector_store %parallel_loop3A_305[%parallel_loop3A_306], %parallel_loop3A_299 {strides = array<i32>} : memref<40960xf32, #tpu.memory_space<vmem>>, vector<16xf32>,
        %parallel_loop3A_308 = vector.extract_strided_slice %parallel_loop3A_103 {offsets = [3], sizes = [1], strides = [1]} : vector<16xi32> to vector<1xi32>
        %parallel_loop3A_309 = vector.extract %parallel_loop3A_308[0] : i32 from vector<1xi32>
        %parallel_loop3A_310 = arith.constant 16 : i32
        %parallel_loop3A_311 = arith.muli %parallel_loop3A_93, %parallel_loop3A_310 : i32
        %parallel_loop3A_312 = arith.constant 3 : i32
        %parallel_loop3A_313 = arith.addi %parallel_loop3A_311, %parallel_loop3A_312 : i32
        %parallel_loop3A_314 = arith.constant 80 : i32
        %parallel_loop3A_315 = arith.muli %parallel_loop3A_313, %parallel_loop3A_314 : i32
        %parallel_loop3A_316 = arith.constant 0 : i32
        %parallel_loop3A_317 = arith.addi %parallel_loop3A_309, %parallel_loop3A_316 : i32
        %parallel_loop3A_318 = arith.index_cast %parallel_loop3A_317 : i32 to index
        %parallel_loop3A_319 = tpu.vector_load %arg6[%parallel_loop3A_318] {strides = array<i32>} : memref<8100xf32, #tpu.memory_space<vmem>>, vector<16xf32>,
        %parallel_loop3A_320 = arith.constant 0 : i32
        %parallel_loop3A_321 = arith.addi %parallel_loop3A_315, %parallel_loop3A_320 : i32
        %parallel_loop3A_322 = arith.constant 1 : i32
        %parallel_loop3A_323 = arith.constant 0 : i32
        %parallel_loop3A_324 = tpu.memref_slice %arg7[%parallel_loop3A_322, %parallel_loop3A_323] : memref<2x40960xf32, #tpu.memory_space<vmem>> -> memref<1x40960xf32, #tpu.memory_space<vmem>>
        %parallel_loop3A_325 = tpu.memref_squeeze %parallel_loop3A_324 : memref<1x40960xf32, #tpu.memory_space<vmem>> -> memref<40960xf32, #tpu.memory_space<vmem>>
        %parallel_loop3A_326 = arith.index_cast %parallel_loop3A_321 : i32 to index
        %parallel_loop3A_327 = tpu.vector_load %parallel_loop3A_325[%parallel_loop3A_326] {strides = array<i32>} : memref<40960xf32, #tpu.memory_space<vmem>>, vector<16xf32>,
        tpu.vector_store %parallel_loop3A_325[%parallel_loop3A_326], %parallel_loop3A_319 {strides = array<i32>} : memref<40960xf32, #tpu.memory_space<vmem>>, vector<16xf32>,
        %parallel_loop3A_328 = arith.constant 16 : i32
        %parallel_loop3A_329 = arith.addi %parallel_loop3A_309, %parallel_loop3A_328 : i32
        %parallel_loop3A_330 = arith.index_cast %parallel_loop3A_329 : i32 to index
        %parallel_loop3A_331 = tpu.vector_load %arg6[%parallel_loop3A_330] {strides = array<i32>} : memref<8100xf32, #tpu.memory_space<vmem>>, vector<16xf32>,
        %parallel_loop3A_332 = arith.constant 16 : i32
        %parallel_loop3A_333 = arith.addi %parallel_loop3A_315, %parallel_loop3A_332 : i32
        %parallel_loop3A_334 = arith.constant 1 : i32
        %parallel_loop3A_335 = arith.constant 0 : i32
        %parallel_loop3A_336 = tpu.memref_slice %arg7[%parallel_loop3A_334, %parallel_loop3A_335] : memref<2x40960xf32, #tpu.memory_space<vmem>> -> memref<1x40960xf32, #tpu.memory_space<vmem>>
        %parallel_loop3A_337 = tpu.memref_squeeze %parallel_loop3A_336 : memref<1x40960xf32, #tpu.memory_space<vmem>> -> memref<40960xf32, #tpu.memory_space<vmem>>
        %parallel_loop3A_338 = arith.index_cast %parallel_loop3A_333 : i32 to index
        %parallel_loop3A_339 = tpu.vector_load %parallel_loop3A_337[%parallel_loop3A_338] {strides = array<i32>} : memref<40960xf32, #tpu.memory_space<vmem>>, vector<16xf32>,
        tpu.vector_store %parallel_loop3A_337[%parallel_loop3A_338], %parallel_loop3A_331 {strides = array<i32>} : memref<40960xf32, #tpu.memory_space<vmem>>, vector<16xf32>,
        %parallel_loop3A_340 = arith.constant 32 : i32
        %parallel_loop3A_341 = arith.addi %parallel_loop3A_309, %parallel_loop3A_340 : i32
        %parallel_loop3A_342 = arith.index_cast %parallel_loop3A_341 : i32 to index
        %parallel_loop3A_343 = tpu.vector_load %arg6[%parallel_loop3A_342] {strides = array<i32>} : memref<8100xf32, #tpu.memory_space<vmem>>, vector<16xf32>,
        %parallel_loop3A_344 = arith.constant 32 : i32
        %parallel_loop3A_345 = arith.addi %parallel_loop3A_315, %parallel_loop3A_344 : i32
        %parallel_loop3A_346 = arith.constant 1 : i32
        %parallel_loop3A_347 = arith.constant 0 : i32
        %parallel_loop3A_348 = tpu.memref_slice %arg7[%parallel_loop3A_346, %parallel_loop3A_347] : memref<2x40960xf32, #tpu.memory_space<vmem>> -> memref<1x40960xf32, #tpu.memory_space<vmem>>
        %parallel_loop3A_349 = tpu.memref_squeeze %parallel_loop3A_348 : memref<1x40960xf32, #tpu.memory_space<vmem>> -> memref<40960xf32, #tpu.memory_space<vmem>>
        %parallel_loop3A_350 = arith.index_cast %parallel_loop3A_345 : i32 to index
        %parallel_loop3A_351 = tpu.vector_load %parallel_loop3A_349[%parallel_loop3A_350] {strides = array<i32>} : memref<40960xf32, #tpu.memory_space<vmem>>, vector<16xf32>,
        tpu.vector_store %parallel_loop3A_349[%parallel_loop3A_350], %parallel_loop3A_343 {strides = array<i32>} : memref<40960xf32, #tpu.memory_space<vmem>>, vector<16xf32>,
        %parallel_loop3A_352 = arith.constant 48 : i32
        %parallel_loop3A_353 = arith.addi %parallel_loop3A_309, %parallel_loop3A_352 : i32
        %parallel_loop3A_354 = arith.index_cast %parallel_loop3A_353 : i32 to index
        %parallel_loop3A_355 = tpu.vector_load %arg6[%parallel_loop3A_354] {strides = array<i32>} : memref<8100xf32, #tpu.memory_space<vmem>>, vector<16xf32>,
        %parallel_loop3A_356 = arith.constant 48 : i32
        %parallel_loop3A_357 = arith.addi %parallel_loop3A_315, %parallel_loop3A_356 : i32
        %parallel_loop3A_358 = arith.constant 1 : i32
        %parallel_loop3A_359 = arith.constant 0 : i32
        %parallel_loop3A_360 = tpu.memref_slice %arg7[%parallel_loop3A_358, %parallel_loop3A_359] : memref<2x40960xf32, #tpu.memory_space<vmem>> -> memref<1x40960xf32, #tpu.memory_space<vmem>>
        %parallel_loop3A_361 = tpu.memref_squeeze %parallel_loop3A_360 : memref<1x40960xf32, #tpu.memory_space<vmem>> -> memref<40960xf32, #tpu.memory_space<vmem>>
        %parallel_loop3A_362 = arith.index_cast %parallel_loop3A_357 : i32 to index
        %parallel_loop3A_363 = tpu.vector_load %parallel_loop3A_361[%parallel_loop3A_362] {strides = array<i32>} : memref<40960xf32, #tpu.memory_space<vmem>>, vector<16xf32>,
        tpu.vector_store %parallel_loop3A_361[%parallel_loop3A_362], %parallel_loop3A_355 {strides = array<i32>} : memref<40960xf32, #tpu.memory_space<vmem>>, vector<16xf32>,
        %parallel_loop3A_364 = arith.constant 64 : i32
        %parallel_loop3A_365 = arith.addi %parallel_loop3A_309, %parallel_loop3A_364 : i32
        %parallel_loop3A_366 = arith.index_cast %parallel_loop3A_365 : i32 to index
        %parallel_loop3A_367 = tpu.vector_load %arg6[%parallel_loop3A_366] {strides = array<i32>} : memref<8100xf32, #tpu.memory_space<vmem>>, vector<16xf32>,
        %parallel_loop3A_368 = arith.constant 64 : i32
        %parallel_loop3A_369 = arith.addi %parallel_loop3A_315, %parallel_loop3A_368 : i32
        %parallel_loop3A_370 = arith.constant 1 : i32
        %parallel_loop3A_371 = arith.constant 0 : i32
        %parallel_loop3A_372 = tpu.memref_slice %arg7[%parallel_loop3A_370, %parallel_loop3A_371] : memref<2x40960xf32, #tpu.memory_space<vmem>> -> memref<1x40960xf32, #tpu.memory_space<vmem>>
        %parallel_loop3A_373 = tpu.memref_squeeze %parallel_loop3A_372 : memref<1x40960xf32, #tpu.memory_space<vmem>> -> memref<40960xf32, #tpu.memory_space<vmem>>
        %parallel_loop3A_374 = arith.index_cast %parallel_loop3A_369 : i32 to index
        %parallel_loop3A_375 = tpu.vector_load %parallel_loop3A_373[%parallel_loop3A_374] {strides = array<i32>} : memref<40960xf32, #tpu.memory_space<vmem>>, vector<16xf32>,
        tpu.vector_store %parallel_loop3A_373[%parallel_loop3A_374], %parallel_loop3A_367 {strides = array<i32>} : memref<40960xf32, #tpu.memory_space<vmem>>, vector<16xf32>,
        %parallel_loop3A_376 = vector.extract_strided_slice %parallel_loop3A_103 {offsets = [4], sizes = [1], strides = [1]} : vector<16xi32> to vector<1xi32>
        %parallel_loop3A_377 = vector.extract %parallel_loop3A_376[0] : i32 from vector<1xi32>
        %parallel_loop3A_378 = arith.constant 16 : i32
        %parallel_loop3A_379 = arith.muli %parallel_loop3A_93, %parallel_loop3A_378 : i32
        %parallel_loop3A_380 = arith.constant 4 : i32
        %parallel_loop3A_381 = arith.addi %parallel_loop3A_379, %parallel_loop3A_380 : i32
        %parallel_loop3A_382 = arith.constant 80 : i32
        %parallel_loop3A_383 = arith.muli %parallel_loop3A_381, %parallel_loop3A_382 : i32
        %parallel_loop3A_384 = arith.constant 0 : i32
        %parallel_loop3A_385 = arith.addi %parallel_loop3A_377, %parallel_loop3A_384 : i32
        %parallel_loop3A_386 = arith.index_cast %parallel_loop3A_385 : i32 to index
        %parallel_loop3A_387 = tpu.vector_load %arg6[%parallel_loop3A_386] {strides = array<i32>} : memref<8100xf32, #tpu.memory_space<vmem>>, vector<16xf32>,
        %parallel_loop3A_388 = arith.constant 0 : i32
        %parallel_loop3A_389 = arith.addi %parallel_loop3A_383, %parallel_loop3A_388 : i32
        %parallel_loop3A_390 = arith.constant 1 : i32
        %parallel_loop3A_391 = arith.constant 0 : i32
        %parallel_loop3A_392 = tpu.memref_slice %arg7[%parallel_loop3A_390, %parallel_loop3A_391] : memref<2x40960xf32, #tpu.memory_space<vmem>> -> memref<1x40960xf32, #tpu.memory_space<vmem>>
        %parallel_loop3A_393 = tpu.memref_squeeze %parallel_loop3A_392 : memref<1x40960xf32, #tpu.memory_space<vmem>> -> memref<40960xf32, #tpu.memory_space<vmem>>
        %parallel_loop3A_394 = arith.index_cast %parallel_loop3A_389 : i32 to index
        %parallel_loop3A_395 = tpu.vector_load %parallel_loop3A_393[%parallel_loop3A_394] {strides = array<i32>} : memref<40960xf32, #tpu.memory_space<vmem>>, vector<16xf32>,
        tpu.vector_store %parallel_loop3A_393[%parallel_loop3A_394], %parallel_loop3A_387 {strides = array<i32>} : memref<40960xf32, #tpu.memory_space<vmem>>, vector<16xf32>,
        %parallel_loop3A_396 = arith.constant 16 : i32
        %parallel_loop3A_397 = arith.addi %parallel_loop3A_377, %parallel_loop3A_396 : i32
        %parallel_loop3A_398 = arith.index_cast %parallel_loop3A_397 : i32 to index
        %parallel_loop3A_399 = tpu.vector_load %arg6[%parallel_loop3A_398] {strides = array<i32>} : memref<8100xf32, #tpu.memory_space<vmem>>, vector<16xf32>,
        %parallel_loop3A_400 = arith.constant 16 : i32
        %parallel_loop3A_401 = arith.addi %parallel_loop3A_383, %parallel_loop3A_400 : i32
        %parallel_loop3A_402 = arith.constant 1 : i32
        %parallel_loop3A_403 = arith.constant 0 : i32
        %parallel_loop3A_404 = tpu.memref_slice %arg7[%parallel_loop3A_402, %parallel_loop3A_403] : memref<2x40960xf32, #tpu.memory_space<vmem>> -> memref<1x40960xf32, #tpu.memory_space<vmem>>
        %parallel_loop3A_405 = tpu.memref_squeeze %parallel_loop3A_404 : memref<1x40960xf32, #tpu.memory_space<vmem>> -> memref<40960xf32, #tpu.memory_space<vmem>>
        %parallel_loop3A_406 = arith.index_cast %parallel_loop3A_401 : i32 to index
        %parallel_loop3A_407 = tpu.vector_load %parallel_loop3A_405[%parallel_loop3A_406] {strides = array<i32>} : memref<40960xf32, #tpu.memory_space<vmem>>, vector<16xf32>,
        tpu.vector_store %parallel_loop3A_405[%parallel_loop3A_406], %parallel_loop3A_399 {strides = array<i32>} : memref<40960xf32, #tpu.memory_space<vmem>>, vector<16xf32>,
        %parallel_loop3A_408 = arith.constant 32 : i32
        %parallel_loop3A_409 = arith.addi %parallel_loop3A_377, %parallel_loop3A_408 : i32
        %parallel_loop3A_410 = arith.index_cast %parallel_loop3A_409 : i32 to index
        %parallel_loop3A_411 = tpu.vector_load %arg6[%parallel_loop3A_410] {strides = array<i32>} : memref<8100xf32, #tpu.memory_space<vmem>>, vector<16xf32>,
        %parallel_loop3A_412 = arith.constant 32 : i32
        %parallel_loop3A_413 = arith.addi %parallel_loop3A_383, %parallel_loop3A_412 : i32
        %parallel_loop3A_414 = arith.constant 1 : i32
        %parallel_loop3A_415 = arith.constant 0 : i32
        %parallel_loop3A_416 = tpu.memref_slice %arg7[%parallel_loop3A_414, %parallel_loop3A_415] : memref<2x40960xf32, #tpu.memory_space<vmem>> -> memref<1x40960xf32, #tpu.memory_space<vmem>>
        %parallel_loop3A_417 = tpu.memref_squeeze %parallel_loop3A_416 : memref<1x40960xf32, #tpu.memory_space<vmem>> -> memref<40960xf32, #tpu.memory_space<vmem>>
        %parallel_loop3A_418 = arith.index_cast %parallel_loop3A_413 : i32 to index
        %parallel_loop3A_419 = tpu.vector_load %parallel_loop3A_417[%parallel_loop3A_418] {strides = array<i32>} : memref<40960xf32, #tpu.memory_space<vmem>>, vector<16xf32>,
        tpu.vector_store %parallel_loop3A_417[%parallel_loop3A_418], %parallel_loop3A_411 {strides = array<i32>} : memref<40960xf32, #tpu.memory_space<vmem>>, vector<16xf32>,
        %parallel_loop3A_420 = arith.constant 48 : i32
        %parallel_loop3A_421 = arith.addi %parallel_loop3A_377, %parallel_loop3A_420 : i32
        %parallel_loop3A_422 = arith.index_cast %parallel_loop3A_421 : i32 to index
        %parallel_loop3A_423 = tpu.vector_load %arg6[%parallel_loop3A_422] {strides = array<i32>} : memref<8100xf32, #tpu.memory_space<vmem>>, vector<16xf32>,
        %parallel_loop3A_424 = arith.constant 48 : i32
        %parallel_loop3A_425 = arith.addi %parallel_loop3A_383, %parallel_loop3A_424 : i32
        %parallel_loop3A_426 = arith.constant 1 : i32
        %parallel_loop3A_427 = arith.constant 0 : i32
        %parallel_loop3A_428 = tpu.memref_slice %arg7[%parallel_loop3A_426, %parallel_loop3A_427] : memref<2x40960xf32, #tpu.memory_space<vmem>> -> memref<1x40960xf32, #tpu.memory_space<vmem>>
        %parallel_loop3A_429 = tpu.memref_squeeze %parallel_loop3A_428 : memref<1x40960xf32, #tpu.memory_space<vmem>> -> memref<40960xf32, #tpu.memory_space<vmem>>
        %parallel_loop3A_430 = arith.index_cast %parallel_loop3A_425 : i32 to index
        %parallel_loop3A_431 = tpu.vector_load %parallel_loop3A_429[%parallel_loop3A_430] {strides = array<i32>} : memref<40960xf32, #tpu.memory_space<vmem>>, vector<16xf32>,
        tpu.vector_store %parallel_loop3A_429[%parallel_loop3A_430], %parallel_loop3A_423 {strides = array<i32>} : memref<40960xf32, #tpu.memory_space<vmem>>, vector<16xf32>,
        %parallel_loop3A_432 = arith.constant 64 : i32
        %parallel_loop3A_433 = arith.addi %parallel_loop3A_377, %parallel_loop3A_432 : i32
        %parallel_loop3A_434 = arith.index_cast %parallel_loop3A_433 : i32 to index
        %parallel_loop3A_435 = tpu.vector_load %arg6[%parallel_loop3A_434] {strides = array<i32>} : memref<8100xf32, #tpu.memory_space<vmem>>, vector<16xf32>,
        %parallel_loop3A_436 = arith.constant 64 : i32
        %parallel_loop3A_437 = arith.addi %parallel_loop3A_383, %parallel_loop3A_436 : i32
        %parallel_loop3A_438 = arith.constant 1 : i32
        %parallel_loop3A_439 = arith.constant 0 : i32
        %parallel_loop3A_440 = tpu.memref_slice %arg7[%parallel_loop3A_438, %parallel_loop3A_439] : memref<2x40960xf32, #tpu.memory_space<vmem>> -> memref<1x40960xf32, #tpu.memory_space<vmem>>
        %parallel_loop3A_441 = tpu.memref_squeeze %parallel_loop3A_440 : memref<1x40960xf32, #tpu.memory_space<vmem>> -> memref<40960xf32, #tpu.memory_space<vmem>>
        %parallel_loop3A_442 = arith.index_cast %parallel_loop3A_437 : i32 to index
        %parallel_loop3A_443 = tpu.vector_load %parallel_loop3A_441[%parallel_loop3A_442] {strides = array<i32>} : memref<40960xf32, #tpu.memory_space<vmem>>, vector<16xf32>,
        tpu.vector_store %parallel_loop3A_441[%parallel_loop3A_442], %parallel_loop3A_435 {strides = array<i32>} : memref<40960xf32, #tpu.memory_space<vmem>>, vector<16xf32>,
        %parallel_loop3A_444 = vector.extract_strided_slice %parallel_loop3A_103 {offsets = [5], sizes = [1], strides = [1]} : vector<16xi32> to vector<1xi32>
        %parallel_loop3A_445 = vector.extract %parallel_loop3A_444[0] : i32 from vector<1xi32>
        %parallel_loop3A_446 = arith.constant 16 : i32
        %parallel_loop3A_447 = arith.muli %parallel_loop3A_93, %parallel_loop3A_446 : i32
        %parallel_loop3A_448 = arith.constant 5 : i32
        %parallel_loop3A_449 = arith.addi %parallel_loop3A_447, %parallel_loop3A_448 : i32
        %parallel_loop3A_450 = arith.constant 80 : i32
        %parallel_loop3A_451 = arith.muli %parallel_loop3A_449, %parallel_loop3A_450 : i32
        %parallel_loop3A_452 = arith.constant 0 : i32
        %parallel_loop3A_453 = arith.addi %parallel_loop3A_445, %parallel_loop3A_452 : i32
        %parallel_loop3A_454 = arith.index_cast %parallel_loop3A_453 : i32 to index
        %parallel_loop3A_455 = tpu.vector_load %arg6[%parallel_loop3A_454] {strides = array<i32>} : memref<8100xf32, #tpu.memory_space<vmem>>, vector<16xf32>,
        %parallel_loop3A_456 = arith.constant 0 : i32
        %parallel_loop3A_457 = arith.addi %parallel_loop3A_451, %parallel_loop3A_456 : i32
        %parallel_loop3A_458 = arith.constant 1 : i32
        %parallel_loop3A_459 = arith.constant 0 : i32
        %parallel_loop3A_460 = tpu.memref_slice %arg7[%parallel_loop3A_458, %parallel_loop3A_459] : memref<2x40960xf32, #tpu.memory_space<vmem>> -> memref<1x40960xf32, #tpu.memory_space<vmem>>
        %parallel_loop3A_461 = tpu.memref_squeeze %parallel_loop3A_460 : memref<1x40960xf32, #tpu.memory_space<vmem>> -> memref<40960xf32, #tpu.memory_space<vmem>>
        %parallel_loop3A_462 = arith.index_cast %parallel_loop3A_457 : i32 to index
        %parallel_loop3A_463 = tpu.vector_load %parallel_loop3A_461[%parallel_loop3A_462] {strides = array<i32>} : memref<40960xf32, #tpu.memory_space<vmem>>, vector<16xf32>,
        tpu.vector_store %parallel_loop3A_461[%parallel_loop3A_462], %parallel_loop3A_455 {strides = array<i32>} : memref<40960xf32, #tpu.memory_space<vmem>>, vector<16xf32>,
        %parallel_loop3A_464 = arith.constant 16 : i32
        %parallel_loop3A_465 = arith.addi %parallel_loop3A_445, %parallel_loop3A_464 : i32
        %parallel_loop3A_466 = arith.index_cast %parallel_loop3A_465 : i32 to index
        %parallel_loop3A_467 = tpu.vector_load %arg6[%parallel_loop3A_466] {strides = array<i32>} : memref<8100xf32, #tpu.memory_space<vmem>>, vector<16xf32>,
        %parallel_loop3A_468 = arith.constant 16 : i32
        %parallel_loop3A_469 = arith.addi %parallel_loop3A_451, %parallel_loop3A_468 : i32
        %parallel_loop3A_470 = arith.constant 1 : i32
        %parallel_loop3A_471 = arith.constant 0 : i32
        %parallel_loop3A_472 = tpu.memref_slice %arg7[%parallel_loop3A_470, %parallel_loop3A_471] : memref<2x40960xf32, #tpu.memory_space<vmem>> -> memref<1x40960xf32, #tpu.memory_space<vmem>>
        %parallel_loop3A_473 = tpu.memref_squeeze %parallel_loop3A_472 : memref<1x40960xf32, #tpu.memory_space<vmem>> -> memref<40960xf32, #tpu.memory_space<vmem>>
        %parallel_loop3A_474 = arith.index_cast %parallel_loop3A_469 : i32 to index
        %parallel_loop3A_475 = tpu.vector_load %parallel_loop3A_473[%parallel_loop3A_474] {strides = array<i32>} : memref<40960xf32, #tpu.memory_space<vmem>>, vector<16xf32>,
        tpu.vector_store %parallel_loop3A_473[%parallel_loop3A_474], %parallel_loop3A_467 {strides = array<i32>} : memref<40960xf32, #tpu.memory_space<vmem>>, vector<16xf32>,
        %parallel_loop3A_476 = arith.constant 32 : i32
        %parallel_loop3A_477 = arith.addi %parallel_loop3A_445, %parallel_loop3A_476 : i32
        %parallel_loop3A_478 = arith.index_cast %parallel_loop3A_477 : i32 to index
        %parallel_loop3A_479 = tpu.vector_load %arg6[%parallel_loop3A_478] {strides = array<i32>} : memref<8100xf32, #tpu.memory_space<vmem>>, vector<16xf32>,
        %parallel_loop3A_480 = arith.constant 32 : i32
        %parallel_loop3A_481 = arith.addi %parallel_loop3A_451, %parallel_loop3A_480 : i32
        %parallel_loop3A_482 = arith.constant 1 : i32
        %parallel_loop3A_483 = arith.constant 0 : i32
        %parallel_loop3A_484 = tpu.memref_slice %arg7[%parallel_loop3A_482, %parallel_loop3A_483] : memref<2x40960xf32, #tpu.memory_space<vmem>> -> memref<1x40960xf32, #tpu.memory_space<vmem>>
        %parallel_loop3A_485 = tpu.memref_squeeze %parallel_loop3A_484 : memref<1x40960xf32, #tpu.memory_space<vmem>> -> memref<40960xf32, #tpu.memory_space<vmem>>
        %parallel_loop3A_486 = arith.index_cast %parallel_loop3A_481 : i32 to index
        %parallel_loop3A_487 = tpu.vector_load %parallel_loop3A_485[%parallel_loop3A_486] {strides = array<i32>} : memref<40960xf32, #tpu.memory_space<vmem>>, vector<16xf32>,
        tpu.vector_store %parallel_loop3A_485[%parallel_loop3A_486], %parallel_loop3A_479 {strides = array<i32>} : memref<40960xf32, #tpu.memory_space<vmem>>, vector<16xf32>,
        %parallel_loop3A_488 = arith.constant 48 : i32
        %parallel_loop3A_489 = arith.addi %parallel_loop3A_445, %parallel_loop3A_488 : i32
        %parallel_loop3A_490 = arith.index_cast %parallel_loop3A_489 : i32 to index
        %parallel_loop3A_491 = tpu.vector_load %arg6[%parallel_loop3A_490] {strides = array<i32>} : memref<8100xf32, #tpu.memory_space<vmem>>, vector<16xf32>,
        %parallel_loop3A_492 = arith.constant 48 : i32
        %parallel_loop3A_493 = arith.addi %parallel_loop3A_451, %parallel_loop3A_492 : i32
        %parallel_loop3A_494 = arith.constant 1 : i32
        %parallel_loop3A_495 = arith.constant 0 : i32
        %parallel_loop3A_496 = tpu.memref_slice %arg7[%parallel_loop3A_494, %parallel_loop3A_495] : memref<2x40960xf32, #tpu.memory_space<vmem>> -> memref<1x40960xf32, #tpu.memory_space<vmem>>
        %parallel_loop3A_497 = tpu.memref_squeeze %parallel_loop3A_496 : memref<1x40960xf32, #tpu.memory_space<vmem>> -> memref<40960xf32, #tpu.memory_space<vmem>>
        %parallel_loop3A_498 = arith.index_cast %parallel_loop3A_493 : i32 to index
        %parallel_loop3A_499 = tpu.vector_load %parallel_loop3A_497[%parallel_loop3A_498] {strides = array<i32>} : memref<40960xf32, #tpu.memory_space<vmem>>, vector<16xf32>,
        tpu.vector_store %parallel_loop3A_497[%parallel_loop3A_498], %parallel_loop3A_491 {strides = array<i32>} : memref<40960xf32, #tpu.memory_space<vmem>>, vector<16xf32>,
        %parallel_loop3A_500 = arith.constant 64 : i32
        %parallel_loop3A_501 = arith.addi %parallel_loop3A_445, %parallel_loop3A_500 : i32
        %parallel_loop3A_502 = arith.index_cast %parallel_loop3A_501 : i32 to index
        %parallel_loop3A_503 = tpu.vector_load %arg6[%parallel_loop3A_502] {strides = array<i32>} : memref<8100xf32, #tpu.memory_space<vmem>>, vector<16xf32>,
        %parallel_loop3A_504 = arith.constant 64 : i32
        %parallel_loop3A_505 = arith.addi %parallel_loop3A_451, %parallel_loop3A_504 : i32
        %parallel_loop3A_506 = arith.constant 1 : i32
        %parallel_loop3A_507 = arith.constant 0 : i32
        %parallel_loop3A_508 = tpu.memref_slice %arg7[%parallel_loop3A_506, %parallel_loop3A_507] : memref<2x40960xf32, #tpu.memory_space<vmem>> -> memref<1x40960xf32, #tpu.memory_space<vmem>>
        %parallel_loop3A_509 = tpu.memref_squeeze %parallel_loop3A_508 : memref<1x40960xf32, #tpu.memory_space<vmem>> -> memref<40960xf32, #tpu.memory_space<vmem>>
        %parallel_loop3A_510 = arith.index_cast %parallel_loop3A_505 : i32 to index
        %parallel_loop3A_511 = tpu.vector_load %parallel_loop3A_509[%parallel_loop3A_510] {strides = array<i32>} : memref<40960xf32, #tpu.memory_space<vmem>>, vector<16xf32>,
        tpu.vector_store %parallel_loop3A_509[%parallel_loop3A_510], %parallel_loop3A_503 {strides = array<i32>} : memref<40960xf32, #tpu.memory_space<vmem>>, vector<16xf32>,
        %parallel_loop3A_512 = vector.extract_strided_slice %parallel_loop3A_103 {offsets = [6], sizes = [1], strides = [1]} : vector<16xi32> to vector<1xi32>
        %parallel_loop3A_513 = vector.extract %parallel_loop3A_512[0] : i32 from vector<1xi32>
        %parallel_loop3A_514 = arith.constant 16 : i32
        %parallel_loop3A_515 = arith.muli %parallel_loop3A_93, %parallel_loop3A_514 : i32
        %parallel_loop3A_516 = arith.constant 6 : i32
        %parallel_loop3A_517 = arith.addi %parallel_loop3A_515, %parallel_loop3A_516 : i32
        %parallel_loop3A_518 = arith.constant 80 : i32
        %parallel_loop3A_519 = arith.muli %parallel_loop3A_517, %parallel_loop3A_518 : i32
        %parallel_loop3A_520 = arith.constant 0 : i32
        %parallel_loop3A_521 = arith.addi %parallel_loop3A_513, %parallel_loop3A_520 : i32
        %parallel_loop3A_522 = arith.index_cast %parallel_loop3A_521 : i32 to index
        %parallel_loop3A_523 = tpu.vector_load %arg6[%parallel_loop3A_522] {strides = array<i32>} : memref<8100xf32, #tpu.memory_space<vmem>>, vector<16xf32>,
        %parallel_loop3A_524 = arith.constant 0 : i32
        %parallel_loop3A_525 = arith.addi %parallel_loop3A_519, %parallel_loop3A_524 : i32
        %parallel_loop3A_526 = arith.constant 1 : i32
        %parallel_loop3A_527 = arith.constant 0 : i32
        %parallel_loop3A_528 = tpu.memref_slice %arg7[%parallel_loop3A_526, %parallel_loop3A_527] : memref<2x40960xf32, #tpu.memory_space<vmem>> -> memref<1x40960xf32, #tpu.memory_space<vmem>>
        %parallel_loop3A_529 = tpu.memref_squeeze %parallel_loop3A_528 : memref<1x40960xf32, #tpu.memory_space<vmem>> -> memref<40960xf32, #tpu.memory_space<vmem>>
        %parallel_loop3A_530 = arith.index_cast %parallel_loop3A_525 : i32 to index
        %parallel_loop3A_531 = tpu.vector_load %parallel_loop3A_529[%parallel_loop3A_530] {strides = array<i32>} : memref<40960xf32, #tpu.memory_space<vmem>>, vector<16xf32>,
        tpu.vector_store %parallel_loop3A_529[%parallel_loop3A_530], %parallel_loop3A_523 {strides = array<i32>} : memref<40960xf32, #tpu.memory_space<vmem>>, vector<16xf32>,
        %parallel_loop3A_532 = arith.constant 16 : i32
        %parallel_loop3A_533 = arith.addi %parallel_loop3A_513, %parallel_loop3A_532 : i32
        %parallel_loop3A_534 = arith.index_cast %parallel_loop3A_533 : i32 to index
        %parallel_loop3A_535 = tpu.vector_load %arg6[%parallel_loop3A_534] {strides = array<i32>} : memref<8100xf32, #tpu.memory_space<vmem>>, vector<16xf32>,
        %parallel_loop3A_536 = arith.constant 16 : i32
        %parallel_loop3A_537 = arith.addi %parallel_loop3A_519, %parallel_loop3A_536 : i32
        %parallel_loop3A_538 = arith.constant 1 : i32
        %parallel_loop3A_539 = arith.constant 0 : i32
        %parallel_loop3A_540 = tpu.memref_slice %arg7[%parallel_loop3A_538, %parallel_loop3A_539] : memref<2x40960xf32, #tpu.memory_space<vmem>> -> memref<1x40960xf32, #tpu.memory_space<vmem>>
        %parallel_loop3A_541 = tpu.memref_squeeze %parallel_loop3A_540 : memref<1x40960xf32, #tpu.memory_space<vmem>> -> memref<40960xf32, #tpu.memory_space<vmem>>
        %parallel_loop3A_542 = arith.index_cast %parallel_loop3A_537 : i32 to index
        %parallel_loop3A_543 = tpu.vector_load %parallel_loop3A_541[%parallel_loop3A_542] {strides = array<i32>} : memref<40960xf32, #tpu.memory_space<vmem>>, vector<16xf32>,
        tpu.vector_store %parallel_loop3A_541[%parallel_loop3A_542], %parallel_loop3A_535 {strides = array<i32>} : memref<40960xf32, #tpu.memory_space<vmem>>, vector<16xf32>,
        %parallel_loop3A_544 = arith.constant 32 : i32
        %parallel_loop3A_545 = arith.addi %parallel_loop3A_513, %parallel_loop3A_544 : i32
        %parallel_loop3A_546 = arith.index_cast %parallel_loop3A_545 : i32 to index
        %parallel_loop3A_547 = tpu.vector_load %arg6[%parallel_loop3A_546] {strides = array<i32>} : memref<8100xf32, #tpu.memory_space<vmem>>, vector<16xf32>,
        %parallel_loop3A_548 = arith.constant 32 : i32
        %parallel_loop3A_549 = arith.addi %parallel_loop3A_519, %parallel_loop3A_548 : i32
        %parallel_loop3A_550 = arith.constant 1 : i32
        %parallel_loop3A_551 = arith.constant 0 : i32
        %parallel_loop3A_552 = tpu.memref_slice %arg7[%parallel_loop3A_550, %parallel_loop3A_551] : memref<2x40960xf32, #tpu.memory_space<vmem>> -> memref<1x40960xf32, #tpu.memory_space<vmem>>
        %parallel_loop3A_553 = tpu.memref_squeeze %parallel_loop3A_552 : memref<1x40960xf32, #tpu.memory_space<vmem>> -> memref<40960xf32, #tpu.memory_space<vmem>>
        %parallel_loop3A_554 = arith.index_cast %parallel_loop3A_549 : i32 to index
        %parallel_loop3A_555 = tpu.vector_load %parallel_loop3A_553[%parallel_loop3A_554] {strides = array<i32>} : memref<40960xf32, #tpu.memory_space<vmem>>, vector<16xf32>,
        tpu.vector_store %parallel_loop3A_553[%parallel_loop3A_554], %parallel_loop3A_547 {strides = array<i32>} : memref<40960xf32, #tpu.memory_space<vmem>>, vector<16xf32>,
        %parallel_loop3A_556 = arith.constant 48 : i32
        %parallel_loop3A_557 = arith.addi %parallel_loop3A_513, %parallel_loop3A_556 : i32
        %parallel_loop3A_558 = arith.index_cast %parallel_loop3A_557 : i32 to index
        %parallel_loop3A_559 = tpu.vector_load %arg6[%parallel_loop3A_558] {strides = array<i32>} : memref<8100xf32, #tpu.memory_space<vmem>>, vector<16xf32>,
        %parallel_loop3A_560 = arith.constant 48 : i32
        %parallel_loop3A_561 = arith.addi %parallel_loop3A_519, %parallel_loop3A_560 : i32
        %parallel_loop3A_562 = arith.constant 1 : i32
        %parallel_loop3A_563 = arith.constant 0 : i32
        %parallel_loop3A_564 = tpu.memref_slice %arg7[%parallel_loop3A_562, %parallel_loop3A_563] : memref<2x40960xf32, #tpu.memory_space<vmem>> -> memref<1x40960xf32, #tpu.memory_space<vmem>>
        %parallel_loop3A_565 = tpu.memref_squeeze %parallel_loop3A_564 : memref<1x40960xf32, #tpu.memory_space<vmem>> -> memref<40960xf32, #tpu.memory_space<vmem>>
        %parallel_loop3A_566 = arith.index_cast %parallel_loop3A_561 : i32 to index
        %parallel_loop3A_567 = tpu.vector_load %parallel_loop3A_565[%parallel_loop3A_566] {strides = array<i32>} : memref<40960xf32, #tpu.memory_space<vmem>>, vector<16xf32>,
        tpu.vector_store %parallel_loop3A_565[%parallel_loop3A_566], %parallel_loop3A_559 {strides = array<i32>} : memref<40960xf32, #tpu.memory_space<vmem>>, vector<16xf32>,
        %parallel_loop3A_568 = arith.constant 64 : i32
        %parallel_loop3A_569 = arith.addi %parallel_loop3A_513, %parallel_loop3A_568 : i32
        %parallel_loop3A_570 = arith.index_cast %parallel_loop3A_569 : i32 to index
        %parallel_loop3A_571 = tpu.vector_load %arg6[%parallel_loop3A_570] {strides = array<i32>} : memref<8100xf32, #tpu.memory_space<vmem>>, vector<16xf32>,
        %parallel_loop3A_572 = arith.constant 64 : i32
        %parallel_loop3A_573 = arith.addi %parallel_loop3A_519, %parallel_loop3A_572 : i32
        %parallel_loop3A_574 = arith.constant 1 : i32
        %parallel_loop3A_575 = arith.constant 0 : i32
        %parallel_loop3A_576 = tpu.memref_slice %arg7[%parallel_loop3A_574, %parallel_loop3A_575] : memref<2x40960xf32, #tpu.memory_space<vmem>> -> memref<1x40960xf32, #tpu.memory_space<vmem>>
        %parallel_loop3A_577 = tpu.memref_squeeze %parallel_loop3A_576 : memref<1x40960xf32, #tpu.memory_space<vmem>> -> memref<40960xf32, #tpu.memory_space<vmem>>
        %parallel_loop3A_578 = arith.index_cast %parallel_loop3A_573 : i32 to index
        %parallel_loop3A_579 = tpu.vector_load %parallel_loop3A_577[%parallel_loop3A_578] {strides = array<i32>} : memref<40960xf32, #tpu.memory_space<vmem>>, vector<16xf32>,
        tpu.vector_store %parallel_loop3A_577[%parallel_loop3A_578], %parallel_loop3A_571 {strides = array<i32>} : memref<40960xf32, #tpu.memory_space<vmem>>, vector<16xf32>,
        %parallel_loop3A_580 = vector.extract_strided_slice %parallel_loop3A_103 {offsets = [7], sizes = [1], strides = [1]} : vector<16xi32> to vector<1xi32>
        %parallel_loop3A_581 = vector.extract %parallel_loop3A_580[0] : i32 from vector<1xi32>
        %parallel_loop3A_582 = arith.constant 16 : i32
        %parallel_loop3A_583 = arith.muli %parallel_loop3A_93, %parallel_loop3A_582 : i32
        %parallel_loop3A_584 = arith.constant 7 : i32
        %parallel_loop3A_585 = arith.addi %parallel_loop3A_583, %parallel_loop3A_584 : i32
        %parallel_loop3A_586 = arith.constant 80 : i32
        %parallel_loop3A_587 = arith.muli %parallel_loop3A_585, %parallel_loop3A_586 : i32
        %parallel_loop3A_588 = arith.constant 0 : i32
        %parallel_loop3A_589 = arith.addi %parallel_loop3A_581, %parallel_loop3A_588 : i32
        %parallel_loop3A_590 = arith.index_cast %parallel_loop3A_589 : i32 to index
        %parallel_loop3A_591 = tpu.vector_load %arg6[%parallel_loop3A_590] {strides = array<i32>} : memref<8100xf32, #tpu.memory_space<vmem>>, vector<16xf32>,
        %parallel_loop3A_592 = arith.constant 0 : i32
        %parallel_loop3A_593 = arith.addi %parallel_loop3A_587, %parallel_loop3A_592 : i32
        %parallel_loop3A_594 = arith.constant 1 : i32
        %parallel_loop3A_595 = arith.constant 0 : i32
        %parallel_loop3A_596 = tpu.memref_slice %arg7[%parallel_loop3A_594, %parallel_loop3A_595] : memref<2x40960xf32, #tpu.memory_space<vmem>> -> memref<1x40960xf32, #tpu.memory_space<vmem>>
        %parallel_loop3A_597 = tpu.memref_squeeze %parallel_loop3A_596 : memref<1x40960xf32, #tpu.memory_space<vmem>> -> memref<40960xf32, #tpu.memory_space<vmem>>
        %parallel_loop3A_598 = arith.index_cast %parallel_loop3A_593 : i32 to index
        %parallel_loop3A_599 = tpu.vector_load %parallel_loop3A_597[%parallel_loop3A_598] {strides = array<i32>} : memref<40960xf32, #tpu.memory_space<vmem>>, vector<16xf32>,
        tpu.vector_store %parallel_loop3A_597[%parallel_loop3A_598], %parallel_loop3A_591 {strides = array<i32>} : memref<40960xf32, #tpu.memory_space<vmem>>, vector<16xf32>,
        %parallel_loop3A_600 = arith.constant 16 : i32
        %parallel_loop3A_601 = arith.addi %parallel_loop3A_581, %parallel_loop3A_600 : i32
        %parallel_loop3A_602 = arith.index_cast %parallel_loop3A_601 : i32 to index
        %parallel_loop3A_603 = tpu.vector_load %arg6[%parallel_loop3A_602] {strides = array<i32>} : memref<8100xf32, #tpu.memory_space<vmem>>, vector<16xf32>,
        %parallel_loop3A_604 = arith.constant 16 : i32
        %parallel_loop3A_605 = arith.addi %parallel_loop3A_587, %parallel_loop3A_604 : i32
        %parallel_loop3A_606 = arith.constant 1 : i32
        %parallel_loop3A_607 = arith.constant 0 : i32
        %parallel_loop3A_608 = tpu.memref_slice %arg7[%parallel_loop3A_606, %parallel_loop3A_607] : memref<2x40960xf32, #tpu.memory_space<vmem>> -> memref<1x40960xf32, #tpu.memory_space<vmem>>
        %parallel_loop3A_609 = tpu.memref_squeeze %parallel_loop3A_608 : memref<1x40960xf32, #tpu.memory_space<vmem>> -> memref<40960xf32, #tpu.memory_space<vmem>>
        %parallel_loop3A_610 = arith.index_cast %parallel_loop3A_605 : i32 to index
        %parallel_loop3A_611 = tpu.vector_load %parallel_loop3A_609[%parallel_loop3A_610] {strides = array<i32>} : memref<40960xf32, #tpu.memory_space<vmem>>, vector<16xf32>,
        tpu.vector_store %parallel_loop3A_609[%parallel_loop3A_610], %parallel_loop3A_603 {strides = array<i32>} : memref<40960xf32, #tpu.memory_space<vmem>>, vector<16xf32>,
        %parallel_loop3A_612 = arith.constant 32 : i32
        %parallel_loop3A_613 = arith.addi %parallel_loop3A_581, %parallel_loop3A_612 : i32
        %parallel_loop3A_614 = arith.index_cast %parallel_loop3A_613 : i32 to index
        %parallel_loop3A_615 = tpu.vector_load %arg6[%parallel_loop3A_614] {strides = array<i32>} : memref<8100xf32, #tpu.memory_space<vmem>>, vector<16xf32>,
        %parallel_loop3A_616 = arith.constant 32 : i32
        %parallel_loop3A_617 = arith.addi %parallel_loop3A_587, %parallel_loop3A_616 : i32
        %parallel_loop3A_618 = arith.constant 1 : i32
        %parallel_loop3A_619 = arith.constant 0 : i32
        %parallel_loop3A_620 = tpu.memref_slice %arg7[%parallel_loop3A_618, %parallel_loop3A_619] : memref<2x40960xf32, #tpu.memory_space<vmem>> -> memref<1x40960xf32, #tpu.memory_space<vmem>>
        %parallel_loop3A_621 = tpu.memref_squeeze %parallel_loop3A_620 : memref<1x40960xf32, #tpu.memory_space<vmem>> -> memref<40960xf32, #tpu.memory_space<vmem>>
        %parallel_loop3A_622 = arith.index_cast %parallel_loop3A_617 : i32 to index
        %parallel_loop3A_623 = tpu.vector_load %parallel_loop3A_621[%parallel_loop3A_622] {strides = array<i32>} : memref<40960xf32, #tpu.memory_space<vmem>>, vector<16xf32>,
        tpu.vector_store %parallel_loop3A_621[%parallel_loop3A_622], %parallel_loop3A_615 {strides = array<i32>} : memref<40960xf32, #tpu.memory_space<vmem>>, vector<16xf32>,
        %parallel_loop3A_624 = arith.constant 48 : i32
        %parallel_loop3A_625 = arith.addi %parallel_loop3A_581, %parallel_loop3A_624 : i32
        %parallel_loop3A_626 = arith.index_cast %parallel_loop3A_625 : i32 to index
        %parallel_loop3A_627 = tpu.vector_load %arg6[%parallel_loop3A_626] {strides = array<i32>} : memref<8100xf32, #tpu.memory_space<vmem>>, vector<16xf32>,
        %parallel_loop3A_628 = arith.constant 48 : i32
        %parallel_loop3A_629 = arith.addi %parallel_loop3A_587, %parallel_loop3A_628 : i32
        %parallel_loop3A_630 = arith.constant 1 : i32
        %parallel_loop3A_631 = arith.constant 0 : i32
        %parallel_loop3A_632 = tpu.memref_slice %arg7[%parallel_loop3A_630, %parallel_loop3A_631] : memref<2x40960xf32, #tpu.memory_space<vmem>> -> memref<1x40960xf32, #tpu.memory_space<vmem>>
        %parallel_loop3A_633 = tpu.memref_squeeze %parallel_loop3A_632 : memref<1x40960xf32, #tpu.memory_space<vmem>> -> memref<40960xf32, #tpu.memory_space<vmem>>
        %parallel_loop3A_634 = arith.index_cast %parallel_loop3A_629 : i32 to index
        %parallel_loop3A_635 = tpu.vector_load %parallel_loop3A_633[%parallel_loop3A_634] {strides = array<i32>} : memref<40960xf32, #tpu.memory_space<vmem>>, vector<16xf32>,
        tpu.vector_store %parallel_loop3A_633[%parallel_loop3A_634], %parallel_loop3A_627 {strides = array<i32>} : memref<40960xf32, #tpu.memory_space<vmem>>, vector<16xf32>,
        %parallel_loop3A_636 = arith.constant 64 : i32
        %parallel_loop3A_637 = arith.addi %parallel_loop3A_581, %parallel_loop3A_636 : i32
        %parallel_loop3A_638 = arith.index_cast %parallel_loop3A_637 : i32 to index
        %parallel_loop3A_639 = tpu.vector_load %arg6[%parallel_loop3A_638] {strides = array<i32>} : memref<8100xf32, #tpu.memory_space<vmem>>, vector<16xf32>,
        %parallel_loop3A_640 = arith.constant 64 : i32
        %parallel_loop3A_641 = arith.addi %parallel_loop3A_587, %parallel_loop3A_640 : i32
        %parallel_loop3A_642 = arith.constant 1 : i32
        %parallel_loop3A_643 = arith.constant 0 : i32
        %parallel_loop3A_644 = tpu.memref_slice %arg7[%parallel_loop3A_642, %parallel_loop3A_643] : memref<2x40960xf32, #tpu.memory_space<vmem>> -> memref<1x40960xf32, #tpu.memory_space<vmem>>
        %parallel_loop3A_645 = tpu.memref_squeeze %parallel_loop3A_644 : memref<1x40960xf32, #tpu.memory_space<vmem>> -> memref<40960xf32, #tpu.memory_space<vmem>>
        %parallel_loop3A_646 = arith.index_cast %parallel_loop3A_641 : i32 to index
        %parallel_loop3A_647 = tpu.vector_load %parallel_loop3A_645[%parallel_loop3A_646] {strides = array<i32>} : memref<40960xf32, #tpu.memory_space<vmem>>, vector<16xf32>,
        tpu.vector_store %parallel_loop3A_645[%parallel_loop3A_646], %parallel_loop3A_639 {strides = array<i32>} : memref<40960xf32, #tpu.memory_space<vmem>>, vector<16xf32>,
        %parallel_loop3A_648 = vector.extract_strided_slice %parallel_loop3A_103 {offsets = [8], sizes = [1], strides = [1]} : vector<16xi32> to vector<1xi32>
        %parallel_loop3A_649 = vector.extract %parallel_loop3A_648[0] : i32 from vector<1xi32>
        %parallel_loop3A_650 = arith.constant 16 : i32
        %parallel_loop3A_651 = arith.muli %parallel_loop3A_93, %parallel_loop3A_650 : i32
        %parallel_loop3A_652 = arith.constant 8 : i32
        %parallel_loop3A_653 = arith.addi %parallel_loop3A_651, %parallel_loop3A_652 : i32
        %parallel_loop3A_654 = arith.constant 80 : i32
        %parallel_loop3A_655 = arith.muli %parallel_loop3A_653, %parallel_loop3A_654 : i32
        %parallel_loop3A_656 = arith.constant 0 : i32
        %parallel_loop3A_657 = arith.addi %parallel_loop3A_649, %parallel_loop3A_656 : i32
        %parallel_loop3A_658 = arith.index_cast %parallel_loop3A_657 : i32 to index
        %parallel_loop3A_659 = tpu.vector_load %arg6[%parallel_loop3A_658] {strides = array<i32>} : memref<8100xf32, #tpu.memory_space<vmem>>, vector<16xf32>,
        %parallel_loop3A_660 = arith.constant 0 : i32
        %parallel_loop3A_661 = arith.addi %parallel_loop3A_655, %parallel_loop3A_660 : i32
        %parallel_loop3A_662 = arith.constant 1 : i32
        %parallel_loop3A_663 = arith.constant 0 : i32
        %parallel_loop3A_664 = tpu.memref_slice %arg7[%parallel_loop3A_662, %parallel_loop3A_663] : memref<2x40960xf32, #tpu.memory_space<vmem>> -> memref<1x40960xf32, #tpu.memory_space<vmem>>
        %parallel_loop3A_665 = tpu.memref_squeeze %parallel_loop3A_664 : memref<1x40960xf32, #tpu.memory_space<vmem>> -> memref<40960xf32, #tpu.memory_space<vmem>>
        %parallel_loop3A_666 = arith.index_cast %parallel_loop3A_661 : i32 to index
        %parallel_loop3A_667 = tpu.vector_load %parallel_loop3A_665[%parallel_loop3A_666] {strides = array<i32>} : memref<40960xf32, #tpu.memory_space<vmem>>, vector<16xf32>,
        tpu.vector_store %parallel_loop3A_665[%parallel_loop3A_666], %parallel_loop3A_659 {strides = array<i32>} : memref<40960xf32, #tpu.memory_space<vmem>>, vector<16xf32>,
        %parallel_loop3A_668 = arith.constant 16 : i32
        %parallel_loop3A_669 = arith.addi %parallel_loop3A_649, %parallel_loop3A_668 : i32
        %parallel_loop3A_670 = arith.index_cast %parallel_loop3A_669 : i32 to index
        %parallel_loop3A_671 = tpu.vector_load %arg6[%parallel_loop3A_670] {strides = array<i32>} : memref<8100xf32, #tpu.memory_space<vmem>>, vector<16xf32>,
        %parallel_loop3A_672 = arith.constant 16 : i32
        %parallel_loop3A_673 = arith.addi %parallel_loop3A_655, %parallel_loop3A_672 : i32
        %parallel_loop3A_674 = arith.constant 1 : i32
        %parallel_loop3A_675 = arith.constant 0 : i32
        %parallel_loop3A_676 = tpu.memref_slice %arg7[%parallel_loop3A_674, %parallel_loop3A_675] : memref<2x40960xf32, #tpu.memory_space<vmem>> -> memref<1x40960xf32, #tpu.memory_space<vmem>>
        %parallel_loop3A_677 = tpu.memref_squeeze %parallel_loop3A_676 : memref<1x40960xf32, #tpu.memory_space<vmem>> -> memref<40960xf32, #tpu.memory_space<vmem>>
        %parallel_loop3A_678 = arith.index_cast %parallel_loop3A_673 : i32 to index
        %parallel_loop3A_679 = tpu.vector_load %parallel_loop3A_677[%parallel_loop3A_678] {strides = array<i32>} : memref<40960xf32, #tpu.memory_space<vmem>>, vector<16xf32>,
        tpu.vector_store %parallel_loop3A_677[%parallel_loop3A_678], %parallel_loop3A_671 {strides = array<i32>} : memref<40960xf32, #tpu.memory_space<vmem>>, vector<16xf32>,
        %parallel_loop3A_680 = arith.constant 32 : i32
        %parallel_loop3A_681 = arith.addi %parallel_loop3A_649, %parallel_loop3A_680 : i32
        %parallel_loop3A_682 = arith.index_cast %parallel_loop3A_681 : i32 to index
        %parallel_loop3A_683 = tpu.vector_load %arg6[%parallel_loop3A_682] {strides = array<i32>} : memref<8100xf32, #tpu.memory_space<vmem>>, vector<16xf32>,
        %parallel_loop3A_684 = arith.constant 32 : i32
        %parallel_loop3A_685 = arith.addi %parallel_loop3A_655, %parallel_loop3A_684 : i32
        %parallel_loop3A_686 = arith.constant 1 : i32
        %parallel_loop3A_687 = arith.constant 0 : i32
        %parallel_loop3A_688 = tpu.memref_slice %arg7[%parallel_loop3A_686, %parallel_loop3A_687] : memref<2x40960xf32, #tpu.memory_space<vmem>> -> memref<1x40960xf32, #tpu.memory_space<vmem>>
        %parallel_loop3A_689 = tpu.memref_squeeze %parallel_loop3A_688 : memref<1x40960xf32, #tpu.memory_space<vmem>> -> memref<40960xf32, #tpu.memory_space<vmem>>
        %parallel_loop3A_690 = arith.index_cast %parallel_loop3A_685 : i32 to index
        %parallel_loop3A_691 = tpu.vector_load %parallel_loop3A_689[%parallel_loop3A_690] {strides = array<i32>} : memref<40960xf32, #tpu.memory_space<vmem>>, vector<16xf32>,
        tpu.vector_store %parallel_loop3A_689[%parallel_loop3A_690], %parallel_loop3A_683 {strides = array<i32>} : memref<40960xf32, #tpu.memory_space<vmem>>, vector<16xf32>,
        %parallel_loop3A_692 = arith.constant 48 : i32
        %parallel_loop3A_693 = arith.addi %parallel_loop3A_649, %parallel_loop3A_692 : i32
        %parallel_loop3A_694 = arith.index_cast %parallel_loop3A_693 : i32 to index
        %parallel_loop3A_695 = tpu.vector_load %arg6[%parallel_loop3A_694] {strides = array<i32>} : memref<8100xf32, #tpu.memory_space<vmem>>, vector<16xf32>,
        %parallel_loop3A_696 = arith.constant 48 : i32
        %parallel_loop3A_697 = arith.addi %parallel_loop3A_655, %parallel_loop3A_696 : i32
        %parallel_loop3A_698 = arith.constant 1 : i32
        %parallel_loop3A_699 = arith.constant 0 : i32
        %parallel_loop3A_700 = tpu.memref_slice %arg7[%parallel_loop3A_698, %parallel_loop3A_699] : memref<2x40960xf32, #tpu.memory_space<vmem>> -> memref<1x40960xf32, #tpu.memory_space<vmem>>
        %parallel_loop3A_701 = tpu.memref_squeeze %parallel_loop3A_700 : memref<1x40960xf32, #tpu.memory_space<vmem>> -> memref<40960xf32, #tpu.memory_space<vmem>>
        %parallel_loop3A_702 = arith.index_cast %parallel_loop3A_697 : i32 to index
        %parallel_loop3A_703 = tpu.vector_load %parallel_loop3A_701[%parallel_loop3A_702] {strides = array<i32>} : memref<40960xf32, #tpu.memory_space<vmem>>, vector<16xf32>,
        tpu.vector_store %parallel_loop3A_701[%parallel_loop3A_702], %parallel_loop3A_695 {strides = array<i32>} : memref<40960xf32, #tpu.memory_space<vmem>>, vector<16xf32>,
        %parallel_loop3A_704 = arith.constant 64 : i32
        %parallel_loop3A_705 = arith.addi %parallel_loop3A_649, %parallel_loop3A_704 : i32
        %parallel_loop3A_706 = arith.index_cast %parallel_loop3A_705 : i32 to index
        %parallel_loop3A_707 = tpu.vector_load %arg6[%parallel_loop3A_706] {strides = array<i32>} : memref<8100xf32, #tpu.memory_space<vmem>>, vector<16xf32>,
        %parallel_loop3A_708 = arith.constant 64 : i32
        %parallel_loop3A_709 = arith.addi %parallel_loop3A_655, %parallel_loop3A_708 : i32
        %parallel_loop3A_710 = arith.constant 1 : i32
        %parallel_loop3A_711 = arith.constant 0 : i32
        %parallel_loop3A_712 = tpu.memref_slice %arg7[%parallel_loop3A_710, %parallel_loop3A_711] : memref<2x40960xf32, #tpu.memory_space<vmem>> -> memref<1x40960xf32, #tpu.memory_space<vmem>>
        %parallel_loop3A_713 = tpu.memref_squeeze %parallel_loop3A_712 : memref<1x40960xf32, #tpu.memory_space<vmem>> -> memref<40960xf32, #tpu.memory_space<vmem>>
        %parallel_loop3A_714 = arith.index_cast %parallel_loop3A_709 : i32 to index
        %parallel_loop3A_715 = tpu.vector_load %parallel_loop3A_713[%parallel_loop3A_714] {strides = array<i32>} : memref<40960xf32, #tpu.memory_space<vmem>>, vector<16xf32>,
        tpu.vector_store %parallel_loop3A_713[%parallel_loop3A_714], %parallel_loop3A_707 {strides = array<i32>} : memref<40960xf32, #tpu.memory_space<vmem>>, vector<16xf32>,
        %parallel_loop3A_716 = vector.extract_strided_slice %parallel_loop3A_103 {offsets = [9], sizes = [1], strides = [1]} : vector<16xi32> to vector<1xi32>
        %parallel_loop3A_717 = vector.extract %parallel_loop3A_716[0] : i32 from vector<1xi32>
        %parallel_loop3A_718 = arith.constant 16 : i32
        %parallel_loop3A_719 = arith.muli %parallel_loop3A_93, %parallel_loop3A_718 : i32
        %parallel_loop3A_720 = arith.constant 9 : i32
        %parallel_loop3A_721 = arith.addi %parallel_loop3A_719, %parallel_loop3A_720 : i32
        %parallel_loop3A_722 = arith.constant 80 : i32
        %parallel_loop3A_723 = arith.muli %parallel_loop3A_721, %parallel_loop3A_722 : i32
        %parallel_loop3A_724 = arith.constant 0 : i32
        %parallel_loop3A_725 = arith.addi %parallel_loop3A_717, %parallel_loop3A_724 : i32
        %parallel_loop3A_726 = arith.index_cast %parallel_loop3A_725 : i32 to index
        %parallel_loop3A_727 = tpu.vector_load %arg6[%parallel_loop3A_726] {strides = array<i32>} : memref<8100xf32, #tpu.memory_space<vmem>>, vector<16xf32>,
        %parallel_loop3A_728 = arith.constant 0 : i32
        %parallel_loop3A_729 = arith.addi %parallel_loop3A_723, %parallel_loop3A_728 : i32
        %parallel_loop3A_730 = arith.constant 1 : i32
        %parallel_loop3A_731 = arith.constant 0 : i32
        %parallel_loop3A_732 = tpu.memref_slice %arg7[%parallel_loop3A_730, %parallel_loop3A_731] : memref<2x40960xf32, #tpu.memory_space<vmem>> -> memref<1x40960xf32, #tpu.memory_space<vmem>>
        %parallel_loop3A_733 = tpu.memref_squeeze %parallel_loop3A_732 : memref<1x40960xf32, #tpu.memory_space<vmem>> -> memref<40960xf32, #tpu.memory_space<vmem>>
        %parallel_loop3A_734 = arith.index_cast %parallel_loop3A_729 : i32 to index
        %parallel_loop3A_735 = tpu.vector_load %parallel_loop3A_733[%parallel_loop3A_734] {strides = array<i32>} : memref<40960xf32, #tpu.memory_space<vmem>>, vector<16xf32>,
        tpu.vector_store %parallel_loop3A_733[%parallel_loop3A_734], %parallel_loop3A_727 {strides = array<i32>} : memref<40960xf32, #tpu.memory_space<vmem>>, vector<16xf32>,
        %parallel_loop3A_736 = arith.constant 16 : i32
        %parallel_loop3A_737 = arith.addi %parallel_loop3A_717, %parallel_loop3A_736 : i32
        %parallel_loop3A_738 = arith.index_cast %parallel_loop3A_737 : i32 to index
        %parallel_loop3A_739 = tpu.vector_load %arg6[%parallel_loop3A_738] {strides = array<i32>} : memref<8100xf32, #tpu.memory_space<vmem>>, vector<16xf32>,
        %parallel_loop3A_740 = arith.constant 16 : i32
        %parallel_loop3A_741 = arith.addi %parallel_loop3A_723, %parallel_loop3A_740 : i32
        %parallel_loop3A_742 = arith.constant 1 : i32
        %parallel_loop3A_743 = arith.constant 0 : i32
        %parallel_loop3A_744 = tpu.memref_slice %arg7[%parallel_loop3A_742, %parallel_loop3A_743] : memref<2x40960xf32, #tpu.memory_space<vmem>> -> memref<1x40960xf32, #tpu.memory_space<vmem>>
        %parallel_loop3A_745 = tpu.memref_squeeze %parallel_loop3A_744 : memref<1x40960xf32, #tpu.memory_space<vmem>> -> memref<40960xf32, #tpu.memory_space<vmem>>
        %parallel_loop3A_746 = arith.index_cast %parallel_loop3A_741 : i32 to index
        %parallel_loop3A_747 = tpu.vector_load %parallel_loop3A_745[%parallel_loop3A_746] {strides = array<i32>} : memref<40960xf32, #tpu.memory_space<vmem>>, vector<16xf32>,
        tpu.vector_store %parallel_loop3A_745[%parallel_loop3A_746], %parallel_loop3A_739 {strides = array<i32>} : memref<40960xf32, #tpu.memory_space<vmem>>, vector<16xf32>,
        %parallel_loop3A_748 = arith.constant 32 : i32
        %parallel_loop3A_749 = arith.addi %parallel_loop3A_717, %parallel_loop3A_748 : i32
        %parallel_loop3A_750 = arith.index_cast %parallel_loop3A_749 : i32 to index
        %parallel_loop3A_751 = tpu.vector_load %arg6[%parallel_loop3A_750] {strides = array<i32>} : memref<8100xf32, #tpu.memory_space<vmem>>, vector<16xf32>,
        %parallel_loop3A_752 = arith.constant 32 : i32
        %parallel_loop3A_753 = arith.addi %parallel_loop3A_723, %parallel_loop3A_752 : i32
        %parallel_loop3A_754 = arith.constant 1 : i32
        %parallel_loop3A_755 = arith.constant 0 : i32
        %parallel_loop3A_756 = tpu.memref_slice %arg7[%parallel_loop3A_754, %parallel_loop3A_755] : memref<2x40960xf32, #tpu.memory_space<vmem>> -> memref<1x40960xf32, #tpu.memory_space<vmem>>
        %parallel_loop3A_757 = tpu.memref_squeeze %parallel_loop3A_756 : memref<1x40960xf32, #tpu.memory_space<vmem>> -> memref<40960xf32, #tpu.memory_space<vmem>>
        %parallel_loop3A_758 = arith.index_cast %parallel_loop3A_753 : i32 to index
        %parallel_loop3A_759 = tpu.vector_load %parallel_loop3A_757[%parallel_loop3A_758] {strides = array<i32>} : memref<40960xf32, #tpu.memory_space<vmem>>, vector<16xf32>,
        tpu.vector_store %parallel_loop3A_757[%parallel_loop3A_758], %parallel_loop3A_751 {strides = array<i32>} : memref<40960xf32, #tpu.memory_space<vmem>>, vector<16xf32>,
        %parallel_loop3A_760 = arith.constant 48 : i32
        %parallel_loop3A_761 = arith.addi %parallel_loop3A_717, %parallel_loop3A_760 : i32
        %parallel_loop3A_762 = arith.index_cast %parallel_loop3A_761 : i32 to index
        %parallel_loop3A_763 = tpu.vector_load %arg6[%parallel_loop3A_762] {strides = array<i32>} : memref<8100xf32, #tpu.memory_space<vmem>>, vector<16xf32>,
        %parallel_loop3A_764 = arith.constant 48 : i32
        %parallel_loop3A_765 = arith.addi %parallel_loop3A_723, %parallel_loop3A_764 : i32
        %parallel_loop3A_766 = arith.constant 1 : i32
        %parallel_loop3A_767 = arith.constant 0 : i32
        %parallel_loop3A_768 = tpu.memref_slice %arg7[%parallel_loop3A_766, %parallel_loop3A_767] : memref<2x40960xf32, #tpu.memory_space<vmem>> -> memref<1x40960xf32, #tpu.memory_space<vmem>>
        %parallel_loop3A_769 = tpu.memref_squeeze %parallel_loop3A_768 : memref<1x40960xf32, #tpu.memory_space<vmem>> -> memref<40960xf32, #tpu.memory_space<vmem>>
        %parallel_loop3A_770 = arith.index_cast %parallel_loop3A_765 : i32 to index
        %parallel_loop3A_771 = tpu.vector_load %parallel_loop3A_769[%parallel_loop3A_770] {strides = array<i32>} : memref<40960xf32, #tpu.memory_space<vmem>>, vector<16xf32>,
        tpu.vector_store %parallel_loop3A_769[%parallel_loop3A_770], %parallel_loop3A_763 {strides = array<i32>} : memref<40960xf32, #tpu.memory_space<vmem>>, vector<16xf32>,
        %parallel_loop3A_772 = arith.constant 64 : i32
        %parallel_loop3A_773 = arith.addi %parallel_loop3A_717, %parallel_loop3A_772 : i32
        %parallel_loop3A_774 = arith.index_cast %parallel_loop3A_773 : i32 to index
        %parallel_loop3A_775 = tpu.vector_load %arg6[%parallel_loop3A_774] {strides = array<i32>} : memref<8100xf32, #tpu.memory_space<vmem>>, vector<16xf32>,
        %parallel_loop3A_776 = arith.constant 64 : i32
        %parallel_loop3A_777 = arith.addi %parallel_loop3A_723, %parallel_loop3A_776 : i32
        %parallel_loop3A_778 = arith.constant 1 : i32
        %parallel_loop3A_779 = arith.constant 0 : i32
        %parallel_loop3A_780 = tpu.memref_slice %arg7[%parallel_loop3A_778, %parallel_loop3A_779] : memref<2x40960xf32, #tpu.memory_space<vmem>> -> memref<1x40960xf32, #tpu.memory_space<vmem>>
        %parallel_loop3A_781 = tpu.memref_squeeze %parallel_loop3A_780 : memref<1x40960xf32, #tpu.memory_space<vmem>> -> memref<40960xf32, #tpu.memory_space<vmem>>
        %parallel_loop3A_782 = arith.index_cast %parallel_loop3A_777 : i32 to index
        %parallel_loop3A_783 = tpu.vector_load %parallel_loop3A_781[%parallel_loop3A_782] {strides = array<i32>} : memref<40960xf32, #tpu.memory_space<vmem>>, vector<16xf32>,
        tpu.vector_store %parallel_loop3A_781[%parallel_loop3A_782], %parallel_loop3A_775 {strides = array<i32>} : memref<40960xf32, #tpu.memory_space<vmem>>, vector<16xf32>,
        %parallel_loop3A_784 = vector.extract_strided_slice %parallel_loop3A_103 {offsets = [10], sizes = [1], strides = [1]} : vector<16xi32> to vector<1xi32>
        %parallel_loop3A_785 = vector.extract %parallel_loop3A_784[0] : i32 from vector<1xi32>
        %parallel_loop3A_786 = arith.constant 16 : i32
        %parallel_loop3A_787 = arith.muli %parallel_loop3A_93, %parallel_loop3A_786 : i32
        %parallel_loop3A_788 = arith.constant 10 : i32
        %parallel_loop3A_789 = arith.addi %parallel_loop3A_787, %parallel_loop3A_788 : i32
        %parallel_loop3A_790 = arith.constant 80 : i32
        %parallel_loop3A_791 = arith.muli %parallel_loop3A_789, %parallel_loop3A_790 : i32
        %parallel_loop3A_792 = arith.constant 0 : i32
        %parallel_loop3A_793 = arith.addi %parallel_loop3A_785, %parallel_loop3A_792 : i32
        %parallel_loop3A_794 = arith.index_cast %parallel_loop3A_793 : i32 to index
        %parallel_loop3A_795 = tpu.vector_load %arg6[%parallel_loop3A_794] {strides = array<i32>} : memref<8100xf32, #tpu.memory_space<vmem>>, vector<16xf32>,
        %parallel_loop3A_796 = arith.constant 0 : i32
        %parallel_loop3A_797 = arith.addi %parallel_loop3A_791, %parallel_loop3A_796 : i32
        %parallel_loop3A_798 = arith.constant 1 : i32
        %parallel_loop3A_799 = arith.constant 0 : i32
        %parallel_loop3A_800 = tpu.memref_slice %arg7[%parallel_loop3A_798, %parallel_loop3A_799] : memref<2x40960xf32, #tpu.memory_space<vmem>> -> memref<1x40960xf32, #tpu.memory_space<vmem>>
        %parallel_loop3A_801 = tpu.memref_squeeze %parallel_loop3A_800 : memref<1x40960xf32, #tpu.memory_space<vmem>> -> memref<40960xf32, #tpu.memory_space<vmem>>
        %parallel_loop3A_802 = arith.index_cast %parallel_loop3A_797 : i32 to index
        %parallel_loop3A_803 = tpu.vector_load %parallel_loop3A_801[%parallel_loop3A_802] {strides = array<i32>} : memref<40960xf32, #tpu.memory_space<vmem>>, vector<16xf32>,
        tpu.vector_store %parallel_loop3A_801[%parallel_loop3A_802], %parallel_loop3A_795 {strides = array<i32>} : memref<40960xf32, #tpu.memory_space<vmem>>, vector<16xf32>,
        %parallel_loop3A_804 = arith.constant 16 : i32
        %parallel_loop3A_805 = arith.addi %parallel_loop3A_785, %parallel_loop3A_804 : i32
        %parallel_loop3A_806 = arith.index_cast %parallel_loop3A_805 : i32 to index
        %parallel_loop3A_807 = tpu.vector_load %arg6[%parallel_loop3A_806] {strides = array<i32>} : memref<8100xf32, #tpu.memory_space<vmem>>, vector<16xf32>,
        %parallel_loop3A_808 = arith.constant 16 : i32
        %parallel_loop3A_809 = arith.addi %parallel_loop3A_791, %parallel_loop3A_808 : i32
        %parallel_loop3A_810 = arith.constant 1 : i32
        %parallel_loop3A_811 = arith.constant 0 : i32
        %parallel_loop3A_812 = tpu.memref_slice %arg7[%parallel_loop3A_810, %parallel_loop3A_811] : memref<2x40960xf32, #tpu.memory_space<vmem>> -> memref<1x40960xf32, #tpu.memory_space<vmem>>
        %parallel_loop3A_813 = tpu.memref_squeeze %parallel_loop3A_812 : memref<1x40960xf32, #tpu.memory_space<vmem>> -> memref<40960xf32, #tpu.memory_space<vmem>>
        %parallel_loop3A_814 = arith.index_cast %parallel_loop3A_809 : i32 to index
        %parallel_loop3A_815 = tpu.vector_load %parallel_loop3A_813[%parallel_loop3A_814] {strides = array<i32>} : memref<40960xf32, #tpu.memory_space<vmem>>, vector<16xf32>,
        tpu.vector_store %parallel_loop3A_813[%parallel_loop3A_814], %parallel_loop3A_807 {strides = array<i32>} : memref<40960xf32, #tpu.memory_space<vmem>>, vector<16xf32>,
        %parallel_loop3A_816 = arith.constant 32 : i32
        %parallel_loop3A_817 = arith.addi %parallel_loop3A_785, %parallel_loop3A_816 : i32
        %parallel_loop3A_818 = arith.index_cast %parallel_loop3A_817 : i32 to index
        %parallel_loop3A_819 = tpu.vector_load %arg6[%parallel_loop3A_818] {strides = array<i32>} : memref<8100xf32, #tpu.memory_space<vmem>>, vector<16xf32>,
        %parallel_loop3A_820 = arith.constant 32 : i32
        %parallel_loop3A_821 = arith.addi %parallel_loop3A_791, %parallel_loop3A_820 : i32
        %parallel_loop3A_822 = arith.constant 1 : i32
        %parallel_loop3A_823 = arith.constant 0 : i32
        %parallel_loop3A_824 = tpu.memref_slice %arg7[%parallel_loop3A_822, %parallel_loop3A_823] : memref<2x40960xf32, #tpu.memory_space<vmem>> -> memref<1x40960xf32, #tpu.memory_space<vmem>>
        %parallel_loop3A_825 = tpu.memref_squeeze %parallel_loop3A_824 : memref<1x40960xf32, #tpu.memory_space<vmem>> -> memref<40960xf32, #tpu.memory_space<vmem>>
        %parallel_loop3A_826 = arith.index_cast %parallel_loop3A_821 : i32 to index
        %parallel_loop3A_827 = tpu.vector_load %parallel_loop3A_825[%parallel_loop3A_826] {strides = array<i32>} : memref<40960xf32, #tpu.memory_space<vmem>>, vector<16xf32>,
        tpu.vector_store %parallel_loop3A_825[%parallel_loop3A_826], %parallel_loop3A_819 {strides = array<i32>} : memref<40960xf32, #tpu.memory_space<vmem>>, vector<16xf32>,
        %parallel_loop3A_828 = arith.constant 48 : i32
        %parallel_loop3A_829 = arith.addi %parallel_loop3A_785, %parallel_loop3A_828 : i32
        %parallel_loop3A_830 = arith.index_cast %parallel_loop3A_829 : i32 to index
        %parallel_loop3A_831 = tpu.vector_load %arg6[%parallel_loop3A_830] {strides = array<i32>} : memref<8100xf32, #tpu.memory_space<vmem>>, vector<16xf32>,
        %parallel_loop3A_832 = arith.constant 48 : i32
        %parallel_loop3A_833 = arith.addi %parallel_loop3A_791, %parallel_loop3A_832 : i32
        %parallel_loop3A_834 = arith.constant 1 : i32
        %parallel_loop3A_835 = arith.constant 0 : i32
        %parallel_loop3A_836 = tpu.memref_slice %arg7[%parallel_loop3A_834, %parallel_loop3A_835] : memref<2x40960xf32, #tpu.memory_space<vmem>> -> memref<1x40960xf32, #tpu.memory_space<vmem>>
        %parallel_loop3A_837 = tpu.memref_squeeze %parallel_loop3A_836 : memref<1x40960xf32, #tpu.memory_space<vmem>> -> memref<40960xf32, #tpu.memory_space<vmem>>
        %parallel_loop3A_838 = arith.index_cast %parallel_loop3A_833 : i32 to index
        %parallel_loop3A_839 = tpu.vector_load %parallel_loop3A_837[%parallel_loop3A_838] {strides = array<i32>} : memref<40960xf32, #tpu.memory_space<vmem>>, vector<16xf32>,
        tpu.vector_store %parallel_loop3A_837[%parallel_loop3A_838], %parallel_loop3A_831 {strides = array<i32>} : memref<40960xf32, #tpu.memory_space<vmem>>, vector<16xf32>,
        %parallel_loop3A_840 = arith.constant 64 : i32
        %parallel_loop3A_841 = arith.addi %parallel_loop3A_785, %parallel_loop3A_840 : i32
        %parallel_loop3A_842 = arith.index_cast %parallel_loop3A_841 : i32 to index
        %parallel_loop3A_843 = tpu.vector_load %arg6[%parallel_loop3A_842] {strides = array<i32>} : memref<8100xf32, #tpu.memory_space<vmem>>, vector<16xf32>,
        %parallel_loop3A_844 = arith.constant 64 : i32
        %parallel_loop3A_845 = arith.addi %parallel_loop3A_791, %parallel_loop3A_844 : i32
        %parallel_loop3A_846 = arith.constant 1 : i32
        %parallel_loop3A_847 = arith.constant 0 : i32
        %parallel_loop3A_848 = tpu.memref_slice %arg7[%parallel_loop3A_846, %parallel_loop3A_847] : memref<2x40960xf32, #tpu.memory_space<vmem>> -> memref<1x40960xf32, #tpu.memory_space<vmem>>
        %parallel_loop3A_849 = tpu.memref_squeeze %parallel_loop3A_848 : memref<1x40960xf32, #tpu.memory_space<vmem>> -> memref<40960xf32, #tpu.memory_space<vmem>>
        %parallel_loop3A_850 = arith.index_cast %parallel_loop3A_845 : i32 to index
        %parallel_loop3A_851 = tpu.vector_load %parallel_loop3A_849[%parallel_loop3A_850] {strides = array<i32>} : memref<40960xf32, #tpu.memory_space<vmem>>, vector<16xf32>,
        tpu.vector_store %parallel_loop3A_849[%parallel_loop3A_850], %parallel_loop3A_843 {strides = array<i32>} : memref<40960xf32, #tpu.memory_space<vmem>>, vector<16xf32>,
        %parallel_loop3A_852 = vector.extract_strided_slice %parallel_loop3A_103 {offsets = [11], sizes = [1], strides = [1]} : vector<16xi32> to vector<1xi32>
        %parallel_loop3A_853 = vector.extract %parallel_loop3A_852[0] : i32 from vector<1xi32>
        %parallel_loop3A_854 = arith.constant 16 : i32
        %parallel_loop3A_855 = arith.muli %parallel_loop3A_93, %parallel_loop3A_854 : i32
        %parallel_loop3A_856 = arith.constant 11 : i32
        %parallel_loop3A_857 = arith.addi %parallel_loop3A_855, %parallel_loop3A_856 : i32
        %parallel_loop3A_858 = arith.constant 80 : i32
        %parallel_loop3A_859 = arith.muli %parallel_loop3A_857, %parallel_loop3A_858 : i32
        %parallel_loop3A_860 = arith.constant 0 : i32
        %parallel_loop3A_861 = arith.addi %parallel_loop3A_853, %parallel_loop3A_860 : i32
        %parallel_loop3A_862 = arith.index_cast %parallel_loop3A_861 : i32 to index
        %parallel_loop3A_863 = tpu.vector_load %arg6[%parallel_loop3A_862] {strides = array<i32>} : memref<8100xf32, #tpu.memory_space<vmem>>, vector<16xf32>,
        %parallel_loop3A_864 = arith.constant 0 : i32
        %parallel_loop3A_865 = arith.addi %parallel_loop3A_859, %parallel_loop3A_864 : i32
        %parallel_loop3A_866 = arith.constant 1 : i32
        %parallel_loop3A_867 = arith.constant 0 : i32
        %parallel_loop3A_868 = tpu.memref_slice %arg7[%parallel_loop3A_866, %parallel_loop3A_867] : memref<2x40960xf32, #tpu.memory_space<vmem>> -> memref<1x40960xf32, #tpu.memory_space<vmem>>
        %parallel_loop3A_869 = tpu.memref_squeeze %parallel_loop3A_868 : memref<1x40960xf32, #tpu.memory_space<vmem>> -> memref<40960xf32, #tpu.memory_space<vmem>>
        %parallel_loop3A_870 = arith.index_cast %parallel_loop3A_865 : i32 to index
        %parallel_loop3A_871 = tpu.vector_load %parallel_loop3A_869[%parallel_loop3A_870] {strides = array<i32>} : memref<40960xf32, #tpu.memory_space<vmem>>, vector<16xf32>,
        tpu.vector_store %parallel_loop3A_869[%parallel_loop3A_870], %parallel_loop3A_863 {strides = array<i32>} : memref<40960xf32, #tpu.memory_space<vmem>>, vector<16xf32>,
        %parallel_loop3A_872 = arith.constant 16 : i32
        %parallel_loop3A_873 = arith.addi %parallel_loop3A_853, %parallel_loop3A_872 : i32
        %parallel_loop3A_874 = arith.index_cast %parallel_loop3A_873 : i32 to index
        %parallel_loop3A_875 = tpu.vector_load %arg6[%parallel_loop3A_874] {strides = array<i32>} : memref<8100xf32, #tpu.memory_space<vmem>>, vector<16xf32>,
        %parallel_loop3A_876 = arith.constant 16 : i32
        %parallel_loop3A_877 = arith.addi %parallel_loop3A_859, %parallel_loop3A_876 : i32
        %parallel_loop3A_878 = arith.constant 1 : i32
        %parallel_loop3A_879 = arith.constant 0 : i32
        %parallel_loop3A_880 = tpu.memref_slice %arg7[%parallel_loop3A_878, %parallel_loop3A_879] : memref<2x40960xf32, #tpu.memory_space<vmem>> -> memref<1x40960xf32, #tpu.memory_space<vmem>>
        %parallel_loop3A_881 = tpu.memref_squeeze %parallel_loop3A_880 : memref<1x40960xf32, #tpu.memory_space<vmem>> -> memref<40960xf32, #tpu.memory_space<vmem>>
        %parallel_loop3A_882 = arith.index_cast %parallel_loop3A_877 : i32 to index
        %parallel_loop3A_883 = tpu.vector_load %parallel_loop3A_881[%parallel_loop3A_882] {strides = array<i32>} : memref<40960xf32, #tpu.memory_space<vmem>>, vector<16xf32>,
        tpu.vector_store %parallel_loop3A_881[%parallel_loop3A_882], %parallel_loop3A_875 {strides = array<i32>} : memref<40960xf32, #tpu.memory_space<vmem>>, vector<16xf32>,
        %parallel_loop3A_884 = arith.constant 32 : i32
        %parallel_loop3A_885 = arith.addi %parallel_loop3A_853, %parallel_loop3A_884 : i32
        %parallel_loop3A_886 = arith.index_cast %parallel_loop3A_885 : i32 to index
        %parallel_loop3A_887 = tpu.vector_load %arg6[%parallel_loop3A_886] {strides = array<i32>} : memref<8100xf32, #tpu.memory_space<vmem>>, vector<16xf32>,
        %parallel_loop3A_888 = arith.constant 32 : i32
        %parallel_loop3A_889 = arith.addi %parallel_loop3A_859, %parallel_loop3A_888 : i32
        %parallel_loop3A_890 = arith.constant 1 : i32
        %parallel_loop3A_891 = arith.constant 0 : i32
        %parallel_loop3A_892 = tpu.memref_slice %arg7[%parallel_loop3A_890, %parallel_loop3A_891] : memref<2x40960xf32, #tpu.memory_space<vmem>> -> memref<1x40960xf32, #tpu.memory_space<vmem>>
        %parallel_loop3A_893 = tpu.memref_squeeze %parallel_loop3A_892 : memref<1x40960xf32, #tpu.memory_space<vmem>> -> memref<40960xf32, #tpu.memory_space<vmem>>
        %parallel_loop3A_894 = arith.index_cast %parallel_loop3A_889 : i32 to index
        %parallel_loop3A_895 = tpu.vector_load %parallel_loop3A_893[%parallel_loop3A_894] {strides = array<i32>} : memref<40960xf32, #tpu.memory_space<vmem>>, vector<16xf32>,
        tpu.vector_store %parallel_loop3A_893[%parallel_loop3A_894], %parallel_loop3A_887 {strides = array<i32>} : memref<40960xf32, #tpu.memory_space<vmem>>, vector<16xf32>,
        %parallel_loop3A_896 = arith.constant 48 : i32
        %parallel_loop3A_897 = arith.addi %parallel_loop3A_853, %parallel_loop3A_896 : i32
        %parallel_loop3A_898 = arith.index_cast %parallel_loop3A_897 : i32 to index
        %parallel_loop3A_899 = tpu.vector_load %arg6[%parallel_loop3A_898] {strides = array<i32>} : memref<8100xf32, #tpu.memory_space<vmem>>, vector<16xf32>,
        %parallel_loop3A_900 = arith.constant 48 : i32
        %parallel_loop3A_901 = arith.addi %parallel_loop3A_859, %parallel_loop3A_900 : i32
        %parallel_loop3A_902 = arith.constant 1 : i32
        %parallel_loop3A_903 = arith.constant 0 : i32
        %parallel_loop3A_904 = tpu.memref_slice %arg7[%parallel_loop3A_902, %parallel_loop3A_903] : memref<2x40960xf32, #tpu.memory_space<vmem>> -> memref<1x40960xf32, #tpu.memory_space<vmem>>
        %parallel_loop3A_905 = tpu.memref_squeeze %parallel_loop3A_904 : memref<1x40960xf32, #tpu.memory_space<vmem>> -> memref<40960xf32, #tpu.memory_space<vmem>>
        %parallel_loop3A_906 = arith.index_cast %parallel_loop3A_901 : i32 to index
        %parallel_loop3A_907 = tpu.vector_load %parallel_loop3A_905[%parallel_loop3A_906] {strides = array<i32>} : memref<40960xf32, #tpu.memory_space<vmem>>, vector<16xf32>,
        tpu.vector_store %parallel_loop3A_905[%parallel_loop3A_906], %parallel_loop3A_899 {strides = array<i32>} : memref<40960xf32, #tpu.memory_space<vmem>>, vector<16xf32>,
        %parallel_loop3A_908 = arith.constant 64 : i32
        %parallel_loop3A_909 = arith.addi %parallel_loop3A_853, %parallel_loop3A_908 : i32
        %parallel_loop3A_910 = arith.index_cast %parallel_loop3A_909 : i32 to index
        %parallel_loop3A_911 = tpu.vector_load %arg6[%parallel_loop3A_910] {strides = array<i32>} : memref<8100xf32, #tpu.memory_space<vmem>>, vector<16xf32>,
        %parallel_loop3A_912 = arith.constant 64 : i32
        %parallel_loop3A_913 = arith.addi %parallel_loop3A_859, %parallel_loop3A_912 : i32
        %parallel_loop3A_914 = arith.constant 1 : i32
        %parallel_loop3A_915 = arith.constant 0 : i32
        %parallel_loop3A_916 = tpu.memref_slice %arg7[%parallel_loop3A_914, %parallel_loop3A_915] : memref<2x40960xf32, #tpu.memory_space<vmem>> -> memref<1x40960xf32, #tpu.memory_space<vmem>>
        %parallel_loop3A_917 = tpu.memref_squeeze %parallel_loop3A_916 : memref<1x40960xf32, #tpu.memory_space<vmem>> -> memref<40960xf32, #tpu.memory_space<vmem>>
        %parallel_loop3A_918 = arith.index_cast %parallel_loop3A_913 : i32 to index
        %parallel_loop3A_919 = tpu.vector_load %parallel_loop3A_917[%parallel_loop3A_918] {strides = array<i32>} : memref<40960xf32, #tpu.memory_space<vmem>>, vector<16xf32>,
        tpu.vector_store %parallel_loop3A_917[%parallel_loop3A_918], %parallel_loop3A_911 {strides = array<i32>} : memref<40960xf32, #tpu.memory_space<vmem>>, vector<16xf32>,
        %parallel_loop3A_920 = vector.extract_strided_slice %parallel_loop3A_103 {offsets = [12], sizes = [1], strides = [1]} : vector<16xi32> to vector<1xi32>
        %parallel_loop3A_921 = vector.extract %parallel_loop3A_920[0] : i32 from vector<1xi32>
        %parallel_loop3A_922 = arith.constant 16 : i32
        %parallel_loop3A_923 = arith.muli %parallel_loop3A_93, %parallel_loop3A_922 : i32
        %parallel_loop3A_924 = arith.constant 12 : i32
        %parallel_loop3A_925 = arith.addi %parallel_loop3A_923, %parallel_loop3A_924 : i32
        %parallel_loop3A_926 = arith.constant 80 : i32
        %parallel_loop3A_927 = arith.muli %parallel_loop3A_925, %parallel_loop3A_926 : i32
        %parallel_loop3A_928 = arith.constant 0 : i32
        %parallel_loop3A_929 = arith.addi %parallel_loop3A_921, %parallel_loop3A_928 : i32
        %parallel_loop3A_930 = arith.index_cast %parallel_loop3A_929 : i32 to index
        %parallel_loop3A_931 = tpu.vector_load %arg6[%parallel_loop3A_930] {strides = array<i32>} : memref<8100xf32, #tpu.memory_space<vmem>>, vector<16xf32>,
        %parallel_loop3A_932 = arith.constant 0 : i32
        %parallel_loop3A_933 = arith.addi %parallel_loop3A_927, %parallel_loop3A_932 : i32
        %parallel_loop3A_934 = arith.constant 1 : i32
        %parallel_loop3A_935 = arith.constant 0 : i32
        %parallel_loop3A_936 = tpu.memref_slice %arg7[%parallel_loop3A_934, %parallel_loop3A_935] : memref<2x40960xf32, #tpu.memory_space<vmem>> -> memref<1x40960xf32, #tpu.memory_space<vmem>>
        %parallel_loop3A_937 = tpu.memref_squeeze %parallel_loop3A_936 : memref<1x40960xf32, #tpu.memory_space<vmem>> -> memref<40960xf32, #tpu.memory_space<vmem>>
        %parallel_loop3A_938 = arith.index_cast %parallel_loop3A_933 : i32 to index
        %parallel_loop3A_939 = tpu.vector_load %parallel_loop3A_937[%parallel_loop3A_938] {strides = array<i32>} : memref<40960xf32, #tpu.memory_space<vmem>>, vector<16xf32>,
        tpu.vector_store %parallel_loop3A_937[%parallel_loop3A_938], %parallel_loop3A_931 {strides = array<i32>} : memref<40960xf32, #tpu.memory_space<vmem>>, vector<16xf32>,
        %parallel_loop3A_940 = arith.constant 16 : i32
        %parallel_loop3A_941 = arith.addi %parallel_loop3A_921, %parallel_loop3A_940 : i32
        %parallel_loop3A_942 = arith.index_cast %parallel_loop3A_941 : i32 to index
        %parallel_loop3A_943 = tpu.vector_load %arg6[%parallel_loop3A_942] {strides = array<i32>} : memref<8100xf32, #tpu.memory_space<vmem>>, vector<16xf32>,
        %parallel_loop3A_944 = arith.constant 16 : i32
        %parallel_loop3A_945 = arith.addi %parallel_loop3A_927, %parallel_loop3A_944 : i32
        %parallel_loop3A_946 = arith.constant 1 : i32
        %parallel_loop3A_947 = arith.constant 0 : i32
        %parallel_loop3A_948 = tpu.memref_slice %arg7[%parallel_loop3A_946, %parallel_loop3A_947] : memref<2x40960xf32, #tpu.memory_space<vmem>> -> memref<1x40960xf32, #tpu.memory_space<vmem>>
        %parallel_loop3A_949 = tpu.memref_squeeze %parallel_loop3A_948 : memref<1x40960xf32, #tpu.memory_space<vmem>> -> memref<40960xf32, #tpu.memory_space<vmem>>
        %parallel_loop3A_950 = arith.index_cast %parallel_loop3A_945 : i32 to index
        %parallel_loop3A_951 = tpu.vector_load %parallel_loop3A_949[%parallel_loop3A_950] {strides = array<i32>} : memref<40960xf32, #tpu.memory_space<vmem>>, vector<16xf32>,
        tpu.vector_store %parallel_loop3A_949[%parallel_loop3A_950], %parallel_loop3A_943 {strides = array<i32>} : memref<40960xf32, #tpu.memory_space<vmem>>, vector<16xf32>,
        %parallel_loop3A_952 = arith.constant 32 : i32
        %parallel_loop3A_953 = arith.addi %parallel_loop3A_921, %parallel_loop3A_952 : i32
        %parallel_loop3A_954 = arith.index_cast %parallel_loop3A_953 : i32 to index
        %parallel_loop3A_955 = tpu.vector_load %arg6[%parallel_loop3A_954] {strides = array<i32>} : memref<8100xf32, #tpu.memory_space<vmem>>, vector<16xf32>,
        %parallel_loop3A_956 = arith.constant 32 : i32
        %parallel_loop3A_957 = arith.addi %parallel_loop3A_927, %parallel_loop3A_956 : i32
        %parallel_loop3A_958 = arith.constant 1 : i32
        %parallel_loop3A_959 = arith.constant 0 : i32
        %parallel_loop3A_960 = tpu.memref_slice %arg7[%parallel_loop3A_958, %parallel_loop3A_959] : memref<2x40960xf32, #tpu.memory_space<vmem>> -> memref<1x40960xf32, #tpu.memory_space<vmem>>
        %parallel_loop3A_961 = tpu.memref_squeeze %parallel_loop3A_960 : memref<1x40960xf32, #tpu.memory_space<vmem>> -> memref<40960xf32, #tpu.memory_space<vmem>>
        %parallel_loop3A_962 = arith.index_cast %parallel_loop3A_957 : i32 to index
        %parallel_loop3A_963 = tpu.vector_load %parallel_loop3A_961[%parallel_loop3A_962] {strides = array<i32>} : memref<40960xf32, #tpu.memory_space<vmem>>, vector<16xf32>,
        tpu.vector_store %parallel_loop3A_961[%parallel_loop3A_962], %parallel_loop3A_955 {strides = array<i32>} : memref<40960xf32, #tpu.memory_space<vmem>>, vector<16xf32>,
        %parallel_loop3A_964 = arith.constant 48 : i32
        %parallel_loop3A_965 = arith.addi %parallel_loop3A_921, %parallel_loop3A_964 : i32
        %parallel_loop3A_966 = arith.index_cast %parallel_loop3A_965 : i32 to index
        %parallel_loop3A_967 = tpu.vector_load %arg6[%parallel_loop3A_966] {strides = array<i32>} : memref<8100xf32, #tpu.memory_space<vmem>>, vector<16xf32>,
        %parallel_loop3A_968 = arith.constant 48 : i32
        %parallel_loop3A_969 = arith.addi %parallel_loop3A_927, %parallel_loop3A_968 : i32
        %parallel_loop3A_970 = arith.constant 1 : i32
        %parallel_loop3A_971 = arith.constant 0 : i32
        %parallel_loop3A_972 = tpu.memref_slice %arg7[%parallel_loop3A_970, %parallel_loop3A_971] : memref<2x40960xf32, #tpu.memory_space<vmem>> -> memref<1x40960xf32, #tpu.memory_space<vmem>>
        %parallel_loop3A_973 = tpu.memref_squeeze %parallel_loop3A_972 : memref<1x40960xf32, #tpu.memory_space<vmem>> -> memref<40960xf32, #tpu.memory_space<vmem>>
        %parallel_loop3A_974 = arith.index_cast %parallel_loop3A_969 : i32 to index
        %parallel_loop3A_975 = tpu.vector_load %parallel_loop3A_973[%parallel_loop3A_974] {strides = array<i32>} : memref<40960xf32, #tpu.memory_space<vmem>>, vector<16xf32>,
        tpu.vector_store %parallel_loop3A_973[%parallel_loop3A_974], %parallel_loop3A_967 {strides = array<i32>} : memref<40960xf32, #tpu.memory_space<vmem>>, vector<16xf32>,
        %parallel_loop3A_976 = arith.constant 64 : i32
        %parallel_loop3A_977 = arith.addi %parallel_loop3A_921, %parallel_loop3A_976 : i32
        %parallel_loop3A_978 = arith.index_cast %parallel_loop3A_977 : i32 to index
        %parallel_loop3A_979 = tpu.vector_load %arg6[%parallel_loop3A_978] {strides = array<i32>} : memref<8100xf32, #tpu.memory_space<vmem>>, vector<16xf32>,
        %parallel_loop3A_980 = arith.constant 64 : i32
        %parallel_loop3A_981 = arith.addi %parallel_loop3A_927, %parallel_loop3A_980 : i32
        %parallel_loop3A_982 = arith.constant 1 : i32
        %parallel_loop3A_983 = arith.constant 0 : i32
        %parallel_loop3A_984 = tpu.memref_slice %arg7[%parallel_loop3A_982, %parallel_loop3A_983] : memref<2x40960xf32, #tpu.memory_space<vmem>> -> memref<1x40960xf32, #tpu.memory_space<vmem>>
        %parallel_loop3A_985 = tpu.memref_squeeze %parallel_loop3A_984 : memref<1x40960xf32, #tpu.memory_space<vmem>> -> memref<40960xf32, #tpu.memory_space<vmem>>
        %parallel_loop3A_986 = arith.index_cast %parallel_loop3A_981 : i32 to index
        %parallel_loop3A_987 = tpu.vector_load %parallel_loop3A_985[%parallel_loop3A_986] {strides = array<i32>} : memref<40960xf32, #tpu.memory_space<vmem>>, vector<16xf32>,
        tpu.vector_store %parallel_loop3A_985[%parallel_loop3A_986], %parallel_loop3A_979 {strides = array<i32>} : memref<40960xf32, #tpu.memory_space<vmem>>, vector<16xf32>,
        %parallel_loop3A_988 = vector.extract_strided_slice %parallel_loop3A_103 {offsets = [13], sizes = [1], strides = [1]} : vector<16xi32> to vector<1xi32>
        %parallel_loop3A_989 = vector.extract %parallel_loop3A_988[0] : i32 from vector<1xi32>
        %parallel_loop3A_990 = arith.constant 16 : i32
        %parallel_loop3A_991 = arith.muli %parallel_loop3A_93, %parallel_loop3A_990 : i32
        %parallel_loop3A_992 = arith.constant 13 : i32
        %parallel_loop3A_993 = arith.addi %parallel_loop3A_991, %parallel_loop3A_992 : i32
        %parallel_loop3A_994 = arith.constant 80 : i32
        %parallel_loop3A_995 = arith.muli %parallel_loop3A_993, %parallel_loop3A_994 : i32
        %parallel_loop3A_996 = arith.constant 0 : i32
        %parallel_loop3A_997 = arith.addi %parallel_loop3A_989, %parallel_loop3A_996 : i32
        %parallel_loop3A_998 = arith.index_cast %parallel_loop3A_997 : i32 to index
        %parallel_loop3A_999 = tpu.vector_load %arg6[%parallel_loop3A_998] {strides = array<i32>} : memref<8100xf32, #tpu.memory_space<vmem>>, vector<16xf32>,
        %parallel_loop3A_1000 = arith.constant 0 : i32
        %parallel_loop3A_1001 = arith.addi %parallel_loop3A_995, %parallel_loop3A_1000 : i32
        %parallel_loop3A_1002 = arith.constant 1 : i32
        %parallel_loop3A_1003 = arith.constant 0 : i32
        %parallel_loop3A_1004 = tpu.memref_slice %arg7[%parallel_loop3A_1002, %parallel_loop3A_1003] : memref<2x40960xf32, #tpu.memory_space<vmem>> -> memref<1x40960xf32, #tpu.memory_space<vmem>>
        %parallel_loop3A_1005 = tpu.memref_squeeze %parallel_loop3A_1004 : memref<1x40960xf32, #tpu.memory_space<vmem>> -> memref<40960xf32, #tpu.memory_space<vmem>>
        %parallel_loop3A_1006 = arith.index_cast %parallel_loop3A_1001 : i32 to index
        %parallel_loop3A_1007 = tpu.vector_load %parallel_loop3A_1005[%parallel_loop3A_1006] {strides = array<i32>} : memref<40960xf32, #tpu.memory_space<vmem>>, vector<16xf32>,
        tpu.vector_store %parallel_loop3A_1005[%parallel_loop3A_1006], %parallel_loop3A_999 {strides = array<i32>} : memref<40960xf32, #tpu.memory_space<vmem>>, vector<16xf32>,
        %parallel_loop3A_1008 = arith.constant 16 : i32
        %parallel_loop3A_1009 = arith.addi %parallel_loop3A_989, %parallel_loop3A_1008 : i32
        %parallel_loop3A_1010 = arith.index_cast %parallel_loop3A_1009 : i32 to index
        %parallel_loop3A_1011 = tpu.vector_load %arg6[%parallel_loop3A_1010] {strides = array<i32>} : memref<8100xf32, #tpu.memory_space<vmem>>, vector<16xf32>,
        %parallel_loop3A_1012 = arith.constant 16 : i32
        %parallel_loop3A_1013 = arith.addi %parallel_loop3A_995, %parallel_loop3A_1012 : i32
        %parallel_loop3A_1014 = arith.constant 1 : i32
        %parallel_loop3A_1015 = arith.constant 0 : i32
        %parallel_loop3A_1016 = tpu.memref_slice %arg7[%parallel_loop3A_1014, %parallel_loop3A_1015] : memref<2x40960xf32, #tpu.memory_space<vmem>> -> memref<1x40960xf32, #tpu.memory_space<vmem>>
        %parallel_loop3A_1017 = tpu.memref_squeeze %parallel_loop3A_1016 : memref<1x40960xf32, #tpu.memory_space<vmem>> -> memref<40960xf32, #tpu.memory_space<vmem>>
        %parallel_loop3A_1018 = arith.index_cast %parallel_loop3A_1013 : i32 to index
        %parallel_loop3A_1019 = tpu.vector_load %parallel_loop3A_1017[%parallel_loop3A_1018] {strides = array<i32>} : memref<40960xf32, #tpu.memory_space<vmem>>, vector<16xf32>,
        tpu.vector_store %parallel_loop3A_1017[%parallel_loop3A_1018], %parallel_loop3A_1011 {strides = array<i32>} : memref<40960xf32, #tpu.memory_space<vmem>>, vector<16xf32>,
        %parallel_loop3A_1020 = arith.constant 32 : i32
        %parallel_loop3A_1021 = arith.addi %parallel_loop3A_989, %parallel_loop3A_1020 : i32
        %parallel_loop3A_1022 = arith.index_cast %parallel_loop3A_1021 : i32 to index
        %parallel_loop3A_1023 = tpu.vector_load %arg6[%parallel_loop3A_1022] {strides = array<i32>} : memref<8100xf32, #tpu.memory_space<vmem>>, vector<16xf32>,
        %parallel_loop3A_1024 = arith.constant 32 : i32
        %parallel_loop3A_1025 = arith.addi %parallel_loop3A_995, %parallel_loop3A_1024 : i32
        %parallel_loop3A_1026 = arith.constant 1 : i32
        %parallel_loop3A_1027 = arith.constant 0 : i32
        %parallel_loop3A_1028 = tpu.memref_slice %arg7[%parallel_loop3A_1026, %parallel_loop3A_1027] : memref<2x40960xf32, #tpu.memory_space<vmem>> -> memref<1x40960xf32, #tpu.memory_space<vmem>>
        %parallel_loop3A_1029 = tpu.memref_squeeze %parallel_loop3A_1028 : memref<1x40960xf32, #tpu.memory_space<vmem>> -> memref<40960xf32, #tpu.memory_space<vmem>>
        %parallel_loop3A_1030 = arith.index_cast %parallel_loop3A_1025 : i32 to index
        %parallel_loop3A_1031 = tpu.vector_load %parallel_loop3A_1029[%parallel_loop3A_1030] {strides = array<i32>} : memref<40960xf32, #tpu.memory_space<vmem>>, vector<16xf32>,
        tpu.vector_store %parallel_loop3A_1029[%parallel_loop3A_1030], %parallel_loop3A_1023 {strides = array<i32>} : memref<40960xf32, #tpu.memory_space<vmem>>, vector<16xf32>,
        %parallel_loop3A_1032 = arith.constant 48 : i32
        %parallel_loop3A_1033 = arith.addi %parallel_loop3A_989, %parallel_loop3A_1032 : i32
        %parallel_loop3A_1034 = arith.index_cast %parallel_loop3A_1033 : i32 to index
        %parallel_loop3A_1035 = tpu.vector_load %arg6[%parallel_loop3A_1034] {strides = array<i32>} : memref<8100xf32, #tpu.memory_space<vmem>>, vector<16xf32>,
        %parallel_loop3A_1036 = arith.constant 48 : i32
        %parallel_loop3A_1037 = arith.addi %parallel_loop3A_995, %parallel_loop3A_1036 : i32
        %parallel_loop3A_1038 = arith.constant 1 : i32
        %parallel_loop3A_1039 = arith.constant 0 : i32
        %parallel_loop3A_1040 = tpu.memref_slice %arg7[%parallel_loop3A_1038, %parallel_loop3A_1039] : memref<2x40960xf32, #tpu.memory_space<vmem>> -> memref<1x40960xf32, #tpu.memory_space<vmem>>
        %parallel_loop3A_1041 = tpu.memref_squeeze %parallel_loop3A_1040 : memref<1x40960xf32, #tpu.memory_space<vmem>> -> memref<40960xf32, #tpu.memory_space<vmem>>
        %parallel_loop3A_1042 = arith.index_cast %parallel_loop3A_1037 : i32 to index
        %parallel_loop3A_1043 = tpu.vector_load %parallel_loop3A_1041[%parallel_loop3A_1042] {strides = array<i32>} : memref<40960xf32, #tpu.memory_space<vmem>>, vector<16xf32>,
        tpu.vector_store %parallel_loop3A_1041[%parallel_loop3A_1042], %parallel_loop3A_1035 {strides = array<i32>} : memref<40960xf32, #tpu.memory_space<vmem>>, vector<16xf32>,
        %parallel_loop3A_1044 = arith.constant 64 : i32
        %parallel_loop3A_1045 = arith.addi %parallel_loop3A_989, %parallel_loop3A_1044 : i32
        %parallel_loop3A_1046 = arith.index_cast %parallel_loop3A_1045 : i32 to index
        %parallel_loop3A_1047 = tpu.vector_load %arg6[%parallel_loop3A_1046] {strides = array<i32>} : memref<8100xf32, #tpu.memory_space<vmem>>, vector<16xf32>,
        %parallel_loop3A_1048 = arith.constant 64 : i32
        %parallel_loop3A_1049 = arith.addi %parallel_loop3A_995, %parallel_loop3A_1048 : i32
        %parallel_loop3A_1050 = arith.constant 1 : i32
        %parallel_loop3A_1051 = arith.constant 0 : i32
        %parallel_loop3A_1052 = tpu.memref_slice %arg7[%parallel_loop3A_1050, %parallel_loop3A_1051] : memref<2x40960xf32, #tpu.memory_space<vmem>> -> memref<1x40960xf32, #tpu.memory_space<vmem>>
        %parallel_loop3A_1053 = tpu.memref_squeeze %parallel_loop3A_1052 : memref<1x40960xf32, #tpu.memory_space<vmem>> -> memref<40960xf32, #tpu.memory_space<vmem>>
        %parallel_loop3A_1054 = arith.index_cast %parallel_loop3A_1049 : i32 to index
        %parallel_loop3A_1055 = tpu.vector_load %parallel_loop3A_1053[%parallel_loop3A_1054] {strides = array<i32>} : memref<40960xf32, #tpu.memory_space<vmem>>, vector<16xf32>,
        tpu.vector_store %parallel_loop3A_1053[%parallel_loop3A_1054], %parallel_loop3A_1047 {strides = array<i32>} : memref<40960xf32, #tpu.memory_space<vmem>>, vector<16xf32>,
        %parallel_loop3A_1056 = vector.extract_strided_slice %parallel_loop3A_103 {offsets = [14], sizes = [1], strides = [1]} : vector<16xi32> to vector<1xi32>
        %parallel_loop3A_1057 = vector.extract %parallel_loop3A_1056[0] : i32 from vector<1xi32>
        %parallel_loop3A_1058 = arith.constant 16 : i32
        %parallel_loop3A_1059 = arith.muli %parallel_loop3A_93, %parallel_loop3A_1058 : i32
        %parallel_loop3A_1060 = arith.constant 14 : i32
        %parallel_loop3A_1061 = arith.addi %parallel_loop3A_1059, %parallel_loop3A_1060 : i32
        %parallel_loop3A_1062 = arith.constant 80 : i32
        %parallel_loop3A_1063 = arith.muli %parallel_loop3A_1061, %parallel_loop3A_1062 : i32
        %parallel_loop3A_1064 = arith.constant 0 : i32
        %parallel_loop3A_1065 = arith.addi %parallel_loop3A_1057, %parallel_loop3A_1064 : i32
        %parallel_loop3A_1066 = arith.index_cast %parallel_loop3A_1065 : i32 to index
        %parallel_loop3A_1067 = tpu.vector_load %arg6[%parallel_loop3A_1066] {strides = array<i32>} : memref<8100xf32, #tpu.memory_space<vmem>>, vector<16xf32>,
        %parallel_loop3A_1068 = arith.constant 0 : i32
        %parallel_loop3A_1069 = arith.addi %parallel_loop3A_1063, %parallel_loop3A_1068 : i32
        %parallel_loop3A_1070 = arith.constant 1 : i32
        %parallel_loop3A_1071 = arith.constant 0 : i32
        %parallel_loop3A_1072 = tpu.memref_slice %arg7[%parallel_loop3A_1070, %parallel_loop3A_1071] : memref<2x40960xf32, #tpu.memory_space<vmem>> -> memref<1x40960xf32, #tpu.memory_space<vmem>>
        %parallel_loop3A_1073 = tpu.memref_squeeze %parallel_loop3A_1072 : memref<1x40960xf32, #tpu.memory_space<vmem>> -> memref<40960xf32, #tpu.memory_space<vmem>>
        %parallel_loop3A_1074 = arith.index_cast %parallel_loop3A_1069 : i32 to index
        %parallel_loop3A_1075 = tpu.vector_load %parallel_loop3A_1073[%parallel_loop3A_1074] {strides = array<i32>} : memref<40960xf32, #tpu.memory_space<vmem>>, vector<16xf32>,
        tpu.vector_store %parallel_loop3A_1073[%parallel_loop3A_1074], %parallel_loop3A_1067 {strides = array<i32>} : memref<40960xf32, #tpu.memory_space<vmem>>, vector<16xf32>,
        %parallel_loop3A_1076 = arith.constant 16 : i32
        %parallel_loop3A_1077 = arith.addi %parallel_loop3A_1057, %parallel_loop3A_1076 : i32
        %parallel_loop3A_1078 = arith.index_cast %parallel_loop3A_1077 : i32 to index
        %parallel_loop3A_1079 = tpu.vector_load %arg6[%parallel_loop3A_1078] {strides = array<i32>} : memref<8100xf32, #tpu.memory_space<vmem>>, vector<16xf32>,
        %parallel_loop3A_1080 = arith.constant 16 : i32
        %parallel_loop3A_1081 = arith.addi %parallel_loop3A_1063, %parallel_loop3A_1080 : i32
        %parallel_loop3A_1082 = arith.constant 1 : i32
        %parallel_loop3A_1083 = arith.constant 0 : i32
        %parallel_loop3A_1084 = tpu.memref_slice %arg7[%parallel_loop3A_1082, %parallel_loop3A_1083] : memref<2x40960xf32, #tpu.memory_space<vmem>> -> memref<1x40960xf32, #tpu.memory_space<vmem>>
        %parallel_loop3A_1085 = tpu.memref_squeeze %parallel_loop3A_1084 : memref<1x40960xf32, #tpu.memory_space<vmem>> -> memref<40960xf32, #tpu.memory_space<vmem>>
        %parallel_loop3A_1086 = arith.index_cast %parallel_loop3A_1081 : i32 to index
        %parallel_loop3A_1087 = tpu.vector_load %parallel_loop3A_1085[%parallel_loop3A_1086] {strides = array<i32>} : memref<40960xf32, #tpu.memory_space<vmem>>, vector<16xf32>,
        tpu.vector_store %parallel_loop3A_1085[%parallel_loop3A_1086], %parallel_loop3A_1079 {strides = array<i32>} : memref<40960xf32, #tpu.memory_space<vmem>>, vector<16xf32>,
        %parallel_loop3A_1088 = arith.constant 32 : i32
        %parallel_loop3A_1089 = arith.addi %parallel_loop3A_1057, %parallel_loop3A_1088 : i32
        %parallel_loop3A_1090 = arith.index_cast %parallel_loop3A_1089 : i32 to index
        %parallel_loop3A_1091 = tpu.vector_load %arg6[%parallel_loop3A_1090] {strides = array<i32>} : memref<8100xf32, #tpu.memory_space<vmem>>, vector<16xf32>,
        %parallel_loop3A_1092 = arith.constant 32 : i32
        %parallel_loop3A_1093 = arith.addi %parallel_loop3A_1063, %parallel_loop3A_1092 : i32
        %parallel_loop3A_1094 = arith.constant 1 : i32
        %parallel_loop3A_1095 = arith.constant 0 : i32
        %parallel_loop3A_1096 = tpu.memref_slice %arg7[%parallel_loop3A_1094, %parallel_loop3A_1095] : memref<2x40960xf32, #tpu.memory_space<vmem>> -> memref<1x40960xf32, #tpu.memory_space<vmem>>
        %parallel_loop3A_1097 = tpu.memref_squeeze %parallel_loop3A_1096 : memref<1x40960xf32, #tpu.memory_space<vmem>> -> memref<40960xf32, #tpu.memory_space<vmem>>
        %parallel_loop3A_1098 = arith.index_cast %parallel_loop3A_1093 : i32 to index
        %parallel_loop3A_1099 = tpu.vector_load %parallel_loop3A_1097[%parallel_loop3A_1098] {strides = array<i32>} : memref<40960xf32, #tpu.memory_space<vmem>>, vector<16xf32>,
        tpu.vector_store %parallel_loop3A_1097[%parallel_loop3A_1098], %parallel_loop3A_1091 {strides = array<i32>} : memref<40960xf32, #tpu.memory_space<vmem>>, vector<16xf32>,
        %parallel_loop3A_1100 = arith.constant 48 : i32
        %parallel_loop3A_1101 = arith.addi %parallel_loop3A_1057, %parallel_loop3A_1100 : i32
        %parallel_loop3A_1102 = arith.index_cast %parallel_loop3A_1101 : i32 to index
        %parallel_loop3A_1103 = tpu.vector_load %arg6[%parallel_loop3A_1102] {strides = array<i32>} : memref<8100xf32, #tpu.memory_space<vmem>>, vector<16xf32>,
        %parallel_loop3A_1104 = arith.constant 48 : i32
        %parallel_loop3A_1105 = arith.addi %parallel_loop3A_1063, %parallel_loop3A_1104 : i32
        %parallel_loop3A_1106 = arith.constant 1 : i32
        %parallel_loop3A_1107 = arith.constant 0 : i32
        %parallel_loop3A_1108 = tpu.memref_slice %arg7[%parallel_loop3A_1106, %parallel_loop3A_1107] : memref<2x40960xf32, #tpu.memory_space<vmem>> -> memref<1x40960xf32, #tpu.memory_space<vmem>>
        %parallel_loop3A_1109 = tpu.memref_squeeze %parallel_loop3A_1108 : memref<1x40960xf32, #tpu.memory_space<vmem>> -> memref<40960xf32, #tpu.memory_space<vmem>>
        %parallel_loop3A_1110 = arith.index_cast %parallel_loop3A_1105 : i32 to index
        %parallel_loop3A_1111 = tpu.vector_load %parallel_loop3A_1109[%parallel_loop3A_1110] {strides = array<i32>} : memref<40960xf32, #tpu.memory_space<vmem>>, vector<16xf32>,
        tpu.vector_store %parallel_loop3A_1109[%parallel_loop3A_1110], %parallel_loop3A_1103 {strides = array<i32>} : memref<40960xf32, #tpu.memory_space<vmem>>, vector<16xf32>,
        %parallel_loop3A_1112 = arith.constant 64 : i32
        %parallel_loop3A_1113 = arith.addi %parallel_loop3A_1057, %parallel_loop3A_1112 : i32
        %parallel_loop3A_1114 = arith.index_cast %parallel_loop3A_1113 : i32 to index
        %parallel_loop3A_1115 = tpu.vector_load %arg6[%parallel_loop3A_1114] {strides = array<i32>} : memref<8100xf32, #tpu.memory_space<vmem>>, vector<16xf32>,
        %parallel_loop3A_1116 = arith.constant 64 : i32
        %parallel_loop3A_1117 = arith.addi %parallel_loop3A_1063, %parallel_loop3A_1116 : i32
        %parallel_loop3A_1118 = arith.constant 1 : i32
        %parallel_loop3A_1119 = arith.constant 0 : i32
        %parallel_loop3A_1120 = tpu.memref_slice %arg7[%parallel_loop3A_1118, %parallel_loop3A_1119] : memref<2x40960xf32, #tpu.memory_space<vmem>> -> memref<1x40960xf32, #tpu.memory_space<vmem>>
        %parallel_loop3A_1121 = tpu.memref_squeeze %parallel_loop3A_1120 : memref<1x40960xf32, #tpu.memory_space<vmem>> -> memref<40960xf32, #tpu.memory_space<vmem>>
        %parallel_loop3A_1122 = arith.index_cast %parallel_loop3A_1117 : i32 to index
        %parallel_loop3A_1123 = tpu.vector_load %parallel_loop3A_1121[%parallel_loop3A_1122] {strides = array<i32>} : memref<40960xf32, #tpu.memory_space<vmem>>, vector<16xf32>,
        tpu.vector_store %parallel_loop3A_1121[%parallel_loop3A_1122], %parallel_loop3A_1115 {strides = array<i32>} : memref<40960xf32, #tpu.memory_space<vmem>>, vector<16xf32>,
        %parallel_loop3A_1124 = vector.extract_strided_slice %parallel_loop3A_103 {offsets = [15], sizes = [1], strides = [1]} : vector<16xi32> to vector<1xi32>
        %parallel_loop3A_1125 = vector.extract %parallel_loop3A_1124[0] : i32 from vector<1xi32>
        %parallel_loop3A_1126 = arith.constant 16 : i32
        %parallel_loop3A_1127 = arith.muli %parallel_loop3A_93, %parallel_loop3A_1126 : i32
        %parallel_loop3A_1128 = arith.constant 15 : i32
        %parallel_loop3A_1129 = arith.addi %parallel_loop3A_1127, %parallel_loop3A_1128 : i32
        %parallel_loop3A_1130 = arith.constant 80 : i32
        %parallel_loop3A_1131 = arith.muli %parallel_loop3A_1129, %parallel_loop3A_1130 : i32
        %parallel_loop3A_1132 = arith.constant 0 : i32
        %parallel_loop3A_1133 = arith.addi %parallel_loop3A_1125, %parallel_loop3A_1132 : i32
        %parallel_loop3A_1134 = arith.index_cast %parallel_loop3A_1133 : i32 to index
        %parallel_loop3A_1135 = tpu.vector_load %arg6[%parallel_loop3A_1134] {strides = array<i32>} : memref<8100xf32, #tpu.memory_space<vmem>>, vector<16xf32>,
        %parallel_loop3A_1136 = arith.constant 0 : i32
        %parallel_loop3A_1137 = arith.addi %parallel_loop3A_1131, %parallel_loop3A_1136 : i32
        %parallel_loop3A_1138 = arith.constant 1 : i32
        %parallel_loop3A_1139 = arith.constant 0 : i32
        %parallel_loop3A_1140 = tpu.memref_slice %arg7[%parallel_loop3A_1138, %parallel_loop3A_1139] : memref<2x40960xf32, #tpu.memory_space<vmem>> -> memref<1x40960xf32, #tpu.memory_space<vmem>>
        %parallel_loop3A_1141 = tpu.memref_squeeze %parallel_loop3A_1140 : memref<1x40960xf32, #tpu.memory_space<vmem>> -> memref<40960xf32, #tpu.memory_space<vmem>>
        %parallel_loop3A_1142 = arith.index_cast %parallel_loop3A_1137 : i32 to index
        %parallel_loop3A_1143 = tpu.vector_load %parallel_loop3A_1141[%parallel_loop3A_1142] {strides = array<i32>} : memref<40960xf32, #tpu.memory_space<vmem>>, vector<16xf32>,
        tpu.vector_store %parallel_loop3A_1141[%parallel_loop3A_1142], %parallel_loop3A_1135 {strides = array<i32>} : memref<40960xf32, #tpu.memory_space<vmem>>, vector<16xf32>,
        %parallel_loop3A_1144 = arith.constant 16 : i32
        %parallel_loop3A_1145 = arith.addi %parallel_loop3A_1125, %parallel_loop3A_1144 : i32
        %parallel_loop3A_1146 = arith.index_cast %parallel_loop3A_1145 : i32 to index
        %parallel_loop3A_1147 = tpu.vector_load %arg6[%parallel_loop3A_1146] {strides = array<i32>} : memref<8100xf32, #tpu.memory_space<vmem>>, vector<16xf32>,
        %parallel_loop3A_1148 = arith.constant 16 : i32
        %parallel_loop3A_1149 = arith.addi %parallel_loop3A_1131, %parallel_loop3A_1148 : i32
        %parallel_loop3A_1150 = arith.constant 1 : i32
        %parallel_loop3A_1151 = arith.constant 0 : i32
        %parallel_loop3A_1152 = tpu.memref_slice %arg7[%parallel_loop3A_1150, %parallel_loop3A_1151] : memref<2x40960xf32, #tpu.memory_space<vmem>> -> memref<1x40960xf32, #tpu.memory_space<vmem>>
        %parallel_loop3A_1153 = tpu.memref_squeeze %parallel_loop3A_1152 : memref<1x40960xf32, #tpu.memory_space<vmem>> -> memref<40960xf32, #tpu.memory_space<vmem>>
        %parallel_loop3A_1154 = arith.index_cast %parallel_loop3A_1149 : i32 to index
        %parallel_loop3A_1155 = tpu.vector_load %parallel_loop3A_1153[%parallel_loop3A_1154] {strides = array<i32>} : memref<40960xf32, #tpu.memory_space<vmem>>, vector<16xf32>,
        tpu.vector_store %parallel_loop3A_1153[%parallel_loop3A_1154], %parallel_loop3A_1147 {strides = array<i32>} : memref<40960xf32, #tpu.memory_space<vmem>>, vector<16xf32>,
        %parallel_loop3A_1156 = arith.constant 32 : i32
        %parallel_loop3A_1157 = arith.addi %parallel_loop3A_1125, %parallel_loop3A_1156 : i32
        %parallel_loop3A_1158 = arith.index_cast %parallel_loop3A_1157 : i32 to index
        %parallel_loop3A_1159 = tpu.vector_load %arg6[%parallel_loop3A_1158] {strides = array<i32>} : memref<8100xf32, #tpu.memory_space<vmem>>, vector<16xf32>,
        %parallel_loop3A_1160 = arith.constant 32 : i32
        %parallel_loop3A_1161 = arith.addi %parallel_loop3A_1131, %parallel_loop3A_1160 : i32
        %parallel_loop3A_1162 = arith.constant 1 : i32
        %parallel_loop3A_1163 = arith.constant 0 : i32
        %parallel_loop3A_1164 = tpu.memref_slice %arg7[%parallel_loop3A_1162, %parallel_loop3A_1163] : memref<2x40960xf32, #tpu.memory_space<vmem>> -> memref<1x40960xf32, #tpu.memory_space<vmem>>
        %parallel_loop3A_1165 = tpu.memref_squeeze %parallel_loop3A_1164 : memref<1x40960xf32, #tpu.memory_space<vmem>> -> memref<40960xf32, #tpu.memory_space<vmem>>
        %parallel_loop3A_1166 = arith.index_cast %parallel_loop3A_1161 : i32 to index
        %parallel_loop3A_1167 = tpu.vector_load %parallel_loop3A_1165[%parallel_loop3A_1166] {strides = array<i32>} : memref<40960xf32, #tpu.memory_space<vmem>>, vector<16xf32>,
        tpu.vector_store %parallel_loop3A_1165[%parallel_loop3A_1166], %parallel_loop3A_1159 {strides = array<i32>} : memref<40960xf32, #tpu.memory_space<vmem>>, vector<16xf32>,
        %parallel_loop3A_1168 = arith.constant 48 : i32
        %parallel_loop3A_1169 = arith.addi %parallel_loop3A_1125, %parallel_loop3A_1168 : i32
        %parallel_loop3A_1170 = arith.index_cast %parallel_loop3A_1169 : i32 to index
        %parallel_loop3A_1171 = tpu.vector_load %arg6[%parallel_loop3A_1170] {strides = array<i32>} : memref<8100xf32, #tpu.memory_space<vmem>>, vector<16xf32>,
        %parallel_loop3A_1172 = arith.constant 48 : i32
        %parallel_loop3A_1173 = arith.addi %parallel_loop3A_1131, %parallel_loop3A_1172 : i32
        %parallel_loop3A_1174 = arith.constant 1 : i32
        %parallel_loop3A_1175 = arith.constant 0 : i32
        %parallel_loop3A_1176 = tpu.memref_slice %arg7[%parallel_loop3A_1174, %parallel_loop3A_1175] : memref<2x40960xf32, #tpu.memory_space<vmem>> -> memref<1x40960xf32, #tpu.memory_space<vmem>>
        %parallel_loop3A_1177 = tpu.memref_squeeze %parallel_loop3A_1176 : memref<1x40960xf32, #tpu.memory_space<vmem>> -> memref<40960xf32, #tpu.memory_space<vmem>>
        %parallel_loop3A_1178 = arith.index_cast %parallel_loop3A_1173 : i32 to index
        %parallel_loop3A_1179 = tpu.vector_load %parallel_loop3A_1177[%parallel_loop3A_1178] {strides = array<i32>} : memref<40960xf32, #tpu.memory_space<vmem>>, vector<16xf32>,
        tpu.vector_store %parallel_loop3A_1177[%parallel_loop3A_1178], %parallel_loop3A_1171 {strides = array<i32>} : memref<40960xf32, #tpu.memory_space<vmem>>, vector<16xf32>,
        %parallel_loop3A_1180 = arith.constant 64 : i32
        %parallel_loop3A_1181 = arith.addi %parallel_loop3A_1125, %parallel_loop3A_1180 : i32
        %parallel_loop3A_1182 = arith.index_cast %parallel_loop3A_1181 : i32 to index
        %parallel_loop3A_1183 = tpu.vector_load %arg6[%parallel_loop3A_1182] {strides = array<i32>} : memref<8100xf32, #tpu.memory_space<vmem>>, vector<16xf32>,
        %parallel_loop3A_1184 = arith.constant 64 : i32
        %parallel_loop3A_1185 = arith.addi %parallel_loop3A_1131, %parallel_loop3A_1184 : i32
        %parallel_loop3A_1186 = arith.constant 1 : i32
        %parallel_loop3A_1187 = arith.constant 0 : i32
        %parallel_loop3A_1188 = tpu.memref_slice %arg7[%parallel_loop3A_1186, %parallel_loop3A_1187] : memref<2x40960xf32, #tpu.memory_space<vmem>> -> memref<1x40960xf32, #tpu.memory_space<vmem>>
        %parallel_loop3A_1189 = tpu.memref_squeeze %parallel_loop3A_1188 : memref<1x40960xf32, #tpu.memory_space<vmem>> -> memref<40960xf32, #tpu.memory_space<vmem>>
        %parallel_loop3A_1190 = arith.index_cast %parallel_loop3A_1185 : i32 to index
        %parallel_loop3A_1191 = tpu.vector_load %parallel_loop3A_1189[%parallel_loop3A_1190] {strides = array<i32>} : memref<40960xf32, #tpu.memory_space<vmem>>, vector<16xf32>,
        tpu.vector_store %parallel_loop3A_1189[%parallel_loop3A_1190], %parallel_loop3A_1183 {strides = array<i32>} : memref<40960xf32, #tpu.memory_space<vmem>>, vector<16xf32>,
      } {sc.loop_unroll_factor = 1 : i64, sc.parallel_access}
      %mul3A_76 = arith.constant 512 : i32
      %mul3A_77 = arith.muli %add3A_67, %mul3A_76 : i32
      %add3A_78 = arith.addi %mul3A_2, %mul3A_77 : i32
      %mul3A_79 = arith.constant 80 : i32
      %mul3A_80 = arith.muli %add3A_78, %mul3A_79 : i32
      %dma_start3A_81 = arith.constant 1 : i32
      %dma_start3A_82 = arith.constant 1 : i32
      %dma_start3A_83 = arith.constant 0 : i32
      %dma_start3A_84 = tpu.memref_slice %arg7[%dma_start3A_81, %dma_start3A_83] : memref<2x40960xf32, #tpu.memory_space<vmem>> -> memref<1x40960xf32, #tpu.memory_space<vmem>>
      %dma_start3A_85 = tpu.memref_squeeze %dma_start3A_84 : memref<1x40960xf32, #tpu.memory_space<vmem>> -> memref<40960xf32, #tpu.memory_space<vmem>>
      %dma_start3A_86 = tpu.memref_slice %arg4[%mul3A_80] : memref<65536000xf32, #tpu.memory_space<hbm>> -> memref<40960xf32, #tpu.memory_space<hbm>>
      %dma_start3A_87 = tpu.memref_slice %arg8[%dma_start3A_82] : memref<2x!tpu.dma_semaphore, #tpu.memory_space<semaphore_mem>> -> memref<1x!tpu.dma_semaphore, #tpu.memory_space<semaphore_mem>>
      %dma_start3A_88 = tpu.memref_squeeze %dma_start3A_87 : memref<1x!tpu.dma_semaphore, #tpu.memory_space<semaphore_mem>> -> memref<!tpu.dma_semaphore, #tpu.memory_space<semaphore_mem>>
      %dma_start3A_89 = tpu.memref_slice %arg4[%mul3A_80] : memref<65536000xf32, #tpu.memory_space<hbm>> -> memref<40960xf32, #tpu.memory_space<hbm>>
      %dma_start3A_90 = arith.constant 0 : i32
      %dma_start3A_91 = tpu.memref_slice %arg7[%dma_start3A_81, %dma_start3A_90] : memref<2x40960xf32, #tpu.memory_space<vmem>> -> memref<1x40960xf32, #tpu.memory_space<vmem>>
      %dma_start3A_92 = tpu.memref_squeeze %dma_start3A_91 : memref<1x40960xf32, #tpu.memory_space<vmem>> -> memref<40960xf32, #tpu.memory_space<vmem>>
      tpu.enqueue_dma source(%dma_start3A_92 : memref<40960xf32, #tpu.memory_space<vmem>>) target(%dma_start3A_89 : memref<40960xf32, #tpu.memory_space<hbm>>) target_semaphore(%dma_start3A_88 : memref<!tpu.dma_semaphore, #tpu.memory_space<semaphore_mem>>)
    }
    %scan3A_7 = arith.constant 25 : i32
    %add3A_8 = arith.constant 24576 : i32
    %add3A_9 = arith.addi %mul3A_2, %add3A_8 : i32
    %mul3A_10 = arith.constant 80 : i32
    %mul3A_11 = arith.muli %add3A_9, %mul3A_10 : i32
    %dma_wait3A = arith.constant 0 : i32
    %dma_wait3A_12 = arith.constant 0 : i32
    %dma_wait3A_13 = arith.constant 0 : i32
    %dma_wait3A_14 = tpu.memref_slice %arg7[%dma_wait3A, %dma_wait3A_13] : memref<2x40960xf32, #tpu.memory_space<vmem>> -> memref<1x40960xf32, #tpu.memory_space<vmem>>
    %dma_wait3A_15 = tpu.memref_squeeze %dma_wait3A_14 : memref<1x40960xf32, #tpu.memory_space<vmem>> -> memref<40960xf32, #tpu.memory_space<vmem>>
    %dma_wait3A_16 = tpu.memref_slice %arg4[%mul3A_11] : memref<65536000xf32, #tpu.memory_space<hbm>> -> memref<40960xf32, #tpu.memory_space<hbm>>
    %dma_wait3A_17 = tpu.memref_slice %arg8[%dma_wait3A_12] : memref<2x!tpu.dma_semaphore, #tpu.memory_space<semaphore_mem>> -> memref<1x!tpu.dma_semaphore, #tpu.memory_space<semaphore_mem>>
    %dma_wait3A_18 = tpu.memref_squeeze %dma_wait3A_17 : memref<1x!tpu.dma_semaphore, #tpu.memory_space<semaphore_mem>> -> memref<!tpu.dma_semaphore, #tpu.memory_space<semaphore_mem>>
    %dma_wait3A_19 = tpu.memref_slice %arg4[%mul3A_11] : memref<65536000xf32, #tpu.memory_space<hbm>> -> memref<40960xf32, #tpu.memory_space<hbm>>
    %dma_wait3A_20 = arith.constant 0 : i32
    %dma_wait3A_21 = tpu.memref_slice %arg7[%dma_wait3A, %dma_wait3A_20] : memref<2x40960xf32, #tpu.memory_space<vmem>> -> memref<1x40960xf32, #tpu.memory_space<vmem>>
    %dma_wait3A_22 = tpu.memref_squeeze %dma_wait3A_21 : memref<1x40960xf32, #tpu.memory_space<vmem>> -> memref<40960xf32, #tpu.memory_space<vmem>>
    tpu.wait_dma2 semaphore(%dma_wait3A_18 : memref<!tpu.dma_semaphore, #tpu.memory_space<semaphore_mem>>) src(%dma_wait3A_22 : memref<40960xf32, #tpu.memory_space<vmem>>) dst(%dma_wait3A_19 : memref<40960xf32, #tpu.memory_space<hbm>>)
    %add3A_23 = arith.constant 25088 : i32
    %add3A_24 = arith.addi %mul3A_2, %add3A_23 : i32
    %mul3A_25 = arith.constant 80 : i32
    %mul3A_26 = arith.muli %add3A_24, %mul3A_25 : i32
    %dma_wait3A_27 = arith.constant 1 : i32
    %dma_wait3A_28 = arith.constant 1 : i32
    %dma_wait3A_29 = arith.constant 0 : i32
    %dma_wait3A_30 = tpu.memref_slice %arg7[%dma_wait3A_27, %dma_wait3A_29] : memref<2x40960xf32, #tpu.memory_space<vmem>> -> memref<1x40960xf32, #tpu.memory_space<vmem>>
    %dma_wait3A_31 = tpu.memref_squeeze %dma_wait3A_30 : memref<1x40960xf32, #tpu.memory_space<vmem>> -> memref<40960xf32, #tpu.memory_space<vmem>>
    %dma_wait3A_32 = tpu.memref_slice %arg4[%mul3A_26] : memref<65536000xf32, #tpu.memory_space<hbm>> -> memref<40960xf32, #tpu.memory_space<hbm>>
    %dma_wait3A_33 = tpu.memref_slice %arg8[%dma_wait3A_28] : memref<2x!tpu.dma_semaphore, #tpu.memory_space<semaphore_mem>> -> memref<1x!tpu.dma_semaphore, #tpu.memory_space<semaphore_mem>>
    %dma_wait3A_34 = tpu.memref_squeeze %dma_wait3A_33 : memref<1x!tpu.dma_semaphore, #tpu.memory_space<semaphore_mem>> -> memref<!tpu.dma_semaphore, #tpu.memory_space<semaphore_mem>>
    %dma_wait3A_35 = tpu.memref_slice %arg4[%mul3A_26] : memref<65536000xf32, #tpu.memory_space<hbm>> -> memref<40960xf32, #tpu.memory_space<hbm>>
    %dma_wait3A_36 = arith.constant 0 : i32
    %dma_wait3A_37 = tpu.memref_slice %arg7[%dma_wait3A_27, %dma_wait3A_36] : memref<2x40960xf32, #tpu.memory_space<vmem>> -> memref<1x40960xf32, #tpu.memory_space<vmem>>
    %dma_wait3A_38 = tpu.memref_squeeze %dma_wait3A_37 : memref<1x40960xf32, #tpu.memory_space<vmem>> -> memref<40960xf32, #tpu.memory_space<vmem>>
    tpu.wait_dma2 semaphore(%dma_wait3A_34 : memref<!tpu.dma_semaphore, #tpu.memory_space<semaphore_mem>>) src(%dma_wait3A_38 : memref<40960xf32, #tpu.memory_space<vmem>>) dst(%dma_wait3A_35 : memref<40960xf32, #tpu.memory_space<hbm>>)
    return
  }
}

</mosaic_0001>

<sc_bundles>
// kernel: kernel.3.cloned.1.call-start
scs
__scs_entry_jumppad:
0x0: {  	(pc) =	sbr.rel $0x88, $3  }
0x1: {  	(tag) =	ssettag $0x0;
	lr =	simm.s32 $0x1  }
0x2: {  	[smem:$0x3F9F] =	sst lr;
	_ =	strace $0xD0000000  }
0x3: {  	_ = 	snop  }
0x4: {  	_ = 	snop  }
0x5: {  	_ = 	snop  }
0x6: {  	_ = 	snop  }
0x7: {  	_ = 	snop  }
__scs_overlays_trampoline_lowered:
0x8: {  	[smem:$0x3FAE] =	sst s0  }
0x9: {  	[smem:$0x3FAF] =	sst s1  }
0xa: {  	[smem:$0x3FB0] =	sst s2  }
0xb: {  	[smem:$0x3FB1] =	sst s3  }
0xc: {  	[smem:$0x3FB2] =	sst s4  }
0xd: {  	[smem:$0x3FB3] =	sst s5  }
0xe: {  	[smem:$0x3FB4] =	sst s6  }
0xf: {  	[smem:$0x3FB5] =	sst s7  }
0x10: {  	[smem:$0x3FB6] =	sst s8  }
0x11: {  	[smem:$0x3FB7] =	sst s9;
	s0 =	simm.s32 @!p0 $0x0  }
0x12: {  	s1 =	sld [smem:$0x3F9D];
	s0 =	simm.s32 @p0 $0x1  }
0x13: {  	[smem:$0x3FB8] =	sst s0;
	s0 =	simm.s32 @!p1 $0x0  }
0x14: {  	s2 =	sld [smem:$0x3F9C];
	s0 =	simm.s32 @p1 $0x1  }
0x15: {  	[smem:$0x3FB9] =	sst s0;
	s0 =	simm.s32 @!p2 $0x0  }
0x16: {  	s3 =	sld [smem:$0x3FDB];
	s0 =	simm.s32 @p2 $0x1  }
0x17: {  	s4 =	simm.s32 $0x1BF5;
	[smem:$0x3FBB] =	sst s0  }
0x18: {  	s0 =	sld [smem:$0x3F9E];
	_ =	swait.ge [sflag:s4], $0x0  }
0x19: {  	s7 =	sld [smem:$0x3F9F]  }
0x1a: {  	s8 =	sadd.s32 $0xFFFFE003, lr  }
0x1b: {  	s9 =	sadd.s32 $0xFFFFFEF7, lr;
	s5 =	simm.s32 $0xFFFFFFFF;
	p2 =	slt.u32 s8, $0xFFFFF086  }
0x1c: {  	p1 =	slt.u32 s9, $0xF7A;
	s5 =	simm.s32 @!p2 $0x0  }
0x1d: {  	s5 =	simm.s32 @p1 $0x1;
	p0 =	seq.s32 s7, s2  }
0x1e: {  	s7 =	smul.u32 @!p0 $0xF7A, s2;
	p2 =	seq.s32 @!p0 s5, $0x0  }
0x1f: {  	s9 =	smul.u32 $0xF7A, s1;
	s8 =	simm.s32 @!p0 $0x1BF5;
	p2 =	por !p2, p0  }
0x20: {  	[sflag:s8] =	ssyncset.s32 @!p0 $0xFFFFF086;
	s6 =	sadd.s32 @!p0 s3, s7;
	s7 =	simm.s32 @!p0 $0x108  }
0x21: {  	s3 =	sadd.s32 s3, s9;
	s6 =	sadd.s32 @!p0 $0x88, s6;
	s7 =	simm.s32 @p2 $0x1082  }
0x22: {  	[simem:s7], [sflag:s8] =	dma.local @!p0 [hbm:s6], $0xF7A  }
0x23: {  	s9 =	sor.u32 $0xD0000000, s2;
	s6 =	simm.s32 $0x108;
	_ =	swait.ge @!p0 [sflag:s8], $0x0  }
0x24: {  	s3 =	sadd.s32 $0x88, s3;
	s6 =	simm.s32 @!p1 $0x1082;
	[sflag:s4] =	ssyncset.s32 $0xFFFFF086  }
0x25: {  	[simem:s6], [sflag:s4] =	dma.local [hbm:s3], $0xF7A  }
0x26: {  	[smem:$0x3F9F] =	sst s1;
	(tag) =	ssettag s2;
	_ =	strace s9  }
0x27: {  	s1 =	sld [smem:$0x3FAF]  }
0x28: {  	s2 =	sld [smem:$0x3FB0]  }
0x29: {  	s4 =	sld [smem:$0x3FB2]  }
0x2a: {  	p0 =	seq.s32 s5, $0x0;
	s5 =	sld [smem:$0x3FB3]  }
0x2b: {  	s6 =	sld [smem:$0x3FB4]  }
0x2c: {  	s7 =	sld [smem:$0x3FB5]  }
0x2d: {  	s3 =	simm.s32 $0x108;
	s8 =	sld [smem:$0x3FB6]  }
0x2e: {  	s3 =	simm.s32 @!p0 $0x1082;
	s9 =	sld [smem:$0x3FB7]  }
0x2f: {  	lr =	sadd.s32 s0, s3;
	s0 =	sld [smem:$0x3FAE]  }
0x30: {  	s3 =	sld [smem:$0x3FB1]  }
0x31: {  	[smem:$0x3FBA] =	sst s10  }
0x32: {  	s10 =	sld [smem:$0x3FB8];
	_ =	sdelay $0x3  }
0x33: {  	p0 =	seq.s32 s10, $0x1;
	s10 =	sld [smem:$0x3FBA];
	_ =	sdelay $0x3  }
0x34: {  	[smem:$0x3FBA] =	sst s10  }
0x35: {  	s10 =	sld [smem:$0x3FB9];
	_ =	sdelay $0x3  }
0x36: {  	p1 =	seq.s32 s10, $0x1;
	s10 =	sld [smem:$0x3FBA];
	_ =	sdelay $0x3  }
0x37: {  	[smem:$0x3FBA] =	sst s10  }
0x38: {  	s10 =	sld [smem:$0x3FBB]  }
0x39: {  	_ = 	snop;
	(pc) =	sbr.ind lr, $3  }
0x3a: {  	_ = 	snop  }
0x3b: {  	_ = 	snop  }
0x3c: {  	p2 =	seq.s32 s10, $0x1;
	s10 =	sld [smem:$0x3FBA]  }
0x3d: {  	_ =	shalt  }
0x3e: {  	_ =	shalt  }
0x3f: {  	_ =	shalt  }
0x40: {  	_ =	shalt  }
0x41: {  	_ =	shalt  }
0x42: {  	_ =	shalt  }
0x43: {  	_ =	shalt  }
0x44: {  	_ =	shalt  }
0x45: {  	_ =	shalt  }
0x46: {  	_ =	shalt  }
0x47: {  	_ =	shalt  }
0x48: {  	_ =	shalt  }
0x49: {  	_ =	shalt  }
0x4a: {  	_ =	shalt  }
0x4b: {  	_ =	shalt  }
0x4c: {  	_ =	shalt  }
0x4d: {  	_ =	shalt  }
0x4e: {  	_ =	shalt  }
0x4f: {  	_ =	shalt  }
0x50: {  	_ =	shalt  }
0x51: {  	_ =	shalt  }
0x52: {  	_ =	shalt  }
0x53: {  	_ =	shalt  }
0x54: {  	_ =	shalt  }
0x55: {  	_ =	shalt  }
0x56: {  	_ =	shalt  }
0x57: {  	_ =	shalt  }
0x58: {  	_ =	shalt  }
0x59: {  	_ =	shalt  }
0x5a: {  	_ =	shalt  }
0x5b: {  	_ =	shalt  }
0x5c: {  	_ =	shalt  }
0x5d: {  	_ =	shalt  }
0x5e: {  	_ =	shalt  }
0x5f: {  	_ =	shalt  }
0x60: {  	_ =	shalt  }
0x61: {  	_ =	shalt  }
0x62: {  	_ =	shalt  }
0x63: {  	_ =	shalt  }
0x64: {  	_ =	shalt  }
0x65: {  	_ =	shalt  }
0x66: {  	_ =	shalt  }
0x67: {  	_ =	shalt  }
0x68: {  	_ =	shalt  }
0x69: {  	_ =	shalt  }
0x6a: {  	_ =	shalt  }
0x6b: {  	_ =	shalt  }
0x6c: {  	_ =	shalt  }
0x6d: {  	_ =	shalt  }
0x6e: {  	_ =	shalt  }
0x6f: {  	_ =	shalt  }
0x70: {  	_ =	shalt  }
0x71: {  	_ =	shalt  }
0x72: {  	_ =	shalt  }
0x73: {  	_ =	shalt  }
0x74: {  	_ =	shalt  }
0x75: {  	_ =	shalt  }
0x76: {  	_ =	shalt  }
0x77: {  	_ =	shalt  }
0x78: {  	_ =	shalt  }
0x79: {  	_ =	shalt  }
0x7a: {  	_ =	shalt  }
0x7b: {  	_ =	shalt  }
0x7c: {  	_ =	shalt  }
0x7d: {  	_ =	shalt  }
0x7e: {  	_ =	shalt  }
0x7f: {  	_ =	shalt  }
0x80: {  	_ =	shalt  }
0x81: {  	_ =	shalt  }
0x82: {  	_ =	shalt  }
0x83: {  	_ =	shalt  }
0x84: {  	_ =	shalt  }
0x85: {  	_ =	shalt  }
0x86: {  	_ =	shalt  }
0x87: {  	_ =	shalt  }
.Lfunc_end0:
.L_simem_size_0:
called_computation.1_lowered:
.L_overlay_start_0:
0x88: {  	s2 =	sld [smem:$0x3FD9]  }
0x89: {  	s3 =	sld [smem:$0x3FFE];
	_ =	sdelay $0x1  }
0x8a: {  	s1 =	srdreg.scid  }
0x8b: {  	s0 =	sand.u32 $0x1, s1  }
0x8c: {  	s17 =	sshll.u32 s0, $0xA;
	s2 =	sadd.s32 s3, s2  }
0x8d: {  	s2 =	sadd.s32 s2, s17  }
0x8e: {  	[smem:$0x3FC6] =	sst s2  }
0x8f: {  	_ = 	snop  }
0x90: {  	s2 =	sld [smem:$0x3FD0];
	(tm) =	ssettm $0x1  }
0x91: {  	s18 =	sld [smem:$0x3FFB];
	_ =	sdelay $0x3  }
0x92: {  	_ =	strace s18  }
0x93: {  	s3 =	sld [smem:$0x3FFC];
	_ =	sdelay $0x3  }
0x94: {  	_ =	strace s3  }
0x95: {  	s3 =	sld [smem:$0x3FFD];
	_ =	sdelay $0x3  }
0x96: {  	_ =	strace s3  }
0x97: {  	_ =	strace $0x8FFFFFFF  }
0x98: {  	s19 =	sld [smem:$0x3FDB];
	_ =	sdelay $0x1  }
0x99: {  	s4 =	simm.s32 $_scs_section_size  }
0x9a: {  	s5 =	simm.s32 $_size__tile_overlayer_lowered;
	s6 =	simm.s32 $_tile_overlayer_lowered  }
0x9b: {  	s22 =	simm.s32 $0x1BFF;
	s21 =	sshll.u32 s6, $0x1;
	s3 =	sadd.s32 s4, s19  }
0x9c: {  	s7 =	simm.s32 $0x0;
	s20 =	sshll.u32 s5, $0x1;
	s5 =	sadd.s32 s21, s3  }
0x9d: {  	[timem:s7], [sflag:s22] =	dma.local [hbm:s5], s20  }
0x9e: {  	_ =	swait.ge [sflag:s22], s20  }
0x9f: {  	s4 =	ssub.s32 $0x0, s20;
	[sflag:s22] =	ssyncset.done $0x0  }
0xa0: {  	[sflag:s22] =	ssyncadd.s32 s4;
	_ =	sdelay $0x1  }
0xa1: {  	s23 =	simm.s32 $0x1B8B  }
0xa2: {  	_ =	swait.ge [sflag:s23], $0x1  }
0xa3: {  	[sflag:s23] =	ssyncset.done $0x0  }
0xa4: {  	s25 =	simm.s32 $0x1B8E;
	s24 =	sld [smem:$0x3FFE];
	[sflag:s23] =	ssyncadd.s32 $0xFFFFFFFF  }
0xa5: {  	s26 =	simm.s32 $execute0_lowered;
	[smem:$0x3FD2] =	sst s25  }
0xa6: {  	s5 =	sshll.u32 s26, $0x1;
	_ =	strace $0x80000046;
	[dreg:$0x1] =	wrdreg $0xFFFFFFFF  }
0xa7: {  	s28 =	simm.s32 $_size_execute0_lowered;
	s3 =	sadd.s32 s3, s5;
	[dreg:$0x0] =	wrdreg $0x0  }
0xa8: {  	s5 =	sshll.u32 s28, $0x1;
	[dreg:$0x2] =	wrdreg s3  }
0xa9: {  	[dreg:$0x3] =	wrdreg s5  }
0xaa: {  	[dreg:$0x4] =	wrdreg $0xC0  }
0xab: {  	_ =	task [dreg:s7], $0x5FFFF  }
0xac: {  	[dreg:$0x1] =	wrdreg $0xFFFFFFFF  }
0xad: {  	[dreg:$0x0] =	wrdreg $0x60  }
0xae: {  	[dreg:$0x2] =	wrdreg s24  }
0xaf: {  	[dreg:$0x3] =	wrdreg s2  }
0xb0: {  	[dreg:$0x4] =	wrdreg $0x9  }
0xb1: {  	_ =	task.clear_ibuf [dreg:s7], $0x5FFFF;
	_ =	strace $0x90000046  }
0xb2: {  	s29 =	simm.s32 $0x9;
	_ =	strace $0x80000048  }
0xb3: {  	_ =	swait.ge [sflag:s29], $0x1  }
0xb4: {  	[sflag:s29] =	ssyncadd.s32 $0xFFFFFFFF  }
0xb5: {  	_ =	strace $0x90000048  }
0xb6: {  	_ =	sfence  }
0xb7: {  	s30 =	sld [smem:$0x0];
	_ =	sdelay $0x2  }
0xb8: {  	s31 =	sshll.u32 s1, $0xD;
	s1 =	sshrl.u32 s1, $0x2  }
0xb9: {  	s3 =	sand.u32 $0x4000, s31;
	s1 =	sadd.s32 s1, s30  }
0xba: {  	s0 =	sor.u32 s3, s0;
	s1 =	sshll.u32 s1, $0x11  }
0xbb: {  	s0 =	sor.u32 s1, s0  }
0xbc: {  	s0 =	sadd.s32 $0x8F2B, s0  }
0xbd: {  	[sflag:s0] =	ssyncadd.remote.s32 $0x1  }
0xbe: {  	_ =	sfence.sel $0xFFFF  }
0xbf: {  	[dreg:$0x0] =	wrdreg $0xFFFFFFFF;
	(pc) =	sbr.abs _section_cstart, $3  }
0xc0: {  	[dreg:$0x1] =	wrdreg $0xFFFFFFFF  }
0xc1: {  	_ =	task.clear_ibuf [dreg:s7], $0x2FFFF;
	_ =	strace $0x9FFFFFFF  }
0xc2: {  	(tm) =	ssettm $0x7FFFFFFF  }
0xc3: {  	_ =	shalt  }
tec
execute0_lowered:
.L_overlay_start_1:
0x0: {  	(tag) =	ssettag $0x1  }
0x1: {  	s0 =	srdreg.scid;
	s2 =	stileid.u32  }
0x2: {  	s1 =	rddreg [dreg:$0x0];
	s0 =	sand.u32 $0x1, s0;
	s2 =	sshll.u32 s2, $0x1  }
0x3: {  	s28 =	simm.s32 $0x0;
	s2 =	sor.u32 s0, s2;
	s0 =	ssub.s32 $0x2, s0  }
0x4: {  	[smem:$0x7FF] =	sst s28;
	s29 =	smul.u32 $0x6400, s2;
	s3 =	sshrl.u32 s0, $0x1  }
0x5: {  	s26 =	rddreg [dreg:$0x1];
	_ =	strace $0x80000047;
	s0 =	ssub.s32 s0, s3  }
0x6: {  	s2 =	sshrl.u32 s29, $0x3;
	s0 =	smax.u32 s0, $0x1;
	[dreg:$0x3] =	wrdreg s29  }
0x7: {  	s2 =	sadd.s32 s2, s1;
	s1 =	sadd.s32 $0x800, s1;
	[dreg:$0x6] =	wrdreg s0  }
0x8: {  	[dreg:$0x4] =	wrdreg s1;
	s31 =	sadd.s32 $0xC00, s2  }
0x9: {  	s2 =	simm.s32 $0x0;
	[dreg:$0x5] =	wrdreg s31  }
.LBB2_1:
0xa: {  	[dreg:$0x7] =	wrdreg s2  }
0xb: {  	s0 =	rddreg [dreg:$0x4];
	s1 =	simm.s32 $0x6400;
	s30 =	simm.s32 $0x3  }
0xc: {  	[tilespmem:s1], [sflag:$0x3] =	stream.linear.gather [hbm4b:s0+s28], $0x1FA8, $0x38;
	[tilespmem:$0x1C3A8] =	vst v63  }
0xd: {  	_ =	swait.ge [sflag:s30], $0x1FA8  }
0xe: {  	[sflag:s30] =	ssyncset.done $0x0  }
0xf: {  	s31 =	rddreg [dreg:$0x5];
	[sflag:s30] =	ssyncadd.s32 $0xFFFFE058  }
0x10: {  	[tilespmem:s28], [sflag:$0x3] =	stream.linear.gather [hbm4b:s31+s28], $0x6400, $0x38;
	[tilespmem:$0x1C3A8] =	vst v63  }
0x11: {  	_ =	swait.ge [sflag:s30], $0x6400  }
0x12: {  	s15 =	simm.s32 $0x200;
	[sflag:s30] =	ssyncset.done $0x0  }
0x13: {  	s16 =	simm.s32 $0x0;
	s17 =	simm.s32 $0x0;
	[sflag:s30] =	ssyncadd.s32 $0xFFFF9C00  }
.LBB2_2:
0x14: {  	p0 =	seq.s32 s17, $0x0;
	v5 =	vmov s16  }
0x15: {  	s0 =	simm.s32 @!p0 $0x1  }
0x16: {  	_ =	swait.ge @!p0 [sflag:s0], $0xA000  }
0x17: {  	[sflag:s0] =	ssyncset.done @!p0 $0x0  }
0x18: {  	s2 =	simm.s32 $0x0;
	[sflag:s0] =	ssyncadd.s32 @!p0 $0xFFFF6000  }
0x19: {  	v0 =	vld.idx.msk [tilespmem:v5+s2+$0x0 ss:$0x1], $0xffff;
	_ =	sdelay $0x4  }
0x1a: {  	v6 =	vmul.u32 $0x51, v0;
	_ =	sdelay $0x1  }
0x1b: {  	(v2sf) =	vpush v6, $0x0;
	_ =	sdelay $0xe  }
0x1c: {  	s3 =	spop (v2sf)  }
0x1d: {  	v0 =	vld [tilespmem:s3+$0x6400];
	_ =	sdelay $0x3  }
0x1e: {  	s24 =	simm.s32 $0x8628  }
0x1f: {  	[tilespmem:s24+$0xFFFFFD80] =	vst v0  }
0x20: {  	v0 =	vld [tilespmem:s3+$0x6410];
	_ =	sdelay $0x4  }
0x21: {  	[tilespmem:s24+$0xFFFFFD90] =	vst v0  }
0x22: {  	v0 =	vld [tilespmem:s3+$0x6420];
	_ =	sdelay $0x1  }
0x23: {  	(v2sf) =	vpush v6, $0x1;
	_ =	sdelay $0x2  }
0x24: {  	[tilespmem:s24+$0xFFFFFDA0] =	vst v0  }
0x25: {  	v0 =	vld [tilespmem:s3+$0x6430];
	_ =	sdelay $0x4  }
0x26: {  	[tilespmem:s24+$0xFFFFFDB0] =	vst v0  }
0x27: {  	v0 =	vld [tilespmem:s3+$0x6440];
	_ =	sdelay $0x4  }
0x28: {  	s4 =	spop (v2sf);
	[tilespmem:s24+$0xFFFFFDC0] =	vst v0  }
0x29: {  	v0 =	vld [tilespmem:s4+$0x6400];
	_ =	sdelay $0x4  }
0x2a: {  	[tilespmem:s24+$0xFFFFFDD0] =	vst v0  }
0x2b: {  	v0 =	vld [tilespmem:s4+$0x6410];
	_ =	sdelay $0x4  }
0x2c: {  	[tilespmem:s24+$0xFFFFFDE0] =	vst v0  }
0x2d: {  	v0 =	vld [tilespmem:s4+$0x6420];
	_ =	sdelay $0x1  }
0x2e: {  	(v2sf) =	vpush v6, $0x2;
	_ =	sdelay $0x2  }
0x2f: {  	[tilespmem:s24+$0xFFFFFDF0] =	vst v0  }
0x30: {  	v0 =	vld [tilespmem:s4+$0x6430];
	_ =	sdelay $0x4  }
0x31: {  	[tilespmem:s24+$0xFFFFFE00] =	vst v0  }
0x32: {  	v0 =	vld [tilespmem:s4+$0x6440];
	_ =	sdelay $0x2  }
0x33: {  	s5 =	simm.s32 $0x10  }
0x34: {  	v1 =	vld.idx.msk [tilespmem:v5+s5+$0x0 ss:$0x1], $0xffff  }
0x35: {  	s6 =	spop (v2sf);
	[tilespmem:s24+$0xFFFFFE10] =	vst v0  }
0x36: {  	v0 =	vld [tilespmem:s6+$0x6400];
	_ =	sdelay $0x2  }
0x37: {  	v4 =	vmul.u32 $0x51, v1;
	_ =	sdelay $0x1  }
0x38: {  	(v2sf) =	vpush v4, $0x0;
	[tilespmem:s24+$0xFFFFFE20] =	vst v0  }
0x39: {  	v0 =	vld [tilespmem:s6+$0x6410];
	_ =	sdelay $0x4  }
0x3a: {  	[tilespmem:s24+$0xFFFFFE30] =	vst v0  }
0x3b: {  	v0 =	vld [tilespmem:s6+$0x6420];
	_ =	sdelay $0x1  }
0x3c: {  	(v2sf) =	vpush v6, $0x3;
	_ =	sdelay $0x2  }
0x3d: {  	[tilespmem:s24+$0xFFFFFE40] =	vst v0  }
0x3e: {  	v0 =	vld [tilespmem:s6+$0x6430];
	_ =	sdelay $0x1  }
0x3f: {  	s1 =	spop (v2sf)  }
0x40: {  	v1 =	vld [tilespmem:s1+$0x6400];
	_ =	sdelay $0x1  }
0x41: {  	[tilespmem:s24+$0xFFFFFE50] =	vst v0  }
0x42: {  	v0 =	vld [tilespmem:s6+$0x6440]  }
0x43: {  	s22 =	simm.s32 $0x8B28  }
0x44: {  	[tilespmem:s22+$0xFFFFFD80] =	vst v1  }
0x45: {  	v1 =	vld [tilespmem:s1+$0x6410];
	_ =	sdelay $0x1  }
0x46: {  	s7 =	spop (v2sf);
	[tilespmem:s24+$0xFFFFFE60] =	vst v0  }
0x47: {  	v0 =	vld [tilespmem:s7+$0x6400];
	_ =	sdelay $0x1  }
0x48: {  	[tilespmem:s22+$0xFFFFFD90] =	vst v1  }
0x49: {  	v1 =	vld [tilespmem:s1+$0x6420];
	_ =	sdelay $0x1  }
0x4a: {  	(v2sf) =	vpush v4, $0x1;
	[tilespmem:s24+$0xFFFFFE70] =	vst v0  }
0x4b: {  	v0 =	vld [tilespmem:s7+$0x6410];
	_ =	sdelay $0x1  }
0x4c: {  	[tilespmem:s22+$0xFFFFFDA0] =	vst v1  }
0x4d: {  	v1 =	vld [tilespmem:s1+$0x6430];
	_ =	sdelay $0x1  }
0x4e: {  	[tilespmem:s24+$0xFFFFFE80] =	vst v0  }
0x4f: {  	v0 =	vld [tilespmem:s7+$0x6420];
	_ =	sdelay $0x1  }
0x50: {  	(v2sf) =	vpush v6, $0x4;
	[tilespmem:s22+$0xFFFFFDB0] =	vst v1  }
0x51: {  	v1 =	vld [tilespmem:s1+$0x6440];
	_ =	sdelay $0x1  }
0x52: {  	[tilespmem:s24+$0xFFFFFE90] =	vst v0  }
0x53: {  	v0 =	vld [tilespmem:s7+$0x6430];
	_ =	sdelay $0x1  }
0x54: {  	s8 =	spop (v2sf);
	[tilespmem:s22+$0xFFFFFDC0] =	vst v1  }
0x55: {  	v1 =	vld [tilespmem:s8+$0x6400];
	_ =	sdelay $0x1  }
0x56: {  	[tilespmem:s24+$0xFFFFFEA0] =	vst v0  }
0x57: {  	v0 =	vld [tilespmem:s7+$0x6440];
	_ =	sdelay $0x1  }
0x58: {  	[tilespmem:s22+$0xFFFFFDD0] =	vst v1  }
0x59: {  	v1 =	vld [tilespmem:s8+$0x6410];
	_ =	sdelay $0x1  }
0x5a: {  	s9 =	spop (v2sf);
	[tilespmem:s24+$0xFFFFFEB0] =	vst v0  }
0x5b: {  	v0 =	vld [tilespmem:s9+$0x6400];
	_ =	sdelay $0x1  }
0x5c: {  	[tilespmem:s22+$0xFFFFFDE0] =	vst v1  }
0x5d: {  	v1 =	vld [tilespmem:s8+$0x6420];
	_ =	sdelay $0x1  }
0x5e: {  	(v2sf) =	vpush v4, $0x2;
	[tilespmem:s24+$0xFFFFFEC0] =	vst v0  }
0x5f: {  	v0 =	vld [tilespmem:s9+$0x6410];
	_ =	sdelay $0x1  }
0x60: {  	[tilespmem:s22+$0xFFFFFDF0] =	vst v1  }
0x61: {  	v1 =	vld [tilespmem:s8+$0x6430];
	_ =	sdelay $0x1  }
0x62: {  	[tilespmem:s24+$0xFFFFFED0] =	vst v0  }
0x63: {  	v0 =	vld [tilespmem:s9+$0x6420];
	_ =	sdelay $0x1  }
0x64: {  	(v2sf) =	vpush v6, $0x5;
	[tilespmem:s22+$0xFFFFFE00] =	vst v1  }
0x65: {  	v1 =	vld [tilespmem:s8+$0x6440]  }
0x66: {  	s10 =	simm.s32 $0x20  }
0x67: {  	v2 =	vld.idx.msk [tilespmem:v5+s10+$0x0 ss:$0x1], $0xffff;
	[tilespmem:s24+$0xFFFFFEE0] =	vst v0  }
0x68: {  	v3 =	vld [tilespmem:s9+$0x6430];
	_ =	sdelay $0x1  }
0x69: {  	s11 =	spop (v2sf);
	[tilespmem:s22+$0xFFFFFE10] =	vst v1  }
0x6a: {  	v1 =	vld [tilespmem:s11+$0x6400];
	_ =	sdelay $0x1  }
0x6b: {  	v0 =	vmul.u32 $0x51, v2;
	[tilespmem:s24+$0xFFFFFEF0] =	vst v3  }
0x6c: {  	v2 =	vld [tilespmem:s9+$0x6440]  }
0x6d: {  	(v2sf) =	vpush v0, $0x0  }
0x6e: {  	[tilespmem:s22+$0xFFFFFE20] =	vst v1  }
0x6f: {  	v1 =	vld [tilespmem:s11+$0x6410];
	_ =	sdelay $0x1  }
0x70: {  	s12 =	spop (v2sf);
	[tilespmem:s24+$0xFFFFFF00] =	vst v2  }
0x71: {  	v2 =	vld [tilespmem:s12+$0x6400];
	_ =	sdelay $0x1  }
0x72: {  	[tilespmem:s22+$0xFFFFFE30] =	vst v1  }
0x73: {  	v1 =	vld [tilespmem:s11+$0x6420];
	_ =	sdelay $0x1  }
0x74: {  	(v2sf) =	vpush v4, $0x3;
	[tilespmem:s24+$0xFFFFFF10] =	vst v2  }
0x75: {  	v2 =	vld [tilespmem:s12+$0x6410];
	_ =	sdelay $0x1  }
0x76: {  	[tilespmem:s22+$0xFFFFFE40] =	vst v1  }
0x77: {  	v1 =	vld [tilespmem:s11+$0x6430]  }
0x78: {  	s2 =	spop (v2sf)  }
0x79: {  	v3 =	vld [tilespmem:s2+$0x6400];
	[tilespmem:s24+$0xFFFFFF20] =	vst v2  }
0x7a: {  	v2 =	vld [tilespmem:s12+$0x6420];
	_ =	sdelay $0x1  }
0x7b: {  	[tilespmem:s22+$0xFFFFFE50] =	vst v1;
	(v2sf) =	vpush v6, $0x6  }
0x7c: {  	s19 =	simm.s32 $0x9028;
	v1 =	vld [tilespmem:s11+$0x6440]  }
0x7d: {  	[tilespmem:s19+$0xFFFFFD80] =	vst v3  }
0x7e: {  	v3 =	vld [tilespmem:s2+$0x6410];
	[tilespmem:s24+$0xFFFFFF30] =	vst v2  }
0x7f: {  	v2 =	vld [tilespmem:s12+$0x6430];
	_ =	sdelay $0x1  }
0x80: {  	[tilespmem:s22+$0xFFFFFE60] =	vst v1;
	s13 =	spop (v2sf)  }
0x81: {  	v1 =	vld [tilespmem:s13+$0x6400]  }
0x82: {  	[tilespmem:s19+$0xFFFFFD90] =	vst v3  }
0x83: {  	v3 =	vld [tilespmem:s2+$0x6420];
	[tilespmem:s24+$0xFFFFFF40] =	vst v2  }
0x84: {  	v2 =	vld [tilespmem:s12+$0x6440]  }
0x85: {  	(v2sf) =	vpush v0, $0x1  }
0x86: {  	[tilespmem:s22+$0xFFFFFE70] =	vst v1  }
0x87: {  	v1 =	vld [tilespmem:s13+$0x6410]  }
0x88: {  	[tilespmem:s19+$0xFFFFFDA0] =	vst v3  }
0x89: {  	s14 =	spop (v2sf);
	v3 =	vld [tilespmem:s2+$0x6430];
	[tilespmem:s24+$0xFFFFFF50] =	vst v2  }
0x8a: {  	v2 =	vld [tilespmem:s14+$0x6400];
	_ =	sdelay $0x1  }
0x8b: {  	[tilespmem:s22+$0xFFFFFE80] =	vst v1  }
0x8c: {  	v1 =	vld [tilespmem:s13+$0x6420]  }
0x8d: {  	[tilespmem:s19+$0xFFFFFDB0] =	vst v3  }
0x8e: {  	(v2sf) =	vpush v4, $0x4;
	v3 =	vld [tilespmem:s2+$0x6440];
	[tilespmem:s24+$0xFFFFFF60] =	vst v2  }
0x8f: {  	v2 =	vld [tilespmem:s14+$0x6410];
	_ =	sdelay $0x1  }
0x90: {  	[tilespmem:s22+$0xFFFFFE90] =	vst v1  }
0x91: {  	s18 =	simm.s32 $0x30;
	v1 =	vld [tilespmem:s13+$0x6430]  }
0x92: {  	v7 =	vld.idx.msk [tilespmem:v5+s18+$0x0 ss:$0x1], $0xffff;
	s20 =	spop (v2sf);
	[tilespmem:s19+$0xFFFFFDC0] =	vst v3  }
0x93: {  	v3 =	vld [tilespmem:s20+$0x6400];
	[tilespmem:s24+$0xFFFFFF70] =	vst v2  }
0x94: {  	v2 =	vld [tilespmem:s14+$0x6420];
	_ =	sdelay $0x1  }
0x95: {  	[tilespmem:s22+$0xFFFFFEA0] =	vst v1;
	(v2sf) =	vpush v6, $0x7  }
0x96: {  	v1 =	vld [tilespmem:s13+$0x6440]  }
0x97: {  	[tilespmem:s19+$0xFFFFFDD0] =	vst v3  }
0x98: {  	v3 =	vld [tilespmem:s20+$0x6410];
	[tilespmem:s24+$0xFFFFFF80] =	vst v2  }
0x99: {  	v2 =	vld [tilespmem:s14+$0x6430];
	_ =	sdelay $0x1  }
0x9a: {  	s21 =	spop (v2sf);
	[tilespmem:s22+$0xFFFFFEB0] =	vst v1  }
0x9b: {  	v1 =	vld [tilespmem:s21+$0x6400]  }
0x9c: {  	[tilespmem:s19+$0xFFFFFDE0] =	vst v3  }
0x9d: {  	v3 =	vld [tilespmem:s20+$0x6420];
	[tilespmem:s24+$0xFFFFFF90] =	vst v2  }
0x9e: {  	v2 =	vld [tilespmem:s14+$0x6440]  }
0x9f: {  	(v2sf) =	vpush v0, $0x2  }
0xa0: {  	[tilespmem:s22+$0xFFFFFEC0] =	vst v1  }
0xa1: {  	v1 =	vld [tilespmem:s21+$0x6410]  }
0xa2: {  	[tilespmem:s19+$0xFFFFFDF0] =	vst v3  }
0xa3: {  	s23 =	spop (v2sf);
	v3 =	vld [tilespmem:s20+$0x6430];
	[tilespmem:s24+$0xFFFFFFA0] =	vst v2  }
0xa4: {  	v2 =	vld [tilespmem:s23+$0x6400];
	_ =	sdelay $0x1  }
0xa5: {  	[tilespmem:s22+$0xFFFFFED0] =	vst v1  }
0xa6: {  	v1 =	vld [tilespmem:s21+$0x6420]  }
0xa7: {  	[tilespmem:s19+$0xFFFFFE00] =	vst v3  }
0xa8: {  	(v2sf) =	vpush v4, $0x5;
	v3 =	vld [tilespmem:s20+$0x6440];
	[tilespmem:s24+$0xFFFFFFB0] =	vst v2  }
0xa9: {  	v2 =	vld [tilespmem:s23+$0x6410];
	_ =	sdelay $0x1  }
0xaa: {  	[tilespmem:s22+$0xFFFFFEE0] =	vst v1  }
0xab: {  	v1 =	vld [tilespmem:s21+$0x6430]  }
0xac: {  	s25 =	spop (v2sf);
	[tilespmem:s19+$0xFFFFFE10] =	vst v3  }
0xad: {  	v3 =	vld [tilespmem:s25+$0x6400];
	[tilespmem:s24+$0xFFFFFFC0] =	vst v2  }
0xae: {  	v2 =	vld [tilespmem:s23+$0x6420];
	_ =	sdelay $0x1  }
0xaf: {  	(v2sf) =	vpush v6, $0x8;
	[tilespmem:s22+$0xFFFFFEF0] =	vst v1;
	v1 =	vmul.u32 $0x51, v7  }
0xb0: {  	v7 =	vld [tilespmem:s21+$0x6440]  }
0xb1: {  	(v2sf) =	vpush v1, $0x0;
	[tilespmem:s19+$0xFFFFFE20] =	vst v3  }
0xb2: {  	v3 =	vld [tilespmem:s25+$0x6410];
	[tilespmem:s24+$0xFFFFFFD0] =	vst v2  }
0xb3: {  	v2 =	vld [tilespmem:s23+$0x6430];
	_ =	sdelay $0x1  }
0xb4: {  	s30 =	spop (v2sf);
	[tilespmem:s22+$0xFFFFFF00] =	vst v7  }
0xb5: {  	v7 =	vld [tilespmem:s30+$0x6400]  }
0xb6: {  	[tilespmem:s19+$0xFFFFFE30] =	vst v3  }
0xb7: {  	v3 =	vld [tilespmem:s25+$0x6420];
	[tilespmem:s24+$0xFFFFFFE0] =	vst v2  }
0xb8: {  	v2 =	vld [tilespmem:s23+$0x6440]  }
0xb9: {  	(v2sf) =	vpush v0, $0x3  }
0xba: {  	[tilespmem:s22+$0xFFFFFF10] =	vst v7  }
0xbb: {  	v7 =	vld [tilespmem:s30+$0x6410]  }
0xbc: {  	[tilespmem:s19+$0xFFFFFE40] =	vst v3  }
0xbd: {  	s31 =	spop (v2sf);
	v3 =	vld [tilespmem:s25+$0x6430];
	[tilespmem:s24+$0xFFFFFFF0] =	vst v2  }
0xbe: {  	v2 =	vld [tilespmem:s31+$0x6400]  }
0xbf: {  	s3 =	spop (v2sf)  }
0xc0: {  	v8 =	vld [tilespmem:s3+$0x6400];
	[tilespmem:s22+$0xFFFFFF20] =	vst v7  }
0xc1: {  	v7 =	vld [tilespmem:s30+$0x6420]  }
0xc2: {  	[tilespmem:s19+$0xFFFFFE50] =	vst v3  }
0xc3: {  	(v2sf) =	vpush v4, $0x6;
	v3 =	vld [tilespmem:s25+$0x6440];
	[tilespmem:s24+$0x0] =	vst v2  }
0xc4: {  	s20 =	simm.s32 $0x9528;
	v2 =	vld [tilespmem:s31+$0x6410]  }
0xc5: {  	[tilespmem:s20+$0xFFFFFD80] =	vst v8  }
0xc6: {  	v8 =	vld [tilespmem:s3+$0x6410];
	[tilespmem:s22+$0xFFFFFF30] =	vst v7  }
0xc7: {  	v7 =	vld [tilespmem:s30+$0x6430]  }
0xc8: {  	s4 =	spop (v2sf);
	[tilespmem:s19+$0xFFFFFE60] =	vst v3  }
0xc9: {  	v3 =	vld [tilespmem:s4+$0x6400];
	[tilespmem:s24+$0x10] =	vst v2  }
0xca: {  	v2 =	vld [tilespmem:s31+$0x6420]  }
0xcb: {  	[tilespmem:s20+$0xFFFFFD90] =	vst v8  }
0xcc: {  	(v2sf) =	vpush v6, $0x9;
	v8 =	vld [tilespmem:s3+$0x6420];
	[tilespmem:s22+$0xFFFFFF40] =	vst v7  }
0xcd: {  	v7 =	vld [tilespmem:s30+$0x6440]  }
0xce: {  	(v2sf) =	vpush v1, $0x1;
	[tilespmem:s19+$0xFFFFFE70] =	vst v3  }
0xcf: {  	v3 =	vld [tilespmem:s4+$0x6410];
	[tilespmem:s24+$0x20] =	vst v2  }
0xd0: {  	v2 =	vld [tilespmem:s31+$0x6430]  }
0xd1: {  	[tilespmem:s20+$0xFFFFFDA0] =	vst v8  }
0xd2: {  	s5 =	spop (v2sf);
	v8 =	vld [tilespmem:s3+$0x6430];
	[tilespmem:s22+$0xFFFFFF50] =	vst v7  }
0xd3: {  	v7 =	vld [tilespmem:s5+$0x6400]  }
0xd4: {  	[tilespmem:s19+$0xFFFFFE80] =	vst v3  }
0xd5: {  	v3 =	vld [tilespmem:s4+$0x6420];
	[tilespmem:s24+$0x30] =	vst v2  }
0xd6: {  	v2 =	vld [tilespmem:s31+$0x6440]  }
0xd7: {  	(v2sf) =	vpush v0, $0x4;
	[tilespmem:s20+$0xFFFFFDB0] =	vst v8  }
0xd8: {  	v8 =	vld [tilespmem:s3+$0x6440];
	[tilespmem:s22+$0xFFFFFF60] =	vst v7  }
0xd9: {  	v7 =	vld [tilespmem:s5+$0x6410]  }
0xda: {  	[tilespmem:s19+$0xFFFFFE90] =	vst v3  }
0xdb: {  	s6 =	spop (v2sf);
	v3 =	vld [tilespmem:s4+$0x6430];
	[tilespmem:s24+$0x40] =	vst v2  }
0xdc: {  	v2 =	vld [tilespmem:s6+$0x6400]  }
0xdd: {  	s7 =	spop (v2sf);
	[tilespmem:s20+$0xFFFFFDC0] =	vst v8  }
0xde: {  	v8 =	vld [tilespmem:s7+$0x6400];
	[tilespmem:s22+$0xFFFFFF70] =	vst v7  }
0xdf: {  	v7 =	vld [tilespmem:s5+$0x6420]  }
0xe0: {  	[tilespmem:s19+$0xFFFFFEA0] =	vst v3  }
0xe1: {  	(v2sf) =	vpush v4, $0x7;
	v3 =	vld [tilespmem:s4+$0x6440];
	[tilespmem:s24+$0x50] =	vst v2  }
0xe2: {  	v2 =	vld [tilespmem:s6+$0x6410]  }
0xe3: {  	[tilespmem:s20+$0xFFFFFDD0] =	vst v8  }
0xe4: {  	v8 =	vld [tilespmem:s7+$0x6410];
	[tilespmem:s22+$0xFFFFFF80] =	vst v7  }
0xe5: {  	v7 =	vld [tilespmem:s5+$0x6430]  }
0xe6: {  	s8 =	spop (v2sf);
	[tilespmem:s19+$0xFFFFFEB0] =	vst v3  }
0xe7: {  	v3 =	vld [tilespmem:s8+$0x6400];
	[tilespmem:s24+$0x60] =	vst v2  }
0xe8: {  	v2 =	vld [tilespmem:s6+$0x6420]  }
0xe9: {  	[tilespmem:s20+$0xFFFFFDE0] =	vst v8  }
0xea: {  	(v2sf) =	vpush v6, $0xA;
	v8 =	vld [tilespmem:s7+$0x6420];
	[tilespmem:s22+$0xFFFFFF90] =	vst v7  }
0xeb: {  	v7 =	vld [tilespmem:s5+$0x6440]  }
0xec: {  	(v2sf) =	vpush v1, $0x2;
	[tilespmem:s19+$0xFFFFFEC0] =	vst v3  }
0xed: {  	v3 =	vld [tilespmem:s8+$0x6410];
	[tilespmem:s24+$0x70] =	vst v2  }
0xee: {  	v2 =	vld [tilespmem:s6+$0x6430]  }
0xef: {  	[tilespmem:s20+$0xFFFFFDF0] =	vst v8  }
0xf0: {  	s9 =	spop (v2sf);
	v8 =	vld [tilespmem:s7+$0x6430];
	[tilespmem:s22+$0xFFFFFFA0] =	vst v7  }
0xf1: {  	v7 =	vld [tilespmem:s9+$0x6400]  }
0xf2: {  	[tilespmem:s19+$0xFFFFFED0] =	vst v3  }
0xf3: {  	v3 =	vld [tilespmem:s8+$0x6420];
	[tilespmem:s24+$0x80] =	vst v2  }
0xf4: {  	v2 =	vld [tilespmem:s6+$0x6440]  }
0xf5: {  	(v2sf) =	vpush v0, $0x5;
	[tilespmem:s20+$0xFFFFFE00] =	vst v8  }
0xf6: {  	v8 =	vld [tilespmem:s7+$0x6440];
	[tilespmem:s22+$0xFFFFFFB0] =	vst v7  }
0xf7: {  	s10 =	simm.s32 $0x40;
	v7 =	vld [tilespmem:s9+$0x6410]  }
0xf8: {  	v9 =	vld.idx.msk [tilespmem:v5+s10+$0x0 ss:$0x1], $0xffff;
	[tilespmem:s19+$0xFFFFFEE0] =	vst v3  }
0xf9: {  	s11 =	spop (v2sf);
	v3 =	vld [tilespmem:s8+$0x6430];
	[tilespmem:s24+$0x90] =	vst v2  }
0xfa: {  	v10 =	vld [tilespmem:s11+$0x6400]  }
0xfb: {  	s12 =	spop (v2sf);
	[tilespmem:s20+$0xFFFFFE10] =	vst v8  }
0xfc: {  	v8 =	vld [tilespmem:s12+$0x6400];
	[tilespmem:s22+$0xFFFFFFC0] =	vst v7  }
0xfd: {  	v7 =	vld [tilespmem:s9+$0x6420]  }
0xfe: {  	[tilespmem:s19+$0xFFFFFEF0] =	vst v3;
	v2 =	vmul.u32 $0x51, v9  }
0xff: {  	(v2sf) =	vpush v4, $0x8;
	v3 =	vld [tilespmem:s8+$0x6440];
	[tilespmem:s24+$0xA0] =	vst v10  }
0x100: {  	(v2sf) =	vpush v2, $0x0;
	v9 =	vld [tilespmem:s11+$0x6410]  }
0x101: {  	[tilespmem:s20+$0xFFFFFE20] =	vst v8  }
0x102: {  	v8 =	vld [tilespmem:s12+$0x6410];
	[tilespmem:s22+$0xFFFFFFD0] =	vst v7  }
0x103: {  	v7 =	vld [tilespmem:s9+$0x6430]  }
0x104: {  	s13 =	spop (v2sf);
	[tilespmem:s19+$0xFFFFFF00] =	vst v3  }
0x105: {  	v3 =	vld [tilespmem:s13+$0x6400];
	[tilespmem:s24+$0xB0] =	vst v9  }
0x106: {  	v9 =	vld [tilespmem:s11+$0x6420]  }
0x107: {  	[tilespmem:s20+$0xFFFFFE30] =	vst v8  }
0x108: {  	(v2sf) =	vpush v6, $0xB;
	v8 =	vld [tilespmem:s12+$0x6420];
	[tilespmem:s22+$0xFFFFFFE0] =	vst v7  }
0x109: {  	v7 =	vld [tilespmem:s9+$0x6440]  }
0x10a: {  	(v2sf) =	vpush v1, $0x3;
	[tilespmem:s19+$0xFFFFFF10] =	vst v3  }
0x10b: {  	v3 =	vld [tilespmem:s13+$0x6410];
	[tilespmem:s24+$0xC0] =	vst v9  }
0x10c: {  	v9 =	vld [tilespmem:s11+$0x6430]  }
0x10d: {  	[tilespmem:s20+$0xFFFFFE40] =	vst v8  }
0x10e: {  	s14 =	spop (v2sf);
	v8 =	vld [tilespmem:s12+$0x6430];
	[tilespmem:s22+$0xFFFFFFF0] =	vst v7  }
0x10f: {  	v7 =	vld [tilespmem:s14+$0x6400];
	s5 =	spop (v2sf)  }
0x110: {  	v10 =	vld [tilespmem:s5+$0x6400];
	[tilespmem:s19+$0xFFFFFF20] =	vst v3  }
0x111: {  	v3 =	vld [tilespmem:s13+$0x6420];
	[tilespmem:s24+$0xD0] =	vst v9  }
0x112: {  	v9 =	vld [tilespmem:s11+$0x6440]  }
0x113: {  	(v2sf) =	vpush v0, $0x6;
	[tilespmem:s20+$0xFFFFFE50] =	vst v8  }
0x114: {  	s21 =	simm.s32 $0x9A28;
	v8 =	vld [tilespmem:s12+$0x6440];
	[tilespmem:s22+$0x0] =	vst v7  }
0x115: {  	v7 =	vld [tilespmem:s14+$0x6410];
	[tilespmem:s21+$0xFFFFFD80] =	vst v10  }
0x116: {  	v10 =	vld [tilespmem:s5+$0x6410];
	[tilespmem:s19+$0xFFFFFF30] =	vst v3  }
0x117: {  	s18 =	spop (v2sf);
	v3 =	vld [tilespmem:s13+$0x6430];
	[tilespmem:s24+$0xE0] =	vst v9  }
0x118: {  	v9 =	vld [tilespmem:s18+$0x6400]  }
0x119: {  	s23 =	spop (v2sf);
	[tilespmem:s20+$0xFFFFFE60] =	vst v8  }
0x11a: {  	v8 =	vld [tilespmem:s23+$0x6400];
	[tilespmem:s22+$0x10] =	vst v7  }
0x11b: {  	v7 =	vld [tilespmem:s14+$0x6420];
	[tilespmem:s21+$0xFFFFFD90] =	vst v10  }
0x11c: {  	v10 =	vld [tilespmem:s5+$0x6420];
	[tilespmem:s19+$0xFFFFFF40] =	vst v3  }
0x11d: {  	(v2sf) =	vpush v4, $0x9;
	v3 =	vld [tilespmem:s13+$0x6440];
	[tilespmem:s24+$0xF0] =	vst v9  }
0x11e: {  	(v2sf) =	vpush v2, $0x1;
	v9 =	vld [tilespmem:s18+$0x6410]  }
0x11f: {  	[tilespmem:s20+$0xFFFFFE70] =	vst v8  }
0x120: {  	v8 =	vld [tilespmem:s23+$0x6410];
	[tilespmem:s22+$0x20] =	vst v7  }
0x121: {  	v7 =	vld [tilespmem:s14+$0x6430];
	[tilespmem:s21+$0xFFFFFDA0] =	vst v10  }
0x122: {  	s25 =	spop (v2sf);
	v10 =	vld [tilespmem:s5+$0x6430];
	[tilespmem:s19+$0xFFFFFF50] =	vst v3  }
0x123: {  	v3 =	vld [tilespmem:s25+$0x6400];
	[tilespmem:s24+$0x100] =	vst v9  }
0x124: {  	v9 =	vld [tilespmem:s18+$0x6420]  }
0x125: {  	[tilespmem:s20+$0xFFFFFE80] =	vst v8  }
0x126: {  	(v2sf) =	vpush v6, $0xC;
	v8 =	vld [tilespmem:s23+$0x6420];
	[tilespmem:s22+$0x30] =	vst v7  }
0x127: {  	v7 =	vld [tilespmem:s14+$0x6440];
	[tilespmem:s21+$0xFFFFFDB0] =	vst v10  }
0x128: {  	(v2sf) =	vpush v1, $0x4;
	v10 =	vld [tilespmem:s5+$0x6440];
	[tilespmem:s19+$0xFFFFFF60] =	vst v3  }
0x129: {  	v3 =	vld [tilespmem:s25+$0x6410];
	[tilespmem:s24+$0x110] =	vst v9  }
0x12a: {  	v9 =	vld [tilespmem:s18+$0x6430]  }
0x12b: {  	[tilespmem:s20+$0xFFFFFE90] =	vst v8  }
0x12c: {  	s30 =	spop (v2sf);
	v8 =	vld [tilespmem:s23+$0x6430];
	[tilespmem:s22+$0x40] =	vst v7  }
0x12d: {  	s31 =	spop (v2sf);
	v7 =	vld [tilespmem:s30+$0x6400];
	[tilespmem:s21+$0xFFFFFDC0] =	vst v10  }
0x12e: {  	v10 =	vld [tilespmem:s31+$0x6400];
	[tilespmem:s19+$0xFFFFFF70] =	vst v3  }
0x12f: {  	v3 =	vld [tilespmem:s25+$0x6420];
	[tilespmem:s24+$0x120] =	vst v9  }
0x130: {  	v9 =	vld [tilespmem:s18+$0x6440]  }
0x131: {  	(v2sf) =	vpush v0, $0x7;
	[tilespmem:s20+$0xFFFFFEA0] =	vst v8  }
0x132: {  	v8 =	vld [tilespmem:s23+$0x6440];
	[tilespmem:s22+$0x50] =	vst v7  }
0x133: {  	v7 =	vld [tilespmem:s30+$0x6410];
	[tilespmem:s21+$0xFFFFFDD0] =	vst v10  }
0x134: {  	v10 =	vld [tilespmem:s31+$0x6410];
	[tilespmem:s19+$0xFFFFFF80] =	vst v3  }
0x135: {  	s3 =	spop (v2sf);
	v3 =	vld [tilespmem:s25+$0x6430];
	[tilespmem:s24+$0x130] =	vst v9  }
0x136: {  	v9 =	vld [tilespmem:s3+$0x6400]  }
0x137: {  	s4 =	spop (v2sf);
	[tilespmem:s20+$0xFFFFFEB0] =	vst v8  }
0x138: {  	v8 =	vld [tilespmem:s4+$0x6400];
	[tilespmem:s22+$0x60] =	vst v7  }
0x139: {  	v7 =	vld [tilespmem:s30+$0x6420];
	[tilespmem:s21+$0xFFFFFDE0] =	vst v10  }
0x13a: {  	v10 =	vld [tilespmem:s31+$0x6420];
	[tilespmem:s19+$0xFFFFFF90] =	vst v3  }
0x13b: {  	(v2sf) =	vpush v4, $0xA;
	v3 =	vld [tilespmem:s25+$0x6440];
	[tilespmem:s24+$0x140] =	vst v9  }
0x13c: {  	(v2sf) =	vpush v2, $0x2;
	v9 =	vld [tilespmem:s3+$0x6410]  }
0x13d: {  	[tilespmem:s20+$0xFFFFFEC0] =	vst v8  }
0x13e: {  	v8 =	vld [tilespmem:s4+$0x6410];
	[tilespmem:s22+$0x70] =	vst v7  }
0x13f: {  	v7 =	vld [tilespmem:s30+$0x6430];
	[tilespmem:s21+$0xFFFFFDF0] =	vst v10  }
0x140: {  	s6 =	spop (v2sf);
	v10 =	vld [tilespmem:s31+$0x6430];
	[tilespmem:s19+$0xFFFFFFA0] =	vst v3  }
0x141: {  	v3 =	vld [tilespmem:s6+$0x6400];
	[tilespmem:s24+$0x150] =	vst v9  }
0x142: {  	v9 =	vld [tilespmem:s3+$0x6420]  }
0x143: {  	[tilespmem:s20+$0xFFFFFED0] =	vst v8  }
0x144: {  	(v2sf) =	vpush v6, $0xD;
	v8 =	vld [tilespmem:s4+$0x6420];
	[tilespmem:s22+$0x80] =	vst v7  }
0x145: {  	v7 =	vld [tilespmem:s30+$0x6440];
	[tilespmem:s21+$0xFFFFFE00] =	vst v10  }
0x146: {  	(v2sf) =	vpush v1, $0x5;
	v10 =	vld [tilespmem:s31+$0x6440];
	[tilespmem:s19+$0xFFFFFFB0] =	vst v3  }
0x147: {  	v3 =	vld [tilespmem:s6+$0x6410];
	[tilespmem:s24+$0x160] =	vst v9  }
0x148: {  	s7 =	simm.s32 $0x50;
	v9 =	vld [tilespmem:s3+$0x6430]  }
0x149: {  	v11 =	vld.idx.msk [tilespmem:v5+s7+$0x0 ss:$0x1], $0xffff;
	[tilespmem:s20+$0xFFFFFEE0] =	vst v8  }
0x14a: {  	s8 =	spop (v2sf);
	v8 =	vld [tilespmem:s4+$0x6430];
	[tilespmem:s22+$0x90] =	vst v7  }
0x14b: {  	s9 =	spop (v2sf);
	v7 =	vld [tilespmem:s8+$0x6400];
	[tilespmem:s21+$0xFFFFFE10] =	vst v10  }
0x14c: {  	v10 =	vld [tilespmem:s9+$0x6400];
	[tilespmem:s19+$0xFFFFFFC0] =	vst v3  }
0x14d: {  	v12 =	vld [tilespmem:s6+$0x6420];
	[tilespmem:s24+$0x170] =	vst v9  }
0x14e: {  	v9 =	vld [tilespmem:s3+$0x6440]  }
0x14f: {  	(v2sf) =	vpush v0, $0x8;
	[tilespmem:s20+$0xFFFFFEF0] =	vst v8;
	v3 =	vmul.u32 $0x51, v11  }
0x150: {  	v8 =	vld [tilespmem:s4+$0x6440];
	[tilespmem:s22+$0xA0] =	vst v7  }
0x151: {  	v7 =	vld [tilespmem:s8+$0x6410];
	(v2sf) =	vpush v3, $0x0;
	[tilespmem:s21+$0xFFFFFE20] =	vst v10  }
0x152: {  	v10 =	vld [tilespmem:s9+$0x6410];
	[tilespmem:s19+$0xFFFFFFD0] =	vst v12  }
0x153: {  	s10 =	spop (v2sf);
	v11 =	vld [tilespmem:s6+$0x6430];
	[tilespmem:s24+$0x180] =	vst v9  }
0x154: {  	v9 =	vld [tilespmem:s10+$0x6400]  }
0x155: {  	s11 =	spop (v2sf);
	[tilespmem:s20+$0xFFFFFF00] =	vst v8  }
0x156: {  	v8 =	vld [tilespmem:s11+$0x6400];
	[tilespmem:s22+$0xB0] =	vst v7  }
0x157: {  	v60 =	vld [tilespmem:s8+$0x6420];
	[tilespmem:s21+$0xFFFFFE30] =	vst v10  }
0x158: {  	v10 =	vld [tilespmem:s9+$0x6420];
	[tilespmem:s19+$0xFFFFFFE0] =	vst v11  }
0x159: {  	(v2sf) =	vpush v4, $0xB;
	v11 =	vld [tilespmem:s6+$0x6440];
	[tilespmem:s24+$0x190] =	vst v9  }
0x15a: {  	s12 =	simm.s32 $0x60;
	(v2sf) =	vpush v2, $0x3;
	v9 =	vld [tilespmem:s10+$0x6410]  }
0x15b: {  	v7 =	vld.idx.msk [tilespmem:v5+s12+$0x0 ss:$0x1], $0xffff;
	[tilespmem:s20+$0xFFFFFF10] =	vst v8  }
0x15c: {  	[tilespmem:s22+$0xC0] =	vst v60;
	v8 =	vld [tilespmem:s11+$0x6410]  }
0x15d: {  	[tilespmem:s21+$0xFFFFFE40] =	vst v10;
	v10 =	vld [tilespmem:s8+$0x6430]  }
0x15e: {  	s13 =	spop (v2sf);
	v61 =	vld [tilespmem:s9+$0x6430];
	[tilespmem:s19+$0xFFFFFFF0] =	vst v11  }
0x15f: {  	v11 =	vld [tilespmem:s13+$0x6400];
	[tilespmem:s24+$0x1A0] =	vst v9  }
0x160: {  	s6 =	spop (v2sf);
	v9 =	vld [tilespmem:s10+$0x6420]  }
0x161: {  	v13 =	vld [tilespmem:s6+$0x6400];
	[tilespmem:s20+$0xFFFFFF20] =	vst v8  }
0x162: {  	(v2sf) =	vpush v6, $0xE;
	v8 =	vld [tilespmem:s11+$0x6420];
	[tilespmem:s22+$0xD0] =	vst v10  }
0x163: {  	[tilespmem:s21+$0xFFFFFE50] =	vst v61;
	v10 =	vld [tilespmem:s8+$0x6440]  }
0x164: {  	(v2sf) =	vpush v1, $0x6;
	v12 =	vld [tilespmem:s9+$0x6440];
	[tilespmem:s19+$0x0] =	vst v11  }
0x165: {  	s23 =	simm.s32 $0x9F28;
	v11 =	vld [tilespmem:s13+$0x6410];
	[tilespmem:s24+$0x1B0] =	vst v9  }
0x166: {  	[tilespmem:s23+$0xFFFFFD80] =	vst v13;
	v9 =	vld [tilespmem:s10+$0x6430]  }
0x167: {  	v13 =	vld [tilespmem:s6+$0x6410];
	[tilespmem:s20+$0xFFFFFF30] =	vst v8  }
0x168: {  	s14 =	spop (v2sf);
	v8 =	vld [tilespmem:s11+$0x6430];
	[tilespmem:s22+$0xE0] =	vst v10  }
0x169: {  	s18 =	spop (v2sf);
	[tilespmem:s21+$0xFFFFFE60] =	vst v12;
	v10 =	vld [tilespmem:s14+$0x6400]  }
0x16a: {  	v12 =	vld [tilespmem:s18+$0x6400];
	[tilespmem:s19+$0x10] =	vst v11  }
0x16b: {  	v11 =	vld [tilespmem:s13+$0x6420];
	[tilespmem:s24+$0x1C0] =	vst v9  }
0x16c: {  	[tilespmem:s23+$0xFFFFFD90] =	vst v13;
	v9 =	vld [tilespmem:s10+$0x6440]  }
0x16d: {  	(v2sf) =	vpush v0, $0x9;
	v13 =	vld [tilespmem:s6+$0x6420];
	[tilespmem:s20+$0xFFFFFF40] =	vst v8  }
0x16e: {  	v8 =	vld [tilespmem:s11+$0x6440];
	[tilespmem:s22+$0xF0] =	vst v10  }
0x16f: {  	(v2sf) =	vpush v3, $0x1;
	[tilespmem:s21+$0xFFFFFE70] =	vst v12;
	v10 =	vld [tilespmem:s14+$0x6410]  }
0x170: {  	v12 =	vld [tilespmem:s18+$0x6410];
	[tilespmem:s19+$0x20] =	vst v11  }
0x171: {  	s25 =	spop (v2sf);
	v11 =	vld [tilespmem:s13+$0x6430];
	[tilespmem:s24+$0x1D0] =	vst v9  }
0x172: {  	[tilespmem:s23+$0xFFFFFDA0] =	vst v13;
	v9 =	vld [tilespmem:s25+$0x6400]  }
0x173: {  	s30 =	spop (v2sf);
	v13 =	vld [tilespmem:s6+$0x6430];
	[tilespmem:s20+$0xFFFFFF50] =	vst v8  }
0x174: {  	v8 =	vld [tilespmem:s30+$0x6400];
	[tilespmem:s22+$0x100] =	vst v10  }
0x175: {  	[tilespmem:s21+$0xFFFFFE80] =	vst v12;
	v10 =	vld [tilespmem:s14+$0x6420]  }
0x176: {  	v12 =	vld [tilespmem:s18+$0x6420];
	[tilespmem:s19+$0x30] =	vst v11  }
0x177: {  	(v2sf) =	vpush v4, $0xC;
	v11 =	vld [tilespmem:s13+$0x6440];
	[tilespmem:s24+$0x1E0] =	vst v9  }
0x178: {  	(v2sf) =	vpush v2, $0x4;
	[tilespmem:s23+$0xFFFFFDB0] =	vst v13;
	v9 =	vld [tilespmem:s25+$0x6410]  }
0x179: {  	v13 =	vld [tilespmem:s6+$0x6440];
	[tilespmem:s20+$0xFFFFFF60] =	vst v8  }
0x17a: {  	v8 =	vld [tilespmem:s30+$0x6410];
	[tilespmem:s22+$0x110] =	vst v10  }
0x17b: {  	[tilespmem:s21+$0xFFFFFE90] =	vst v12;
	v10 =	vld [tilespmem:s14+$0x6430]  }
0x17c: {  	s31 =	spop (v2sf);
	v12 =	vld [tilespmem:s18+$0x6430];
	[tilespmem:s19+$0x40] =	vst v11  }
0x17d: {  	v11 =	vld [tilespmem:s31+$0x6400];
	[tilespmem:s24+$0x1F0] =	vst v9  }
0x17e: {  	s7 =	spop (v2sf);
	[tilespmem:s23+$0xFFFFFDC0] =	vst v13;
	v9 =	vld [tilespmem:s25+$0x6420]  }
0x17f: {  	v13 =	vld [tilespmem:s7+$0x6400];
	[tilespmem:s20+$0xFFFFFF70] =	vst v8  }
0x180: {  	(v2sf) =	vpush v6, $0xF;
	v8 =	vld [tilespmem:s30+$0x6420];
	[tilespmem:s22+$0x120] =	vst v10  }
0x181: {  	[tilespmem:s21+$0xFFFFFEA0] =	vst v12;
	v6 =	vld [tilespmem:s14+$0x6440]  }
0x182: {  	(v2sf) =	vpush v1, $0x7;
	v10 =	vld [tilespmem:s18+$0x6440];
	[tilespmem:s19+$0x50] =	vst v11  }
0x183: {  	v11 =	vld [tilespmem:s31+$0x6410];
	[tilespmem:s24+$0x200] =	vst v9  }
0x184: {  	[tilespmem:s23+$0xFFFFFDD0] =	vst v13;
	v9 =	vld [tilespmem:s25+$0x6430]  }
0x185: {  	v62 =	vld [tilespmem:s7+$0x6410];
	[tilespmem:s20+$0xFFFFFF80] =	vst v8  }
0x186: {  	s5 =	spop (v2sf);
	v8 =	vld [tilespmem:s30+$0x6430];
	[tilespmem:s22+$0x130] =	vst v6  }
0x187: {  	s6 =	spop (v2sf);
	[tilespmem:s21+$0xFFFFFEB0] =	vst v10;
	v6 =	vld [tilespmem:s5+$0x6400]  }
0x188: {  	v10 =	vld [tilespmem:s6+$0x6400];
	[tilespmem:s19+$0x60] =	vst v11  }
0x189: {  	v11 =	vld [tilespmem:s31+$0x6420];
	[tilespmem:s24+$0x210] =	vst v9  }
0x18a: {  	[tilespmem:s23+$0xFFFFFDE0] =	vst v62;
	v9 =	vld [tilespmem:s25+$0x6440]  }
0x18b: {  	(v2sf) =	vpush v0, $0xA;
	v12 =	vld [tilespmem:s7+$0x6420];
	[tilespmem:s20+$0xFFFFFF90] =	vst v8  }
0x18c: {  	v8 =	vld [tilespmem:s30+$0x6440];
	[tilespmem:s22+$0x140] =	vst v6  }
0x18d: {  	(v2sf) =	vpush v3, $0x2;
	[tilespmem:s21+$0xFFFFFEC0] =	vst v10;
	v6 =	vld [tilespmem:s5+$0x6410]  }
0x18e: {  	v10 =	vld [tilespmem:s6+$0x6410];
	[tilespmem:s19+$0x70] =	vst v11  }
0x18f: {  	s1 =	spop (v2sf);
	v11 =	vld [tilespmem:s31+$0x6430];
	[tilespmem:s24+$0x220] =	vst v9  }
0x190: {  	[tilespmem:s23+$0xFFFFFDF0] =	vst v12;
	v9 =	vld [tilespmem:s1+$0x6400]  }
0x191: {  	s9 =	spop (v2sf);
	v12 =	vld [tilespmem:s7+$0x6430];
	[tilespmem:s20+$0xFFFFFFA0] =	vst v8  }
0x192: {  	v8 =	vld [tilespmem:s9+$0x6400];
	[tilespmem:s22+$0x150] =	vst v6  }
0x193: {  	[tilespmem:s21+$0xFFFFFED0] =	vst v10;
	v6 =	vld [tilespmem:s5+$0x6420]  }
0x194: {  	v10 =	vld [tilespmem:s6+$0x6420];
	[tilespmem:s19+$0x80] =	vst v11  }
0x195: {  	(v2sf) =	vpush v4, $0xD;
	v11 =	vld [tilespmem:s31+$0x6440];
	[tilespmem:s24+$0x230] =	vst v9  }
0x196: {  	(v2sf) =	vpush v2, $0x5;
	[tilespmem:s23+$0xFFFFFE00] =	vst v12;
	v63 =	vld [tilespmem:s1+$0x6410]  }
0x197: {  	[tilespmem:s20+$0xFFFFFFB0] =	vst v8;
	v9 =	vld [tilespmem:s7+$0x6440]  }
0x198: {  	v8 =	vld [tilespmem:s9+$0x6410];
	[tilespmem:s22+$0x160] =	vst v6  }
0x199: {  	[tilespmem:s21+$0xFFFFFEE0] =	vst v10;
	v6 =	vld [tilespmem:s5+$0x6430]  }
0x19a: {  	s8 =	spop (v2sf);
	v10 =	vld [tilespmem:s6+$0x6430];
	[tilespmem:s19+$0x90] =	vst v11  }
0x19b: {  	s0 =	simm.s32 $0x1C0;
	s18 =	sshll.u32 s17, $0x1;
	v11 =	vld [tilespmem:s8+$0x6400];
	[tilespmem:s24+$0x240] =	vst v63  }
.LBB2_3:
0x19c: {  	p1 =	sne.s32 s0, $0x7C0;
	[tilespmem:s23+$0xFFFFFE10] =	vst v9;
	s3 =	spop (v2sf);
	v9 =	vld [tilespmem:s1+$0x6420]  }
0x19d: {  	v12 =	vld [tilespmem:s3+$0x6400];
	[tilespmem:s20+$0xFFFFFFC0] =	vst v8  }
0x19e: {  	v8 =	vld [tilespmem:s9+$0x6420];
	[tilespmem:s22+$0x170] =	vst v6  }
0x19f: {  	[tilespmem:s21+$0xFFFFFEF0] =	vst v10;
	v10 =	vld [tilespmem:s5+$0x6440]  }
0x1a0: {  	v6 =	vmul.u32 $0x51, v7;
	v7 =	vld [tilespmem:s6+$0x6440];
	(v2sf) =	vpush v1, $0x8;
	[tilespmem:s19+$0xA0] =	vst v11  }
0x1a1: {  	v11 =	vld [tilespmem:s8+$0x6410];
	[tilespmem:s24+$0x250] =	vst v9  }
0x1a2: {  	(v2sf) =	vpush v6, $0x0;
	[tilespmem:s23+$0xFFFFFE20] =	vst v12;
	v9 =	vld [tilespmem:s1+$0x6430]  }
0x1a3: {  	v12 =	vld [tilespmem:s3+$0x6410];
	[tilespmem:s20+$0xFFFFFFD0] =	vst v8  }
0x1a4: {  	v8 =	vld [tilespmem:s9+$0x6430];
	[tilespmem:s22+$0x180] =	vst v10;
	s5 =	spop (v2sf)  }
0x1a5: {  	[tilespmem:s21+$0xFFFFFF00] =	vst v7;
	s2 =	spop (v2sf);
	v7 =	vld [tilespmem:s5+$0x6400]  }
0x1a6: {  	v10 =	vld [tilespmem:s2+$0x6400];
	[tilespmem:s19+$0xB0] =	vst v11  }
0x1a7: {  	v11 =	vld [tilespmem:s8+$0x6420];
	[tilespmem:s24+$0x260] =	vst v9  }
0x1a8: {  	[tilespmem:s23+$0xFFFFFE30] =	vst v12;
	v9 =	vld [tilespmem:s1+$0x6440]  }
0x1a9: {  	v12 =	vld [tilespmem:s3+$0x6420];
	[tilespmem:s20+$0xFFFFFFE0] =	vst v8  }
0x1aa: {  	v8 =	vld [tilespmem:s9+$0x6440];
	(v2sf) =	vpush v0, $0xB;
	[tilespmem:s22+$0x190] =	vst v7  }
0x1ab: {  	s1 =	sshra.s32 s0, $0x2;
	(v2sf) =	vpush v3, $0x3;
	[tilespmem:s21+$0xFFFFFF10] =	vst v10;
	v10 =	vld [tilespmem:s5+$0x6410]  }
0x1ac: {  	v7 =	vld.idx.msk [tilespmem:v5+s1+$0x0 ss:$0x1], $0xffff;
	[tilespmem:s19+$0xC0] =	vst v11  }
0x1ad: {  	v11 =	vld [tilespmem:s2+$0x6410];
	[tilespmem:s24+$0x270] =	vst v9;
	s24 =	smov.u32 s22;
	s22 =	smov.u32 s19;
	s19 =	smov.u32 s20  }
0x1ae: {  	s20 =	smov.u32 s21;
	s21 =	smov.u32 s23;
	[tilespmem:s23+$0xFFFFFE40] =	vst v12;
	v9 =	vld [tilespmem:s8+$0x6430]  }
0x1af: {  	v12 =	vld [tilespmem:s3+$0x6430];
	[tilespmem:s19+$0xFFFFFFF0] =	vst v8;
	s9 =	spop (v2sf)  }
0x1b0: {  	v8 =	vld [tilespmem:s9+$0x6400];
	[tilespmem:s24+$0x1A0] =	vst v10  }
0x1b1: {  	s6 =	spop (v2sf);
	v10 =	vld [tilespmem:s5+$0x6420]  }
0x1b2: {  	v13 =	vld [tilespmem:s6+$0x6400];
	[tilespmem:s20+$0xFFFFFF20] =	vst v11  }
0x1b3: {  	v11 =	vld [tilespmem:s2+$0x6420];
	[tilespmem:s22+$0xD0] =	vst v9;
	(v2sf) =	vpush v4, $0xE  }
0x1b4: {  	[tilespmem:s23+$0xFFFFFE50] =	vst v12;
	v9 =	vld [tilespmem:s8+$0x6440]  }
0x1b5: {  	v12 =	vld [tilespmem:s3+$0x6440];
	(v2sf) =	vpush v2, $0x6;
	[tilespmem:s19+$0x0] =	vst v8  }
0x1b6: {  	s23 =	sadd.s32 $0x500, s23;
	v8 =	vld [tilespmem:s9+$0x6410];
	[tilespmem:s24+$0x1B0] =	vst v10  }
0x1b7: {  	[tilespmem:s23+$0xFFFFFD80] =	vst v13;
	v10 =	vld [tilespmem:s5+$0x6430]  }
0x1b8: {  	v13 =	vld [tilespmem:s6+$0x6410];
	[tilespmem:s20+$0xFFFFFF30] =	vst v11  }
0x1b9: {  	v11 =	vld [tilespmem:s2+$0x6430];
	[tilespmem:s22+$0xE0] =	vst v9;
	s3 =	spop (v2sf)  }
0x1ba: {  	[tilespmem:s21+$0xFFFFFE60] =	vst v12;
	s1 =	spop (v2sf);
	v9 =	vld [tilespmem:s3+$0x6400]  }
0x1bb: {  	v12 =	vld [tilespmem:s1+$0x6400];
	[tilespmem:s19+$0x10] =	vst v8  }
0x1bc: {  	v8 =	vld [tilespmem:s9+$0x6420];
	[tilespmem:s24+$0x1C0] =	vst v10  }
0x1bd: {  	[tilespmem:s23+$0xFFFFFD90] =	vst v13;
	v10 =	vld [tilespmem:s5+$0x6440]  }
0x1be: {  	v13 =	vld [tilespmem:s6+$0x6420];
	[tilespmem:s20+$0xFFFFFF40] =	vst v11;
	(v2sf) =	vpush v1, $0x9  }
0x1bf: {  	v11 =	vld [tilespmem:s2+$0x6440];
	[tilespmem:s22+$0xF0] =	vst v9  }
0x1c0: {  	(v2sf) =	vpush v6, $0x1;
	[tilespmem:s21+$0xFFFFFE70] =	vst v12;
	v9 =	vld [tilespmem:s3+$0x6410]  }
0x1c1: {  	v12 =	vld [tilespmem:s1+$0x6410];
	[tilespmem:s19+$0x20] =	vst v8  }
0x1c2: {  	v8 =	vld [tilespmem:s9+$0x6430];
	[tilespmem:s24+$0x1D0] =	vst v10;
	s7 =	spop (v2sf)  }
0x1c3: {  	[tilespmem:s23+$0xFFFFFDA0] =	vst v13;
	v10 =	vld [tilespmem:s7+$0x6400]  }
0x1c4: {  	v13 =	vld [tilespmem:s6+$0x6430];
	[tilespmem:s20+$0xFFFFFF50] =	vst v11;
	s8 =	spop (v2sf)  }
0x1c5: {  	v11 =	vld [tilespmem:s8+$0x6400];
	[tilespmem:s22+$0x100] =	vst v9  }
0x1c6: {  	[tilespmem:s21+$0xFFFFFE80] =	vst v12;
	v9 =	vld [tilespmem:s3+$0x6420]  }
0x1c7: {  	v12 =	vld [tilespmem:s1+$0x6420];
	[tilespmem:s19+$0x30] =	vst v8  }
0x1c8: {  	v8 =	vld [tilespmem:s9+$0x6440];
	(v2sf) =	vpush v0, $0xC;
	[tilespmem:s24+$0x1E0] =	vst v10  }
0x1c9: {  	[tilespmem:s23+$0xFFFFFDB0] =	vst v13;
	(v2sf) =	vpush v3, $0x4;
	v10 =	vld [tilespmem:s7+$0x6410]  }
0x1ca: {  	v13 =	vld [tilespmem:s6+$0x6440];
	[tilespmem:s20+$0xFFFFFF60] =	vst v11  }
0x1cb: {  	v11 =	vld [tilespmem:s8+$0x6410];
	[tilespmem:s22+$0x110] =	vst v9  }
0x1cc: {  	[tilespmem:s21+$0xFFFFFE90] =	vst v12;
	v9 =	vld [tilespmem:s3+$0x6430]  }
0x1cd: {  	v12 =	vld [tilespmem:s1+$0x6430];
	[tilespmem:s19+$0x40] =	vst v8;
	s10 =	spop (v2sf)  }
0x1ce: {  	v8 =	vld [tilespmem:s10+$0x6400];
	[tilespmem:s24+$0x1F0] =	vst v10  }
0x1cf: {  	[tilespmem:s23+$0xFFFFFDC0] =	vst v13;
	s2 =	spop (v2sf);
	v10 =	vld [tilespmem:s7+$0x6420]  }
0x1d0: {  	v13 =	vld [tilespmem:s2+$0x6400];
	[tilespmem:s20+$0xFFFFFF70] =	vst v11  }
0x1d1: {  	v11 =	vld [tilespmem:s8+$0x6420];
	[tilespmem:s22+$0x120] =	vst v9;
	(v2sf) =	vpush v4, $0xF;
	v4 =	vmovc v0;
	v0 =	vmovc v1;
	v1 =	vmov v2;
	v2 =	vmov v3  }
0x1d2: {  	v3 =	vmov v6;
	[tilespmem:s21+$0xFFFFFEA0] =	vst v12;
	v9 =	vld [tilespmem:s3+$0x6440]  }
0x1d3: {  	v6 =	vld [tilespmem:s1+$0x6440];
	(v2sf) =	vpush v1, $0x7;
	[tilespmem:s19+$0x50] =	vst v8  }
0x1d4: {  	v8 =	vld [tilespmem:s10+$0x6410];
	[tilespmem:s24+$0x200] =	vst v10  }
0x1d5: {  	[tilespmem:s23+$0xFFFFFDD0] =	vst v13;
	v10 =	vld [tilespmem:s7+$0x6430]  }
0x1d6: {  	v12 =	vld [tilespmem:s2+$0x6410];
	[tilespmem:s20+$0xFFFFFF80] =	vst v11  }
0x1d7: {  	v11 =	vld [tilespmem:s8+$0x6430];
	[tilespmem:s22+$0x130] =	vst v9;
	s5 =	spop (v2sf)  }
0x1d8: {  	[tilespmem:s21+$0xFFFFFEB0] =	vst v6;
	s6 =	spop (v2sf);
	v6 =	vld [tilespmem:s5+$0x6400]  }
0x1d9: {  	v9 =	vld [tilespmem:s6+$0x6400];
	[tilespmem:s19+$0x60] =	vst v8  }
0x1da: {  	v8 =	vld [tilespmem:s10+$0x6420];
	[tilespmem:s24+$0x210] =	vst v10  }
0x1db: {  	[tilespmem:s23+$0xFFFFFDE0] =	vst v12;
	v10 =	vld [tilespmem:s7+$0x6440]  }
0x1dc: {  	v12 =	vld [tilespmem:s2+$0x6420];
	[tilespmem:s20+$0xFFFFFF90] =	vst v11;
	(v2sf) =	vpush v0, $0xA  }
0x1dd: {  	v11 =	vld [tilespmem:s8+$0x6440];
	[tilespmem:s22+$0x140] =	vst v6  }
0x1de: {  	(v2sf) =	vpush v3, $0x2;
	[tilespmem:s21+$0xFFFFFEC0] =	vst v9;
	v6 =	vld [tilespmem:s5+$0x6410]  }
0x1df: {  	v9 =	vld [tilespmem:s6+$0x6410];
	[tilespmem:s19+$0x70] =	vst v8  }
0x1e0: {  	v8 =	vld [tilespmem:s10+$0x6430];
	[tilespmem:s24+$0x220] =	vst v10;
	s1 =	spop (v2sf)  }
0x1e1: {  	[tilespmem:s23+$0xFFFFFDF0] =	vst v12;
	v10 =	vld [tilespmem:s1+$0x6400]  }
0x1e2: {  	v12 =	vld [tilespmem:s2+$0x6430];
	[tilespmem:s20+$0xFFFFFFA0] =	vst v11;
	s9 =	spop (v2sf)  }
0x1e3: {  	v11 =	vld [tilespmem:s9+$0x6400];
	[tilespmem:s22+$0x150] =	vst v6  }
0x1e4: {  	[tilespmem:s21+$0xFFFFFED0] =	vst v9;
	v6 =	vld [tilespmem:s5+$0x6420]  }
0x1e5: {  	v13 =	vld [tilespmem:s6+$0x6420];
	[tilespmem:s19+$0x80] =	vst v8  }
0x1e6: {  	v14 =	vld [tilespmem:s10+$0x6440];
	(v2sf) =	vpush v4, $0xD;
	[tilespmem:s24+$0x230] =	vst v10  }
0x1e7: {  	[tilespmem:s23+$0xFFFFFE00] =	vst v12;
	(v2sf) =	vpush v2, $0x5;
	v12 =	vld [tilespmem:s1+$0x6410]  }
.Ltmp0:
0x1e8: {  	v9 =	vld [tilespmem:s2+$0x6440];
	[tilespmem:s20+$0xFFFFFFB0] =	vst v11;
	(pc) =	sbr.rel @p1 .LBB2_3-.Ltmp0, $4  }
0x1e9: {  	v8 =	vld [tilespmem:s9+$0x6410];
	[tilespmem:s22+$0x160] =	vst v6  }
0x1ea: {  	[tilespmem:s21+$0xFFFFFEE0] =	vst v13;
	v6 =	vld [tilespmem:s5+$0x6430]  }
0x1eb: {  	v10 =	vld [tilespmem:s6+$0x6430];
	[tilespmem:s19+$0x90] =	vst v14;
	s8 =	spop (v2sf)  }
0x1ec: {  	s0 =	sadd.s32 $0x40, s0;
	v11 =	vld [tilespmem:s8+$0x6400];
	[tilespmem:s24+$0x240] =	vst v12  }
0x1ed: {  	[tilespmem:s23+$0xFFFFFE10] =	vst v9;
	s0 =	spop (v2sf);
	v5 =	vmul.u32 $0x51, v7  }
0x1ee: {  	(v2sf) =	vpush v1, $0x8;
	v7 =	vld [tilespmem:s0+$0x6400];
	[tilespmem:s20+$0xFFFFFFC0] =	vst v8  }
0x1ef: {  	v8 =	vld [tilespmem:s9+$0x6420];
	(v2sf) =	vpush v5, $0x0  }
0x1f0: {  	[tilespmem:s21+$0xFFFFFEF0] =	vst v10  }
0x1f1: {  	v9 =	vld [tilespmem:s6+$0x6440];
	[tilespmem:s19+$0xA0] =	vst v11  }
0x1f2: {  	v10 =	vld [tilespmem:s8+$0x6410]  }
0x1f3: {  	[tilespmem:s23+$0xFFFFFE20] =	vst v7  }
0x1f4: {  	v7 =	vld [tilespmem:s0+$0x6410];
	[tilespmem:s20+$0xFFFFFFD0] =	vst v8  }
0x1f5: {  	s7 =	spop (v2sf);
	v8 =	vld [tilespmem:s9+$0x6430]  }
0x1f6: {  	[tilespmem:s21+$0xFFFFFF00] =	vst v9;
	s2 =	spop (v2sf)  }
0x1f7: {  	v9 =	vld [tilespmem:s2+$0x6400];
	[tilespmem:s19+$0xB0] =	vst v10  }
0x1f8: {  	v10 =	vld [tilespmem:s8+$0x6420]  }
0x1f9: {  	[tilespmem:s23+$0xFFFFFE30] =	vst v7  }
0x1fa: {  	(v2sf) =	vpush v0, $0xB;
	v7 =	vld [tilespmem:s0+$0x6420];
	[tilespmem:s20+$0xFFFFFFE0] =	vst v8  }
0x1fb: {  	v8 =	vld [tilespmem:s9+$0x6440]  }
0x1fc: {  	(v2sf) =	vpush v3, $0x3;
	[tilespmem:s21+$0xFFFFFF10] =	vst v9  }
0x1fd: {  	s3 =	spop (v2sf);
	v9 =	vld [tilespmem:s2+$0x6410];
	[tilespmem:s19+$0xC0] =	vst v10  }
0x1fe: {  	v10 =	vld [tilespmem:s8+$0x6430];
	s4 =	spop (v2sf)  }
0x1ff: {  	[tilespmem:s23+$0xFFFFFE40] =	vst v7;
	v7 =	vld [tilespmem:s4+$0x6400]  }
0x200: {  	v11 =	vld [tilespmem:s0+$0x6430];
	[tilespmem:s20+$0xFFFFFFF0] =	vst v8  }
0x201: {  	v8 =	vld [tilespmem:s3+$0x6400]  }
0x202: {  	[tilespmem:s21+$0xFFFFFF20] =	vst v9  }
0x203: {  	s25 =	sadd.s32 $0x500, s23;
	v9 =	vld [tilespmem:s2+$0x6420];
	[tilespmem:s19+$0xD0] =	vst v10  }
0x204: {  	(v2sf) =	vpush v4, $0xE;
	v10 =	vld [tilespmem:s8+$0x6440];
	[tilespmem:s25+$0xFFFFFD80] =	vst v7  }
0x205: {  	(v2sf) =	vpush v2, $0x6;
	[tilespmem:s23+$0xFFFFFE50] =	vst v11;
	v7 =	vld [tilespmem:s4+$0x6410]  }
0x206: {  	v11 =	vld [tilespmem:s0+$0x6440];
	[tilespmem:s20+$0x0] =	vst v8  }
0x207: {  	v8 =	vld [tilespmem:s3+$0x6410]  }
0x208: {  	[tilespmem:s21+$0xFFFFFF30] =	vst v9  }
0x209: {  	s9 =	spop (v2sf);
	v9 =	vld [tilespmem:s2+$0x6430];
	[tilespmem:s19+$0xE0] =	vst v10  }
0x20a: {  	v10 =	vld [tilespmem:s9+$0x6400];
	[tilespmem:s25+$0xFFFFFD90] =	vst v7  }
0x20b: {  	s11 =	spop (v2sf);
	[tilespmem:s23+$0xFFFFFE60] =	vst v11;
	v7 =	vld [tilespmem:s4+$0x6420]  }
0x20c: {  	(v2sf) =	vpush v1, $0x9;
	v11 =	vld [tilespmem:s11+$0x6400];
	[tilespmem:s20+$0x10] =	vst v8  }
0x20d: {  	(v2sf) =	vpush v5, $0x1;
	v8 =	vld [tilespmem:s3+$0x6420]  }
0x20e: {  	[tilespmem:s21+$0xFFFFFF40] =	vst v9  }
0x20f: {  	v9 =	vld [tilespmem:s2+$0x6440];
	[tilespmem:s19+$0xF0] =	vst v10  }
0x210: {  	v10 =	vld [tilespmem:s9+$0x6410];
	[tilespmem:s25+$0xFFFFFDA0] =	vst v7  }
0x211: {  	[tilespmem:s23+$0xFFFFFE70] =	vst v11;
	v7 =	vld [tilespmem:s4+$0x6430]  }
0x212: {  	v11 =	vld [tilespmem:s11+$0x6410];
	[tilespmem:s20+$0x20] =	vst v8  }
0x213: {  	s0 =	spop (v2sf);
	v8 =	vld [tilespmem:s3+$0x6430]  }
0x214: {  	s10 =	spop (v2sf);
	[tilespmem:s21+$0xFFFFFF50] =	vst v9  }
0x215: {  	v9 =	vld [tilespmem:s10+$0x6400];
	[tilespmem:s19+$0x100] =	vst v10  }
0x216: {  	v10 =	vld [tilespmem:s9+$0x6420];
	[tilespmem:s25+$0xFFFFFDB0] =	vst v7  }
0x217: {  	[tilespmem:s23+$0xFFFFFE80] =	vst v11;
	v7 =	vld [tilespmem:s4+$0x6440]  }
0x218: {  	(v2sf) =	vpush v0, $0xC;
	v11 =	vld [tilespmem:s11+$0x6420];
	[tilespmem:s20+$0x30] =	vst v8  }
0x219: {  	[tilespmem:s22+$0x170] =	vst v6;
	v8 =	vld [tilespmem:s3+$0x6440]  }
0x21a: {  	[tilespmem:s21+$0xFFFFFF60] =	vst v9;
	v9 =	vld [tilespmem:s1+$0x6420]  }
0x21b: {  	(v2sf) =	vpush v3, $0x4;
	s12 =	spop (v2sf);
	v6 =	vld [tilespmem:s10+$0x6410];
	[tilespmem:s19+$0x110] =	vst v10  }
0x21c: {  	s13 =	spop (v2sf);
	v10 =	vld [tilespmem:s9+$0x6430];
	[tilespmem:s25+$0xFFFFFDC0] =	vst v7  }
0x21d: {  	[tilespmem:s23+$0xFFFFFE90] =	vst v11;
	v7 =	vld [tilespmem:s13+$0x6400]  }
0x21e: {  	v11 =	vld [tilespmem:s11+$0x6430];
	[tilespmem:s20+$0x40] =	vst v8  }
0x21f: {  	v8 =	vld [tilespmem:s12+$0x6400];
	[tilespmem:s24+$0x250] =	vst v9  }
0x220: {  	v9 =	vld [tilespmem:s5+$0x6440];
	[tilespmem:s21+$0xFFFFFF70] =	vst v6  }
0x221: {  	v6 =	vld [tilespmem:s10+$0x6420];
	[tilespmem:s19+$0x120] =	vst v10  }
0x222: {  	(v2sf) =	vpush v4, $0xF;
	v4 =	vld [tilespmem:s9+$0x6440];
	[tilespmem:s25+$0xFFFFFDD0] =	vst v7  }
0x223: {  	(v2sf) =	vpush v2, $0x7;
	[tilespmem:s23+$0xFFFFFEA0] =	vst v11;
	v7 =	vld [tilespmem:s13+$0x6410]  }
0x224: {  	v10 =	vld [tilespmem:s11+$0x6440];
	[tilespmem:s20+$0x50] =	vst v8  }
0x225: {  	[tilespmem:s22+$0x180] =	vst v9;
	v9 =	vld [tilespmem:s1+$0x6430]  }
0x226: {  	v8 =	vld [tilespmem:s12+$0x6410];
	[tilespmem:s21+$0xFFFFFF80] =	vst v6  }
0x227: {  	s14 =	spop (v2sf);
	v6 =	vld [tilespmem:s10+$0x6430];
	[tilespmem:s19+$0x130] =	vst v4  }
0x228: {  	v4 =	vld [tilespmem:s14+$0x6400];
	[tilespmem:s25+$0xFFFFFDE0] =	vst v7  }
0x229: {  	[tilespmem:s23+$0xFFFFFEB0] =	vst v10;
	v7 =	vld [tilespmem:s13+$0x6420]  }
0x22a: {  	(v2sf) =	vpush v1, $0xA;
	s30 =	spop (v2sf);
	[tilespmem:s24+$0x260] =	vst v9;
	v9 =	vld [tilespmem:s7+$0x6400]  }
0x22b: {  	(v2sf) =	vpush v5, $0x2;
	v10 =	vld [tilespmem:s30+$0x6400];
	[tilespmem:s20+$0x60] =	vst v8  }
0x22c: {  	v8 =	vld [tilespmem:s12+$0x6420];
	[tilespmem:s21+$0xFFFFFF90] =	vst v6  }
0x22d: {  	v6 =	vld [tilespmem:s10+$0x6440];
	[tilespmem:s19+$0x140] =	vst v4  }
0x22e: {  	v4 =	vld [tilespmem:s14+$0x6410];
	[tilespmem:s25+$0xFFFFFDF0] =	vst v7  }
0x22f: {  	[tilespmem:s22+$0x190] =	vst v9;
	v7 =	vld [tilespmem:s13+$0x6430]  }
0x230: {  	v9 =	vld [tilespmem:s1+$0x6440];
	[tilespmem:s23+$0xFFFFFEC0] =	vst v10  }
0x231: {  	s6 =	spop (v2sf);
	v10 =	vld [tilespmem:s30+$0x6410];
	[tilespmem:s20+$0x70] =	vst v8  }
0x232: {  	s31 =	spop (v2sf);
	v8 =	vld [tilespmem:s12+$0x6430];
	[tilespmem:s21+$0xFFFFFFA0] =	vst v6  }
0x233: {  	v6 =	vld [tilespmem:s31+$0x6400];
	[tilespmem:s19+$0x150] =	vst v4  }
0x234: {  	v4 =	vld [tilespmem:s14+$0x6420];
	[tilespmem:s25+$0xFFFFFE00] =	vst v7  }
0x235: {  	[tilespmem:s24+$0x270] =	vst v9;
	v7 =	vld [tilespmem:s13+$0x6440]  }
0x236: {  	(v2sf) =	vpush v0, $0xD;
	v9 =	vld [tilespmem:s7+$0x6410];
	[tilespmem:s23+$0xFFFFFED0] =	vst v10  }
0x237: {  	v10 =	vld [tilespmem:s30+$0x6420];
	[tilespmem:s20+$0x80] =	vst v8  }
0x238: {  	v8 =	vld [tilespmem:s12+$0x6440];
	[tilespmem:s21+$0xFFFFFFB0] =	vst v6  }
0x239: {  	(v2sf) =	vpush v3, $0x5;
	s4 =	spop (v2sf);
	v6 =	vld [tilespmem:s31+$0x6410];
	[tilespmem:s19+$0x160] =	vst v4  }
0x23a: {  	s10 =	spop (v2sf);
	v4 =	vld [tilespmem:s14+$0x6430];
	[tilespmem:s25+$0xFFFFFE10] =	vst v7  }
0x23b: {  	[tilespmem:s22+$0x1A0] =	vst v9;
	v7 =	vld [tilespmem:s10+$0x6400]  }
0x23c: {  	v9 =	vld [tilespmem:s7+$0x6420];
	[tilespmem:s23+$0xFFFFFEE0] =	vst v10  }
0x23d: {  	v10 =	vld [tilespmem:s30+$0x6430];
	[tilespmem:s20+$0x90] =	vst v8  }
0x23e: {  	v8 =	vld [tilespmem:s4+$0x6400];
	[tilespmem:s21+$0xFFFFFFC0] =	vst v6  }
0x23f: {  	v6 =	vld [tilespmem:s31+$0x6420];
	[tilespmem:s19+$0x170] =	vst v4  }
0x240: {  	v4 =	vld [tilespmem:s14+$0x6440];
	[tilespmem:s25+$0xFFFFFE20] =	vst v7  }
0x241: {  	(v2sf) =	vpush v2, $0x8;
	[tilespmem:s22+$0x1B0] =	vst v9;
	v7 =	vld [tilespmem:s10+$0x6410]  }
0x242: {  	v9 =	vld [tilespmem:s7+$0x6430];
	[tilespmem:s23+$0xFFFFFEF0] =	vst v10  }
0x243: {  	v10 =	vld [tilespmem:s30+$0x6440];
	[tilespmem:s20+$0xA0] =	vst v8  }
0x244: {  	v8 =	vld [tilespmem:s4+$0x6410];
	[tilespmem:s21+$0xFFFFFFD0] =	vst v6  }
0x245: {  	s11 =	spop (v2sf);
	v6 =	vld [tilespmem:s31+$0x6430];
	[tilespmem:s19+$0x180] =	vst v4  }
0x246: {  	v4 =	vld [tilespmem:s11+$0x6400];
	[tilespmem:s25+$0xFFFFFE30] =	vst v7  }
0x247: {  	[tilespmem:s22+$0x1C0] =	vst v9;
	v7 =	vld [tilespmem:s10+$0x6420]  }
0x248: {  	(v2sf) =	vpush v1, $0xB;
	s12 =	spop (v2sf);
	v9 =	vld [tilespmem:s7+$0x6440];
	[tilespmem:s23+$0xFFFFFF00] =	vst v10  }
0x249: {  	(v2sf) =	vpush v5, $0x3;
	v10 =	vld [tilespmem:s12+$0x6400];
	[tilespmem:s20+$0xB0] =	vst v8  }
0x24a: {  	v8 =	vld [tilespmem:s4+$0x6420];
	[tilespmem:s21+$0xFFFFFFE0] =	vst v6  }
0x24b: {  	v6 =	vld [tilespmem:s31+$0x6440];
	[tilespmem:s19+$0x190] =	vst v4  }
0x24c: {  	v4 =	vld [tilespmem:s11+$0x6410];
	[tilespmem:s25+$0xFFFFFE40] =	vst v7  }
0x24d: {  	[tilespmem:s22+$0x1D0] =	vst v9;
	v7 =	vld [tilespmem:s10+$0x6430]  }
0x24e: {  	v9 =	vld [tilespmem:s0+$0x6400];
	[tilespmem:s23+$0xFFFFFF10] =	vst v10  }
0x24f: {  	[tilespmem:s20+$0xC0] =	vst v8;
	v8 =	vld [tilespmem:s12+$0x6410]  }
0x250: {  	s13 =	spop (v2sf);
	v10 =	vld [tilespmem:s4+$0x6430];
	[tilespmem:s21+$0xFFFFFFF0] =	vst v6  }
0x251: {  	v6 =	vld [tilespmem:s13+$0x6400];
	[tilespmem:s19+$0x1A0] =	vst v4  }
0x252: {  	v4 =	vld [tilespmem:s11+$0x6420];
	[tilespmem:s25+$0xFFFFFE50] =	vst v7  }
0x253: {  	[tilespmem:s22+$0x1E0] =	vst v9;
	v7 =	vld [tilespmem:s10+$0x6440]  }
0x254: {  	(v2sf) =	vpush v0, $0xE;
	v9 =	vld [tilespmem:s0+$0x6410];
	[tilespmem:s23+$0xFFFFFF20] =	vst v8  }
0x255: {  	v8 =	vld [tilespmem:s12+$0x6420];
	[tilespmem:s20+$0xD0] =	vst v10  }
0x256: {  	v10 =	vld [tilespmem:s4+$0x6440];
	[tilespmem:s21+$0x0] =	vst v6  }
0x257: {  	(v2sf) =	vpush v3, $0x6;
	s14 =	spop (v2sf);
	v6 =	vld [tilespmem:s13+$0x6410];
	[tilespmem:s19+$0x1B0] =	vst v4  }
0x258: {  	s24 =	spop (v2sf);
	v4 =	vld [tilespmem:s11+$0x6430];
	[tilespmem:s25+$0xFFFFFE60] =	vst v7  }
0x259: {  	[tilespmem:s22+$0x1F0] =	vst v9;
	v7 =	vld [tilespmem:s24+$0x6400]  }
0x25a: {  	v9 =	vld [tilespmem:s0+$0x6420];
	[tilespmem:s23+$0xFFFFFF30] =	vst v8  }
0x25b: {  	v8 =	vld [tilespmem:s12+$0x6430];
	[tilespmem:s20+$0xE0] =	vst v10  }
0x25c: {  	v10 =	vld [tilespmem:s14+$0x6400];
	[tilespmem:s21+$0x10] =	vst v6  }
0x25d: {  	v6 =	vld [tilespmem:s13+$0x6420];
	[tilespmem:s19+$0x1C0] =	vst v4  }
0x25e: {  	v4 =	vld [tilespmem:s11+$0x6440];
	[tilespmem:s25+$0xFFFFFE70] =	vst v7  }
0x25f: {  	(v2sf) =	vpush v2, $0x9;
	[tilespmem:s22+$0x200] =	vst v9;
	v7 =	vld [tilespmem:s24+$0x6410]  }
0x260: {  	v9 =	vld [tilespmem:s0+$0x6430];
	[tilespmem:s23+$0xFFFFFF40] =	vst v8  }
0x261: {  	v8 =	vld [tilespmem:s12+$0x6440];
	[tilespmem:s20+$0xF0] =	vst v10  }
0x262: {  	v10 =	vld [tilespmem:s14+$0x6410];
	[tilespmem:s21+$0x20] =	vst v6  }
0x263: {  	s30 =	spop (v2sf);
	v6 =	vld [tilespmem:s13+$0x6430];
	[tilespmem:s19+$0x1D0] =	vst v4  }
0x264: {  	v4 =	vld [tilespmem:s30+$0x6400];
	[tilespmem:s25+$0xFFFFFE80] =	vst v7  }
0x265: {  	[tilespmem:s22+$0x210] =	vst v9;
	v7 =	vld [tilespmem:s24+$0x6420]  }
0x266: {  	(v2sf) =	vpush v1, $0xC;
	s31 =	spop (v2sf);
	v9 =	vld [tilespmem:s0+$0x6440];
	[tilespmem:s23+$0xFFFFFF50] =	vst v8  }
0x267: {  	(v2sf) =	vpush v5, $0x4;
	v8 =	vld [tilespmem:s31+$0x6400];
	[tilespmem:s20+$0x100] =	vst v10  }
0x268: {  	v10 =	vld [tilespmem:s14+$0x6420];
	[tilespmem:s21+$0x30] =	vst v6  }
0x269: {  	v6 =	vld [tilespmem:s13+$0x6440];
	[tilespmem:s19+$0x1E0] =	vst v4  }
0x26a: {  	v4 =	vld [tilespmem:s30+$0x6410];
	[tilespmem:s25+$0xFFFFFE90] =	vst v7  }
0x26b: {  	[tilespmem:s22+$0x220] =	vst v9;
	v7 =	vld [tilespmem:s24+$0x6430]  }
0x26c: {  	v9 =	vld [tilespmem:s6+$0x6400];
	[tilespmem:s23+$0xFFFFFF60] =	vst v8  }
0x26d: {  	v8 =	vld [tilespmem:s31+$0x6410];
	[tilespmem:s20+$0x110] =	vst v10  }
0x26e: {  	s4 =	spop (v2sf);
	v10 =	vld [tilespmem:s14+$0x6430];
	[tilespmem:s21+$0x40] =	vst v6  }
0x26f: {  	v6 =	vld [tilespmem:s4+$0x6400];
	[tilespmem:s19+$0x1F0] =	vst v4  }
0x270: {  	v4 =	vld [tilespmem:s30+$0x6420];
	[tilespmem:s25+$0xFFFFFEA0] =	vst v7  }
0x271: {  	[tilespmem:s22+$0x230] =	vst v9;
	v7 =	vld [tilespmem:s24+$0x6440]  }
0x272: {  	(v2sf) =	vpush v0, $0xF;
	v9 =	vld [tilespmem:s6+$0x6410];
	[tilespmem:s23+$0xFFFFFF70] =	vst v8  }
0x273: {  	v8 =	vld [tilespmem:s31+$0x6420];
	[tilespmem:s20+$0x120] =	vst v10  }
0x274: {  	v0 =	vld [tilespmem:s14+$0x6440];
	[tilespmem:s21+$0x50] =	vst v6  }
0x275: {  	(v2sf) =	vpush v3, $0x7;
	s5 =	spop (v2sf);
	v6 =	vld [tilespmem:s4+$0x6410];
	[tilespmem:s19+$0x200] =	vst v4  }
0x276: {  	s7 =	spop (v2sf);
	v4 =	vld [tilespmem:s30+$0x6430];
	[tilespmem:s25+$0xFFFFFEB0] =	vst v7  }
0x277: {  	[tilespmem:s22+$0x240] =	vst v9;
	v7 =	vld [tilespmem:s7+$0x6400]  }
0x278: {  	v9 =	vld [tilespmem:s6+$0x6420];
	[tilespmem:s23+$0xFFFFFF80] =	vst v8  }
0x279: {  	v8 =	vld [tilespmem:s31+$0x6430];
	[tilespmem:s20+$0x130] =	vst v0  }
0x27a: {  	v0 =	vld [tilespmem:s5+$0x6400];
	[tilespmem:s21+$0x60] =	vst v6  }
0x27b: {  	v6 =	vld [tilespmem:s4+$0x6420];
	[tilespmem:s19+$0x210] =	vst v4  }
0x27c: {  	v4 =	vld [tilespmem:s30+$0x6440];
	[tilespmem:s25+$0xFFFFFEC0] =	vst v7  }
0x27d: {  	(v2sf) =	vpush v2, $0xA;
	[tilespmem:s22+$0x250] =	vst v9;
	v7 =	vld [tilespmem:s7+$0x6410]  }
0x27e: {  	v9 =	vld [tilespmem:s6+$0x6430];
	[tilespmem:s23+$0xFFFFFF90] =	vst v8  }
0x27f: {  	v8 =	vld [tilespmem:s31+$0x6440];
	[tilespmem:s20+$0x140] =	vst v0  }
0x280: {  	v0 =	vld [tilespmem:s5+$0x6410];
	[tilespmem:s21+$0x70] =	vst v6  }
0x281: {  	s24 =	spop (v2sf);
	v6 =	vld [tilespmem:s4+$0x6430];
	[tilespmem:s19+$0x220] =	vst v4  }
0x282: {  	v4 =	vld [tilespmem:s24+$0x6400];
	[tilespmem:s25+$0xFFFFFED0] =	vst v7  }
0x283: {  	[tilespmem:s22+$0x260] =	vst v9;
	v7 =	vld [tilespmem:s7+$0x6420]  }
0x284: {  	(v2sf) =	vpush v1, $0xD;
	s9 =	spop (v2sf);
	v9 =	vld [tilespmem:s6+$0x6440];
	[tilespmem:s23+$0xFFFFFFA0] =	vst v8  }
0x285: {  	(v2sf) =	vpush v5, $0x5;
	v8 =	vld [tilespmem:s9+$0x6400];
	[tilespmem:s20+$0x150] =	vst v0  }
0x286: {  	v0 =	vld [tilespmem:s5+$0x6420];
	[tilespmem:s21+$0x80] =	vst v6  }
0x287: {  	v6 =	vld [tilespmem:s4+$0x6440];
	[tilespmem:s19+$0x230] =	vst v4  }
0x288: {  	v4 =	vld [tilespmem:s24+$0x6410];
	[tilespmem:s25+$0xFFFFFEE0] =	vst v7  }
0x289: {  	[tilespmem:s22+$0x270] =	vst v9;
	v7 =	vld [tilespmem:s7+$0x6430]  }
0x28a: {  	[tilespmem:s23+$0xFFFFFFB0] =	vst v8  }
0x28b: {  	v8 =	vld [tilespmem:s9+$0x6410];
	[tilespmem:s20+$0x160] =	vst v0  }
0x28c: {  	s13 =	spop (v2sf);
	v0 =	vld [tilespmem:s5+$0x6430];
	[tilespmem:s21+$0x90] =	vst v6  }
0x28d: {  	v6 =	vld [tilespmem:s13+$0x6400];
	[tilespmem:s19+$0x240] =	vst v4  }
0x28e: {  	[tilespmem:s25+$0xFFFFFEF0] =	vst v7  }
0x28f: {  	v4 =	vld [tilespmem:s7+$0x6440];
	_ =	sdelay $0x3  }
0x290: {  	s6 =	spop (v2sf)  }
0x291: {  	s10 =	spop (v2sf);
	[tilespmem:s25+$0xFFFFFF00] =	vst v4  }
0x292: {  	v4 =	vld [tilespmem:s10+$0x6400];
	_ =	sdelay $0x4  }
0x293: {  	[tilespmem:s25+$0xFFFFFF10] =	vst v4  }
0x294: {  	v4 =	vld [tilespmem:s10+$0x6410];
	_ =	sdelay $0x4  }
0x295: {  	(v2sf) =	vpush v3, $0x8;
	[tilespmem:s25+$0xFFFFFF20] =	vst v4  }
0x296: {  	(v2sf) =	vpush v2, $0xB;
	v4 =	vld [tilespmem:s10+$0x6420]  }
0x297: {  	(v2sf) =	vpush v1, $0xE  }
0x298: {  	(v2sf) =	vpush v5, $0x6;
	_ =	sdelay $0x2  }
0x299: {  	[tilespmem:s25+$0xFFFFFF30] =	vst v4  }
0x29a: {  	v4 =	vld [tilespmem:s10+$0x6430];
	_ =	sdelay $0x4  }
0x29b: {  	[tilespmem:s25+$0xFFFFFF40] =	vst v4  }
0x29c: {  	v4 =	vld [tilespmem:s10+$0x6440];
	_ =	sdelay $0x1  }
0x29d: {  	s11 =	spop (v2sf)  }
0x29e: {  	s10 =	spop (v2sf)  }
0x29f: {  	s0 =	spop (v2sf)  }
0x2a0: {  	s12 =	spop (v2sf);
	[tilespmem:s25+$0xFFFFFF50] =	vst v4  }
0x2a1: {  	v4 =	vld [tilespmem:s12+$0x6400];
	_ =	sdelay $0x4  }
0x2a2: {  	[tilespmem:s25+$0xFFFFFF60] =	vst v4  }
0x2a3: {  	v4 =	vld [tilespmem:s12+$0x6410];
	_ =	sdelay $0x4  }
0x2a4: {  	(v2sf) =	vpush v3, $0x9;
	[tilespmem:s25+$0xFFFFFF70] =	vst v4  }
0x2a5: {  	(v2sf) =	vpush v2, $0xC;
	v4 =	vld [tilespmem:s12+$0x6420]  }
0x2a6: {  	(v2sf) =	vpush v1, $0xF  }
0x2a7: {  	(v2sf) =	vpush v5, $0x7;
	_ =	sdelay $0x2  }
0x2a8: {  	[tilespmem:s25+$0xFFFFFF80] =	vst v4  }
0x2a9: {  	v1 =	vld [tilespmem:s12+$0x6430];
	_ =	sdelay $0x4  }
0x2aa: {  	[tilespmem:s25+$0xFFFFFF90] =	vst v1  }
0x2ab: {  	v1 =	vld [tilespmem:s12+$0x6440];
	_ =	sdelay $0x1  }
0x2ac: {  	s14 =	spop (v2sf)  }
0x2ad: {  	s12 =	spop (v2sf)  }
0x2ae: {  	s1 =	spop (v2sf)  }
0x2af: {  	s22 =	spop (v2sf);
	[tilespmem:s25+$0xFFFFFFA0] =	vst v1  }
0x2b0: {  	v1 =	vld [tilespmem:s22+$0x6400];
	_ =	sdelay $0x4  }
0x2b1: {  	[tilespmem:s25+$0xFFFFFFB0] =	vst v1  }
0x2b2: {  	v1 =	vld [tilespmem:s22+$0x6410];
	_ =	sdelay $0x3  }
0x2b3: {  	[tilespmem:s23+$0xFFFFFFC0] =	vst v8  }
0x2b4: {  	v4 =	vld [tilespmem:s9+$0x6420];
	[tilespmem:s25+$0xFFFFFFC0] =	vst v1  }
0x2b5: {  	(v2sf) =	vpush v3, $0xA;
	v1 =	vld [tilespmem:s22+$0x6420]  }
0x2b6: {  	(v2sf) =	vpush v2, $0xD  }
0x2b7: {  	(v2sf) =	vpush v5, $0x8;
	_ =	sdelay $0x1  }
0x2b8: {  	[tilespmem:s23+$0xFFFFFFD0] =	vst v4  }
0x2b9: {  	v4 =	vld [tilespmem:s9+$0x6430];
	[tilespmem:s25+$0xFFFFFFD0] =	vst v1  }
0x2ba: {  	v1 =	vld [tilespmem:s22+$0x6430];
	_ =	sdelay $0x3  }
0x2bb: {  	[tilespmem:s23+$0xFFFFFFE0] =	vst v4  }
0x2bc: {  	v4 =	vld [tilespmem:s9+$0x6440];
	[tilespmem:s25+$0xFFFFFFE0] =	vst v1  }
0x2bd: {  	v1 =	vld [tilespmem:s22+$0x6440];
	_ =	sdelay $0x2  }
0x2be: {  	s30 =	spop (v2sf)  }
0x2bf: {  	[tilespmem:s23+$0xFFFFFFF0] =	vst v4;
	s9 =	spop (v2sf)  }
0x2c0: {  	v4 =	vld [tilespmem:s11+$0x6400];
	s31 =	spop (v2sf);
	[tilespmem:s25+$0xFFFFFFF0] =	vst v1  }
0x2c1: {  	v1 =	vld [tilespmem:s31+$0x6400];
	_ =	sdelay $0x3  }
0x2c2: {  	[tilespmem:s23+$0x0] =	vst v4  }
0x2c3: {  	v4 =	vld [tilespmem:s11+$0x6410];
	[tilespmem:s25+$0x0] =	vst v1  }
0x2c4: {  	v1 =	vld [tilespmem:s31+$0x6410];
	_ =	sdelay $0x3  }
0x2c5: {  	[tilespmem:s23+$0x10] =	vst v4  }
0x2c6: {  	v4 =	vld [tilespmem:s11+$0x6420];
	[tilespmem:s25+$0x10] =	vst v1  }
0x2c7: {  	(v2sf) =	vpush v3, $0xB;
	v1 =	vld [tilespmem:s31+$0x6420]  }
0x2c8: {  	(v2sf) =	vpush v2, $0xE  }
0x2c9: {  	(v2sf) =	vpush v5, $0x9;
	_ =	sdelay $0x1  }
0x2ca: {  	[tilespmem:s23+$0x20] =	vst v4  }
0x2cb: {  	v4 =	vld [tilespmem:s11+$0x6430];
	[tilespmem:s25+$0x20] =	vst v1  }
0x2cc: {  	v1 =	vld [tilespmem:s31+$0x6430];
	_ =	sdelay $0x3  }
0x2cd: {  	[tilespmem:s23+$0x30] =	vst v4  }
0x2ce: {  	v4 =	vld [tilespmem:s11+$0x6440];
	[tilespmem:s25+$0x30] =	vst v1  }
0x2cf: {  	v1 =	vld [tilespmem:s31+$0x6440];
	_ =	sdelay $0x2  }
0x2d0: {  	s4 =	spop (v2sf)  }
0x2d1: {  	s8 =	spop (v2sf);
	[tilespmem:s23+$0x40] =	vst v4  }
0x2d2: {  	s11 =	spop (v2sf);
	v4 =	vld [tilespmem:s14+$0x6400];
	[tilespmem:s25+$0x40] =	vst v1  }
0x2d3: {  	v1 =	vld [tilespmem:s11+$0x6400];
	_ =	sdelay $0x3  }
0x2d4: {  	[tilespmem:s23+$0x50] =	vst v4  }
0x2d5: {  	v4 =	vld [tilespmem:s14+$0x6410];
	[tilespmem:s25+$0x50] =	vst v1  }
0x2d6: {  	v1 =	vld [tilespmem:s11+$0x6410];
	_ =	sdelay $0x3  }
0x2d7: {  	[tilespmem:s23+$0x60] =	vst v4  }
0x2d8: {  	v4 =	vld [tilespmem:s14+$0x6420];
	[tilespmem:s25+$0x60] =	vst v1  }
0x2d9: {  	(v2sf) =	vpush v3, $0xC;
	v1 =	vld [tilespmem:s11+$0x6420]  }
0x2da: {  	(v2sf) =	vpush v2, $0xF  }
0x2db: {  	(v2sf) =	vpush v5, $0xA;
	_ =	sdelay $0x1  }
0x2dc: {  	[tilespmem:s23+$0x70] =	vst v4  }
0x2dd: {  	v2 =	vld [tilespmem:s14+$0x6430];
	[tilespmem:s25+$0x70] =	vst v1  }
0x2de: {  	v1 =	vld [tilespmem:s11+$0x6430];
	_ =	sdelay $0x3  }
0x2df: {  	[tilespmem:s23+$0x80] =	vst v2  }
0x2e0: {  	v2 =	vld [tilespmem:s14+$0x6440];
	[tilespmem:s25+$0x80] =	vst v1  }
0x2e1: {  	v1 =	vld [tilespmem:s11+$0x6440];
	_ =	sdelay $0x2  }
0x2e2: {  	s11 =	spop (v2sf)  }
0x2e3: {  	[tilespmem:s23+$0x90] =	vst v2;
	s7 =	spop (v2sf)  }
0x2e4: {  	v2 =	vld [tilespmem:s30+$0x6400];
	s14 =	spop (v2sf);
	[tilespmem:s25+$0x90] =	vst v1  }
0x2e5: {  	v1 =	vld [tilespmem:s14+$0x6400];
	_ =	sdelay $0x2  }
0x2e6: {  	[tilespmem:s21+$0xA0] =	vst v6  }
0x2e7: {  	v4 =	vld [tilespmem:s13+$0x6410];
	[tilespmem:s23+$0xA0] =	vst v2  }
0x2e8: {  	v2 =	vld [tilespmem:s30+$0x6410];
	[tilespmem:s25+$0xA0] =	vst v1  }
0x2e9: {  	v1 =	vld [tilespmem:s14+$0x6410];
	_ =	sdelay $0x2  }
0x2ea: {  	[tilespmem:s21+$0xB0] =	vst v4  }
0x2eb: {  	v4 =	vld [tilespmem:s13+$0x6420];
	[tilespmem:s23+$0xB0] =	vst v2  }
0x2ec: {  	v2 =	vld [tilespmem:s30+$0x6420];
	[tilespmem:s25+$0xB0] =	vst v1  }
0x2ed: {  	v1 =	vld [tilespmem:s14+$0x6420]  }
0x2ee: {  	(v2sf) =	vpush v3, $0xD  }
0x2ef: {  	(v2sf) =	vpush v5, $0xB  }
0x2f0: {  	[tilespmem:s21+$0xC0] =	vst v4  }
0x2f1: {  	v4 =	vld [tilespmem:s13+$0x6430];
	[tilespmem:s23+$0xC0] =	vst v2  }
0x2f2: {  	v2 =	vld [tilespmem:s30+$0x6430];
	[tilespmem:s25+$0xC0] =	vst v1  }
0x2f3: {  	v1 =	vld [tilespmem:s14+$0x6430];
	_ =	sdelay $0x2  }
0x2f4: {  	[tilespmem:s21+$0xD0] =	vst v4  }
0x2f5: {  	v4 =	vld [tilespmem:s13+$0x6440];
	[tilespmem:s23+$0xD0] =	vst v2  }
0x2f6: {  	v2 =	vld [tilespmem:s30+$0x6440];
	[tilespmem:s25+$0xD0] =	vst v1  }
0x2f7: {  	v1 =	vld [tilespmem:s14+$0x6440];
	_ =	sdelay $0x2  }
0x2f8: {  	[tilespmem:s21+$0xE0] =	vst v4  }
0x2f9: {  	v4 =	vld [tilespmem:s10+$0x6400];
	[tilespmem:s23+$0xE0] =	vst v2;
	s22 =	spop (v2sf)  }
0x2fa: {  	v2 =	vld [tilespmem:s4+$0x6400];
	s30 =	spop (v2sf);
	[tilespmem:s25+$0xE0] =	vst v1  }
0x2fb: {  	v1 =	vld [tilespmem:s30+$0x6400];
	_ =	sdelay $0x2  }
0x2fc: {  	[tilespmem:s21+$0xF0] =	vst v4  }
0x2fd: {  	v4 =	vld [tilespmem:s10+$0x6410];
	[tilespmem:s23+$0xF0] =	vst v2  }
0x2fe: {  	v2 =	vld [tilespmem:s4+$0x6410];
	[tilespmem:s25+$0xF0] =	vst v1  }
0x2ff: {  	v1 =	vld [tilespmem:s30+$0x6410];
	_ =	sdelay $0x2  }
0x300: {  	[tilespmem:s21+$0x100] =	vst v4  }
0x301: {  	v4 =	vld [tilespmem:s10+$0x6420];
	[tilespmem:s23+$0x100] =	vst v2  }
0x302: {  	v2 =	vld [tilespmem:s4+$0x6420];
	[tilespmem:s25+$0x100] =	vst v1  }
0x303: {  	v1 =	vld [tilespmem:s30+$0x6420]  }
0x304: {  	(v2sf) =	vpush v3, $0xE  }
0x305: {  	(v2sf) =	vpush v5, $0xC  }
0x306: {  	[tilespmem:s21+$0x110] =	vst v4  }
0x307: {  	v4 =	vld [tilespmem:s10+$0x6430];
	[tilespmem:s23+$0x110] =	vst v2  }
0x308: {  	v2 =	vld [tilespmem:s4+$0x6430];
	[tilespmem:s25+$0x110] =	vst v1  }
0x309: {  	v1 =	vld [tilespmem:s30+$0x6430];
	_ =	sdelay $0x2  }
0x30a: {  	[tilespmem:s21+$0x120] =	vst v4  }
0x30b: {  	v4 =	vld [tilespmem:s10+$0x6440];
	[tilespmem:s23+$0x120] =	vst v2  }
0x30c: {  	v2 =	vld [tilespmem:s4+$0x6440];
	[tilespmem:s25+$0x120] =	vst v1  }
0x30d: {  	v1 =	vld [tilespmem:s30+$0x6440];
	_ =	sdelay $0x2  }
0x30e: {  	[tilespmem:s21+$0x130] =	vst v4  }
0x30f: {  	v4 =	vld [tilespmem:s12+$0x6400];
	s31 =	spop (v2sf);
	[tilespmem:s23+$0x130] =	vst v2  }
0x310: {  	s4 =	spop (v2sf);
	v2 =	vld [tilespmem:s11+$0x6400];
	[tilespmem:s25+$0x130] =	vst v1  }
0x311: {  	v1 =	vld [tilespmem:s4+$0x6400];
	_ =	sdelay $0x2  }
0x312: {  	[tilespmem:s21+$0x140] =	vst v4  }
0x313: {  	v4 =	vld [tilespmem:s12+$0x6410];
	[tilespmem:s23+$0x140] =	vst v2  }
0x314: {  	v2 =	vld [tilespmem:s11+$0x6410];
	[tilespmem:s25+$0x140] =	vst v1  }
0x315: {  	v1 =	vld [tilespmem:s4+$0x6410];
	_ =	sdelay $0x2  }
0x316: {  	[tilespmem:s21+$0x150] =	vst v4  }
0x317: {  	v4 =	vld [tilespmem:s12+$0x6420];
	[tilespmem:s23+$0x150] =	vst v2  }
0x318: {  	v2 =	vld [tilespmem:s11+$0x6420];
	[tilespmem:s25+$0x150] =	vst v1  }
0x319: {  	v1 =	vld [tilespmem:s4+$0x6420]  }
0x31a: {  	(v2sf) =	vpush v3, $0xF  }
0x31b: {  	(v2sf) =	vpush v5, $0xD  }
0x31c: {  	[tilespmem:s21+$0x160] =	vst v4  }
0x31d: {  	v3 =	vld [tilespmem:s12+$0x6430];
	[tilespmem:s23+$0x160] =	vst v2  }
0x31e: {  	v2 =	vld [tilespmem:s11+$0x6430];
	[tilespmem:s25+$0x160] =	vst v1  }
0x31f: {  	v1 =	vld [tilespmem:s4+$0x6430]  }
0x320: {  	[tilespmem:s20+$0x170] =	vst v0  }
0x321: {  	v0 =	vld [tilespmem:s5+$0x6440]  }
0x322: {  	[tilespmem:s21+$0x170] =	vst v3  }
0x323: {  	v3 =	vld [tilespmem:s12+$0x6440];
	[tilespmem:s23+$0x170] =	vst v2  }
0x324: {  	v2 =	vld [tilespmem:s11+$0x6440];
	[tilespmem:s25+$0x170] =	vst v1  }
0x325: {  	v1 =	vld [tilespmem:s4+$0x6440]  }
0x326: {  	[tilespmem:s20+$0x180] =	vst v0  }
0x327: {  	v0 =	vld [tilespmem:s6+$0x6400]  }
0x328: {  	[tilespmem:s21+$0x180] =	vst v3  }
0x329: {  	s12 =	spop (v2sf);
	v3 =	vld [tilespmem:s9+$0x6400];
	[tilespmem:s23+$0x180] =	vst v2  }
0x32a: {  	s13 =	spop (v2sf);
	v2 =	vld [tilespmem:s22+$0x6400];
	[tilespmem:s25+$0x180] =	vst v1  }
0x32b: {  	v1 =	vld [tilespmem:s13+$0x6400]  }
0x32c: {  	[tilespmem:s20+$0x190] =	vst v0  }
0x32d: {  	v0 =	vld [tilespmem:s6+$0x6410]  }
0x32e: {  	[tilespmem:s21+$0x190] =	vst v3  }
0x32f: {  	v3 =	vld [tilespmem:s9+$0x6410];
	[tilespmem:s23+$0x190] =	vst v2  }
0x330: {  	v2 =	vld [tilespmem:s22+$0x6410];
	[tilespmem:s25+$0x190] =	vst v1  }
0x331: {  	v1 =	vld [tilespmem:s13+$0x6410]  }
0x332: {  	[tilespmem:s20+$0x1A0] =	vst v0  }
0x333: {  	v0 =	vld [tilespmem:s6+$0x6420]  }
0x334: {  	[tilespmem:s21+$0x1A0] =	vst v3  }
0x335: {  	v3 =	vld [tilespmem:s9+$0x6420];
	[tilespmem:s23+$0x1A0] =	vst v2  }
0x336: {  	v2 =	vld [tilespmem:s22+$0x6420];
	[tilespmem:s25+$0x1A0] =	vst v1  }
0x337: {  	v1 =	vld [tilespmem:s13+$0x6420]  }
0x338: {  	[tilespmem:s20+$0x1B0] =	vst v0  }
0x339: {  	v0 =	vld [tilespmem:s6+$0x6430];
	(v2sf) =	vpush v5, $0xE  }
0x33a: {  	[tilespmem:s21+$0x1B0] =	vst v3  }
0x33b: {  	v3 =	vld [tilespmem:s9+$0x6430];
	[tilespmem:s23+$0x1B0] =	vst v2  }
0x33c: {  	v2 =	vld [tilespmem:s22+$0x6430];
	[tilespmem:s25+$0x1B0] =	vst v1  }
0x33d: {  	v1 =	vld [tilespmem:s13+$0x6430]  }
0x33e: {  	[tilespmem:s20+$0x1C0] =	vst v0  }
0x33f: {  	v0 =	vld [tilespmem:s6+$0x6440]  }
0x340: {  	[tilespmem:s21+$0x1C0] =	vst v3  }
0x341: {  	v3 =	vld [tilespmem:s9+$0x6440];
	[tilespmem:s23+$0x1C0] =	vst v2  }
0x342: {  	v2 =	vld [tilespmem:s22+$0x6440];
	[tilespmem:s25+$0x1C0] =	vst v1  }
0x343: {  	v1 =	vld [tilespmem:s13+$0x6440]  }
0x344: {  	[tilespmem:s20+$0x1D0] =	vst v0  }
0x345: {  	v0 =	vld [tilespmem:s0+$0x6400]  }
0x346: {  	[tilespmem:s21+$0x1D0] =	vst v3  }
0x347: {  	v3 =	vld [tilespmem:s8+$0x6400];
	[tilespmem:s23+$0x1D0] =	vst v2  }
0x348: {  	s14 =	spop (v2sf);
	v2 =	vld [tilespmem:s31+$0x6400];
	[tilespmem:s25+$0x1D0] =	vst v1  }
0x349: {  	v1 =	vld [tilespmem:s14+$0x6400]  }
0x34a: {  	[tilespmem:s20+$0x1E0] =	vst v0  }
0x34b: {  	v0 =	vld [tilespmem:s0+$0x6410]  }
0x34c: {  	[tilespmem:s21+$0x1E0] =	vst v3  }
0x34d: {  	v3 =	vld [tilespmem:s8+$0x6410];
	[tilespmem:s23+$0x1E0] =	vst v2  }
0x34e: {  	v2 =	vld [tilespmem:s31+$0x6410];
	[tilespmem:s25+$0x1E0] =	vst v1  }
0x34f: {  	v1 =	vld [tilespmem:s14+$0x6410]  }
0x350: {  	[tilespmem:s20+$0x1F0] =	vst v0  }
0x351: {  	v0 =	vld [tilespmem:s0+$0x6420]  }
0x352: {  	[tilespmem:s21+$0x1F0] =	vst v3  }
0x353: {  	v3 =	vld [tilespmem:s8+$0x6420];
	[tilespmem:s23+$0x1F0] =	vst v2  }
0x354: {  	v2 =	vld [tilespmem:s31+$0x6420];
	[tilespmem:s25+$0x1F0] =	vst v1  }
0x355: {  	v1 =	vld [tilespmem:s14+$0x6420]  }
0x356: {  	[tilespmem:s20+$0x200] =	vst v0  }
0x357: {  	v0 =	vld [tilespmem:s0+$0x6430];
	(v2sf) =	vpush v5, $0xF  }
0x358: {  	[tilespmem:s21+$0x200] =	vst v3  }
0x359: {  	v3 =	vld [tilespmem:s8+$0x6430];
	[tilespmem:s23+$0x200] =	vst v2  }
0x35a: {  	v2 =	vld [tilespmem:s31+$0x6430];
	[tilespmem:s25+$0x200] =	vst v1  }
0x35b: {  	v1 =	vld [tilespmem:s14+$0x6430]  }
0x35c: {  	[tilespmem:s20+$0x210] =	vst v0  }
0x35d: {  	v0 =	vld [tilespmem:s0+$0x6440]  }
0x35e: {  	[tilespmem:s21+$0x210] =	vst v3  }
0x35f: {  	v3 =	vld [tilespmem:s8+$0x6440];
	[tilespmem:s23+$0x210] =	vst v2  }
0x360: {  	v2 =	vld [tilespmem:s31+$0x6440];
	[tilespmem:s25+$0x210] =	vst v1  }
0x361: {  	v1 =	vld [tilespmem:s14+$0x6440]  }
0x362: {  	[tilespmem:s20+$0x220] =	vst v0  }
0x363: {  	v0 =	vld [tilespmem:s1+$0x6400]  }
0x364: {  	[tilespmem:s21+$0x220] =	vst v3  }
0x365: {  	v3 =	vld [tilespmem:s7+$0x6400];
	[tilespmem:s23+$0x220] =	vst v2  }
0x366: {  	s22 =	spop (v2sf);
	v2 =	vld [tilespmem:s12+$0x6400];
	[tilespmem:s25+$0x220] =	vst v1  }
0x367: {  	v1 =	vld [tilespmem:s22+$0x6400]  }
0x368: {  	[tilespmem:s20+$0x230] =	vst v0  }
0x369: {  	v0 =	vld [tilespmem:s1+$0x6410]  }
0x36a: {  	[tilespmem:s21+$0x230] =	vst v3  }
0x36b: {  	v3 =	vld [tilespmem:s7+$0x6410];
	[tilespmem:s23+$0x230] =	vst v2  }
0x36c: {  	v2 =	vld [tilespmem:s12+$0x6410];
	[tilespmem:s25+$0x230] =	vst v1  }
0x36d: {  	v1 =	vld [tilespmem:s22+$0x6410]  }
0x36e: {  	[tilespmem:s20+$0x240] =	vst v0  }
0x36f: {  	v0 =	vld [tilespmem:s1+$0x6420]  }
0x370: {  	v4 =	vld [tilespmem:s24+$0x6420];
	[tilespmem:s21+$0x240] =	vst v3  }
0x371: {  	v3 =	vld [tilespmem:s7+$0x6420];
	[tilespmem:s23+$0x240] =	vst v2  }
0x372: {  	v2 =	vld [tilespmem:s12+$0x6420];
	[tilespmem:s25+$0x240] =	vst v1  }
0x373: {  	v1 =	vld [tilespmem:s22+$0x6420]  }
0x374: {  	[tilespmem:s20+$0x250] =	vst v0  }
0x375: {  	v0 =	vld [tilespmem:s1+$0x6430];
	[tilespmem:s19+$0x250] =	vst v4  }
0x376: {  	v4 =	vld [tilespmem:s24+$0x6430];
	[tilespmem:s21+$0x250] =	vst v3  }
0x377: {  	v3 =	vld [tilespmem:s7+$0x6430];
	[tilespmem:s23+$0x250] =	vst v2  }
0x378: {  	v2 =	vld [tilespmem:s12+$0x6430];
	[tilespmem:s25+$0x250] =	vst v1  }
0x379: {  	v1 =	vld [tilespmem:s22+$0x6430]  }
0x37a: {  	[tilespmem:s20+$0x260] =	vst v0  }
0x37b: {  	v0 =	vld [tilespmem:s1+$0x6440];
	[tilespmem:s19+$0x260] =	vst v4  }
0x37c: {  	v4 =	vld [tilespmem:s24+$0x6440];
	[tilespmem:s21+$0x260] =	vst v3  }
0x37d: {  	v3 =	vld [tilespmem:s7+$0x6440];
	[tilespmem:s23+$0x260] =	vst v2  }
0x37e: {  	v2 =	vld [tilespmem:s12+$0x6440];
	[tilespmem:s25+$0x260] =	vst v1  }
0x37f: {  	v1 =	vld [tilespmem:s22+$0x6440]  }
0x380: {  	[tilespmem:s20+$0x270] =	vst v0;
	s30 =	sshll.u32 s17, $0xA  }
0x381: {  	[tilespmem:s19+$0x270] =	vst v4;
	s0 =	sadd.s32 s29, s30  }
0x382: {  	s0 =	smul.u32 $0xA, s0;
	[tilespmem:s21+$0x270] =	vst v3  }
0x383: {  	[tilespmem:s23+$0x270] =	vst v2  }
0x384: {  	s0 =	sadd.s32 s26, s0;
	s31 =	simm.s32 $0x83A8;
	[tilespmem:s25+$0x270] =	vst v1  }
0x385: {  	[hbm4b:s0+s28] =	stream.linear.scatter [tilespmem:s31], [sflag:$0x1], $0xA000, $0x38;
	[tilespmem:$0x1C3A8] =	vst v63  }
0x386: {  	s0 =	simm.s32 @!p0 $0x2  }
0x387: {  	_ =	swait.ge @!p0 [sflag:s0], $0xA000  }
0x388: {  	[sflag:s0] =	ssyncset.done @!p0 $0x0  }
0x389: {  	[sflag:s0] =	ssyncadd.s32 @!p0 $0xFFFF6000  }
0x38a: {  	v0 =	vld [tilespmem:s15+$0x0];
	_ =	sdelay $0x4  }
0x38b: {  	v5 =	vmul.u32 $0x51, v0;
	_ =	sdelay $0x1  }
0x38c: {  	(v2sf) =	vpush v5, $0x0;
	_ =	sdelay $0xe  }
0x38d: {  	s1 =	spop (v2sf)  }
0x38e: {  	v0 =	vld [tilespmem:s1+$0x6400];
	_ =	sdelay $0x3  }
0x38f: {  	s23 =	simm.s32 $0x0  }
0x390: {  	[tilespmem:s23+$0x123A8] =	vst v0  }
0x391: {  	v0 =	vld [tilespmem:s1+$0x6410];
	_ =	sdelay $0x4  }
0x392: {  	[tilespmem:s23+$0x123B8] =	vst v0  }
0x393: {  	v0 =	vld [tilespmem:s1+$0x6420];
	_ =	sdelay $0x1  }
0x394: {  	(v2sf) =	vpush v5, $0x1;
	_ =	sdelay $0x2  }
0x395: {  	[tilespmem:s23+$0x123C8] =	vst v0  }
0x396: {  	v0 =	vld [tilespmem:s1+$0x6430];
	_ =	sdelay $0x4  }
0x397: {  	[tilespmem:s23+$0x123D8] =	vst v0  }
0x398: {  	v0 =	vld [tilespmem:s1+$0x6440];
	_ =	sdelay $0x4  }
0x399: {  	s2 =	spop (v2sf);
	[tilespmem:s23+$0x123E8] =	vst v0  }
0x39a: {  	v0 =	vld [tilespmem:s2+$0x6400];
	_ =	sdelay $0x4  }
0x39b: {  	[tilespmem:s23+$0x123F8] =	vst v0  }
0x39c: {  	v0 =	vld [tilespmem:s2+$0x6410];
	_ =	sdelay $0x4  }
0x39d: {  	[tilespmem:s23+$0x12408] =	vst v0  }
0x39e: {  	v0 =	vld [tilespmem:s2+$0x6420];
	_ =	sdelay $0x1  }
0x39f: {  	(v2sf) =	vpush v5, $0x2;
	_ =	sdelay $0x2  }
0x3a0: {  	[tilespmem:s23+$0x12418] =	vst v0  }
0x3a1: {  	v0 =	vld [tilespmem:s2+$0x6430];
	_ =	sdelay $0x4  }
0x3a2: {  	[tilespmem:s23+$0x12428] =	vst v0  }
0x3a3: {  	v0 =	vld [tilespmem:s2+$0x6440];
	_ =	sdelay $0x1  }
0x3a4: {  	s3 =	sadd.s32 $0x10, s15  }
0x3a5: {  	v1 =	vld [tilespmem:s3+$0x0];
	_ =	sdelay $0x1  }
0x3a6: {  	s5 =	spop (v2sf);
	[tilespmem:s23+$0x12438] =	vst v0  }
0x3a7: {  	v0 =	vld [tilespmem:s5+$0x6400];
	_ =	sdelay $0x1  }
0x3a8: {  	v2 =	vmul.u32 $0x51, v1;
	_ =	sdelay $0x1  }
0x3a9: {  	(v2sf) =	vpush v2, $0x0  }
0x3aa: {  	[tilespmem:s23+$0x12448] =	vst v0  }
0x3ab: {  	v0 =	vld [tilespmem:s5+$0x6410];
	_ =	sdelay $0x4  }
0x3ac: {  	[tilespmem:s23+$0x12458] =	vst v0  }
0x3ad: {  	v0 =	vld [tilespmem:s5+$0x6420];
	_ =	sdelay $0x1  }
0x3ae: {  	(v2sf) =	vpush v5, $0x3;
	_ =	sdelay $0x2  }
0x3af: {  	[tilespmem:s23+$0x12468] =	vst v0  }
0x3b0: {  	v0 =	vld [tilespmem:s5+$0x6430]  }
0x3b1: {  	s6 =	spop (v2sf)  }
0x3b2: {  	v1 =	vld [tilespmem:s6+$0x6400];
	_ =	sdelay $0x2  }
0x3b3: {  	[tilespmem:s23+$0x12478] =	vst v0  }
0x3b4: {  	s19 =	simm.s32 $0x500;
	v0 =	vld [tilespmem:s5+$0x6440]  }
0x3b5: {  	[tilespmem:s19+$0x123A8] =	vst v1  }
0x3b6: {  	v1 =	vld [tilespmem:s6+$0x6410];
	_ =	sdelay $0x2  }
0x3b7: {  	s7 =	spop (v2sf);
	[tilespmem:s23+$0x12488] =	vst v0  }
0x3b8: {  	v0 =	vld [tilespmem:s7+$0x6400]  }
0x3b9: {  	[tilespmem:s19+$0x123B8] =	vst v1  }
0x3ba: {  	v1 =	vld [tilespmem:s6+$0x6420];
	_ =	sdelay $0x1  }
0x3bb: {  	(v2sf) =	vpush v2, $0x1  }
0x3bc: {  	[tilespmem:s23+$0x12498] =	vst v0  }
0x3bd: {  	v0 =	vld [tilespmem:s7+$0x6410]  }
0x3be: {  	[tilespmem:s19+$0x123C8] =	vst v1  }
0x3bf: {  	v1 =	vld [tilespmem:s6+$0x6430];
	_ =	sdelay $0x2  }
0x3c0: {  	[tilespmem:s23+$0x124A8] =	vst v0  }
0x3c1: {  	v0 =	vld [tilespmem:s7+$0x6420]  }
0x3c2: {  	[tilespmem:s19+$0x123D8] =	vst v1  }
0x3c3: {  	(v2sf) =	vpush v5, $0x4;
	v1 =	vld [tilespmem:s6+$0x6440];
	_ =	sdelay $0x2  }
0x3c4: {  	[tilespmem:s23+$0x124B8] =	vst v0  }
0x3c5: {  	v0 =	vld [tilespmem:s7+$0x6430]  }
0x3c6: {  	s8 =	spop (v2sf);
	[tilespmem:s19+$0x123E8] =	vst v1  }
0x3c7: {  	v1 =	vld [tilespmem:s8+$0x6400];
	_ =	sdelay $0x2  }
0x3c8: {  	[tilespmem:s23+$0x124C8] =	vst v0  }
0x3c9: {  	v0 =	vld [tilespmem:s7+$0x6440]  }
0x3ca: {  	[tilespmem:s19+$0x123F8] =	vst v1  }
0x3cb: {  	v1 =	vld [tilespmem:s8+$0x6410];
	_ =	sdelay $0x2  }
0x3cc: {  	s9 =	spop (v2sf);
	[tilespmem:s23+$0x124D8] =	vst v0  }
0x3cd: {  	v0 =	vld [tilespmem:s9+$0x6400]  }
0x3ce: {  	[tilespmem:s19+$0x12408] =	vst v1  }
0x3cf: {  	v1 =	vld [tilespmem:s8+$0x6420];
	_ =	sdelay $0x1  }
0x3d0: {  	(v2sf) =	vpush v2, $0x2  }
0x3d1: {  	[tilespmem:s23+$0x124E8] =	vst v0  }
0x3d2: {  	v0 =	vld [tilespmem:s9+$0x6410]  }
0x3d3: {  	[tilespmem:s19+$0x12418] =	vst v1  }
0x3d4: {  	v1 =	vld [tilespmem:s8+$0x6430];
	_ =	sdelay $0x2  }
0x3d5: {  	[tilespmem:s23+$0x124F8] =	vst v0  }
0x3d6: {  	v0 =	vld [tilespmem:s9+$0x6420]  }
0x3d7: {  	[tilespmem:s19+$0x12428] =	vst v1  }
0x3d8: {  	(v2sf) =	vpush v5, $0x5;
	v1 =	vld [tilespmem:s8+$0x6440];
	_ =	sdelay $0x1  }
0x3d9: {  	s0 =	sadd.s32 $0x10, s3  }
0x3da: {  	v3 =	vld [tilespmem:s0+$0x0];
	[tilespmem:s23+$0x12508] =	vst v0  }
0x3db: {  	v0 =	vld [tilespmem:s9+$0x6430]  }
0x3dc: {  	s10 =	spop (v2sf);
	[tilespmem:s19+$0x12438] =	vst v1  }
0x3dd: {  	v1 =	vld [tilespmem:s10+$0x6400];
	_ =	sdelay $0x2  }
0x3de: {  	[tilespmem:s23+$0x12518] =	vst v0;
	v0 =	vmul.u32 $0x51, v3  }
0x3df: {  	v3 =	vld [tilespmem:s9+$0x6440]  }
0x3e0: {  	[tilespmem:s19+$0x12448] =	vst v1;
	(v2sf) =	vpush v0, $0x0  }
0x3e1: {  	v1 =	vld [tilespmem:s10+$0x6410];
	_ =	sdelay $0x2  }
0x3e2: {  	s11 =	spop (v2sf);
	[tilespmem:s23+$0x12528] =	vst v3  }
0x3e3: {  	v3 =	vld [tilespmem:s11+$0x6400]  }
0x3e4: {  	[tilespmem:s19+$0x12458] =	vst v1  }
0x3e5: {  	v1 =	vld [tilespmem:s10+$0x6420];
	_ =	sdelay $0x1  }
0x3e6: {  	(v2sf) =	vpush v2, $0x3  }
0x3e7: {  	[tilespmem:s23+$0x12538] =	vst v3  }
0x3e8: {  	v3 =	vld [tilespmem:s11+$0x6410]  }
0x3e9: {  	[tilespmem:s19+$0x12468] =	vst v1  }
0x3ea: {  	v1 =	vld [tilespmem:s10+$0x6430];
	_ =	sdelay $0x1  }
0x3eb: {  	s12 =	spop (v2sf)  }
0x3ec: {  	v4 =	vld [tilespmem:s12+$0x6400];
	[tilespmem:s23+$0x12548] =	vst v3  }
0x3ed: {  	v3 =	vld [tilespmem:s11+$0x6420]  }
0x3ee: {  	[tilespmem:s19+$0x12478] =	vst v1  }
0x3ef: {  	v1 =	vld [tilespmem:s10+$0x6440];
	(v2sf) =	vpush v5, $0x6  }
0x3f0: {  	s20 =	simm.s32 $0xA00  }
0x3f1: {  	[tilespmem:s20+$0x123A8] =	vst v4  }
0x3f2: {  	v4 =	vld [tilespmem:s12+$0x6410];
	[tilespmem:s23+$0x12558] =	vst v3  }
0x3f3: {  	v3 =	vld [tilespmem:s11+$0x6430]  }
0x3f4: {  	[tilespmem:s19+$0x12488] =	vst v1;
	s13 =	spop (v2sf)  }
0x3f5: {  	v1 =	vld [tilespmem:s13+$0x6400];
	_ =	sdelay $0x1  }
0x3f6: {  	[tilespmem:s20+$0x123B8] =	vst v4  }
0x3f7: {  	v4 =	vld [tilespmem:s12+$0x6420];
	[tilespmem:s23+$0x12568] =	vst v3  }
0x3f8: {  	v3 =	vld [tilespmem:s11+$0x6440]  }
0x3f9: {  	(v2sf) =	vpush v0, $0x1;
	[tilespmem:s19+$0x12498] =	vst v1  }
0x3fa: {  	v1 =	vld [tilespmem:s13+$0x6410];
	_ =	sdelay $0x1  }
0x3fb: {  	[tilespmem:s20+$0x123C8] =	vst v4  }
0x3fc: {  	s14 =	spop (v2sf);
	v4 =	vld [tilespmem:s12+$0x6430];
	[tilespmem:s23+$0x12578] =	vst v3  }
0x3fd: {  	v3 =	vld [tilespmem:s14+$0x6400]  }
0x3fe: {  	[tilespmem:s19+$0x124A8] =	vst v1  }
0x3ff: {  	v1 =	vld [tilespmem:s13+$0x6420];
	_ =	sdelay $0x1  }
0x400: {  	[tilespmem:s20+$0x123D8] =	vst v4  }
0x401: {  	(v2sf) =	vpush v2, $0x4;
	v4 =	vld [tilespmem:s12+$0x6440];
	[tilespmem:s23+$0x12588] =	vst v3  }
0x402: {  	v3 =	vld [tilespmem:s14+$0x6410]  }
0x403: {  	[tilespmem:s19+$0x124B8] =	vst v1  }
0x404: {  	v1 =	vld [tilespmem:s13+$0x6430];
	_ =	sdelay $0x1  }
0x405: {  	s21 =	spop (v2sf);
	[tilespmem:s20+$0x123E8] =	vst v4  }
0x406: {  	v4 =	vld [tilespmem:s21+$0x6400];
	[tilespmem:s23+$0x12598] =	vst v3  }
0x407: {  	s0 =	sadd.s32 $0x10, s0;
	v3 =	vld [tilespmem:s14+$0x6420]  }
0x408: {  	v6 =	vld [tilespmem:s0+$0x0];
	[tilespmem:s19+$0x124C8] =	vst v1  }
0x409: {  	v1 =	vld [tilespmem:s13+$0x6440];
	(v2sf) =	vpush v5, $0x7;
	_ =	sdelay $0x1  }
0x40a: {  	[tilespmem:s20+$0x123F8] =	vst v4  }
0x40b: {  	v4 =	vld [tilespmem:s21+$0x6410];
	[tilespmem:s23+$0x125A8] =	vst v3  }
0x40c: {  	v3 =	vld [tilespmem:s14+$0x6430];
	_ =	sdelay $0x1  }
0x40d: {  	[tilespmem:s19+$0x124D8] =	vst v1;
	s22 =	spop (v2sf)  }
0x40e: {  	v1 =	vld [tilespmem:s22+$0x6400]  }
0x40f: {  	[tilespmem:s20+$0x12408] =	vst v4  }
0x410: {  	v4 =	vld [tilespmem:s21+$0x6420];
	[tilespmem:s23+$0x125B8] =	vst v3  }
0x411: {  	v3 =	vld [tilespmem:s14+$0x6440]  }
0x412: {  	(v2sf) =	vpush v0, $0x2  }
0x413: {  	[tilespmem:s19+$0x124E8] =	vst v1  }
0x414: {  	v1 =	vld [tilespmem:s22+$0x6410]  }
0x415: {  	[tilespmem:s20+$0x12418] =	vst v4  }
0x416: {  	s24 =	spop (v2sf);
	v4 =	vld [tilespmem:s21+$0x6430];
	[tilespmem:s23+$0x125C8] =	vst v3  }
0x417: {  	v3 =	vld [tilespmem:s24+$0x6400];
	_ =	sdelay $0x1  }
0x418: {  	[tilespmem:s19+$0x124F8] =	vst v1  }
0x419: {  	v1 =	vld [tilespmem:s22+$0x6420]  }
0x41a: {  	[tilespmem:s20+$0x12428] =	vst v4  }
0x41b: {  	(v2sf) =	vpush v2, $0x5;
	v4 =	vld [tilespmem:s21+$0x6440];
	[tilespmem:s23+$0x125D8] =	vst v3  }
0x41c: {  	v3 =	vld [tilespmem:s24+$0x6410];
	_ =	sdelay $0x1  }
0x41d: {  	[tilespmem:s19+$0x12508] =	vst v1  }
0x41e: {  	v1 =	vld [tilespmem:s22+$0x6430]  }
0x41f: {  	s25 =	spop (v2sf);
	[tilespmem:s20+$0x12438] =	vst v4  }
0x420: {  	v4 =	vld [tilespmem:s25+$0x6400];
	[tilespmem:s23+$0x125E8] =	vst v3  }
0x421: {  	v3 =	vld [tilespmem:s24+$0x6420];
	_ =	sdelay $0x1  }
0x422: {  	(v2sf) =	vpush v5, $0x8;
	[tilespmem:s19+$0x12518] =	vst v1;
	v1 =	vmul.u32 $0x51, v6  }
0x423: {  	v6 =	vld [tilespmem:s22+$0x6440]  }
0x424: {  	(v2sf) =	vpush v1, $0x0;
	[tilespmem:s20+$0x12448] =	vst v4  }
0x425: {  	v4 =	vld [tilespmem:s25+$0x6410];
	[tilespmem:s23+$0x125F8] =	vst v3  }
0x426: {  	v3 =	vld [tilespmem:s24+$0x6430];
	_ =	sdelay $0x1  }
0x427: {  	s4 =	smov.u32 s26;
	s26 =	spop (v2sf);
	[tilespmem:s19+$0x12528] =	vst v6  }
0x428: {  	v6 =	vld [tilespmem:s26+$0x6400]  }
0x429: {  	[tilespmem:s20+$0x12458] =	vst v4  }
0x42a: {  	v4 =	vld [tilespmem:s25+$0x6420];
	[tilespmem:s23+$0x12608] =	vst v3  }
0x42b: {  	v3 =	vld [tilespmem:s24+$0x6440]  }
0x42c: {  	(v2sf) =	vpush v0, $0x3  }
0x42d: {  	[tilespmem:s19+$0x12538] =	vst v6  }
0x42e: {  	v6 =	vld [tilespmem:s26+$0x6410]  }
0x42f: {  	[tilespmem:s20+$0x12468] =	vst v4  }
0x430: {  	s28 =	spop (v2sf);
	v4 =	vld [tilespmem:s25+$0x6430];
	[tilespmem:s23+$0x12618] =	vst v3  }
0x431: {  	v3 =	vld [tilespmem:s28+$0x6400]  }
0x432: {  	s29 =	spop (v2sf)  }
0x433: {  	v7 =	vld [tilespmem:s29+$0x6400];
	[tilespmem:s19+$0x12548] =	vst v6  }
0x434: {  	v6 =	vld [tilespmem:s26+$0x6420]  }
0x435: {  	[tilespmem:s20+$0x12478] =	vst v4  }
0x436: {  	(v2sf) =	vpush v2, $0x6;
	v4 =	vld [tilespmem:s25+$0x6440];
	[tilespmem:s23+$0x12628] =	vst v3  }
0x437: {  	s21 =	simm.s32 $0xF00;
	v3 =	vld [tilespmem:s28+$0x6410]  }
0x438: {  	[tilespmem:s21+$0x123A8] =	vst v7  }
0x439: {  	v7 =	vld [tilespmem:s29+$0x6410];
	[tilespmem:s19+$0x12558] =	vst v6  }
0x43a: {  	v6 =	vld [tilespmem:s26+$0x6430]  }
0x43b: {  	s30 =	spop (v2sf);
	[tilespmem:s20+$0x12488] =	vst v4  }
0x43c: {  	v4 =	vld [tilespmem:s30+$0x6400];
	[tilespmem:s23+$0x12638] =	vst v3  }
0x43d: {  	v3 =	vld [tilespmem:s28+$0x6420]  }
0x43e: {  	[tilespmem:s21+$0x123B8] =	vst v7  }
0x43f: {  	(v2sf) =	vpush v5, $0x9;
	v7 =	vld [tilespmem:s29+$0x6420];
	[tilespmem:s19+$0x12568] =	vst v6  }
0x440: {  	v6 =	vld [tilespmem:s26+$0x6440]  }
0x441: {  	(v2sf) =	vpush v1, $0x1;
	[tilespmem:s20+$0x12498] =	vst v4  }
0x442: {  	v4 =	vld [tilespmem:s30+$0x6410];
	[tilespmem:s23+$0x12648] =	vst v3  }
0x443: {  	v3 =	vld [tilespmem:s28+$0x6430]  }
0x444: {  	[tilespmem:s21+$0x123C8] =	vst v7  }
0x445: {  	s31 =	spop (v2sf);
	v7 =	vld [tilespmem:s29+$0x6430];
	[tilespmem:s19+$0x12578] =	vst v6  }
0x446: {  	v6 =	vld [tilespmem:s31+$0x6400]  }
0x447: {  	[tilespmem:s20+$0x124A8] =	vst v4  }
0x448: {  	v4 =	vld [tilespmem:s30+$0x6420];
	[tilespmem:s23+$0x12658] =	vst v3  }
0x449: {  	v3 =	vld [tilespmem:s28+$0x6440]  }
0x44a: {  	(v2sf) =	vpush v0, $0x4;
	[tilespmem:s21+$0x123D8] =	vst v7  }
0x44b: {  	v7 =	vld [tilespmem:s29+$0x6440];
	[tilespmem:s19+$0x12588] =	vst v6  }
0x44c: {  	v6 =	vld [tilespmem:s31+$0x6410]  }
0x44d: {  	[tilespmem:s20+$0x124B8] =	vst v4  }
0x44e: {  	s6 =	spop (v2sf);
	v4 =	vld [tilespmem:s30+$0x6430];
	[tilespmem:s23+$0x12668] =	vst v3  }
0x44f: {  	v3 =	vld [tilespmem:s6+$0x6400]  }
0x450: {  	s7 =	spop (v2sf);
	[tilespmem:s21+$0x123E8] =	vst v7  }
0x451: {  	v7 =	vld [tilespmem:s7+$0x6400];
	[tilespmem:s19+$0x12598] =	vst v6  }
0x452: {  	v6 =	vld [tilespmem:s31+$0x6420]  }
0x453: {  	[tilespmem:s20+$0x124C8] =	vst v4  }
0x454: {  	(v2sf) =	vpush v2, $0x7;
	v4 =	vld [tilespmem:s30+$0x6440];
	[tilespmem:s23+$0x12678] =	vst v3  }
0x455: {  	v3 =	vld [tilespmem:s6+$0x6410]  }
0x456: {  	[tilespmem:s21+$0x123F8] =	vst v7  }
0x457: {  	v7 =	vld [tilespmem:s7+$0x6410];
	[tilespmem:s19+$0x125A8] =	vst v6  }
0x458: {  	v6 =	vld [tilespmem:s31+$0x6430]  }
0x459: {  	s8 =	spop (v2sf);
	[tilespmem:s20+$0x124D8] =	vst v4  }
0x45a: {  	v4 =	vld [tilespmem:s8+$0x6400];
	[tilespmem:s23+$0x12688] =	vst v3  }
0x45b: {  	v3 =	vld [tilespmem:s6+$0x6420]  }
0x45c: {  	[tilespmem:s21+$0x12408] =	vst v7  }
0x45d: {  	(v2sf) =	vpush v5, $0xA;
	v7 =	vld [tilespmem:s7+$0x6420];
	[tilespmem:s19+$0x125B8] =	vst v6  }
0x45e: {  	v6 =	vld [tilespmem:s31+$0x6440]  }
0x45f: {  	(v2sf) =	vpush v1, $0x2;
	[tilespmem:s20+$0x124E8] =	vst v4  }
0x460: {  	v4 =	vld [tilespmem:s8+$0x6410];
	[tilespmem:s23+$0x12698] =	vst v3  }
0x461: {  	v3 =	vld [tilespmem:s6+$0x6430]  }
0x462: {  	[tilespmem:s21+$0x12418] =	vst v7  }
0x463: {  	s9 =	spop (v2sf);
	v7 =	vld [tilespmem:s7+$0x6430];
	[tilespmem:s19+$0x125C8] =	vst v6  }
0x464: {  	v6 =	vld [tilespmem:s9+$0x6400]  }
0x465: {  	[tilespmem:s20+$0x124F8] =	vst v4  }
0x466: {  	v4 =	vld [tilespmem:s8+$0x6420];
	[tilespmem:s23+$0x126A8] =	vst v3  }
0x467: {  	v3 =	vld [tilespmem:s6+$0x6440]  }
0x468: {  	(v2sf) =	vpush v0, $0x5;
	[tilespmem:s21+$0x12428] =	vst v7  }
0x469: {  	v7 =	vld [tilespmem:s7+$0x6440];
	[tilespmem:s19+$0x125D8] =	vst v6  }
0x46a: {  	s0 =	sadd.s32 $0x10, s0;
	v6 =	vld [tilespmem:s9+$0x6410]  }
0x46b: {  	v8 =	vld [tilespmem:s0+$0x0];
	[tilespmem:s20+$0x12508] =	vst v4  }
0x46c: {  	s10 =	spop (v2sf);
	v4 =	vld [tilespmem:s8+$0x6430];
	[tilespmem:s23+$0x126B8] =	vst v3  }
0x46d: {  	v9 =	vld [tilespmem:s10+$0x6400]  }
0x46e: {  	s11 =	spop (v2sf);
	[tilespmem:s21+$0x12438] =	vst v7  }
0x46f: {  	v7 =	vld [tilespmem:s11+$0x6400];
	[tilespmem:s19+$0x125E8] =	vst v6  }
0x470: {  	v6 =	vld [tilespmem:s9+$0x6420]  }
0x471: {  	v3 =	vmul.u32 $0x51, v8;
	[tilespmem:s20+$0x12518] =	vst v4  }
0x472: {  	(v2sf) =	vpush v2, $0x8;
	v4 =	vld [tilespmem:s8+$0x6440];
	[tilespmem:s23+$0x126C8] =	vst v9  }
0x473: {  	(v2sf) =	vpush v3, $0x0;
	v8 =	vld [tilespmem:s10+$0x6410]  }
0x474: {  	[tilespmem:s21+$0x12448] =	vst v7  }
0x475: {  	v7 =	vld [tilespmem:s11+$0x6410];
	[tilespmem:s19+$0x125F8] =	vst v6  }
0x476: {  	v6 =	vld [tilespmem:s9+$0x6430]  }
0x477: {  	s12 =	spop (v2sf);
	[tilespmem:s20+$0x12528] =	vst v4  }
0x478: {  	v4 =	vld [tilespmem:s12+$0x6400];
	[tilespmem:s23+$0x126D8] =	vst v8  }
0x479: {  	v8 =	vld [tilespmem:s10+$0x6420]  }
0x47a: {  	[tilespmem:s21+$0x12458] =	vst v7  }
0x47b: {  	(v2sf) =	vpush v5, $0xB;
	v7 =	vld [tilespmem:s11+$0x6420];
	[tilespmem:s19+$0x12608] =	vst v6  }
0x47c: {  	v6 =	vld [tilespmem:s9+$0x6440]  }
0x47d: {  	(v2sf) =	vpush v1, $0x3;
	[tilespmem:s20+$0x12538] =	vst v4  }
0x47e: {  	[tilespmem:s23+$0x126E8] =	vst v8;
	v4 =	vld [tilespmem:s12+$0x6410]  }
0x47f: {  	v8 =	vld [tilespmem:s10+$0x6430]  }
0x480: {  	[tilespmem:s21+$0x12468] =	vst v7  }
0x481: {  	s13 =	spop (v2sf);
	v7 =	vld [tilespmem:s11+$0x6430];
	[tilespmem:s19+$0x12618] =	vst v6  }
0x482: {  	v6 =	vld [tilespmem:s13+$0x6400];
	s14 =	spop (v2sf)  }
0x483: {  	v9 =	vld [tilespmem:s14+$0x6400];
	[tilespmem:s20+$0x12548] =	vst v4  }
0x484: {  	v4 =	vld [tilespmem:s12+$0x6420];
	[tilespmem:s23+$0x126F8] =	vst v8  }
0x485: {  	v8 =	vld [tilespmem:s10+$0x6440]  }
0x486: {  	(v2sf) =	vpush v0, $0x6;
	[tilespmem:s21+$0x12478] =	vst v7  }
0x487: {  	s22 =	simm.s32 $0x1400;
	v7 =	vld [tilespmem:s11+$0x6440];
	[tilespmem:s19+$0x12628] =	vst v6  }
0x488: {  	v6 =	vld [tilespmem:s13+$0x6410];
	[tilespmem:s22+$0x123A8] =	vst v9  }
0x489: {  	v9 =	vld [tilespmem:s14+$0x6410];
	[tilespmem:s20+$0x12558] =	vst v4  }
0x48a: {  	s24 =	spop (v2sf);
	v4 =	vld [tilespmem:s12+$0x6430];
	[tilespmem:s23+$0x12708] =	vst v8  }
0x48b: {  	v8 =	vld [tilespmem:s24+$0x6400]  }
0x48c: {  	s25 =	spop (v2sf);
	[tilespmem:s21+$0x12488] =	vst v7  }
0x48d: {  	v7 =	vld [tilespmem:s25+$0x6400];
	[tilespmem:s19+$0x12638] =	vst v6  }
0x48e: {  	v6 =	vld [tilespmem:s13+$0x6420];
	[tilespmem:s22+$0x123B8] =	vst v9  }
0x48f: {  	v9 =	vld [tilespmem:s14+$0x6420];
	[tilespmem:s20+$0x12568] =	vst v4  }
0x490: {  	(v2sf) =	vpush v2, $0x9;
	v4 =	vld [tilespmem:s12+$0x6440];
	[tilespmem:s23+$0x12718] =	vst v8  }
0x491: {  	(v2sf) =	vpush v3, $0x1;
	v8 =	vld [tilespmem:s24+$0x6410]  }
0x492: {  	[tilespmem:s21+$0x12498] =	vst v7  }
0x493: {  	v7 =	vld [tilespmem:s25+$0x6410];
	[tilespmem:s19+$0x12648] =	vst v6  }
0x494: {  	v6 =	vld [tilespmem:s13+$0x6430];
	[tilespmem:s22+$0x123C8] =	vst v9  }
0x495: {  	s26 =	spop (v2sf);
	v9 =	vld [tilespmem:s14+$0x6430];
	[tilespmem:s20+$0x12578] =	vst v4  }
0x496: {  	v4 =	vld [tilespmem:s26+$0x6400];
	[tilespmem:s23+$0x12728] =	vst v8  }
0x497: {  	v8 =	vld [tilespmem:s24+$0x6420]  }
0x498: {  	[tilespmem:s21+$0x124A8] =	vst v7  }
0x499: {  	(v2sf) =	vpush v5, $0xC;
	v7 =	vld [tilespmem:s25+$0x6420];
	[tilespmem:s19+$0x12658] =	vst v6  }
0x49a: {  	v6 =	vld [tilespmem:s13+$0x6440];
	[tilespmem:s22+$0x123D8] =	vst v9  }
0x49b: {  	(v2sf) =	vpush v1, $0x4;
	v9 =	vld [tilespmem:s14+$0x6440];
	[tilespmem:s20+$0x12588] =	vst v4  }
0x49c: {  	v4 =	vld [tilespmem:s26+$0x6410];
	[tilespmem:s23+$0x12738] =	vst v8  }
0x49d: {  	v8 =	vld [tilespmem:s24+$0x6430]  }
0x49e: {  	[tilespmem:s21+$0x124B8] =	vst v7  }
0x49f: {  	s28 =	spop (v2sf);
	v7 =	vld [tilespmem:s25+$0x6430];
	[tilespmem:s19+$0x12668] =	vst v6  }
0x4a0: {  	s29 =	spop (v2sf);
	v6 =	vld [tilespmem:s28+$0x6400];
	[tilespmem:s22+$0x123E8] =	vst v9  }
0x4a1: {  	v9 =	vld [tilespmem:s29+$0x6400];
	[tilespmem:s20+$0x12598] =	vst v4  }
0x4a2: {  	v4 =	vld [tilespmem:s26+$0x6420];
	[tilespmem:s23+$0x12748] =	vst v8  }
0x4a3: {  	v8 =	vld [tilespmem:s24+$0x6440]  }
0x4a4: {  	(v2sf) =	vpush v0, $0x7;
	[tilespmem:s21+$0x124C8] =	vst v7  }
0x4a5: {  	v7 =	vld [tilespmem:s25+$0x6440];
	[tilespmem:s19+$0x12678] =	vst v6  }
0x4a6: {  	v6 =	vld [tilespmem:s28+$0x6410];
	[tilespmem:s22+$0x123F8] =	vst v9  }
0x4a7: {  	v9 =	vld [tilespmem:s29+$0x6410];
	[tilespmem:s20+$0x125A8] =	vst v4  }
0x4a8: {  	s30 =	spop (v2sf);
	v4 =	vld [tilespmem:s26+$0x6430];
	[tilespmem:s23+$0x12758] =	vst v8  }
0x4a9: {  	v8 =	vld [tilespmem:s30+$0x6400]  }
0x4aa: {  	s31 =	spop (v2sf);
	[tilespmem:s21+$0x124D8] =	vst v7  }
0x4ab: {  	v7 =	vld [tilespmem:s31+$0x6400];
	[tilespmem:s19+$0x12688] =	vst v6  }
0x4ac: {  	v6 =	vld [tilespmem:s28+$0x6420];
	[tilespmem:s22+$0x12408] =	vst v9  }
0x4ad: {  	v9 =	vld [tilespmem:s29+$0x6420];
	[tilespmem:s20+$0x125B8] =	vst v4  }
0x4ae: {  	(v2sf) =	vpush v2, $0xA;
	v4 =	vld [tilespmem:s26+$0x6440];
	[tilespmem:s23+$0x12768] =	vst v8  }
0x4af: {  	(v2sf) =	vpush v3, $0x2;
	v8 =	vld [tilespmem:s30+$0x6410]  }
0x4b0: {  	[tilespmem:s21+$0x124E8] =	vst v7  }
0x4b1: {  	v7 =	vld [tilespmem:s31+$0x6410];
	[tilespmem:s19+$0x12698] =	vst v6  }
0x4b2: {  	v6 =	vld [tilespmem:s28+$0x6430];
	[tilespmem:s22+$0x12418] =	vst v9  }
0x4b3: {  	s7 =	spop (v2sf);
	v9 =	vld [tilespmem:s29+$0x6430];
	[tilespmem:s20+$0x125C8] =	vst v4  }
0x4b4: {  	v4 =	vld [tilespmem:s7+$0x6400];
	[tilespmem:s23+$0x12778] =	vst v8  }
0x4b5: {  	v8 =	vld [tilespmem:s30+$0x6420]  }
0x4b6: {  	[tilespmem:s21+$0x124F8] =	vst v7  }
0x4b7: {  	(v2sf) =	vpush v5, $0xD;
	v7 =	vld [tilespmem:s31+$0x6420];
	[tilespmem:s19+$0x126A8] =	vst v6  }
0x4b8: {  	v6 =	vld [tilespmem:s28+$0x6440];
	[tilespmem:s22+$0x12428] =	vst v9  }
0x4b9: {  	(v2sf) =	vpush v1, $0x5;
	v9 =	vld [tilespmem:s29+$0x6440];
	[tilespmem:s20+$0x125D8] =	vst v4  }
0x4ba: {  	v4 =	vld [tilespmem:s7+$0x6410];
	[tilespmem:s23+$0x12788] =	vst v8  }
0x4bb: {  	s0 =	sadd.s32 $0x10, s0;
	v8 =	vld [tilespmem:s30+$0x6430]  }
0x4bc: {  	v10 =	vld [tilespmem:s0+$0x0];
	[tilespmem:s21+$0x12508] =	vst v7  }
0x4bd: {  	s8 =	spop (v2sf);
	v7 =	vld [tilespmem:s31+$0x6430];
	[tilespmem:s19+$0x126B8] =	vst v6  }
0x4be: {  	s9 =	spop (v2sf);
	v6 =	vld [tilespmem:s8+$0x6400];
	[tilespmem:s22+$0x12438] =	vst v9  }
0x4bf: {  	v9 =	vld [tilespmem:s9+$0x6400];
	[tilespmem:s20+$0x125E8] =	vst v4  }
0x4c0: {  	v11 =	vld [tilespmem:s7+$0x6420];
	[tilespmem:s23+$0x12798] =	vst v8  }
0x4c1: {  	v8 =	vld [tilespmem:s30+$0x6440]  }
0x4c2: {  	(v2sf) =	vpush v0, $0x8;
	[tilespmem:s21+$0x12518] =	vst v7;
	v4 =	vmul.u32 $0x51, v10  }
0x4c3: {  	v7 =	vld [tilespmem:s31+$0x6440];
	[tilespmem:s19+$0x126C8] =	vst v6  }
0x4c4: {  	v6 =	vld [tilespmem:s8+$0x6410];
	[tilespmem:s22+$0x12448] =	vst v9;
	(v2sf) =	vpush v4, $0x0  }
0x4c5: {  	v9 =	vld [tilespmem:s9+$0x6410];
	[tilespmem:s20+$0x125F8] =	vst v11  }
0x4c6: {  	s10 =	spop (v2sf);
	v10 =	vld [tilespmem:s7+$0x6430];
	[tilespmem:s23+$0x127A8] =	vst v8  }
0x4c7: {  	v8 =	vld [tilespmem:s10+$0x6400]  }
0x4c8: {  	s11 =	spop (v2sf);
	[tilespmem:s21+$0x12528] =	vst v7  }
0x4c9: {  	v7 =	vld [tilespmem:s11+$0x6400];
	[tilespmem:s19+$0x126D8] =	vst v6  }
0x4ca: {  	v11 =	vld [tilespmem:s8+$0x6420];
	[tilespmem:s22+$0x12458] =	vst v9  }
0x4cb: {  	v9 =	vld [tilespmem:s9+$0x6420];
	[tilespmem:s20+$0x12608] =	vst v10  }
0x4cc: {  	(v2sf) =	vpush v2, $0xB;
	v10 =	vld [tilespmem:s7+$0x6440];
	[tilespmem:s23+$0x127B8] =	vst v8  }
0x4cd: {  	s25 =	sadd.s32 $0x10, s0;
	(v2sf) =	vpush v3, $0x3;
	v8 =	vld [tilespmem:s10+$0x6410]  }
0x4ce: {  	v6 =	vld [tilespmem:s25+$0x0];
	[tilespmem:s21+$0x12538] =	vst v7  }
0x4cf: {  	v7 =	vld [tilespmem:s11+$0x6410];
	[tilespmem:s19+$0x126E8] =	vst v11  }
0x4d0: {  	[tilespmem:s22+$0x12468] =	vst v9;
	v9 =	vld [tilespmem:s8+$0x6430]  }
0x4d1: {  	s12 =	spop (v2sf);
	v11 =	vld [tilespmem:s9+$0x6430];
	[tilespmem:s20+$0x12618] =	vst v10  }
0x4d2: {  	v10 =	vld [tilespmem:s12+$0x6400];
	[tilespmem:s23+$0x127C8] =	vst v8  }
0x4d3: {  	s13 =	spop (v2sf);
	v8 =	vld [tilespmem:s10+$0x6420]  }
0x4d4: {  	[tilespmem:s21+$0x12548] =	vst v7;
	v12 =	vld [tilespmem:s13+$0x6400]  }
0x4d5: {  	(v2sf) =	vpush v5, $0xE;
	v7 =	vld [tilespmem:s11+$0x6420];
	[tilespmem:s19+$0x126F8] =	vst v9  }
0x4d6: {  	[tilespmem:s22+$0x12478] =	vst v11;
	v9 =	vld [tilespmem:s8+$0x6440]  }
0x4d7: {  	(v2sf) =	vpush v1, $0x6;
	v11 =	vld [tilespmem:s9+$0x6440];
	[tilespmem:s20+$0x12628] =	vst v10  }
0x4d8: {  	s24 =	simm.s32 $0x1900;
	v10 =	vld [tilespmem:s12+$0x6410];
	[tilespmem:s23+$0x127D8] =	vst v8  }
0x4d9: {  	[tilespmem:s24+$0x123A8] =	vst v12;
	v8 =	vld [tilespmem:s10+$0x6430]  }
0x4da: {  	[tilespmem:s21+$0x12558] =	vst v7;
	v12 =	vld [tilespmem:s13+$0x6410]  }
0x4db: {  	s14 =	spop (v2sf);
	v7 =	vld [tilespmem:s11+$0x6430];
	[tilespmem:s19+$0x12708] =	vst v9  }
0x4dc: {  	s26 =	spop (v2sf);
	[tilespmem:s22+$0x12488] =	vst v11;
	v9 =	vld [tilespmem:s14+$0x6400]  }
0x4dd: {  	v11 =	vld [tilespmem:s26+$0x6400];
	[tilespmem:s20+$0x12638] =	vst v10  }
0x4de: {  	v10 =	vld [tilespmem:s12+$0x6420];
	[tilespmem:s23+$0x127E8] =	vst v8  }
0x4df: {  	[tilespmem:s24+$0x123B8] =	vst v12;
	v8 =	vld [tilespmem:s10+$0x6440]  }
0x4e0: {  	(v2sf) =	vpush v0, $0x9;
	[tilespmem:s21+$0x12568] =	vst v7;
	v12 =	vld [tilespmem:s13+$0x6420]  }
0x4e1: {  	v7 =	vld [tilespmem:s11+$0x6440];
	[tilespmem:s19+$0x12718] =	vst v9  }
0x4e2: {  	(v2sf) =	vpush v4, $0x1;
	[tilespmem:s22+$0x12498] =	vst v11;
	v9 =	vld [tilespmem:s14+$0x6410]  }
0x4e3: {  	v11 =	vld [tilespmem:s26+$0x6410];
	[tilespmem:s20+$0x12648] =	vst v10  }
0x4e4: {  	s28 =	spop (v2sf);
	v10 =	vld [tilespmem:s12+$0x6430];
	[tilespmem:s23+$0x127F8] =	vst v8  }
0x4e5: {  	[tilespmem:s24+$0x123C8] =	vst v12;
	v8 =	vld [tilespmem:s28+$0x6400]  }
0x4e6: {  	[tilespmem:s21+$0x12578] =	vst v7;
	s29 =	spop (v2sf);
	v12 =	vld [tilespmem:s13+$0x6430]  }
0x4e7: {  	v7 =	vld [tilespmem:s29+$0x6400];
	[tilespmem:s19+$0x12728] =	vst v9  }
0x4e8: {  	[tilespmem:s22+$0x124A8] =	vst v11;
	v9 =	vld [tilespmem:s14+$0x6420]  }
0x4e9: {  	v11 =	vld [tilespmem:s26+$0x6420];
	[tilespmem:s20+$0x12658] =	vst v10  }
0x4ea: {  	(v2sf) =	vpush v2, $0xC;
	v10 =	vld [tilespmem:s12+$0x6440];
	[tilespmem:s23+$0x12808] =	vst v8  }
0x4eb: {  	(v2sf) =	vpush v3, $0x4;
	[tilespmem:s24+$0x123D8] =	vst v12;
	v8 =	vld [tilespmem:s28+$0x6410]  }
0x4ec: {  	[tilespmem:s21+$0x12588] =	vst v7;
	v12 =	vld [tilespmem:s13+$0x6440]  }
0x4ed: {  	v7 =	vld [tilespmem:s29+$0x6410];
	[tilespmem:s19+$0x12738] =	vst v9  }
0x4ee: {  	[tilespmem:s22+$0x124B8] =	vst v11;
	v9 =	vld [tilespmem:s14+$0x6430]  }
0x4ef: {  	s30 =	spop (v2sf);
	v11 =	vld [tilespmem:s26+$0x6430];
	[tilespmem:s20+$0x12668] =	vst v10  }
0x4f0: {  	v10 =	vld [tilespmem:s30+$0x6400];
	[tilespmem:s23+$0x12818] =	vst v8  }
0x4f1: {  	s31 =	spop (v2sf);
	[tilespmem:s24+$0x123E8] =	vst v12;
	v8 =	vld [tilespmem:s28+$0x6420]  }
0x4f2: {  	[tilespmem:s21+$0x12598] =	vst v7;
	v12 =	vld [tilespmem:s31+$0x6400]  }
0x4f3: {  	(v2sf) =	vpush v5, $0xF;
	v7 =	vld [tilespmem:s29+$0x6420];
	[tilespmem:s19+$0x12748] =	vst v9  }
0x4f4: {  	[tilespmem:s22+$0x124C8] =	vst v11;
	v5 =	vld [tilespmem:s14+$0x6440]  }
0x4f5: {  	(v2sf) =	vpush v1, $0x7;
	v9 =	vld [tilespmem:s26+$0x6440];
	[tilespmem:s20+$0x12678] =	vst v10  }
0x4f6: {  	v10 =	vld [tilespmem:s30+$0x6410];
	[tilespmem:s23+$0x12828] =	vst v8  }
0x4f7: {  	[tilespmem:s24+$0x123F8] =	vst v12;
	v8 =	vld [tilespmem:s28+$0x6430]  }
0x4f8: {  	[tilespmem:s21+$0x125A8] =	vst v7;
	v11 =	vld [tilespmem:s31+$0x6410]  }
0x4f9: {  	s7 =	spop (v2sf);
	(v2sf) =	vpush v0, $0xA;
	v7 =	vld [tilespmem:s29+$0x6430];
	[tilespmem:s19+$0x12758] =	vst v5  }
0x4fa: {  	s8 =	spop (v2sf);
	[tilespmem:s22+$0x124D8] =	vst v9;
	v5 =	vld [tilespmem:s7+$0x6400]  }
0x4fb: {  	v9 =	vld [tilespmem:s8+$0x6400];
	[tilespmem:s20+$0x12688] =	vst v10  }
0x4fc: {  	v10 =	vld [tilespmem:s30+$0x6420];
	[tilespmem:s23+$0x12838] =	vst v8  }
0x4fd: {  	[tilespmem:s24+$0x12408] =	vst v11;
	v8 =	vld [tilespmem:s28+$0x6440]  }
0x4fe: {  	[tilespmem:s21+$0x125B8] =	vst v7;
	v11 =	vld [tilespmem:s31+$0x6420]  }
0x4ff: {  	v7 =	vld [tilespmem:s29+$0x6440];
	[tilespmem:s19+$0x12768] =	vst v5  }
0x500: {  	(v2sf) =	vpush v4, $0x2;
	[tilespmem:s22+$0x124E8] =	vst v9;
	v5 =	vld [tilespmem:s7+$0x6410]  }
0x501: {  	v9 =	vld [tilespmem:s8+$0x6410];
	[tilespmem:s20+$0x12698] =	vst v10  }
0x502: {  	s6 =	spop (v2sf);
	v10 =	vld [tilespmem:s30+$0x6430];
	[tilespmem:s23+$0x12848] =	vst v8  }
0x503: {  	[tilespmem:s24+$0x12418] =	vst v11;
	v8 =	vld [tilespmem:s6+$0x6400]  }
0x504: {  	s9 =	spop (v2sf);
	[tilespmem:s21+$0x125C8] =	vst v7;
	v11 =	vld [tilespmem:s31+$0x6430]  }
0x505: {  	v7 =	vld [tilespmem:s9+$0x6400];
	[tilespmem:s19+$0x12778] =	vst v5  }
0x506: {  	[tilespmem:s22+$0x124F8] =	vst v9;
	v5 =	vld [tilespmem:s7+$0x6420]  }
0x507: {  	v9 =	vld [tilespmem:s8+$0x6420];
	[tilespmem:s20+$0x126A8] =	vst v10  }
0x508: {  	s1 =	spop (v2sf);
	(v2sf) =	vpush v2, $0xD;
	v10 =	vld [tilespmem:s30+$0x6440];
	[tilespmem:s23+$0x12858] =	vst v8  }
0x509: {  	(v2sf) =	vpush v3, $0x5;
	[tilespmem:s24+$0x12428] =	vst v11;
	v11 =	vld [tilespmem:s6+$0x6410]  }
0x50a: {  	[tilespmem:s21+$0x125D8] =	vst v7;
	v12 =	vld [tilespmem:s31+$0x6440]  }
0x50b: {  	v13 =	vld [tilespmem:s9+$0x6410];
	[tilespmem:s19+$0x12788] =	vst v5  }
0x50c: {  	[tilespmem:s22+$0x12508] =	vst v9;
	v9 =	vld [tilespmem:s7+$0x6430]  }
0x50d: {  	v8 =	vld [tilespmem:s8+$0x6430];
	[tilespmem:s20+$0x126B8] =	vst v10  }
0x50e: {  	v7 =	vld [tilespmem:s1+$0x6400];
	[tilespmem:s23+$0x12868] =	vst v11  }
0x50f: {  	s5 =	spop (v2sf);
	[tilespmem:s24+$0x12438] =	vst v12;
	v10 =	vld [tilespmem:s6+$0x6420]  }
0x510: {  	s18 =	sor.u32 $0x1, s18;
	s0 =	simm.s32 $0x8C00;
	s26 =	simm.s32 $0x7800;
	[tilespmem:s21+$0x125E8] =	vst v13;
	v11 =	vld [tilespmem:s5+$0x6400]  }
.LBB2_5:
0x511: {  	p0 =	sne.s32 s0, $0x26C00;
	v12 =	vld [tilespmem:s9+$0x6420];
	[tilespmem:s19+$0x12798] =	vst v9  }
0x512: {  	[tilespmem:s22+$0x12518] =	vst v8;
	v8 =	vld [tilespmem:s7+$0x6440]  }
0x513: {  	v5 =	vmul.u32 $0x51, v6;
	v6 =	vld [tilespmem:s8+$0x6440];
	(v2sf) =	vpush v1, $0x8;
	[tilespmem:s20+$0x126C8] =	vst v7  }
0x514: {  	v7 =	vld [tilespmem:s1+$0x6410];
	[tilespmem:s23+$0x12878] =	vst v10  }
0x515: {  	(v2sf) =	vpush v5, $0x0;
	[tilespmem:s24+$0x12448] =	vst v11;
	v9 =	vld [tilespmem:s6+$0x6430]  }
0x516: {  	v10 =	vld [tilespmem:s5+$0x6410];
	[tilespmem:s21+$0x125F8] =	vst v12  }
0x517: {  	v11 =	vld [tilespmem:s9+$0x6430];
	[tilespmem:s19+$0x127A8] =	vst v8;
	s3 =	spop (v2sf)  }
0x518: {  	[tilespmem:s22+$0x12528] =	vst v6;
	s2 =	spop (v2sf);
	v6 =	vld [tilespmem:s3+$0x6400]  }
0x519: {  	v8 =	vld [tilespmem:s2+$0x6400];
	[tilespmem:s20+$0x126D8] =	vst v7  }
0x51a: {  	v7 =	vld [tilespmem:s1+$0x6420];
	[tilespmem:s23+$0x12888] =	vst v9  }
0x51b: {  	[tilespmem:s24+$0x12458] =	vst v10;
	v9 =	vld [tilespmem:s6+$0x6440]  }
0x51c: {  	v10 =	vld [tilespmem:s5+$0x6420];
	[tilespmem:s21+$0x12608] =	vst v11  }
0x51d: {  	v11 =	vld [tilespmem:s9+$0x6440];
	(v2sf) =	vpush v0, $0xB;
	[tilespmem:s19+$0x127B8] =	vst v6  }
0x51e: {  	s25 =	sadd.s32 $0x10, s25;
	(v2sf) =	vpush v4, $0x3;
	[tilespmem:s22+$0x12538] =	vst v8;
	v8 =	vld [tilespmem:s3+$0x6410]  }
0x51f: {  	v6 =	vld [tilespmem:s25+$0x0];
	[tilespmem:s20+$0x126E8] =	vst v7  }
0x520: {  	v7 =	vld [tilespmem:s2+$0x6410];
	[tilespmem:s23+$0x12898] =	vst v9;
	s23 =	smov.u32 s19;
	s19 =	smov.u32 s20;
	s20 =	smov.u32 s21  }
0x521: {  	s21 =	smov.u32 s22;
	s22 =	smov.u32 s24;
	[tilespmem:s24+$0x12468] =	vst v10;
	v9 =	vld [tilespmem:s1+$0x6430]  }
0x522: {  	v10 =	vld [tilespmem:s5+$0x6430];
	[tilespmem:s20+$0x12618] =	vst v11;
	s8 =	spop (v2sf)  }
0x523: {  	v11 =	vld [tilespmem:s8+$0x6400];
	[tilespmem:s23+$0x127C8] =	vst v8  }
0x524: {  	s7 =	spop (v2sf);
	v8 =	vld [tilespmem:s3+$0x6420]  }
0x525: {  	v12 =	vld [tilespmem:s7+$0x6400];
	[tilespmem:s21+$0x12548] =	vst v7  }
0x526: {  	v7 =	vld [tilespmem:s2+$0x6420];
	[tilespmem:s19+$0x126F8] =	vst v9;
	(v2sf) =	vpush v2, $0xE  }
0x527: {  	[tilespmem:s22+$0x12478] =	vst v10;
	v9 =	vld [tilespmem:s1+$0x6440]  }
0x528: {  	v10 =	vld [tilespmem:s5+$0x6440];
	(v2sf) =	vpush v3, $0x6;
	[tilespmem:s20+$0x12628] =	vst v11  }
0x529: {  	s24 =	sshra.s32 s26, $0x2;
	s26 =	smov.u32 s0;
	v11 =	vld [tilespmem:s8+$0x6410];
	[tilespmem:s23+$0x127D8] =	vst v8  }
0x52a: {  	[tilespmem:s24+$0x123A8] =	vst v12;
	v8 =	vld [tilespmem:s3+$0x6430]  }
0x52b: {  	v12 =	vld [tilespmem:s7+$0x6410];
	[tilespmem:s21+$0x12558] =	vst v7  }
0x52c: {  	v7 =	vld [tilespmem:s2+$0x6430];
	[tilespmem:s19+$0x12708] =	vst v9;
	s6 =	spop (v2sf)  }
0x52d: {  	[tilespmem:s22+$0x12488] =	vst v10;
	s5 =	spop (v2sf);
	v9 =	vld [tilespmem:s6+$0x6400]  }
0x52e: {  	v10 =	vld [tilespmem:s5+$0x6400];
	[tilespmem:s20+$0x12638] =	vst v11  }
0x52f: {  	v11 =	vld [tilespmem:s8+$0x6420];
	[tilespmem:s23+$0x127E8] =	vst v8  }
0x530: {  	[tilespmem:s24+$0x123B8] =	vst v12;
	v8 =	vld [tilespmem:s3+$0x6440]  }
0x531: {  	v12 =	vld [tilespmem:s7+$0x6420];
	[tilespmem:s21+$0x12568] =	vst v7;
	(v2sf) =	vpush v1, $0x9  }
0x532: {  	v7 =	vld [tilespmem:s2+$0x6440];
	[tilespmem:s19+$0x12718] =	vst v9  }
0x533: {  	(v2sf) =	vpush v5, $0x1;
	[tilespmem:s22+$0x12498] =	vst v10;
	v9 =	vld [tilespmem:s6+$0x6410]  }
0x534: {  	v10 =	vld [tilespmem:s5+$0x6410];
	[tilespmem:s20+$0x12648] =	vst v11  }
0x535: {  	v11 =	vld [tilespmem:s8+$0x6430];
	[tilespmem:s23+$0x127F8] =	vst v8;
	s2 =	spop (v2sf)  }
0x536: {  	[tilespmem:s24+$0x123C8] =	vst v12;
	v8 =	vld [tilespmem:s2+$0x6400]  }
0x537: {  	v12 =	vld [tilespmem:s7+$0x6430];
	[tilespmem:s21+$0x12578] =	vst v7;
	s3 =	spop (v2sf)  }
0x538: {  	v7 =	vld [tilespmem:s3+$0x6400];
	[tilespmem:s19+$0x12728] =	vst v9  }
0x539: {  	[tilespmem:s22+$0x124A8] =	vst v10;
	v9 =	vld [tilespmem:s6+$0x6420]  }
0x53a: {  	v10 =	vld [tilespmem:s5+$0x6420];
	[tilespmem:s20+$0x12658] =	vst v11  }
0x53b: {  	v11 =	vld [tilespmem:s8+$0x6440];
	(v2sf) =	vpush v0, $0xC;
	[tilespmem:s23+$0x12808] =	vst v8  }
0x53c: {  	[tilespmem:s24+$0x123D8] =	vst v12;
	(v2sf) =	vpush v4, $0x4;
	v8 =	vld [tilespmem:s2+$0x6410]  }
0x53d: {  	v12 =	vld [tilespmem:s7+$0x6440];
	[tilespmem:s21+$0x12588] =	vst v7  }
0x53e: {  	v7 =	vld [tilespmem:s3+$0x6410];
	[tilespmem:s19+$0x12738] =	vst v9  }
0x53f: {  	[tilespmem:s22+$0x124B8] =	vst v10;
	v9 =	vld [tilespmem:s6+$0x6430]  }
0x540: {  	v10 =	vld [tilespmem:s5+$0x6430];
	[tilespmem:s20+$0x12668] =	vst v11;
	s10 =	spop (v2sf)  }
0x541: {  	v11 =	vld [tilespmem:s10+$0x6400];
	[tilespmem:s23+$0x12818] =	vst v8  }
0x542: {  	[tilespmem:s24+$0x123E8] =	vst v12;
	s1 =	spop (v2sf);
	v8 =	vld [tilespmem:s2+$0x6420]  }
0x543: {  	v12 =	vld [tilespmem:s1+$0x6400];
	[tilespmem:s21+$0x12598] =	vst v7  }
0x544: {  	v7 =	vld [tilespmem:s3+$0x6420];
	[tilespmem:s19+$0x12748] =	vst v9;
	(v2sf) =	vpush v2, $0xF;
	v2 =	vmovc v0;
	v0 =	vmovc v1;
	v1 =	vmov v3;
	v3 =	vmov v4  }
0x545: {  	v4 =	vmov v5;
	[tilespmem:s22+$0x124C8] =	vst v10;
	v9 =	vld [tilespmem:s6+$0x6440]  }
0x546: {  	v5 =	vld [tilespmem:s5+$0x6440];
	(v2sf) =	vpush v1, $0x7;
	[tilespmem:s20+$0x12678] =	vst v11  }
0x547: {  	v10 =	vld [tilespmem:s10+$0x6410];
	[tilespmem:s23+$0x12828] =	vst v8  }
0x548: {  	[tilespmem:s24+$0x123F8] =	vst v12;
	v8 =	vld [tilespmem:s2+$0x6430]  }
0x549: {  	v11 =	vld [tilespmem:s1+$0x6410];
	[tilespmem:s21+$0x125A8] =	vst v7  }
0x54a: {  	v7 =	vld [tilespmem:s3+$0x6430];
	[tilespmem:s19+$0x12758] =	vst v9;
	s7 =	spop (v2sf)  }
0x54b: {  	[tilespmem:s22+$0x124D8] =	vst v5;
	s8 =	spop (v2sf);
	v5 =	vld [tilespmem:s7+$0x6400]  }
0x54c: {  	v9 =	vld [tilespmem:s8+$0x6400];
	[tilespmem:s20+$0x12688] =	vst v10  }
0x54d: {  	v10 =	vld [tilespmem:s10+$0x6420];
	[tilespmem:s23+$0x12838] =	vst v8  }
0x54e: {  	[tilespmem:s24+$0x12408] =	vst v11;
	v8 =	vld [tilespmem:s2+$0x6440]  }
0x54f: {  	v11 =	vld [tilespmem:s1+$0x6420];
	[tilespmem:s21+$0x125B8] =	vst v7;
	(v2sf) =	vpush v0, $0xA  }
0x550: {  	v7 =	vld [tilespmem:s3+$0x6440];
	[tilespmem:s19+$0x12768] =	vst v5  }
0x551: {  	(v2sf) =	vpush v4, $0x2;
	[tilespmem:s22+$0x124E8] =	vst v9;
	v5 =	vld [tilespmem:s7+$0x6410]  }
0x552: {  	v9 =	vld [tilespmem:s8+$0x6410];
	[tilespmem:s20+$0x12698] =	vst v10  }
0x553: {  	v10 =	vld [tilespmem:s10+$0x6430];
	[tilespmem:s23+$0x12848] =	vst v8;
	s6 =	spop (v2sf)  }
0x554: {  	[tilespmem:s24+$0x12418] =	vst v11;
	v8 =	vld [tilespmem:s6+$0x6400]  }
0x555: {  	v11 =	vld [tilespmem:s1+$0x6430];
	[tilespmem:s21+$0x125C8] =	vst v7;
	s9 =	spop (v2sf)  }
0x556: {  	v7 =	vld [tilespmem:s9+$0x6400];
	[tilespmem:s19+$0x12778] =	vst v5  }
0x557: {  	[tilespmem:s22+$0x124F8] =	vst v9;
	v5 =	vld [tilespmem:s7+$0x6420]  }
0x558: {  	v9 =	vld [tilespmem:s8+$0x6420];
	[tilespmem:s20+$0x126A8] =	vst v10  }
0x559: {  	v10 =	vld [tilespmem:s10+$0x6440];
	(v2sf) =	vpush v2, $0xD;
	[tilespmem:s23+$0x12858] =	vst v8  }
0x55a: {  	[tilespmem:s24+$0x12428] =	vst v11;
	(v2sf) =	vpush v3, $0x5;
	v11 =	vld [tilespmem:s6+$0x6410]  }
0x55b: {  	v12 =	vld [tilespmem:s1+$0x6440];
	[tilespmem:s21+$0x125D8] =	vst v7  }
0x55c: {  	v13 =	vld [tilespmem:s9+$0x6410];
	[tilespmem:s19+$0x12788] =	vst v5  }
.Ltmp1:
0x55d: {  	[tilespmem:s22+$0x12508] =	vst v9;
	v9 =	vld [tilespmem:s7+$0x6430];
	(pc) =	sbr.rel @p0 .LBB2_5-.Ltmp1, $4  }
0x55e: {  	v8 =	vld [tilespmem:s8+$0x6430];
	[tilespmem:s20+$0x126B8] =	vst v10;
	s1 =	spop (v2sf)  }
0x55f: {  	v7 =	vld [tilespmem:s1+$0x6400];
	[tilespmem:s23+$0x12868] =	vst v11  }
0x560: {  	[tilespmem:s24+$0x12438] =	vst v12;
	s5 =	spop (v2sf);
	v10 =	vld [tilespmem:s6+$0x6420]  }
0x561: {  	s0 =	sadd.s32 $0x1400, s0;
	v11 =	vld [tilespmem:s5+$0x6400];
	[tilespmem:s21+$0x125E8] =	vst v13  }
0x562: {  	v5 =	vmul.u32 $0x51, v6  }
0x563: {  	(v2sf) =	vpush v1, $0x8  }
0x564: {  	v58 =	vld [tilespmem:s9+$0x6420];
	[tilespmem:s19+$0x12798] =	vst v9;
	(v2sf) =	vpush v5, $0x0  }
0x565: {  	[tilespmem:s22+$0x12518] =	vst v8;
	v59 =	vld [tilespmem:s7+$0x6440]  }
0x566: {  	v60 =	vld [tilespmem:s8+$0x6440];
	[tilespmem:s20+$0x126C8] =	vst v7  }
0x567: {  	v7 =	vld [tilespmem:s1+$0x6410];
	[tilespmem:s23+$0x12878] =	vst v10  }
0x568: {  	[tilespmem:s24+$0x12448] =	vst v11;
	v62 =	vld [tilespmem:s6+$0x6430]  }
0x569: {  	v61 =	vld [tilespmem:s5+$0x6410];
	[tilespmem:s21+$0x125F8] =	vst v58  }
0x56a: {  	v6 =	vld [tilespmem:s9+$0x6430];
	[tilespmem:s19+$0x127A8] =	vst v59;
	s2 =	spop (v2sf)  }
0x56b: {  	[tilespmem:s22+$0x12528] =	vst v60;
	s3 =	spop (v2sf);
	v8 =	vld [tilespmem:s2+$0x6400]  }
0x56c: {  	v9 =	vld [tilespmem:s3+$0x6400];
	[tilespmem:s20+$0x126D8] =	vst v7  }
0x56d: {  	v12 =	vld [tilespmem:s1+$0x6420];
	[tilespmem:s23+$0x12888] =	vst v62  }
0x56e: {  	[tilespmem:s24+$0x12458] =	vst v61;
	v63 =	vld [tilespmem:s6+$0x6440]  }
0x56f: {  	(v2sf) =	vpush v0, $0xB;
	v10 =	vld [tilespmem:s5+$0x6420];
	[tilespmem:s21+$0x12608] =	vst v6  }
0x570: {  	v6 =	vld [tilespmem:s9+$0x6440];
	[tilespmem:s19+$0x127B8] =	vst v8  }
0x571: {  	(v2sf) =	vpush v4, $0x3;
	[tilespmem:s22+$0x12538] =	vst v9;
	v8 =	vld [tilespmem:s2+$0x6410]  }
0x572: {  	[tilespmem:s20+$0x126E8] =	vst v12;
	v9 =	vld [tilespmem:s3+$0x6410];
	s0 =	spop (v2sf)  }
0x573: {  	v14 =	vld [tilespmem:s1+$0x6430];
	[tilespmem:s23+$0x12898] =	vst v63;
	s31 =	spop (v2sf)  }
0x574: {  	[tilespmem:s24+$0x12468] =	vst v10;
	v16 =	vld [tilespmem:s31+$0x6400]  }
0x575: {  	v15 =	vld [tilespmem:s5+$0x6430];
	[tilespmem:s21+$0x12618] =	vst v6  }
0x576: {  	[tilespmem:s19+$0x127C8] =	vst v8;
	v17 =	vld [tilespmem:s0+$0x6400]  }
0x577: {  	[tilespmem:s22+$0x12548] =	vst v9;
	v18 =	vld [tilespmem:s2+$0x6420]  }
0x578: {  	s25 =	sshra.s32 s26, $0x2;
	[tilespmem:s20+$0x126F8] =	vst v14;
	v19 =	vld [tilespmem:s3+$0x6420]  }
0x579: {  	(v2sf) =	vpush v2, $0xE;
	v20 =	vld [tilespmem:s1+$0x6440];
	[tilespmem:s25+$0x123A8] =	vst v16  }
0x57a: {  	(v2sf) =	vpush v3, $0x6;
	[tilespmem:s24+$0x12478] =	vst v15;
	v22 =	vld [tilespmem:s31+$0x6410]  }
0x57b: {  	v21 =	vld [tilespmem:s5+$0x6440];
	[tilespmem:s21+$0x12628] =	vst v17  }
0x57c: {  	[tilespmem:s19+$0x127D8] =	vst v18;
	v23 =	vld [tilespmem:s0+$0x6410]  }
0x57d: {  	[tilespmem:s22+$0x12558] =	vst v19;
	v24 =	vld [tilespmem:s2+$0x6430]  }
0x57e: {  	s7 =	spop (v2sf);
	[tilespmem:s20+$0x12708] =	vst v20;
	v25 =	vld [tilespmem:s3+$0x6430]  }
0x57f: {  	v26 =	vld [tilespmem:s7+$0x6400];
	[tilespmem:s25+$0x123B8] =	vst v22  }
0x580: {  	s8 =	spop (v2sf);
	[tilespmem:s24+$0x12488] =	vst v21;
	v28 =	vld [tilespmem:s31+$0x6420]  }
0x581: {  	(v2sf) =	vpush v1, $0x9;
	v27 =	vld [tilespmem:s8+$0x6400];
	[tilespmem:s21+$0x12638] =	vst v23  }
0x582: {  	(v2sf) =	vpush v5, $0x1;
	[tilespmem:s19+$0x127E8] =	vst v24;
	v29 =	vld [tilespmem:s0+$0x6420]  }
0x583: {  	[tilespmem:s22+$0x12568] =	vst v25;
	v30 =	vld [tilespmem:s2+$0x6440]  }
0x584: {  	[tilespmem:s20+$0x12718] =	vst v26;
	v31 =	vld [tilespmem:s3+$0x6440]  }
0x585: {  	v32 =	vld [tilespmem:s7+$0x6410];
	[tilespmem:s25+$0x123C8] =	vst v28  }
0x586: {  	[tilespmem:s24+$0x12498] =	vst v27;
	v34 =	vld [tilespmem:s31+$0x6430]  }
0x587: {  	v33 =	vld [tilespmem:s8+$0x6410];
	[tilespmem:s21+$0x12648] =	vst v29  }
0x588: {  	s9 =	spop (v2sf);
	[tilespmem:s19+$0x127F8] =	vst v30;
	v35 =	vld [tilespmem:s0+$0x6430]  }
0x589: {  	s10 =	spop (v2sf);
	[tilespmem:s22+$0x12578] =	vst v31;
	v36 =	vld [tilespmem:s9+$0x6400]  }
0x58a: {  	[tilespmem:s20+$0x12728] =	vst v32;
	v37 =	vld [tilespmem:s10+$0x6400]  }
0x58b: {  	v38 =	vld [tilespmem:s7+$0x6420];
	[tilespmem:s25+$0x123D8] =	vst v34  }
0x58c: {  	[tilespmem:s24+$0x124A8] =	vst v33;
	v40 =	vld [tilespmem:s31+$0x6440]  }
0x58d: {  	(v2sf) =	vpush v0, $0xC;
	v39 =	vld [tilespmem:s8+$0x6420];
	[tilespmem:s21+$0x12658] =	vst v35  }
0x58e: {  	[tilespmem:s19+$0x12808] =	vst v36;
	v41 =	vld [tilespmem:s0+$0x6440]  }
0x58f: {  	(v2sf) =	vpush v4, $0x4;
	[tilespmem:s22+$0x12588] =	vst v37;
	v42 =	vld [tilespmem:s9+$0x6410]  }
0x590: {  	s11 =	spop (v2sf);
	[tilespmem:s20+$0x12738] =	vst v38;
	v43 =	vld [tilespmem:s10+$0x6410]  }
0x591: {  	s12 =	spop (v2sf);
	v44 =	vld [tilespmem:s7+$0x6430];
	[tilespmem:s25+$0x123E8] =	vst v40  }
0x592: {  	[tilespmem:s24+$0x124B8] =	vst v39;
	v46 =	vld [tilespmem:s12+$0x6400]  }
0x593: {  	v45 =	vld [tilespmem:s8+$0x6430];
	[tilespmem:s21+$0x12668] =	vst v41  }
0x594: {  	[tilespmem:s19+$0x12818] =	vst v42;
	v47 =	vld [tilespmem:s11+$0x6400]  }
0x595: {  	[tilespmem:s22+$0x12598] =	vst v43;
	v48 =	vld [tilespmem:s9+$0x6420]  }
0x596: {  	[tilespmem:s20+$0x12748] =	vst v44;
	v49 =	vld [tilespmem:s10+$0x6420]  }
0x597: {  	(v2sf) =	vpush v2, $0xF;
	v50 =	vld [tilespmem:s7+$0x6440];
	[tilespmem:s25+$0x123F8] =	vst v46  }
0x598: {  	(v2sf) =	vpush v3, $0x7;
	[tilespmem:s24+$0x124C8] =	vst v45;
	v6 =	vld [tilespmem:s12+$0x6410]  }
0x599: {  	v11 =	vld [tilespmem:s8+$0x6440];
	[tilespmem:s21+$0x12678] =	vst v47  }
0x59a: {  	v8 =	vld [tilespmem:s11+$0x6410];
	[tilespmem:s19+$0x12828] =	vst v48  }
0x59b: {  	v9 =	vld [tilespmem:s9+$0x6430];
	[tilespmem:s22+$0x125A8] =	vst v49  }
0x59c: {  	s13 =	spop (v2sf);
	v10 =	vld [tilespmem:s10+$0x6430];
	[tilespmem:s20+$0x12758] =	vst v50  }
0x59d: {  	v2 =	vld [tilespmem:s13+$0x6400];
	[tilespmem:s25+$0x12408] =	vst v6  }
0x59e: {  	s14 =	spop (v2sf);
	[tilespmem:s24+$0x124D8] =	vst v11;
	v6 =	vld [tilespmem:s12+$0x6420]  }
0x59f: {  	(v2sf) =	vpush v1, $0xA;
	v11 =	vld [tilespmem:s14+$0x6400];
	[tilespmem:s21+$0x12688] =	vst v8  }
0x5a0: {  	(v2sf) =	vpush v5, $0x2;
	v8 =	vld [tilespmem:s11+$0x6420];
	[tilespmem:s19+$0x12838] =	vst v9  }
0x5a1: {  	v9 =	vld [tilespmem:s9+$0x6440];
	[tilespmem:s22+$0x125B8] =	vst v10  }
0x5a2: {  	v10 =	vld [tilespmem:s10+$0x6440];
	[tilespmem:s20+$0x12768] =	vst v2  }
0x5a3: {  	v2 =	vld [tilespmem:s13+$0x6410];
	[tilespmem:s25+$0x12418] =	vst v6  }
0x5a4: {  	[tilespmem:s24+$0x124E8] =	vst v11;
	v6 =	vld [tilespmem:s12+$0x6430]  }
0x5a5: {  	v11 =	vld [tilespmem:s14+$0x6410];
	[tilespmem:s21+$0x12698] =	vst v8  }
0x5a6: {  	s26 =	spop (v2sf);
	v8 =	vld [tilespmem:s11+$0x6430];
	[tilespmem:s19+$0x12848] =	vst v9  }
0x5a7: {  	s7 =	spop (v2sf);
	v9 =	vld [tilespmem:s26+$0x6400];
	[tilespmem:s22+$0x125C8] =	vst v10  }
0x5a8: {  	v10 =	vld [tilespmem:s7+$0x6400];
	[tilespmem:s20+$0x12778] =	vst v2  }
0x5a9: {  	v2 =	vld [tilespmem:s13+$0x6420];
	[tilespmem:s25+$0x12428] =	vst v6  }
0x5aa: {  	[tilespmem:s24+$0x124F8] =	vst v11;
	v6 =	vld [tilespmem:s12+$0x6440]  }
0x5ab: {  	v11 =	vld [tilespmem:s14+$0x6420];
	[tilespmem:s21+$0x126A8] =	vst v8  }
0x5ac: {  	v8 =	vld [tilespmem:s11+$0x6440];
	[tilespmem:s19+$0x12858] =	vst v9  }
0x5ad: {  	v9 =	vld [tilespmem:s26+$0x6410];
	[tilespmem:s22+$0x125D8] =	vst v10  }
0x5ae: {  	s6 =	spop (v2sf);
	v10 =	vld [tilespmem:s7+$0x6410];
	[tilespmem:s20+$0x12788] =	vst v2  }
0x5af: {  	s30 =	spop (v2sf);
	v2 =	vld [tilespmem:s13+$0x6430];
	[tilespmem:s25+$0x12438] =	vst v6  }
0x5b0: {  	[tilespmem:s24+$0x12508] =	vst v11;
	v6 =	vld [tilespmem:s30+$0x6400]  }
0x5b1: {  	v11 =	vld [tilespmem:s14+$0x6430];
	[tilespmem:s21+$0x126B8] =	vst v8  }
0x5b2: {  	v8 =	vld [tilespmem:s6+$0x6400];
	[tilespmem:s19+$0x12868] =	vst v9  }
0x5b3: {  	v9 =	vld [tilespmem:s26+$0x6420];
	[tilespmem:s22+$0x125E8] =	vst v10  }
0x5b4: {  	v10 =	vld [tilespmem:s7+$0x6420];
	[tilespmem:s20+$0x12798] =	vst v2  }
0x5b5: {  	v51 =	vld [tilespmem:s13+$0x6440];
	[tilespmem:s25+$0x12448] =	vst v6  }
0x5b6: {  	[tilespmem:s24+$0x12518] =	vst v11;
	v53 =	vld [tilespmem:s30+$0x6410]  }
0x5b7: {  	[tilespmem:s21+$0x126C8] =	vst v8  }
0x5b8: {  	v52 =	vld [tilespmem:s14+$0x6440];
	[tilespmem:s19+$0x12878] =	vst v9  }
0x5b9: {  	(v2sf) =	vpush v0, $0xD;
	v54 =	vld [tilespmem:s6+$0x6410];
	[tilespmem:s22+$0x125F8] =	vst v10  }
0x5ba: {  	(v2sf) =	vpush v4, $0x5;
	v55 =	vld [tilespmem:s26+$0x6430];
	[tilespmem:s20+$0x127A8] =	vst v51  }
0x5bb: {  	(v2sf) =	vpush v3, $0x8;
	v56 =	vld [tilespmem:s7+$0x6430];
	[tilespmem:s25+$0x12458] =	vst v53  }
0x5bc: {  	v8 =	vld [tilespmem:s30+$0x6420]  }
0x5bd: {  	(v2sf) =	vpush v1, $0xB  }
0x5be: {  	(v2sf) =	vpush v5, $0x3;
	_ =	sdelay $0x2  }
0x5bf: {  	[tilespmem:s25+$0x12468] =	vst v8  }
0x5c0: {  	v8 =	vld [tilespmem:s30+$0x6430];
	_ =	sdelay $0x4  }
0x5c1: {  	[tilespmem:s25+$0x12478] =	vst v8  }
0x5c2: {  	v8 =	vld [tilespmem:s30+$0x6440]  }
0x5c3: {  	s30 =	spop (v2sf)  }
0x5c4: {  	s31 =	spop (v2sf)  }
0x5c5: {  	s10 =	spop (v2sf)  }
0x5c6: {  	s5 =	spop (v2sf)  }
0x5c7: {  	s12 =	spop (v2sf);
	[tilespmem:s25+$0x12488] =	vst v8  }
0x5c8: {  	v8 =	vld [tilespmem:s12+$0x6400];
	_ =	sdelay $0x4  }
0x5c9: {  	[tilespmem:s25+$0x12498] =	vst v8  }
0x5ca: {  	v8 =	vld [tilespmem:s12+$0x6410];
	_ =	sdelay $0x3  }
0x5cb: {  	(v2sf) =	vpush v0, $0xE  }
0x5cc: {  	(v2sf) =	vpush v4, $0x6;
	[tilespmem:s25+$0x124A8] =	vst v8  }
0x5cd: {  	(v2sf) =	vpush v3, $0x9;
	v8 =	vld [tilespmem:s12+$0x6420]  }
0x5ce: {  	(v2sf) =	vpush v1, $0xC  }
0x5cf: {  	(v2sf) =	vpush v5, $0x4;
	_ =	sdelay $0x2  }
0x5d0: {  	[tilespmem:s25+$0x124B8] =	vst v8  }
0x5d1: {  	v8 =	vld [tilespmem:s12+$0x6430];
	_ =	sdelay $0x4  }
0x5d2: {  	[tilespmem:s25+$0x124C8] =	vst v8  }
0x5d3: {  	v8 =	vld [tilespmem:s12+$0x6440]  }
0x5d4: {  	s28 =	spop (v2sf)  }
0x5d5: {  	s3 =	spop (v2sf)  }
0x5d6: {  	s8 =	spop (v2sf)  }
0x5d7: {  	s0 =	spop (v2sf)  }
0x5d8: {  	s13 =	spop (v2sf);
	[tilespmem:s25+$0x124D8] =	vst v8  }
0x5d9: {  	v8 =	vld [tilespmem:s13+$0x6400];
	_ =	sdelay $0x4  }
0x5da: {  	[tilespmem:s25+$0x124E8] =	vst v8  }
0x5db: {  	v8 =	vld [tilespmem:s13+$0x6410];
	_ =	sdelay $0x3  }
0x5dc: {  	(v2sf) =	vpush v0, $0xF  }
0x5dd: {  	(v2sf) =	vpush v4, $0x7;
	[tilespmem:s25+$0x124F8] =	vst v8  }
0x5de: {  	(v2sf) =	vpush v3, $0xA;
	v57 =	vld [tilespmem:s13+$0x6420]  }
0x5df: {  	(v2sf) =	vpush v1, $0xD  }
0x5e0: {  	(v2sf) =	vpush v5, $0x5;
	_ =	sdelay $0x2  }
0x5e1: {  	[tilespmem:s25+$0x12508] =	vst v57  }
0x5e2: {  	v0 =	vld [tilespmem:s13+$0x6430];
	_ =	sdelay $0x4  }
0x5e3: {  	[tilespmem:s25+$0x12518] =	vst v0  }
0x5e4: {  	v0 =	vld [tilespmem:s13+$0x6440]  }
0x5e5: {  	s23 =	spop (v2sf)  }
0x5e6: {  	s2 =	spop (v2sf)  }
0x5e7: {  	s14 =	spop (v2sf)  }
0x5e8: {  	[tilespmem:s24+$0x12528] =	vst v52;
	s1 =	spop (v2sf)  }
0x5e9: {  	v58 =	vld [tilespmem:s31+$0x6400];
	s11 =	spop (v2sf);
	[tilespmem:s25+$0x12528] =	vst v0  }
0x5ea: {  	v0 =	vld [tilespmem:s11+$0x6400];
	_ =	sdelay $0x3  }
0x5eb: {  	[tilespmem:s24+$0x12538] =	vst v58  }
0x5ec: {  	v8 =	vld [tilespmem:s31+$0x6410];
	[tilespmem:s25+$0x12538] =	vst v0  }
0x5ed: {  	v0 =	vld [tilespmem:s11+$0x6410];
	_ =	sdelay $0x3  }
0x5ee: {  	[tilespmem:s24+$0x12548] =	vst v8  }
0x5ef: {  	(v2sf) =	vpush v4, $0x8;
	v8 =	vld [tilespmem:s31+$0x6420];
	[tilespmem:s25+$0x12548] =	vst v0  }
0x5f0: {  	(v2sf) =	vpush v3, $0xB;
	v0 =	vld [tilespmem:s11+$0x6420]  }
0x5f1: {  	(v2sf) =	vpush v1, $0xE  }
0x5f2: {  	(v2sf) =	vpush v5, $0x6;
	_ =	sdelay $0x1  }
0x5f3: {  	[tilespmem:s24+$0x12558] =	vst v8  }
0x5f4: {  	v8 =	vld [tilespmem:s31+$0x6430];
	[tilespmem:s25+$0x12558] =	vst v0  }
0x5f5: {  	v0 =	vld [tilespmem:s11+$0x6430];
	_ =	sdelay $0x3  }
0x5f6: {  	[tilespmem:s24+$0x12568] =	vst v8  }
0x5f7: {  	v8 =	vld [tilespmem:s31+$0x6440];
	[tilespmem:s25+$0x12568] =	vst v0  }
0x5f8: {  	v0 =	vld [tilespmem:s11+$0x6440];
	_ =	sdelay $0x1  }
0x5f9: {  	s11 =	spop (v2sf)  }
0x5fa: {  	s9 =	spop (v2sf)  }
0x5fb: {  	[tilespmem:s24+$0x12578] =	vst v8;
	s31 =	spop (v2sf)  }
0x5fc: {  	v8 =	vld [tilespmem:s3+$0x6400];
	s12 =	spop (v2sf);
	[tilespmem:s25+$0x12578] =	vst v0  }
0x5fd: {  	v0 =	vld [tilespmem:s12+$0x6400];
	_ =	sdelay $0x3  }
0x5fe: {  	[tilespmem:s24+$0x12588] =	vst v8  }
0x5ff: {  	v8 =	vld [tilespmem:s3+$0x6410];
	[tilespmem:s25+$0x12588] =	vst v0  }
0x600: {  	v0 =	vld [tilespmem:s12+$0x6410];
	_ =	sdelay $0x3  }
0x601: {  	[tilespmem:s24+$0x12598] =	vst v8  }
0x602: {  	v8 =	vld [tilespmem:s3+$0x6420];
	(v2sf) =	vpush v4, $0x9;
	[tilespmem:s25+$0x12598] =	vst v0  }
0x603: {  	(v2sf) =	vpush v3, $0xC;
	v0 =	vld [tilespmem:s12+$0x6420]  }
0x604: {  	(v2sf) =	vpush v1, $0xF  }
0x605: {  	(v2sf) =	vpush v5, $0x7;
	_ =	sdelay $0x1  }
0x606: {  	[tilespmem:s24+$0x125A8] =	vst v8  }
0x607: {  	v59 =	vld [tilespmem:s3+$0x6430];
	[tilespmem:s25+$0x125A8] =	vst v0  }
0x608: {  	v0 =	vld [tilespmem:s12+$0x6430];
	_ =	sdelay $0x3  }
0x609: {  	[tilespmem:s24+$0x125B8] =	vst v59  }
0x60a: {  	v1 =	vld [tilespmem:s3+$0x6440];
	[tilespmem:s25+$0x125B8] =	vst v0  }
0x60b: {  	v0 =	vld [tilespmem:s12+$0x6440];
	_ =	sdelay $0x1  }
0x60c: {  	s3 =	spop (v2sf)  }
0x60d: {  	s13 =	spop (v2sf)  }
0x60e: {  	[tilespmem:s24+$0x125C8] =	vst v1;
	s29 =	spop (v2sf)  }
0x60f: {  	v1 =	vld [tilespmem:s2+$0x6400];
	s12 =	spop (v2sf);
	[tilespmem:s25+$0x125C8] =	vst v0  }
0x610: {  	v0 =	vld [tilespmem:s12+$0x6400];
	_ =	sdelay $0x3  }
0x611: {  	[tilespmem:s24+$0x125D8] =	vst v1  }
0x612: {  	v1 =	vld [tilespmem:s2+$0x6410];
	[tilespmem:s25+$0x125D8] =	vst v0  }
0x613: {  	v0 =	vld [tilespmem:s12+$0x6410];
	_ =	sdelay $0x3  }
0x614: {  	[tilespmem:s24+$0x125E8] =	vst v1  }
0x615: {  	v1 =	vld [tilespmem:s2+$0x6420];
	[tilespmem:s25+$0x125E8] =	vst v0  }
0x616: {  	(v2sf) =	vpush v4, $0xA;
	v0 =	vld [tilespmem:s12+$0x6420]  }
0x617: {  	(v2sf) =	vpush v3, $0xD  }
0x618: {  	(v2sf) =	vpush v5, $0x8;
	_ =	sdelay $0x1  }
0x619: {  	[tilespmem:s24+$0x125F8] =	vst v1  }
0x61a: {  	v1 =	vld [tilespmem:s2+$0x6430];
	[tilespmem:s25+$0x125F8] =	vst v0  }
0x61b: {  	v0 =	vld [tilespmem:s12+$0x6430];
	_ =	sdelay $0x2  }
0x61c: {  	[tilespmem:s22+$0x12608] =	vst v56  }
0x61d: {  	v7 =	vld [tilespmem:s7+$0x6440];
	[tilespmem:s24+$0x12608] =	vst v1  }
0x61e: {  	v1 =	vld [tilespmem:s2+$0x6440];
	[tilespmem:s25+$0x12608] =	vst v0  }
0x61f: {  	v0 =	vld [tilespmem:s12+$0x6440];
	_ =	sdelay $0x2  }
0x620: {  	[tilespmem:s22+$0x12618] =	vst v7;
	s2 =	spop (v2sf)  }
0x621: {  	v7 =	vld [tilespmem:s10+$0x6400];
	[tilespmem:s24+$0x12618] =	vst v1;
	s12 =	spop (v2sf)  }
0x622: {  	v1 =	vld [tilespmem:s11+$0x6400];
	s7 =	spop (v2sf);
	[tilespmem:s25+$0x12618] =	vst v0  }
0x623: {  	v0 =	vld [tilespmem:s7+$0x6400];
	_ =	sdelay $0x2  }
0x624: {  	[tilespmem:s22+$0x12628] =	vst v7  }
0x625: {  	v7 =	vld [tilespmem:s10+$0x6410];
	[tilespmem:s24+$0x12628] =	vst v1  }
0x626: {  	v1 =	vld [tilespmem:s11+$0x6410];
	[tilespmem:s25+$0x12628] =	vst v0  }
0x627: {  	v0 =	vld [tilespmem:s7+$0x6410];
	_ =	sdelay $0x2  }
0x628: {  	[tilespmem:s22+$0x12638] =	vst v7  }
0x629: {  	v7 =	vld [tilespmem:s10+$0x6420];
	[tilespmem:s24+$0x12638] =	vst v1  }
0x62a: {  	v1 =	vld [tilespmem:s11+$0x6420];
	[tilespmem:s25+$0x12638] =	vst v0  }
0x62b: {  	(v2sf) =	vpush v4, $0xB;
	v0 =	vld [tilespmem:s7+$0x6420]  }
0x62c: {  	(v2sf) =	vpush v3, $0xE  }
0x62d: {  	(v2sf) =	vpush v5, $0x9  }
0x62e: {  	[tilespmem:s22+$0x12648] =	vst v7  }
0x62f: {  	v7 =	vld [tilespmem:s10+$0x6430];
	[tilespmem:s24+$0x12648] =	vst v1  }
0x630: {  	v1 =	vld [tilespmem:s11+$0x6430];
	[tilespmem:s25+$0x12648] =	vst v0  }
0x631: {  	v0 =	vld [tilespmem:s7+$0x6430];
	_ =	sdelay $0x2  }
0x632: {  	[tilespmem:s22+$0x12658] =	vst v7  }
0x633: {  	v7 =	vld [tilespmem:s10+$0x6440];
	[tilespmem:s24+$0x12658] =	vst v1  }
0x634: {  	v1 =	vld [tilespmem:s11+$0x6440];
	[tilespmem:s25+$0x12658] =	vst v0  }
0x635: {  	v0 =	vld [tilespmem:s7+$0x6440];
	_ =	sdelay $0x2  }
0x636: {  	[tilespmem:s22+$0x12668] =	vst v7;
	s11 =	spop (v2sf)  }
0x637: {  	v7 =	vld [tilespmem:s8+$0x6400];
	[tilespmem:s24+$0x12668] =	vst v1;
	s7 =	spop (v2sf)  }
0x638: {  	v1 =	vld [tilespmem:s3+$0x6400];
	s10 =	spop (v2sf);
	[tilespmem:s25+$0x12668] =	vst v0  }
0x639: {  	v0 =	vld [tilespmem:s10+$0x6400];
	_ =	sdelay $0x2  }
0x63a: {  	[tilespmem:s22+$0x12678] =	vst v7  }
0x63b: {  	v7 =	vld [tilespmem:s8+$0x6410];
	[tilespmem:s24+$0x12678] =	vst v1  }
0x63c: {  	v1 =	vld [tilespmem:s3+$0x6410];
	[tilespmem:s25+$0x12678] =	vst v0  }
0x63d: {  	v0 =	vld [tilespmem:s10+$0x6410];
	_ =	sdelay $0x2  }
0x63e: {  	[tilespmem:s22+$0x12688] =	vst v7  }
0x63f: {  	v7 =	vld [tilespmem:s8+$0x6420];
	[tilespmem:s24+$0x12688] =	vst v1  }
0x640: {  	v1 =	vld [tilespmem:s3+$0x6420];
	[tilespmem:s25+$0x12688] =	vst v0  }
0x641: {  	(v2sf) =	vpush v4, $0xC;
	v0 =	vld [tilespmem:s10+$0x6420]  }
0x642: {  	(v2sf) =	vpush v3, $0xF  }
0x643: {  	(v2sf) =	vpush v5, $0xA  }
0x644: {  	[tilespmem:s22+$0x12698] =	vst v7  }
0x645: {  	v60 =	vld [tilespmem:s8+$0x6430];
	[tilespmem:s24+$0x12698] =	vst v1  }
0x646: {  	v1 =	vld [tilespmem:s3+$0x6430];
	[tilespmem:s25+$0x12698] =	vst v0  }
0x647: {  	v0 =	vld [tilespmem:s10+$0x6430];
	_ =	sdelay $0x2  }
0x648: {  	[tilespmem:s22+$0x126A8] =	vst v60  }
0x649: {  	v3 =	vld [tilespmem:s8+$0x6440];
	[tilespmem:s24+$0x126A8] =	vst v1  }
0x64a: {  	v1 =	vld [tilespmem:s3+$0x6440];
	[tilespmem:s25+$0x126A8] =	vst v0  }
0x64b: {  	v0 =	vld [tilespmem:s10+$0x6440];
	_ =	sdelay $0x2  }
0x64c: {  	[tilespmem:s22+$0x126B8] =	vst v3;
	s10 =	spop (v2sf)  }
0x64d: {  	v3 =	vld [tilespmem:s14+$0x6400];
	[tilespmem:s24+$0x126B8] =	vst v1;
	s8 =	spop (v2sf)  }
0x64e: {  	v1 =	vld [tilespmem:s2+$0x6400];
	s3 =	spop (v2sf);
	[tilespmem:s25+$0x126B8] =	vst v0  }
0x64f: {  	v0 =	vld [tilespmem:s3+$0x6400];
	_ =	sdelay $0x2  }
0x650: {  	[tilespmem:s22+$0x126C8] =	vst v3  }
0x651: {  	v3 =	vld [tilespmem:s14+$0x6410];
	[tilespmem:s24+$0x126C8] =	vst v1  }
0x652: {  	v1 =	vld [tilespmem:s2+$0x6410];
	[tilespmem:s25+$0x126C8] =	vst v0  }
0x653: {  	[tilespmem:s21+$0x126D8] =	vst v54;
	v0 =	vld [tilespmem:s3+$0x6410]  }
0x654: {  	v6 =	vld [tilespmem:s6+$0x6420];
	_ =	sdelay $0x1  }
0x655: {  	[tilespmem:s22+$0x126D8] =	vst v3  }
0x656: {  	v3 =	vld [tilespmem:s14+$0x6420];
	[tilespmem:s24+$0x126D8] =	vst v1  }
0x657: {  	v1 =	vld [tilespmem:s2+$0x6420];
	[tilespmem:s25+$0x126D8] =	vst v0  }
0x658: {  	[tilespmem:s21+$0x126E8] =	vst v6;
	v0 =	vld [tilespmem:s3+$0x6420]  }
0x659: {  	v6 =	vld [tilespmem:s6+$0x6430];
	(v2sf) =	vpush v4, $0xD  }
0x65a: {  	(v2sf) =	vpush v5, $0xB  }
0x65b: {  	[tilespmem:s22+$0x126E8] =	vst v3  }
0x65c: {  	v3 =	vld [tilespmem:s14+$0x6430];
	[tilespmem:s24+$0x126E8] =	vst v1  }
0x65d: {  	v1 =	vld [tilespmem:s2+$0x6430];
	[tilespmem:s25+$0x126E8] =	vst v0  }
0x65e: {  	[tilespmem:s21+$0x126F8] =	vst v6;
	v0 =	vld [tilespmem:s3+$0x6430]  }
0x65f: {  	v6 =	vld [tilespmem:s6+$0x6440];
	_ =	sdelay $0x1  }
0x660: {  	[tilespmem:s22+$0x126F8] =	vst v3  }
0x661: {  	v3 =	vld [tilespmem:s14+$0x6440];
	[tilespmem:s24+$0x126F8] =	vst v1  }
0x662: {  	v1 =	vld [tilespmem:s2+$0x6440];
	[tilespmem:s25+$0x126F8] =	vst v0  }
0x663: {  	[tilespmem:s21+$0x12708] =	vst v6;
	v0 =	vld [tilespmem:s3+$0x6440]  }
0x664: {  	v6 =	vld [tilespmem:s5+$0x6400];
	_ =	sdelay $0x1  }
0x665: {  	[tilespmem:s22+$0x12708] =	vst v3  }
0x666: {  	v3 =	vld [tilespmem:s9+$0x6400];
	[tilespmem:s24+$0x12708] =	vst v1;
	s6 =	spop (v2sf)  }
0x667: {  	v1 =	vld [tilespmem:s11+$0x6400];
	s14 =	spop (v2sf);
	[tilespmem:s25+$0x12708] =	vst v0  }
0x668: {  	[tilespmem:s21+$0x12718] =	vst v6;
	v0 =	vld [tilespmem:s14+$0x6400]  }
0x669: {  	v6 =	vld [tilespmem:s5+$0x6410];
	_ =	sdelay $0x1  }
0x66a: {  	[tilespmem:s22+$0x12718] =	vst v3  }
0x66b: {  	v3 =	vld [tilespmem:s9+$0x6410];
	[tilespmem:s24+$0x12718] =	vst v1  }
0x66c: {  	v1 =	vld [tilespmem:s11+$0x6410];
	[tilespmem:s25+$0x12718] =	vst v0  }
0x66d: {  	[tilespmem:s21+$0x12728] =	vst v6;
	v0 =	vld [tilespmem:s14+$0x6410]  }
0x66e: {  	v6 =	vld [tilespmem:s5+$0x6420];
	_ =	sdelay $0x1  }
0x66f: {  	[tilespmem:s22+$0x12728] =	vst v3  }
0x670: {  	v3 =	vld [tilespmem:s9+$0x6420];
	[tilespmem:s24+$0x12728] =	vst v1  }
0x671: {  	v1 =	vld [tilespmem:s11+$0x6420];
	[tilespmem:s25+$0x12728] =	vst v0  }
0x672: {  	[tilespmem:s21+$0x12738] =	vst v6;
	v0 =	vld [tilespmem:s14+$0x6420]  }
0x673: {  	v6 =	vld [tilespmem:s5+$0x6430];
	(v2sf) =	vpush v4, $0xE  }
0x674: {  	(v2sf) =	vpush v5, $0xC  }
0x675: {  	[tilespmem:s22+$0x12738] =	vst v3  }
0x676: {  	v3 =	vld [tilespmem:s9+$0x6430];
	[tilespmem:s24+$0x12738] =	vst v1  }
0x677: {  	v1 =	vld [tilespmem:s11+$0x6430];
	[tilespmem:s25+$0x12738] =	vst v0  }
0x678: {  	[tilespmem:s21+$0x12748] =	vst v6;
	v0 =	vld [tilespmem:s14+$0x6430]  }
0x679: {  	v6 =	vld [tilespmem:s5+$0x6440];
	_ =	sdelay $0x1  }
0x67a: {  	[tilespmem:s22+$0x12748] =	vst v3  }
0x67b: {  	v3 =	vld [tilespmem:s9+$0x6440];
	[tilespmem:s24+$0x12748] =	vst v1  }
0x67c: {  	v1 =	vld [tilespmem:s11+$0x6440];
	[tilespmem:s25+$0x12748] =	vst v0  }
0x67d: {  	[tilespmem:s21+$0x12758] =	vst v6;
	v0 =	vld [tilespmem:s14+$0x6440]  }
0x67e: {  	v6 =	vld [tilespmem:s0+$0x6400];
	_ =	sdelay $0x1  }
0x67f: {  	[tilespmem:s22+$0x12758] =	vst v3  }
0x680: {  	s3 =	spop (v2sf);
	v3 =	vld [tilespmem:s13+$0x6400];
	[tilespmem:s24+$0x12758] =	vst v1  }
0x681: {  	s9 =	spop (v2sf);
	v1 =	vld [tilespmem:s10+$0x6400];
	[tilespmem:s25+$0x12758] =	vst v0  }
0x682: {  	[tilespmem:s21+$0x12768] =	vst v6;
	v0 =	vld [tilespmem:s9+$0x6400]  }
0x683: {  	v6 =	vld [tilespmem:s0+$0x6410];
	_ =	sdelay $0x1  }
0x684: {  	[tilespmem:s22+$0x12768] =	vst v3  }
0x685: {  	v3 =	vld [tilespmem:s13+$0x6410];
	[tilespmem:s24+$0x12768] =	vst v1  }
0x686: {  	v1 =	vld [tilespmem:s10+$0x6410];
	[tilespmem:s25+$0x12768] =	vst v0  }
0x687: {  	[tilespmem:s21+$0x12778] =	vst v6;
	v0 =	vld [tilespmem:s9+$0x6410]  }
0x688: {  	v6 =	vld [tilespmem:s0+$0x6420];
	_ =	sdelay $0x1  }
0x689: {  	[tilespmem:s22+$0x12778] =	vst v3  }
0x68a: {  	v3 =	vld [tilespmem:s13+$0x6420];
	[tilespmem:s24+$0x12778] =	vst v1  }
0x68b: {  	v1 =	vld [tilespmem:s10+$0x6420];
	[tilespmem:s25+$0x12778] =	vst v0  }
0x68c: {  	[tilespmem:s21+$0x12788] =	vst v6;
	v0 =	vld [tilespmem:s9+$0x6420]  }
0x68d: {  	v61 =	vld [tilespmem:s0+$0x6430];
	(v2sf) =	vpush v4, $0xF  }
0x68e: {  	(v2sf) =	vpush v5, $0xD  }
0x68f: {  	[tilespmem:s22+$0x12788] =	vst v3  }
0x690: {  	v3 =	vld [tilespmem:s13+$0x6430];
	[tilespmem:s24+$0x12788] =	vst v1  }
0x691: {  	v1 =	vld [tilespmem:s10+$0x6430];
	[tilespmem:s25+$0x12788] =	vst v0  }
0x692: {  	[tilespmem:s21+$0x12798] =	vst v61;
	v0 =	vld [tilespmem:s9+$0x6430]  }
0x693: {  	v4 =	vld [tilespmem:s0+$0x6440];
	_ =	sdelay $0x1  }
0x694: {  	v62 =	vld [tilespmem:s30+$0x6400];
	[tilespmem:s22+$0x12798] =	vst v3  }
0x695: {  	v3 =	vld [tilespmem:s13+$0x6440];
	[tilespmem:s24+$0x12798] =	vst v1  }
0x696: {  	v1 =	vld [tilespmem:s10+$0x6440];
	[tilespmem:s25+$0x12798] =	vst v0  }
0x697: {  	[tilespmem:s21+$0x127A8] =	vst v4;
	v0 =	vld [tilespmem:s9+$0x6440]  }
0x698: {  	v4 =	vld [tilespmem:s1+$0x6400]  }
0x699: {  	[tilespmem:s20+$0x127B8] =	vst v62  }
0x69a: {  	v6 =	vld [tilespmem:s30+$0x6410];
	[tilespmem:s22+$0x127A8] =	vst v3  }
0x69b: {  	s10 =	spop (v2sf);
	v3 =	vld [tilespmem:s12+$0x6400];
	[tilespmem:s24+$0x127A8] =	vst v1  }
0x69c: {  	s11 =	spop (v2sf);
	v1 =	vld [tilespmem:s6+$0x6400];
	[tilespmem:s25+$0x127A8] =	vst v0  }
0x69d: {  	[tilespmem:s21+$0x127B8] =	vst v4;
	v0 =	vld [tilespmem:s11+$0x6400]  }
0x69e: {  	v4 =	vld [tilespmem:s1+$0x6410]  }
0x69f: {  	[tilespmem:s20+$0x127C8] =	vst v6  }
0x6a0: {  	v6 =	vld [tilespmem:s30+$0x6420];
	[tilespmem:s22+$0x127B8] =	vst v3  }
0x6a1: {  	v3 =	vld [tilespmem:s12+$0x6410];
	[tilespmem:s24+$0x127B8] =	vst v1  }
0x6a2: {  	v1 =	vld [tilespmem:s6+$0x6410];
	[tilespmem:s25+$0x127B8] =	vst v0  }
0x6a3: {  	[tilespmem:s21+$0x127C8] =	vst v4;
	v0 =	vld [tilespmem:s11+$0x6410]  }
0x6a4: {  	v4 =	vld [tilespmem:s1+$0x6420]  }
0x6a5: {  	[tilespmem:s20+$0x127D8] =	vst v6  }
0x6a6: {  	v6 =	vld [tilespmem:s30+$0x6430];
	[tilespmem:s22+$0x127C8] =	vst v3  }
0x6a7: {  	v3 =	vld [tilespmem:s12+$0x6420];
	[tilespmem:s24+$0x127C8] =	vst v1  }
0x6a8: {  	v1 =	vld [tilespmem:s6+$0x6420];
	[tilespmem:s25+$0x127C8] =	vst v0  }
0x6a9: {  	[tilespmem:s21+$0x127D8] =	vst v4;
	v0 =	vld [tilespmem:s11+$0x6420]  }
0x6aa: {  	v4 =	vld [tilespmem:s1+$0x6430]  }
0x6ab: {  	[tilespmem:s20+$0x127E8] =	vst v6;
	(v2sf) =	vpush v5, $0xE  }
0x6ac: {  	v6 =	vld [tilespmem:s30+$0x6440];
	[tilespmem:s22+$0x127D8] =	vst v3  }
0x6ad: {  	v3 =	vld [tilespmem:s12+$0x6430];
	[tilespmem:s24+$0x127D8] =	vst v1  }
0x6ae: {  	v1 =	vld [tilespmem:s6+$0x6430];
	[tilespmem:s25+$0x127D8] =	vst v0  }
0x6af: {  	[tilespmem:s21+$0x127E8] =	vst v4;
	v0 =	vld [tilespmem:s11+$0x6430]  }
0x6b0: {  	v4 =	vld [tilespmem:s1+$0x6440]  }
0x6b1: {  	[tilespmem:s20+$0x127F8] =	vst v6  }
0x6b2: {  	v6 =	vld [tilespmem:s28+$0x6400];
	[tilespmem:s22+$0x127E8] =	vst v3  }
0x6b3: {  	v3 =	vld [tilespmem:s12+$0x6440];
	[tilespmem:s24+$0x127E8] =	vst v1  }
0x6b4: {  	v1 =	vld [tilespmem:s6+$0x6440];
	[tilespmem:s25+$0x127E8] =	vst v0  }
0x6b5: {  	[tilespmem:s21+$0x127F8] =	vst v4;
	v0 =	vld [tilespmem:s11+$0x6440]  }
0x6b6: {  	v4 =	vld [tilespmem:s31+$0x6400]  }
0x6b7: {  	[tilespmem:s20+$0x12808] =	vst v6  }
0x6b8: {  	v6 =	vld [tilespmem:s28+$0x6410];
	[tilespmem:s22+$0x127F8] =	vst v3  }
0x6b9: {  	v3 =	vld [tilespmem:s7+$0x6400];
	[tilespmem:s24+$0x127F8] =	vst v1  }
0x6ba: {  	s13 =	spop (v2sf);
	v1 =	vld [tilespmem:s3+$0x6400];
	[tilespmem:s25+$0x127F8] =	vst v0  }
0x6bb: {  	[tilespmem:s21+$0x12808] =	vst v4;
	v0 =	vld [tilespmem:s13+$0x6400]  }
0x6bc: {  	v4 =	vld [tilespmem:s31+$0x6410]  }
0x6bd: {  	[tilespmem:s20+$0x12818] =	vst v6  }
0x6be: {  	v6 =	vld [tilespmem:s28+$0x6420];
	[tilespmem:s22+$0x12808] =	vst v3  }
0x6bf: {  	v3 =	vld [tilespmem:s7+$0x6410];
	[tilespmem:s24+$0x12808] =	vst v1  }
0x6c0: {  	v1 =	vld [tilespmem:s3+$0x6410];
	[tilespmem:s25+$0x12808] =	vst v0  }
0x6c1: {  	[tilespmem:s21+$0x12818] =	vst v4;
	v0 =	vld [tilespmem:s13+$0x6410]  }
0x6c2: {  	v4 =	vld [tilespmem:s31+$0x6420]  }
0x6c3: {  	[tilespmem:s20+$0x12828] =	vst v6  }
0x6c4: {  	v6 =	vld [tilespmem:s28+$0x6430];
	[tilespmem:s22+$0x12818] =	vst v3  }
0x6c5: {  	v3 =	vld [tilespmem:s7+$0x6420];
	[tilespmem:s24+$0x12818] =	vst v1  }
0x6c6: {  	v1 =	vld [tilespmem:s3+$0x6420];
	[tilespmem:s25+$0x12818] =	vst v0  }
0x6c7: {  	[tilespmem:s21+$0x12828] =	vst v4;
	v0 =	vld [tilespmem:s13+$0x6420]  }
0x6c8: {  	v4 =	vld [tilespmem:s31+$0x6430]  }
0x6c9: {  	[tilespmem:s20+$0x12838] =	vst v6;
	(v2sf) =	vpush v5, $0xF  }
0x6ca: {  	v63 =	vld [tilespmem:s28+$0x6440];
	[tilespmem:s22+$0x12828] =	vst v3  }
0x6cb: {  	v3 =	vld [tilespmem:s7+$0x6430];
	[tilespmem:s24+$0x12828] =	vst v1  }
0x6cc: {  	v1 =	vld [tilespmem:s3+$0x6430];
	[tilespmem:s25+$0x12828] =	vst v0  }
0x6cd: {  	[tilespmem:s21+$0x12838] =	vst v4;
	v0 =	vld [tilespmem:s13+$0x6430]  }
0x6ce: {  	v4 =	vld [tilespmem:s31+$0x6440]  }
0x6cf: {  	[tilespmem:s20+$0x12848] =	vst v63  }
0x6d0: {  	v5 =	vld [tilespmem:s23+$0x6400];
	[tilespmem:s22+$0x12838] =	vst v3  }
0x6d1: {  	v3 =	vld [tilespmem:s7+$0x6440];
	[tilespmem:s24+$0x12838] =	vst v1  }
0x6d2: {  	v1 =	vld [tilespmem:s3+$0x6440];
	[tilespmem:s25+$0x12838] =	vst v0  }
0x6d3: {  	[tilespmem:s21+$0x12848] =	vst v4;
	v0 =	vld [tilespmem:s13+$0x6440]  }
0x6d4: {  	v4 =	vld [tilespmem:s29+$0x6400]  }
0x6d5: {  	[tilespmem:s20+$0x12858] =	vst v5  }
0x6d6: {  	v5 =	vld [tilespmem:s23+$0x6410];
	[tilespmem:s22+$0x12848] =	vst v3  }
0x6d7: {  	v3 =	vld [tilespmem:s8+$0x6400];
	[tilespmem:s24+$0x12848] =	vst v1  }
0x6d8: {  	s14 =	spop (v2sf);
	v1 =	vld [tilespmem:s10+$0x6400];
	[tilespmem:s25+$0x12848] =	vst v0  }
0x6d9: {  	[tilespmem:s21+$0x12858] =	vst v4;
	v0 =	vld [tilespmem:s14+$0x6400]  }
0x6da: {  	v4 =	vld [tilespmem:s29+$0x6410]  }
0x6db: {  	[tilespmem:s20+$0x12868] =	vst v5  }
0x6dc: {  	v5 =	vld [tilespmem:s23+$0x6420];
	[tilespmem:s22+$0x12858] =	vst v3  }
0x6dd: {  	v3 =	vld [tilespmem:s8+$0x6410];
	[tilespmem:s24+$0x12858] =	vst v1  }
0x6de: {  	v1 =	vld [tilespmem:s10+$0x6410];
	[tilespmem:s25+$0x12858] =	vst v0  }
0x6df: {  	[tilespmem:s21+$0x12868] =	vst v4;
	v0 =	vld [tilespmem:s14+$0x6410]  }
0x6e0: {  	v4 =	vld [tilespmem:s29+$0x6420]  }
0x6e1: {  	[tilespmem:s20+$0x12878] =	vst v5  }
0x6e2: {  	v5 =	vld [tilespmem:s23+$0x6430];
	[tilespmem:s22+$0x12868] =	vst v3  }
0x6e3: {  	v3 =	vld [tilespmem:s8+$0x6420];
	[tilespmem:s24+$0x12868] =	vst v1  }
0x6e4: {  	v1 =	vld [tilespmem:s10+$0x6420];
	[tilespmem:s25+$0x12868] =	vst v0  }
0x6e5: {  	[tilespmem:s21+$0x12878] =	vst v4;
	v0 =	vld [tilespmem:s14+$0x6420]  }
0x6e6: {  	[tilespmem:s19+$0x12888] =	vst v55;
	v4 =	vld [tilespmem:s29+$0x6430]  }
0x6e7: {  	v2 =	vld [tilespmem:s26+$0x6440];
	[tilespmem:s20+$0x12888] =	vst v5  }
0x6e8: {  	v5 =	vld [tilespmem:s23+$0x6440];
	[tilespmem:s22+$0x12878] =	vst v3  }
0x6e9: {  	v3 =	vld [tilespmem:s8+$0x6430];
	[tilespmem:s24+$0x12878] =	vst v1  }
0x6ea: {  	v1 =	vld [tilespmem:s10+$0x6430];
	[tilespmem:s25+$0x12878] =	vst v0  }
0x6eb: {  	[tilespmem:s21+$0x12888] =	vst v4;
	v0 =	vld [tilespmem:s14+$0x6430]  }
0x6ec: {  	[tilespmem:s19+$0x12898] =	vst v2;
	v4 =	vld [tilespmem:s29+$0x6440]  }
0x6ed: {  	[tilespmem:s20+$0x12898] =	vst v5  }
0x6ee: {  	[tilespmem:s22+$0x12888] =	vst v3  }
0x6ef: {  	v3 =	vld [tilespmem:s8+$0x6440];
	[tilespmem:s24+$0x12888] =	vst v1  }
0x6f0: {  	v1 =	vld [tilespmem:s10+$0x6440];
	[tilespmem:s25+$0x12888] =	vst v0  }
0x6f1: {  	s17 =	sadd.s32 $0x1, s17;
	[tilespmem:s21+$0x12898] =	vst v4;
	v0 =	vld [tilespmem:s14+$0x6440]  }
0x6f2: {  	p0 =	sne.s32 s17, $0x19;
	s30 =	sshll.u32 s18, $0x9;
	s29 =	rddreg [dreg:$0x3]  }
.Ltmp2:
0x6f3: {  	s0 =	sadd.s32 s29, s30;
	(pc) =	sbr.rel @p0 .LBB2_2-.Ltmp2, $4  }
0x6f4: {  	[tilespmem:s22+$0x12898] =	vst v3;
	s0 =	smul.u32 $0xA, s0  }
0x6f5: {  	s16 =	sadd.s32 $0x400, s16;
	s15 =	sadd.s32 $0x400, s15;
	s26 =	smov.u32 s4;
	[tilespmem:s24+$0x12898] =	vst v1  }
0x6f6: {  	s28 =	simm.s32 $0x0;
	s31 =	simm.s32 $0x123A8;
	s0 =	sadd.s32 s4, s0;
	[tilespmem:s25+$0x12898] =	vst v0  }
0x6f7: {  	[hbm4b:s0+s28] =	stream.linear.scatter [tilespmem:s31], [sflag:$0x2], $0xA000, $0x38;
	[tilespmem:$0x1C3A8] =	vst v63  }
0x6f8: {  	s0 =	simm.s32 $0x1  }
0x6f9: {  	_ =	swait.ge [sflag:s0], $0xA000  }
0x6fa: {  	[sflag:s0] =	ssyncset.done $0x0  }
0x6fb: {  	s1 =	simm.s32 $0x2;
	[sflag:s0] =	ssyncadd.s32 $0xFFFF6000  }
0x6fc: {  	_ =	swait.ge [sflag:s1], $0xA000  }
0x6fd: {  	s2 =	rddreg [dreg:$0x7]  }
0x6fe: {  	s31 =	rddreg [dreg:$0x6];
	s2 =	sadd.s32 $0x1, s2  }
0x6ff: {  	p0 =	sne.s32 s2, s31  }
.Ltmp3:
0x700: {  	_ = 	snop;
	(pc) =	sbr.rel @p0 .LBB2_1-.Ltmp3, $3  }
0x701: {  	_ =	sdelay $0x1  }
0x702: {  	[sflag:s1] =	ssyncset.done $0x0  }
0x703: {  	[sflag:s1] =	ssyncadd.s32 $0xFFFF6000  }
0x704: {  	_ =	sfence.sel $0x180000  }
0x705: {  	[bflag:$0x0] =	sbarrier.arrive $0xFFFF  }
0x706: {  	_ =	strace $0x90000047  }
0x707: {  	s0 =	stileid.u32;
	[bflag:$0x2] =	sbarrier.arrive $0xFFFF  }
0x708: {  	p0 =	sne.s32 s0, $0x0;
	s0 =	rddreg [dreg:$0x2]  }
0x709: {  	s0 =	sadd.s32 @!p0 $0x100000, s0  }
0x70a: {  	[sflag:s0] =	ssyncadd.tile.s32 @!p0 $0x1;
	_ =	shalt  }
.Lfunc_end2:
_tile_overlayer_lowered:
.L_overlay_start_2:
0x70b: {  	(tag) =	ssettag $0x2  }
0x70c: {  	s0 =	rddreg [dreg:$0x0];
	s2 =	stileid.u32  }
0x70d: {  	s1 =	rddreg [dreg:$0x1];
	p0 =	sne.s32 s2, $0x0  }
0x70e: {  	s3 =	rddreg [dreg:$0x2];
	[bflag:$0x3] =	sbarrier.arrive $0xFFFF;
	s2 =	simm.s32 @!p0 $0x1C03  }
0x70f: {  	[timem:s3], [sflag:s2] =	dma.local @!p0 [hbm:s0], s1  }
0x710: {  	s0 =	simm.s32 @!p0 $0x3  }
0x711: {  	_ =	swait.ge @!p0 [sflag:s0], s1  }
0x712: {  	s1 =	ssub.s32 @!p0 $0x0, s1;
	[sflag:s0] =	ssyncset.done @!p0 $0x0  }
0x713: {  	[sflag:s0] =	ssyncadd.s32 @!p0 s1  }
0x714: {  	[bflag:$0x3] =	sbarrier.arrive $0xFFFF  }
0x715: {  	_ =	shalt  }

// kernel: sparse-core-data-format-call.cloned.1.call-start
scs
called_computation_lowered:
.L_overlay_start_0:
0x0: {  	s2 =	sld [smem:$0x3FD9]  }
0x1: {  	s3 =	sld [smem:$0x3FFE];
	_ =	sdelay $0x1  }
0x2: {  	s1 =	srdreg.scid  }
0x3: {  	s0 =	sand.u32 $0x1, s1  }
0x4: {  	s18 =	sshll.u32 s0, $0xA;
	s2 =	sadd.s32 s3, s2  }
0x5: {  	s2 =	sadd.s32 s2, s18  }
0x6: {  	[smem:$0x3FC6] =	sst s2  }
0x7: {  	_ = 	snop  }
0x8: {  	s2 =	sld [smem:$0x3FD0];
	(tm) =	ssettm $0x1  }
0x9: {  	s19 =	sld [smem:$0x3FFB];
	_ =	sdelay $0x3  }
0xa: {  	_ =	strace s19  }
0xb: {  	s3 =	sld [smem:$0x3FFC];
	_ =	sdelay $0x3  }
0xc: {  	_ =	strace s3  }
0xd: {  	s3 =	sld [smem:$0x3FFD];
	_ =	sdelay $0x3  }
0xe: {  	_ =	strace s3  }
0xf: {  	_ =	strace $0x8FFFFFFF  }
0x10: {  	s20 =	sld [smem:$0x3FDB];
	_ =	sdelay $0x1  }
0x11: {  	s4 =	simm.s32 $_scs_section_size  }
0x12: {  	s5 =	simm.s32 $_size__tile_overlayer_lowered;
	s6 =	simm.s32 $_tile_overlayer_lowered  }
0x13: {  	s23 =	simm.s32 $0x1BFF;
	s22 =	sshll.u32 s6, $0x1;
	s3 =	sadd.s32 s4, s20  }
0x14: {  	s7 =	simm.s32 $0x0;
	s21 =	sshll.u32 s5, $0x1;
	s5 =	sadd.s32 s22, s3  }
0x15: {  	[timem:s7], [sflag:s23] =	dma.local [hbm:s5], s21  }
0x16: {  	_ =	swait.ge [sflag:s23], s21  }
0x17: {  	s4 =	ssub.s32 $0x0, s21;
	[sflag:s23] =	ssyncset.done $0x0  }
0x18: {  	[sflag:s23] =	ssyncadd.s32 s4;
	_ =	sdelay $0x1  }
0x19: {  	s24 =	simm.s32 $0x1B8B  }
0x1a: {  	_ =	swait.ge [sflag:s24], $0x1  }
0x1b: {  	[sflag:s24] =	ssyncset.done $0x0  }
0x1c: {  	s26 =	simm.s32 $0x1B8E;
	s25 =	sld [smem:$0x3FFE];
	[sflag:s24] =	ssyncadd.s32 $0xFFFFFFFF  }
0x1d: {  	s27 =	simm.s32 $execute0_lowered;
	[smem:$0x3FD2] =	sst s26  }
0x1e: {  	s5 =	sshll.u32 s27, $0x1;
	_ =	strace $0x80000049;
	[dreg:$0x1] =	wrdreg $0xFFFFFFFF  }
0x1f: {  	s28 =	simm.s32 $_size_execute0_lowered;
	s3 =	sadd.s32 s3, s5;
	[dreg:$0x0] =	wrdreg $0x0  }
0x20: {  	s5 =	sshll.u32 s28, $0x1;
	[dreg:$0x2] =	wrdreg s3  }
0x21: {  	[dreg:$0x3] =	wrdreg s5  }
0x22: {  	[dreg:$0x4] =	wrdreg $0xC0  }
0x23: {  	_ =	task [dreg:s7], $0x5FFFF  }
0x24: {  	[dreg:$0x1] =	wrdreg $0xFFFFFFFF  }
0x25: {  	[dreg:$0x0] =	wrdreg $0x60  }
0x26: {  	[dreg:$0x2] =	wrdreg s25  }
0x27: {  	[dreg:$0x3] =	wrdreg s2  }
0x28: {  	[dreg:$0x4] =	wrdreg $0x9  }
0x29: {  	_ =	task.clear_ibuf [dreg:s7], $0x5FFFF;
	_ =	strace $0x90000049  }
0x2a: {  	s29 =	simm.s32 $0x9;
	_ =	strace $0x8000004B  }
0x2b: {  	_ =	swait.ge [sflag:s29], $0x1  }
0x2c: {  	[sflag:s29] =	ssyncadd.s32 $0xFFFFFFFF  }
0x2d: {  	_ =	strace $0x9000004B  }
0x2e: {  	_ =	sfence  }
0x2f: {  	s30 =	sld [smem:$0x0];
	_ =	sdelay $0x2  }
0x30: {  	s31 =	sshll.u32 s1, $0xD;
	s1 =	sshrl.u32 s1, $0x2  }
0x31: {  	s3 =	sand.u32 $0x4000, s31;
	s1 =	sadd.s32 s1, s30  }
0x32: {  	s0 =	sor.u32 s3, s0;
	s1 =	sshll.u32 s1, $0x11  }
0x33: {  	s0 =	sor.u32 s1, s0  }
0x34: {  	s0 =	sadd.s32 $0x8F2B, s0  }
0x35: {  	[sflag:s0] =	ssyncadd.remote.s32 $0x1  }
0x36: {  	_ =	sfence.sel $0xFFFF  }
0x37: {  	[dreg:$0x0] =	wrdreg $0xFFFFFFFF;
	(pc) =	sbr.abs _section_cstart, $3  }
0x38: {  	[dreg:$0x1] =	wrdreg $0xFFFFFFFF  }
0x39: {  	_ =	task.clear_ibuf [dreg:s7], $0x2FFFF;
	_ =	strace $0x9FFFFFFF  }
0x3a: {  	(tm) =	ssettm $0x7FFFFFFF  }
0x3b: {  	_ =	shalt  }
tec
execute0_lowered:
.L_overlay_start_1:
0x0: {  	(tag) =	ssettag $0x1  }
0x1: {  	s0 =	srdreg.scid  }
0x2: {  	s1 =	sshll.u32 s0, $0x4  }
0x3: {  	s6 =	rddreg [dreg:$0x0];
	s0 =	stileid.u32;
	s1 =	sand.u32 $0x10, s1  }
0x4: {  	s3 =	rddreg [dreg:$0x1];
	s1 =	sor.u32 s0, s1  }
0x5: {  	s5 =	simm.s32 $0x1;
	s31 =	simm.s32 $0x2;
	s2 =	sshll.u32 s1, $0x7  }
0x6: {  	s15 =	simm.s32 $0x0;
	s8 =	simm.s32 $0x8000;
	s4 =	ssub.s32 $0x1000, s2  }
0x7: {  	s14 =	simm.s32 $0x0;
	s9 =	simm.s32 $0x0;
	s30 =	sand.u32 $0xF80, s4  }
0x8: {  	s10 =	simm.s32 $0x0;
	s11 =	simm.s32 $0x0;
	p0 =	sne.s32 s30, $0x0  }
.Ltmp0:
0x9: {  	s7 =	sshrl.u32 s4, $0xC;
	s5 =	simm.s32 @!p0 $0x0;
	(pc) =	sbr.rel .LBB1_1-.Ltmp0, $4  }
0xa: {  	s13 =	simm.s32 $0x0;
	s1 =	rddreg [dreg:$0x2];
	s5 =	sadd.s32 s5, s7  }
0xb: {  	_ =	strace $0x8000004A;
	s4 =	simm.s32 $0x1;
	s5 =	smul.u32 $0xC8, s5  }
0xc: {  	s6 =	sadd.s32 $0x800, s6;
	s12 =	smov.u32 s2;
	[sflag:s4] =	ssyncpa.u1 $0x0  }
0xd: {  	[sflag:s31] =	ssyncpa.u1 $0x0;
	p0 =	por $0x0, $0x0;
	s7 =	sor.u32 $0x1, s5  }
.LBB1_4:
0xe: {  	s20 =	sshra.s32 s20, $0x2;
	s28 =	sshll.u32 s10, $0x3;
	p1 =	sgt.s32 s9, $0xC7  }
0xf: {  	s21 =	smov.u32 s9;
	s23 =	sshra.s32 s9, $0x1F;
	s24 =	smov.u32 s10  }
0x10: {  	v5 =	vld [tilespmem:s17+$0xFFFFFFD0];
	[tilespmem:s18+$0x2040 ss:$0x81] =	vst.msk $0xffff, v4;
	s25 =	sshra.s32 s10, $0x1F;
	s26 =	sand.u32 $0x78, s10;
	s19 =	sadd.s32 s20, s19  }
0x11: {  	v58 =	vld [tilespmem:s17+$0xFFFFFFE0];
	[tilespmem:s18+$0x2850 ss:$0x81] =	vst.msk $0xffff, v3;
	s22 =	sshrl.u32 s28, $0xC;
	s21 =	simm.s32 @!p1 $0xC7;
	s23 =	sand.u32 s23, s9  }
0x12: {  	v59 =	vld [tilespmem:s17+$0xFFFFFFF0];
	[tilespmem:s18+$0x3060 ss:$0x81] =	vst.msk $0xffff, v2;
	p1 =	sgt.s32 s10, $0xF80;
	s29 =	sand.u32 s25, s10;
	s20 =	sand.u32 $0xC00, s28  }
0x13: {  	v60 =	vld [tilespmem:s17+$0x0];
	[tilespmem:s18+$0x0 ss:$0x81] =	vst.msk $0xffff, v0;
	s28 =	smul.u32 $0xA000, s9;
	s21 =	ssub.s32 s21, s23;
	s24 =	simm.s32 @!p1 $0xF80  }
0x14: {  	v61 =	vld [tilespmem:s17+$0x10];
	s30 =	smulhi.u32 $0x3333334, s22;
	[tilespmem:s19+$0x3870 ss:$0x81] =	vst.msk $0xffff, v1;
	s20 =	sor.u32 s26, s20;
	s31 =	ssub.s32 $0xC8, s21  }
0x15: {  	v62 =	vld [tilespmem:s17+$0x20];
	s23 =	ssub.s32 s24, s29;
	s21 =	sadd.s32 $0xFFFFFF39, s21;
	s25 =	smul.u32 $0x50, s31;
	[tilespmem:s19+$0x810 ss:$0x81] =	vst.msk $0xffff, v5  }
0x16: {  	v63 =	vld [tilespmem:s17+$0xFFFFFFC0];
	s18 =	smul.u32 $0x50, s30;
	p1 =	sgt.s32 s21, $0x0;
	s27 =	sadd.s32 $0xFFFFF080, s23;
	[tilespmem:s19+$0x1020 ss:$0x81] =	vst.msk $0xffff, v58  }
0x17: {  	s17 =	ssub.s32 $0x1000, s23;
	[tilespmem:s19+$0x1830 ss:$0x81] =	vst.msk $0xffff, v59;
	s25 =	simm.s32 @p1 $0x0;
	p1 =	sgt.s32 s27, $0x7F  }
0x18: {  	s29 =	sand.u32 $0x7, s10;
	[tilespmem:s19+$0x2040 ss:$0x81] =	vst.msk $0xffff, v60;
	s18 =	ssub.s32 s22, s18;
	s17 =	simm.s32 @p1 $0x0  }
0x19: {  	s21 =	sadd.s32 s3, s28;
	[tilespmem:s19+$0x2850 ss:$0x81] =	vst.msk $0xffff, v61;
	s18 =	sshll.u32 s18, $0x9;
	s17 =	smul.u32 s17, s25  }
0x1a: {  	s20 =	sshrl.u32 s20, $0x3;
	s30 =	sshll.u32 s29, $0x12;
	[tilespmem:s19+$0x3060 ss:$0x81] =	vst.msk $0xffff, v62;
	s18 =	sadd.s32 s18, s21  }
0x1b: {  	[tilespmem:s19+$0x0 ss:$0x81] =	vst.msk $0xffff, v63;
	s31 =	sor.u32 $0x400, s30;
	s18 =	sadd.s32 s20, s18;
	s17 =	sand.u32 $0x3FFFFFF0, s17  }
0x1c: {  	[hbm4b:s18+s31] =	stream.strided.scatter [tilespmem:s16], [sflag:$0x2], s17, s8, s31, $0x20;
	[tilespmem:$0x10100] =	vst v63  }
.LBB1_5:
0x1d: {  	p1 =	slt.u32 s13, $0x2  }
0x1e: {  	s17 =	smov.u32 s15;
	p2 =	sgt.s32 @!p1 s15, $0xC7;
	s16 =	sshra.s32 @!p1 s15, $0x1F  }
0x1f: {  	p3 =	sgt.s32 @!p1 s14, $0xF80;
	s18 =	sshra.s32 @!p1 s14, $0x1F;
	p2 =	por !p2, p1  }
0x20: {  	s15 =	sand.u32 @!p1 s16, s15;
	p3 =	por !p3, p1;
	s16 =	smov.u32 s14  }
0x21: {  	s14 =	sand.u32 @!p1 s18, s14;
	s17 =	simm.s32 @p2 $0xC7;
	s16 =	simm.s32 @p3 $0xF80  }
0x22: {  	s18 =	smov.u32 s12;
	s15 =	ssub.s32 @!p1 s17, s15;
	s14 =	ssub.s32 @!p1 s16, s14  }
0x23: {  	s16 =	sadd.s32 @!p1 $0xFFFFFF39, s15;
	s15 =	ssub.s32 @!p1 $0xC8, s15;
	s17 =	sadd.s32 @!p1 $0xFFFFF080, s14  }
0x24: {  	p2 =	sgt.s32 @!p1 s16, $0x0;
	s15 =	smul.u32 @!p1 $0x50, s15;
	p3 =	sgt.s32 @!p1 s17, $0x7F  }
0x25: {  	s14 =	ssub.s32 @!p1 $0x1000, s14;
	p2 =	por !p2, p1;
	p3 =	por !p3, p1  }
0x26: {  	s16 =	sadd.s32 $0x1, s11;
	s15 =	simm.s32 @!p2 $0x0;
	s14 =	simm.s32 @!p3 $0x0  }
0x27: {  	p2 =	sgt.s32 s16, $0xC7;
	s14 =	smul.u32 @!p1 s14, s15;
	s15 =	sadd.s32 $0x1000, s12  }
0x28: {  	s18 =	smov.u32 @p2 s15  }
0x29: {  	s16 =	simm.s32 @p2 $0x0;
	p2 =	sgt.s32 s18, $0xFFF  }
0x2a: {  	s18 =	smov.u32 @p2 s2;
	p2 =	sne.s32 s13, s7  }
.Ltmp1:
0x2b: {  	p0 =	por !p0, !p0;
	s17 =	simm.s32 @!p1 $0x2;
	(pc) =	sbr.rel @!p2 .LBB1_6-.Ltmp1, $4  }
0x2c: {  	s15 =	smov.u32 s9;
	s9 =	smov.u32 s11;
	s14 =	sand.u32 @!p1 $0x3FFFFFF0, s14  }
0x2d: {  	s11 =	smov.u32 s16;
	_ =	swait.ge @!p1 [sflag:s17], s14;
	s19 =	ssub.s32 @!p1 $0x0, s14  }
0x2e: {  	s14 =	smov.u32 s10;
	s13 =	sadd.s32 $0x1, s13;
	[sflag:s17] =	ssyncset.done @!p1 $0x0  }
0x2f: {  	s10 =	smov.u32 s12;
	s12 =	smov.u32 s18;
	[sflag:s17] =	ssyncadd.s32 @!p1 s19  }
.LBB1_1:
0x30: {  	p1 =	sge.u32 s13, s5  }
0x31: {  	s16 =	sand.u32 @!p1 $0x1FFFFFF, s11  }
0x32: {  	s17 =	smulhi.u32 @!p1 $0x147AE15, s16;
	_ =	sdelay $0x1  }
0x33: {  	s17 =	smul.u32 @!p1 $0xC8, s17  }
0x34: {  	s18 =	sxor.u32 @!p1 $0xFFFFFFFF, s13;
	s19 =	smul.u32 @!p1 $0xC80, s12  }
0x35: {  	s31 =	sadd.s32 $0xFFFFFFFF, s13;
	s18 =	sshll.u32 @!p1 s18, $0xE;
	s16 =	ssub.s32 @!p1 s16, s17  }
0x36: {  	s17 =	sand.u32 @!p1 $0x4000, s18;
	s18 =	sadd.s32 @!p1 s6, s19;
	s16 =	sshll.u32 @!p1 s16, $0x4  }
0x37: {  	s19 =	simm.s32 @!p1 $0x6400;
	s16 =	sadd.s32 @!p1 s16, s18;
	s18 =	simm.s32 @!p1 $0x80  }
0x38: {  	[tilespmem:s17], [sflag:$0x1] =	stream.strided.gather @!p1 [hbm4b:s16+s18], $0x4000, s19, s18, $0x38;
	[tilespmem:$0x10100] =	vst v63  }
0x39: {  	p1 =	sge.u32 s31, s5  }
.Ltmp2:
0x3a: {  	_ = 	snop;
	(pc) =	sbr.rel @p1 .LBB1_5-.Ltmp2, $1  }
0x3b: {  	_ =	sdelay $0x3  }
0x3c: {  	s16 =	simm.s32 $0x1  }
0x3d: {  	_ =	swait.ge [sflag:s4], $0x4000;
	s16 =	simm.s32 @!p0 $0x0  }
0x3e: {  	[sflag:s4] =	ssyncset.done $0x0;
	s17 =	sshll.u32 s16, $0xE  }
0x3f: {  	[sflag:s4] =	ssyncadd.s32 $0xFFFFC000;
	s17 =	sor.u32 $0x40, s17  }
0x40: {  	s16 =	smul.u32 $0x10200, s16;
	v0 =	vld [tilespmem:s17+$0x30]  }
0x41: {  	v1 =	vld [tilespmem:s17+$0xFFFFFFD0]  }
0x42: {  	s16 =	sshrl.u32 s16, $0x2;
	v5 =	vld [tilespmem:s17+$0xFFFFFFE0]  }
0x43: {  	v6 =	vld [tilespmem:s17+$0xFFFFFFF0];
	s19 =	sor.u32 $0x8000, s16  }
0x44: {  	s31 =	sand.u32 $0x1, s13;
	v4 =	vld [tilespmem:s17+$0x0];
	s18 =	sadd.s32 $0x0, s19  }
0x45: {  	v3 =	vld [tilespmem:s17+$0x10];
	s16 =	smul.u32 $0x10200, s31;
	[tilespmem:s18+$0x3870 ss:$0x81] =	vst.msk $0xffff, v0  }
0x46: {  	v2 =	vld [tilespmem:s17+$0x20];
	[tilespmem:s18+$0x810 ss:$0x81] =	vst.msk $0xffff, v1  }
0x47: {  	s16 =	sshrl.u32 s16, $0x2;
	v0 =	vld [tilespmem:s17+$0xFFFFFFC0];
	[tilespmem:s18+$0x1020 ss:$0x81] =	vst.msk $0xffff, v5;
	s17 =	sadd.s32 $0x80, s17  }
0x48: {  	s20 =	simm.s32 $0x4;
	s21 =	simm.s32 $0x8;
	s16 =	sor.u32 $0x8000, s16;
	[tilespmem:s18+$0x1830 ss:$0x81] =	vst.msk $0xffff, v6;
	v1 =	vld [tilespmem:s17+$0x30]  }
.LBB1_3:
0x49: {  	p1 =	sne.s32 s21, $0x1FC;
	v5 =	vld [tilespmem:s17+$0xFFFFFFD0];
	[tilespmem:s18+$0x2040 ss:$0x81] =	vst.msk $0xffff, v4  }
0x4a: {  	v6 =	vld [tilespmem:s17+$0xFFFFFFE0];
	[tilespmem:s18+$0x2850 ss:$0x81] =	vst.msk $0xffff, v3  }
0x4b: {  	s22 =	sshra.s32 s20, $0x2;
	s20 =	smov.u32 s21;
	v7 =	vld [tilespmem:s17+$0xFFFFFFF0];
	[tilespmem:s18+$0x3060 ss:$0x81] =	vst.msk $0xffff, v2  }
.Ltmp3:
0x4c: {  	v4 =	vld [tilespmem:s17+$0x0];
	[tilespmem:s18+$0x0 ss:$0x81] =	vst.msk $0xffff, v0;
	s18 =	sadd.s32 s22, s19;
	(pc) =	sbr.rel @p1 .LBB1_3-.Ltmp3, $4  }
0x4d: {  	v3 =	vld [tilespmem:s17+$0x10];
	[tilespmem:s18+$0x3870 ss:$0x81] =	vst.msk $0xffff, v1  }
0x4e: {  	[tilespmem:s18+$0x810 ss:$0x81] =	vst.msk $0xffff, v5;
	v2 =	vld [tilespmem:s17+$0x20]  }
0x4f: {  	v0 =	vld [tilespmem:s17+$0xFFFFFFC0];
	[tilespmem:s18+$0x1020 ss:$0x81] =	vst.msk $0xffff, v6;
	s17 =	sadd.s32 $0x80, s17  }
0x50: {  	s21 =	sadd.s32 $0x4, s21;
	v1 =	vld [tilespmem:s17+$0x30];
	[tilespmem:s18+$0x1830 ss:$0x81] =	vst.msk $0xffff, v7  }
.Ltmp4:
0x51: {  	_ = 	snop;
	(pc) =	sbr.rel .LBB1_4-.Ltmp4, $1  }
0x52: {  	_ =	sdelay $0x3  }
.LBB1_6:
0x53: {  	_ =	sfence.sel $0x180000  }
0x54: {  	s2 =	simm.s32 $0x1;
	[bflag:$0x0] =	sbarrier.arrive $0xFFFF  }
0x55: {  	s31 =	simm.s32 $0x2;
	[sflag:s2] =	ssyncpa.u1 $0x1  }
0x56: {  	[sflag:s31] =	ssyncpa.u1 $0x1  }
0x57: {  	p0 =	sne.s32 s0, $0x0;
	_ =	strace $0x9000004A  }
0x58: {  	s0 =	sadd.s32 @!p0 $0x100000, s1;
	[bflag:$0x2] =	sbarrier.arrive $0xFFFF  }
0x59: {  	[sflag:s0] =	ssyncadd.tile.s32 @!p0 $0x1;
	_ =	shalt  }
.Lfunc_end1:
_tile_overlayer_lowered:
.L_overlay_start_2:
0x5a: {  	(tag) =	ssettag $0x2  }
0x5b: {  	s0 =	rddreg [dreg:$0x0];
	s2 =	stileid.u32  }
0x5c: {  	s1 =	rddreg [dreg:$0x1];
	p0 =	sne.s32 s2, $0x0  }
0x5d: {  	s3 =	rddreg [dreg:$0x2];
	[bflag:$0x3] =	sbarrier.arrive $0xFFFF;
	s2 =	simm.s32 @!p0 $0x1C01  }
0x5e: {  	[timem:s3], [sflag:s2] =	dma.local @!p0 [hbm:s0], s1  }
0x5f: {  	s0 =	simm.s32 @!p0 $0x1  }
0x60: {  	_ =	swait.ge @!p0 [sflag:s0], s1  }
0x61: {  	s1 =	ssub.s32 @!p0 $0x0, s1;
	[sflag:s0] =	ssyncset.done @!p0 $0x0  }
0x62: {  	[sflag:s0] =	ssyncadd.s32 @!p0 s1  }
0x63: {  	[bflag:$0x3] =	sbarrier.arrive $0xFFFF  }
0x64: {  	_ =	shalt  }

</sc_bundles>
